<compile_context>
chip_gen: v7x
topology: tpu7x:2x2x1
jax: 0.10.2.dev20260603
libtpu: 0.0.44.dev20260713+nightly
codegen_flags: <defaults>
</compile_context>

<pallas_src>
import functools

import jax
import jax.numpy as jnp
from jax import lax
from jax.experimental import pallas as pl
from jax.experimental.pallas import tpu as pltpu
from jax.experimental.pallas import tpu_sc as plsc

NC = 2
NS = 16
L = 16
NW = NC * NS

B, M, D = 4096, 200, 64
N = B * M
PER_W = N // NW
CR = 256
NCH = M // 2
PITCH = D + 1
DBLK = D // 8
TILE = 8 * 128
OBUF = DBLK * TILE


def _sc_embed(x_perm, token_table, pos_table):
    mesh = plsc.VectorSubcoreMesh(core_axis_name="c", subcore_axis_name="s")

    @functools.partial(
        pl.kernel,
        out_type=jax.ShapeDtypeStruct((NCH, 2 * DBLK, NW, TILE), jnp.float32),
        mesh=mesh,
        scratch_types=[
            pltpu.VMEM((PER_W,), jnp.int32),
            [pltpu.VMEM((CR, D), jnp.float32) for _ in range(2)],
            pltpu.VMEM((CR * PITCH,), jnp.float32),
            [pltpu.VMEM((2 * DBLK, TILE), jnp.float32) for _ in range(2)],
            pltpu.VMEM((M, D), jnp.float32),
            [pltpu.SemaphoreType.DMA for _ in range(2)],
            [pltpu.SemaphoreType.DMA for _ in range(2)],
        ],
        compiler_params=pltpu.CompilerParams(
            use_tc_tiling_on_sc=False, needs_layout_passes=False
        ),
    )
    def body(tok_hbm, idx_hbm, pos_hbm, out_hbm,
             idx_v, rows, skew, obuf, pos_v, gsems, osems):
        w = lax.axis_index("s") * NC + lax.axis_index("c")
        base = w * PER_W
        pltpu.sync_copy(pos_hbm, pos_v)
        pltpu.sync_copy(idx_hbm.at[pl.ds(base, PER_W)], idx_v)

        row_vecs = [lax.iota(jnp.int32, L) + bg * L for bg in range(8)]

        def fire_gather(g, buf, sem):
            off = (g % NCH) * CR
            return pltpu.async_copy(
                tok_hbm.at[idx_v.at[pl.ds(off, CR)]],
                rows[buf],
                sem,
            )

        def transpose_add(g, buf):
            for h in range(2):
                m = 2 * g + h
                pvs = [pos_v[m, pl.ds(c16 * L, L)] for c16 in range(D // L)]

                @pl.loop(0, 128 // 8)
                def _(r8):
                    for rs in range(8):
                        r = h * 128 + r8 * 8 + rs
                        vs = [rows[buf][r, pl.ds(c16 * L, L)] + pvs[c16]
                              for c16 in range(D // L)]
                        for c16 in range(D // L):
                            skew[pl.ds(r * PITCH + c16 * L, L)] = vs[c16]

            @pl.loop(0, DBLK)
            def _(dblk):
                for h in range(2):
                    for dsub in range(8):
                        col = dblk * 8 + dsub
                        colv = jnp.broadcast_to(col, (L,))
                        o = dsub * 128
                        hofs = h * 128 * PITCH
                        vs = [
                            plsc.load_gather(
                                skew,
                                [row_vecs[bg] * PITCH + (colv + hofs)])
                            for bg in range(8)
                        ]
                        for bg in range(8):
                            obuf[buf][h * DBLK + dblk,
                                      pl.ds(o + bg * L, L)] = vs[bg]

        def fire_outs(g, buf, sem):
            pltpu.async_copy(obuf[buf], out_hbm.at[g, :, w], sem)

        def drain_outs(buf, sem):
            pltpu.make_async_copy(obuf[buf], out_hbm.at[0, :, w], sem).wait()

        fire_gather(0, 0, gsems[0]).wait()

        @pl.loop(0, NCH // 2)
        def _(i):
            for b in range(2):
                g = 2 * i + b
                nb = 1 - b

                @pl.when(g >= 2)
                def _():
                    drain_outs(b, osems[b])

                nxt = fire_gather(g + 1, nb, gsems[nb])
                transpose_add(g, b)
                fire_outs(g, b, osems[b])
                nxt.wait()

        drain_outs(0, osems[0])
        drain_outs(1, osems[1])

    return body(token_table, x_perm, pos_table)


def kernel(x, token_table, pos_table):
    x_perm = (
        x.astype(jnp.int32)
        .reshape(NW, 128, M)
        .transpose(0, 2, 1)
        .reshape(-1)
    )
    out = _sc_embed(x_perm, token_table, pos_table)
    out5 = out.reshape(M, DBLK, NW, 8, 128)
    return out5.transpose(2, 4, 0, 1, 3).reshape(B, M, D)

# --- scband reference (transcript-rebuilt; emitter-appended) ---
"""Pipeline reference for scband-token-and-position-embedding-18940805775441 (READ-ONLY COPY).

The authoritative reference and input builder live on the scoring server;
editing this copy changes nothing except your own understanding.
"""

import jax, jax.numpy as jnp
import numpy as np

VOCAB = 1000000
MAXLEN = 200
EMBED = 64
BATCH = 4096

def setup_inputs(seed: int = 0) -> dict:
    key = jax.random.key(seed)
    k1, k2, k3 = jax.random.split(key, 3)
    x = jax.random.randint(k1, (BATCH, MAXLEN), 0, VOCAB, dtype=jnp.int64 if jax.config.jax_enable_x64 else jnp.int32)
    token_table = jax.random.normal(k2, (VOCAB, EMBED), dtype=jnp.float32) * 0.02
    pos_table = jax.random.normal(k3, (MAXLEN, EMBED), dtype=jnp.float32) * 0.02
    return {"x": x, "token_table": token_table, "pos_table": pos_table}

def reference(x, token_table, pos_table):
    # TokenAndPositionEmbedding.call:
    #   positions = range(0, maxlen); pos_emb(positions); token_emb(x); sum
    maxlen = x.shape[-1]
    positions = jnp.arange(0, maxlen)
    pos = jnp.take(pos_table, positions, axis=0)          # [maxlen, embed]
    tok = jnp.take(token_table, x, axis=0)                # [batch, maxlen, embed]
    return tok + pos[None, :, :]

if __name__ == "__main__":
    import jax
    _d = setup_inputs()
    print(jax.jit(kernel)(*tuple(_d.values())))

</pallas_src>

<mosaic_0001>
#map = affine_map<(d0, d1) -> (0, 0)>
#map1 = affine_map<(d0, d1) -> (0)>
#map2 = affine_map<(d0, d1) -> (0, 0, 0, 0)>
module attributes {stable_mosaic.version = 14 : i64} {
  func.func @body(%arg0: i32, %arg1: i32, %arg2: memref<1000000x64xf32, #tpu.memory_space<hbm>>, %arg3: memref<819200xi32, #tpu.memory_space<hbm>>, %arg4: memref<200x64xf32, #tpu.memory_space<hbm>>, %arg5: memref<100x16x32x1024xf32, #tpu.memory_space<hbm>>, %arg6: memref<25600xi32, #tpu.memory_space<vmem>>, %arg7: memref<256x64xf32, #tpu.memory_space<vmem>>, %arg8: memref<256x64xf32, #tpu.memory_space<vmem>>, %arg9: memref<16640xf32, #tpu.memory_space<vmem>>, %arg10: memref<16x1024xf32, #tpu.memory_space<vmem>>, %arg11: memref<16x1024xf32, #tpu.memory_space<vmem>>, %arg12: memref<200x64xf32, #tpu.memory_space<vmem>>, %arg13: memref<!tpu.dma_semaphore, #tpu.memory_space<semaphore_mem>>, %arg14: memref<!tpu.dma_semaphore, #tpu.memory_space<semaphore_mem>>, %arg15: memref<!tpu.dma_semaphore, #tpu.memory_space<semaphore_mem>>, %arg16: memref<!tpu.dma_semaphore, #tpu.memory_space<semaphore_mem>>) attributes {dimension_semantics = [#tpu.dimension_semantics<core_parallel>, #tpu.dimension_semantics<subcore_parallel>], iteration_bounds = array<i64: 2, 16>, scalar_prefetch = 0 : i64, scratch_operands = 11 : i64, tpu.core_type = #tpu.core_type<sc_vector_subcore>, window_params = [{transform_indices = #map}, {transform_indices = #map1}, {transform_indices = #map}, {transform_indices = #map2}]} {
    %mul3A = arith.constant 2 : i32
    %mul3A_0 = arith.muli %arg1, %mul3A : i32
    %add3A = arith.addi %mul3A_0, %arg0 : i32
    %mul3A_1 = arith.constant 25600 : i32
    %mul3A_2 = arith.muli %add3A, %mul3A_1 : i32
    "tpu.region"() ({
      %run_scoped3A = tpu.sem_alloc : memref<!tpu.dma_semaphore, #tpu.memory_space<semaphore_mem>>
      tpu.enqueue_dma source(%arg4 : memref<200x64xf32, #tpu.memory_space<hbm>>) target(%arg12 : memref<200x64xf32, #tpu.memory_space<vmem>>) target_semaphore(%run_scoped3A : memref<!tpu.dma_semaphore, #tpu.memory_space<semaphore_mem>>)
      tpu.wait_dma2 semaphore(%run_scoped3A : memref<!tpu.dma_semaphore, #tpu.memory_space<semaphore_mem>>) src(%arg4 : memref<200x64xf32, #tpu.memory_space<hbm>>) dst(%arg12 : memref<200x64xf32, #tpu.memory_space<vmem>>)
      tpu.yield
    }) : () -> ()
    "tpu.region"() ({
      %run_scoped3A = tpu.sem_alloc : memref<!tpu.dma_semaphore, #tpu.memory_space<semaphore_mem>>
      %dma_start3A_64 = tpu.memref_slice %arg3[%mul3A_2] : memref<819200xi32, #tpu.memory_space<hbm>> -> memref<25600xi32, #tpu.memory_space<hbm>>
      %dma_start3A_65 = tpu.memref_slice %arg3[%mul3A_2] : memref<819200xi32, #tpu.memory_space<hbm>> -> memref<25600xi32, #tpu.memory_space<hbm>>
      tpu.enqueue_dma source(%dma_start3A_65 : memref<25600xi32, #tpu.memory_space<hbm>>) target(%arg6 : memref<25600xi32, #tpu.memory_space<vmem>>) target_semaphore(%run_scoped3A : memref<!tpu.dma_semaphore, #tpu.memory_space<semaphore_mem>>)
      %dma_wait3A_66 = tpu.memref_slice %arg3[%mul3A_2] : memref<819200xi32, #tpu.memory_space<hbm>> -> memref<25600xi32, #tpu.memory_space<hbm>>
      %dma_wait3A_67 = tpu.memref_slice %arg3[%mul3A_2] : memref<819200xi32, #tpu.memory_space<hbm>> -> memref<25600xi32, #tpu.memory_space<hbm>>
      tpu.wait_dma2 semaphore(%run_scoped3A : memref<!tpu.dma_semaphore, #tpu.memory_space<semaphore_mem>>) src(%dma_wait3A_67 : memref<25600xi32, #tpu.memory_space<hbm>>) dst(%arg6 : memref<25600xi32, #tpu.memory_space<vmem>>)
      tpu.yield
    }) : () -> ()
    %iota3A = tpu.iota {dimensions = array<i32: 0>} : vector<16xi32>
    %add3A_3 = arith.constant 0 : i32
    %add3A_4 = vector.broadcast %add3A_3 : i32 to vector<16xi32>
    %add3A_5 = arith.addi %iota3A, %add3A_4 : vector<16xi32>
    %iota3A_6 = tpu.iota {dimensions = array<i32: 0>} : vector<16xi32>
    %add3A_7 = arith.constant 16 : i32
    %add3A_8 = vector.broadcast %add3A_7 : i32 to vector<16xi32>
    %add3A_9 = arith.addi %iota3A_6, %add3A_8 : vector<16xi32>
    %iota3A_10 = tpu.iota {dimensions = array<i32: 0>} : vector<16xi32>
    %add3A_11 = arith.constant 32 : i32
    %add3A_12 = vector.broadcast %add3A_11 : i32 to vector<16xi32>
    %add3A_13 = arith.addi %iota3A_10, %add3A_12 : vector<16xi32>
    %iota3A_14 = tpu.iota {dimensions = array<i32: 0>} : vector<16xi32>
    %add3A_15 = arith.constant 48 : i32
    %add3A_16 = vector.broadcast %add3A_15 : i32 to vector<16xi32>
    %add3A_17 = arith.addi %iota3A_14, %add3A_16 : vector<16xi32>
    %iota3A_18 = tpu.iota {dimensions = array<i32: 0>} : vector<16xi32>
    %add3A_19 = arith.constant 64 : i32
    %add3A_20 = vector.broadcast %add3A_19 : i32 to vector<16xi32>
    %add3A_21 = arith.addi %iota3A_18, %add3A_20 : vector<16xi32>
    %iota3A_22 = tpu.iota {dimensions = array<i32: 0>} : vector<16xi32>
    %add3A_23 = arith.constant 80 : i32
    %add3A_24 = vector.broadcast %add3A_23 : i32 to vector<16xi32>
    %add3A_25 = arith.addi %iota3A_22, %add3A_24 : vector<16xi32>
    %iota3A_26 = tpu.iota {dimensions = array<i32: 0>} : vector<16xi32>
    %add3A_27 = arith.constant 96 : i32
    %add3A_28 = vector.broadcast %add3A_27 : i32 to vector<16xi32>
    %add3A_29 = arith.addi %iota3A_26, %add3A_28 : vector<16xi32>
    %iota3A_30 = tpu.iota {dimensions = array<i32: 0>} : vector<16xi32>
    %add3A_31 = arith.constant 112 : i32
    %add3A_32 = vector.broadcast %add3A_31 : i32 to vector<16xi32>
    %add3A_33 = arith.addi %iota3A_30, %add3A_32 : vector<16xi32>
    %dma_start3A = arith.constant 0 : i32
    %dma_start3A_34 = tpu.memref_slice %arg6[%dma_start3A] : memref<25600xi32, #tpu.memory_space<vmem>> -> memref<256xi32, #tpu.memory_space<vmem>>
    %dma_start3A_35 = arith.constant 0 : i32
    %dma_start3A_36 = arith.constant 0 : i32
    %dma_start3A_37 = tpu.memref_slice %arg2[%dma_start3A_35, %dma_start3A_36] : memref<1000000x64xf32, #tpu.memory_space<hbm>> -> memref<1000000x64xf32, #tpu.memory_space<hbm>>
    tpu.enqueue_indirect_dma source(%dma_start3A_37 : memref<1000000x64xf32, #tpu.memory_space<hbm>>) target(%arg7 : memref<256x64xf32, #tpu.memory_space<vmem>>) offsets(%dma_start3A_34 : memref<256xi32, #tpu.memory_space<vmem>>) semaphore(%arg13 : memref<!tpu.dma_semaphore, #tpu.memory_space<semaphore_mem>>)
    %dma_wait3A = arith.constant 0 : i32
    %dma_wait3A_38 = tpu.memref_slice %arg6[%dma_wait3A] : memref<25600xi32, #tpu.memory_space<vmem>> -> memref<256xi32, #tpu.memory_space<vmem>>
    %dma_wait3A_39 = arith.constant 0 : i32
    %dma_wait3A_40 = arith.constant 0 : i32
    %dma_wait3A_41 = tpu.memref_slice %arg2[%dma_wait3A_39, %dma_wait3A_40] : memref<1000000x64xf32, #tpu.memory_space<hbm>> -> memref<1000000x64xf32, #tpu.memory_space<hbm>>
    tpu.wait_indirect_dma semaphore(%arg13 : memref<!tpu.dma_semaphore, #tpu.memory_space<semaphore_mem>>) src(%dma_wait3A_41 : memref<1000000x64xf32, #tpu.memory_space<hbm>>) dst(%arg7 : memref<256x64xf32, #tpu.memory_space<vmem>>)
    %scan3A = arith.constant 0 : i32
    %scan3A_42 = arith.constant 50 : i32
    %scan3A_43 = arith.addi %scan3A, %scan3A_42 : i32
    %scan3A_44 = arith.constant 1 : i32
    scf.for %scan3A_64 = %scan3A to %scan3A_43 step %scan3A_44  : i32 {
      %mul3A_65 = arith.constant 1 : i32
      %mul3A_66 = arith.muli %scan3A_64, %mul3A_65 : i32
      %add3A_67 = arith.constant 0 : i32
      %add3A_68 = arith.addi %add3A_67, %mul3A_66 : i32
      %mul3A_69 = arith.constant 2 : i32
      %mul3A_70 = arith.muli %mul3A_69, %add3A_68 : i32
      %add3A_71 = arith.constant 0 : i32
      %add3A_72 = arith.addi %mul3A_70, %add3A_71 : i32
      %ge3A = arith.constant 2 : i32
      %ge3A_73 = arith.cmpi sge, %add3A_72, %ge3A : i32
      %convert_element_type3A = arith.extui %ge3A_73 : i1 to i32
      %cond3A = arith.constant 0 : i32
      %cond3A_74 = arith.cmpi ne, %convert_element_type3A, %cond3A : i32
      scf.if %cond3A_74 {
        %dma_wait3A_242 = arith.constant 0 : i32
        %dma_wait3A_243 = arith.constant 0 : i32
        %dma_wait3A_244 = arith.constant 0 : i32
        %dma_wait3A_245 = tpu.memref_slice %arg5[%dma_wait3A_242, %dma_wait3A_243, %add3A, %dma_wait3A_244] : memref<100x16x32x1024xf32, #tpu.memory_space<hbm>> -> memref<1x16x1x1024xf32, #tpu.memory_space<hbm>>
        %dma_wait3A_246 = tpu.memref_squeeze %dma_wait3A_245 : memref<1x16x1x1024xf32, #tpu.memory_space<hbm>> -> memref<16x1024xf32, #tpu.memory_space<hbm>>
        %dma_wait3A_247 = arith.constant 0 : i32
        %dma_wait3A_248 = arith.constant 0 : i32
        %dma_wait3A_249 = tpu.memref_slice %arg5[%dma_wait3A_242, %dma_wait3A_247, %add3A, %dma_wait3A_248] : memref<100x16x32x1024xf32, #tpu.memory_space<hbm>> -> memref<1x16x1x1024xf32, #tpu.memory_space<hbm>>
        %dma_wait3A_250 = tpu.memref_squeeze %dma_wait3A_249 : memref<1x16x1x1024xf32, #tpu.memory_space<hbm>> -> memref<16x1024xf32, #tpu.memory_space<hbm>>
        tpu.wait_dma2 semaphore(%arg15 : memref<!tpu.dma_semaphore, #tpu.memory_space<semaphore_mem>>) src(%arg10 : memref<16x1024xf32, #tpu.memory_space<vmem>>) dst(%dma_wait3A_250 : memref<16x1024xf32, #tpu.memory_space<hbm>>)
      } else {
      }
      %add3A_75 = arith.constant 1 : i32
      %add3A_76 = arith.addi %add3A_72, %add3A_75 : i32
      %jit3A = arith.constant 100 : i32
      %eq3A = arith.constant 0 : i32
      %eq3A_77 = arith.cmpi eq, %jit3A, %eq3A : i32
      %jit3A_78 = arith.constant 1 : i32
      %select_n3A = arith.select %eq3A_77, %jit3A_78, %jit3A : i32
      %rem3A = arith.remsi %add3A_76, %select_n3A : i32
      %ne3A = arith.constant 0 : i32
      %ne3A_79 = arith.cmpi ne, %rem3A, %ne3A : i32
      %lt3A = arith.constant 0 : i32
      %lt3A_80 = arith.cmpi slt, %rem3A, %lt3A : i32
      %lt3A_81 = arith.constant 0 : i32
      %lt3A_82 = arith.cmpi slt, %select_n3A, %lt3A_81 : i32
      %ne3A_83 = arith.xori %lt3A_80, %lt3A_82 : i1
      %and3A = arith.andi %ne3A_83, %ne3A_79 : i1
      %add3A_84 = arith.addi %rem3A, %select_n3A : i32
      %select_n3A_85 = arith.select %and3A, %add3A_84, %rem3A : i32
      %mul3A_86 = arith.constant 256 : i32
      %mul3A_87 = arith.muli %select_n3A_85, %mul3A_86 : i32
      %dma_start3A_88 = tpu.memref_slice %arg6[%mul3A_87] : memref<25600xi32, #tpu.memory_space<vmem>> -> memref<256xi32, #tpu.memory_space<vmem>>
      %dma_start3A_89 = arith.constant 0 : i32
      %dma_start3A_90 = arith.constant 0 : i32
      %dma_start3A_91 = tpu.memref_slice %arg2[%dma_start3A_89, %dma_start3A_90] : memref<1000000x64xf32, #tpu.memory_space<hbm>> -> memref<1000000x64xf32, #tpu.memory_space<hbm>>
      tpu.enqueue_indirect_dma source(%dma_start3A_91 : memref<1000000x64xf32, #tpu.memory_space<hbm>>) target(%arg8 : memref<256x64xf32, #tpu.memory_space<vmem>>) offsets(%dma_start3A_88 : memref<256xi32, #tpu.memory_space<vmem>>) semaphore(%arg14 : memref<!tpu.dma_semaphore, #tpu.memory_space<semaphore_mem>>)
      %mul3A_92 = arith.constant 2 : i32
      %mul3A_93 = arith.muli %mul3A_92, %add3A_72 : i32
      %add3A_94 = arith.constant 0 : i32
      %add3A_95 = arith.addi %mul3A_93, %add3A_94 : i32
      %get3A = arith.index_cast %add3A_95 : i32 to index
      %get3A_96 = arith.constant 0 : index
      %get3A_97 = tpu.vector_load %arg12[%get3A, %get3A_96] {strides = array<i32>} : memref<200x64xf32, #tpu.memory_space<vmem>>, vector<16xf32>,
      %get3A_98 = arith.index_cast %add3A_95 : i32 to index
      %get3A_99 = arith.constant 16 : index
      %get3A_100 = tpu.vector_load %arg12[%get3A_98, %get3A_99] {strides = array<i32>} : memref<200x64xf32, #tpu.memory_space<vmem>>, vector<16xf32>,
      %get3A_101 = arith.index_cast %add3A_95 : i32 to index
      %get3A_102 = arith.constant 32 : index
      %get3A_103 = tpu.vector_load %arg12[%get3A_101, %get3A_102] {strides = array<i32>} : memref<200x64xf32, #tpu.memory_space<vmem>>, vector<16xf32>,
      %get3A_104 = arith.index_cast %add3A_95 : i32 to index
      %get3A_105 = arith.constant 48 : index
      %get3A_106 = tpu.vector_load %arg12[%get3A_104, %get3A_105] {strides = array<i32>} : memref<200x64xf32, #tpu.memory_space<vmem>>, vector<16xf32>,
      %scan3A_107 = arith.constant 0 : i32
      %scan3A_108 = arith.constant 16 : i32
      %scan3A_109 = arith.addi %scan3A_107, %scan3A_108 : i32
      %scan3A_110 = arith.constant 1 : i32
      scf.for %scan3A_242 = %scan3A_107 to %scan3A_109 step %scan3A_110  : i32 {
        %mul3A_243 = arith.constant 1 : i32
        %mul3A_244 = arith.muli %scan3A_242, %mul3A_243 : i32
        %add3A_245 = arith.constant 0 : i32
        %add3A_246 = arith.addi %add3A_245, %mul3A_244 : i32
        %mul3A_247 = arith.constant 8 : i32
        %mul3A_248 = arith.muli %add3A_246, %mul3A_247 : i32
        %add3A_249 = arith.constant 0 : i32
        %add3A_250 = arith.addi %add3A_249, %mul3A_248 : i32
        %add3A_251 = arith.constant 0 : i32
        %add3A_252 = arith.addi %add3A_250, %add3A_251 : i32
        %get3A_253 = arith.index_cast %add3A_252 : i32 to index
        %get3A_254 = arith.constant 0 : index
        %get3A_255 = tpu.vector_load %arg7[%get3A_253, %get3A_254] {strides = array<i32>} : memref<256x64xf32, #tpu.memory_space<vmem>>, vector<16xf32>,
        %add3A_256 = arith.addf %get3A_255, %get3A_97 : vector<16xf32>
        %get3A_257 = arith.index_cast %add3A_252 : i32 to index
        %get3A_258 = arith.constant 16 : index
        %get3A_259 = tpu.vector_load %arg7[%get3A_257, %get3A_258] {strides = array<i32>} : memref<256x64xf32, #tpu.memory_space<vmem>>, vector<16xf32>,
        %add3A_260 = arith.addf %get3A_259, %get3A_100 : vector<16xf32>
        %get3A_261 = arith.index_cast %add3A_252 : i32 to index
        %get3A_262 = arith.constant 32 : index
        %get3A_263 = tpu.vector_load %arg7[%get3A_261, %get3A_262] {strides = array<i32>} : memref<256x64xf32, #tpu.memory_space<vmem>>, vector<16xf32>,
        %add3A_264 = arith.addf %get3A_263, %get3A_103 : vector<16xf32>
        %get3A_265 = arith.index_cast %add3A_252 : i32 to index
        %get3A_266 = arith.constant 48 : index
        %get3A_267 = tpu.vector_load %arg7[%get3A_265, %get3A_266] {strides = array<i32>} : memref<256x64xf32, #tpu.memory_space<vmem>>, vector<16xf32>,
        %add3A_268 = arith.addf %get3A_267, %get3A_106 : vector<16xf32>
        %mul3A_269 = arith.constant 65 : i32
        %mul3A_270 = arith.muli %add3A_252, %mul3A_269 : i32
        %add3A_271 = arith.constant 0 : i32
        %add3A_272 = arith.addi %mul3A_270, %add3A_271 : i32
        %swap3A = arith.index_cast %add3A_272 : i32 to index
        %swap3A_273 = tpu.vector_load %arg9[%swap3A] {strides = array<i32>} : memref<16640xf32, #tpu.memory_space<vmem>>, vector<16xf32>,
        tpu.vector_store %arg9[%swap3A], %add3A_256 {strides = array<i32>} : memref<16640xf32, #tpu.memory_space<vmem>>, vector<16xf32>,
        %mul3A_274 = arith.constant 65 : i32
        %mul3A_275 = arith.muli %add3A_252, %mul3A_274 : i32
        %add3A_276 = arith.constant 16 : i32
        %add3A_277 = arith.addi %mul3A_275, %add3A_276 : i32
        %swap3A_278 = arith.index_cast %add3A_277 : i32 to index
        %swap3A_279 = tpu.vector_load %arg9[%swap3A_278] {strides = array<i32>} : memref<16640xf32, #tpu.memory_space<vmem>>, vector<16xf32>,
        tpu.vector_store %arg9[%swap3A_278], %add3A_260 {strides = array<i32>} : memref<16640xf32, #tpu.memory_space<vmem>>, vector<16xf32>,
        %mul3A_280 = arith.constant 65 : i32
        %mul3A_281 = arith.muli %add3A_252, %mul3A_280 : i32
        %add3A_282 = arith.constant 32 : i32
        %add3A_283 = arith.addi %mul3A_281, %add3A_282 : i32
        %swap3A_284 = arith.index_cast %add3A_283 : i32 to index
        %swap3A_285 = tpu.vector_load %arg9[%swap3A_284] {strides = array<i32>} : memref<16640xf32, #tpu.memory_space<vmem>>, vector<16xf32>,
        tpu.vector_store %arg9[%swap3A_284], %add3A_264 {strides = array<i32>} : memref<16640xf32, #tpu.memory_space<vmem>>, vector<16xf32>,
        %mul3A_286 = arith.constant 65 : i32
        %mul3A_287 = arith.muli %add3A_252, %mul3A_286 : i32
        %add3A_288 = arith.constant 48 : i32
        %add3A_289 = arith.addi %mul3A_287, %add3A_288 : i32
        %swap3A_290 = arith.index_cast %add3A_289 : i32 to index
        %swap3A_291 = tpu.vector_load %arg9[%swap3A_290] {strides = array<i32>} : memref<16640xf32, #tpu.memory_space<vmem>>, vector<16xf32>,
        tpu.vector_store %arg9[%swap3A_290], %add3A_268 {strides = array<i32>} : memref<16640xf32, #tpu.memory_space<vmem>>, vector<16xf32>,
        %mul3A_292 = arith.constant 8 : i32
        %mul3A_293 = arith.muli %add3A_246, %mul3A_292 : i32
        %add3A_294 = arith.constant 0 : i32
        %add3A_295 = arith.addi %add3A_294, %mul3A_293 : i32
        %add3A_296 = arith.constant 1 : i32
        %add3A_297 = arith.addi %add3A_295, %add3A_296 : i32
        %get3A_298 = arith.index_cast %add3A_297 : i32 to index
        %get3A_299 = arith.constant 0 : index
        %get3A_300 = tpu.vector_load %arg7[%get3A_298, %get3A_299] {strides = array<i32>} : memref<256x64xf32, #tpu.memory_space<vmem>>, vector<16xf32>,
        %add3A_301 = arith.addf %get3A_300, %get3A_97 : vector<16xf32>
        %get3A_302 = arith.index_cast %add3A_297 : i32 to index
        %get3A_303 = arith.constant 16 : index
        %get3A_304 = tpu.vector_load %arg7[%get3A_302, %get3A_303] {strides = array<i32>} : memref<256x64xf32, #tpu.memory_space<vmem>>, vector<16xf32>,
        %add3A_305 = arith.addf %get3A_304, %get3A_100 : vector<16xf32>
        %get3A_306 = arith.index_cast %add3A_297 : i32 to index
        %get3A_307 = arith.constant 32 : index
        %get3A_308 = tpu.vector_load %arg7[%get3A_306, %get3A_307] {strides = array<i32>} : memref<256x64xf32, #tpu.memory_space<vmem>>, vector<16xf32>,
        %add3A_309 = arith.addf %get3A_308, %get3A_103 : vector<16xf32>
        %get3A_310 = arith.index_cast %add3A_297 : i32 to index
        %get3A_311 = arith.constant 48 : index
        %get3A_312 = tpu.vector_load %arg7[%get3A_310, %get3A_311] {strides = array<i32>} : memref<256x64xf32, #tpu.memory_space<vmem>>, vector<16xf32>,
        %add3A_313 = arith.addf %get3A_312, %get3A_106 : vector<16xf32>
        %mul3A_314 = arith.constant 65 : i32
        %mul3A_315 = arith.muli %add3A_297, %mul3A_314 : i32
        %add3A_316 = arith.constant 0 : i32
        %add3A_317 = arith.addi %mul3A_315, %add3A_316 : i32
        %swap3A_318 = arith.index_cast %add3A_317 : i32 to index
        %swap3A_319 = tpu.vector_load %arg9[%swap3A_318] {strides = array<i32>} : memref<16640xf32, #tpu.memory_space<vmem>>, vector<16xf32>,
        tpu.vector_store %arg9[%swap3A_318], %add3A_301 {strides = array<i32>} : memref<16640xf32, #tpu.memory_space<vmem>>, vector<16xf32>,
        %mul3A_320 = arith.constant 65 : i32
        %mul3A_321 = arith.muli %add3A_297, %mul3A_320 : i32
        %add3A_322 = arith.constant 16 : i32
        %add3A_323 = arith.addi %mul3A_321, %add3A_322 : i32
        %swap3A_324 = arith.index_cast %add3A_323 : i32 to index
        %swap3A_325 = tpu.vector_load %arg9[%swap3A_324] {strides = array<i32>} : memref<16640xf32, #tpu.memory_space<vmem>>, vector<16xf32>,
        tpu.vector_store %arg9[%swap3A_324], %add3A_305 {strides = array<i32>} : memref<16640xf32, #tpu.memory_space<vmem>>, vector<16xf32>,
        %mul3A_326 = arith.constant 65 : i32
        %mul3A_327 = arith.muli %add3A_297, %mul3A_326 : i32
        %add3A_328 = arith.constant 32 : i32
        %add3A_329 = arith.addi %mul3A_327, %add3A_328 : i32
        %swap3A_330 = arith.index_cast %add3A_329 : i32 to index
        %swap3A_331 = tpu.vector_load %arg9[%swap3A_330] {strides = array<i32>} : memref<16640xf32, #tpu.memory_space<vmem>>, vector<16xf32>,
        tpu.vector_store %arg9[%swap3A_330], %add3A_309 {strides = array<i32>} : memref<16640xf32, #tpu.memory_space<vmem>>, vector<16xf32>,
        %mul3A_332 = arith.constant 65 : i32
        %mul3A_333 = arith.muli %add3A_297, %mul3A_332 : i32
        %add3A_334 = arith.constant 48 : i32
        %add3A_335 = arith.addi %mul3A_333, %add3A_334 : i32
        %swap3A_336 = arith.index_cast %add3A_335 : i32 to index
        %swap3A_337 = tpu.vector_load %arg9[%swap3A_336] {strides = array<i32>} : memref<16640xf32, #tpu.memory_space<vmem>>, vector<16xf32>,
        tpu.vector_store %arg9[%swap3A_336], %add3A_313 {strides = array<i32>} : memref<16640xf32, #tpu.memory_space<vmem>>, vector<16xf32>,
        %mul3A_338 = arith.constant 8 : i32
        %mul3A_339 = arith.muli %add3A_246, %mul3A_338 : i32
        %add3A_340 = arith.constant 0 : i32
        %add3A_341 = arith.addi %add3A_340, %mul3A_339 : i32
        %add3A_342 = arith.constant 2 : i32
        %add3A_343 = arith.addi %add3A_341, %add3A_342 : i32
        %get3A_344 = arith.index_cast %add3A_343 : i32 to index
        %get3A_345 = arith.constant 0 : index
        %get3A_346 = tpu.vector_load %arg7[%get3A_344, %get3A_345] {strides = array<i32>} : memref<256x64xf32, #tpu.memory_space<vmem>>, vector<16xf32>,
        %add3A_347 = arith.addf %get3A_346, %get3A_97 : vector<16xf32>
        %get3A_348 = arith.index_cast %add3A_343 : i32 to index
        %get3A_349 = arith.constant 16 : index
        %get3A_350 = tpu.vector_load %arg7[%get3A_348, %get3A_349] {strides = array<i32>} : memref<256x64xf32, #tpu.memory_space<vmem>>, vector<16xf32>,
        %add3A_351 = arith.addf %get3A_350, %get3A_100 : vector<16xf32>
        %get3A_352 = arith.index_cast %add3A_343 : i32 to index
        %get3A_353 = arith.constant 32 : index
        %get3A_354 = tpu.vector_load %arg7[%get3A_352, %get3A_353] {strides = array<i32>} : memref<256x64xf32, #tpu.memory_space<vmem>>, vector<16xf32>,
        %add3A_355 = arith.addf %get3A_354, %get3A_103 : vector<16xf32>
        %get3A_356 = arith.index_cast %add3A_343 : i32 to index
        %get3A_357 = arith.constant 48 : index
        %get3A_358 = tpu.vector_load %arg7[%get3A_356, %get3A_357] {strides = array<i32>} : memref<256x64xf32, #tpu.memory_space<vmem>>, vector<16xf32>,
        %add3A_359 = arith.addf %get3A_358, %get3A_106 : vector<16xf32>
        %mul3A_360 = arith.constant 65 : i32
        %mul3A_361 = arith.muli %add3A_343, %mul3A_360 : i32
        %add3A_362 = arith.constant 0 : i32
        %add3A_363 = arith.addi %mul3A_361, %add3A_362 : i32
        %swap3A_364 = arith.index_cast %add3A_363 : i32 to index
        %swap3A_365 = tpu.vector_load %arg9[%swap3A_364] {strides = array<i32>} : memref<16640xf32, #tpu.memory_space<vmem>>, vector<16xf32>,
        tpu.vector_store %arg9[%swap3A_364], %add3A_347 {strides = array<i32>} : memref<16640xf32, #tpu.memory_space<vmem>>, vector<16xf32>,
        %mul3A_366 = arith.constant 65 : i32
        %mul3A_367 = arith.muli %add3A_343, %mul3A_366 : i32
        %add3A_368 = arith.constant 16 : i32
        %add3A_369 = arith.addi %mul3A_367, %add3A_368 : i32
        %swap3A_370 = arith.index_cast %add3A_369 : i32 to index
        %swap3A_371 = tpu.vector_load %arg9[%swap3A_370] {strides = array<i32>} : memref<16640xf32, #tpu.memory_space<vmem>>, vector<16xf32>,
        tpu.vector_store %arg9[%swap3A_370], %add3A_351 {strides = array<i32>} : memref<16640xf32, #tpu.memory_space<vmem>>, vector<16xf32>,
        %mul3A_372 = arith.constant 65 : i32
        %mul3A_373 = arith.muli %add3A_343, %mul3A_372 : i32
        %add3A_374 = arith.constant 32 : i32
        %add3A_375 = arith.addi %mul3A_373, %add3A_374 : i32
        %swap3A_376 = arith.index_cast %add3A_375 : i32 to index
        %swap3A_377 = tpu.vector_load %arg9[%swap3A_376] {strides = array<i32>} : memref<16640xf32, #tpu.memory_space<vmem>>, vector<16xf32>,
        tpu.vector_store %arg9[%swap3A_376], %add3A_355 {strides = array<i32>} : memref<16640xf32, #tpu.memory_space<vmem>>, vector<16xf32>,
        %mul3A_378 = arith.constant 65 : i32
        %mul3A_379 = arith.muli %add3A_343, %mul3A_378 : i32
        %add3A_380 = arith.constant 48 : i32
        %add3A_381 = arith.addi %mul3A_379, %add3A_380 : i32
        %swap3A_382 = arith.index_cast %add3A_381 : i32 to index
        %swap3A_383 = tpu.vector_load %arg9[%swap3A_382] {strides = array<i32>} : memref<16640xf32, #tpu.memory_space<vmem>>, vector<16xf32>,
        tpu.vector_store %arg9[%swap3A_382], %add3A_359 {strides = array<i32>} : memref<16640xf32, #tpu.memory_space<vmem>>, vector<16xf32>,
        %mul3A_384 = arith.constant 8 : i32
        %mul3A_385 = arith.muli %add3A_246, %mul3A_384 : i32
        %add3A_386 = arith.constant 0 : i32
        %add3A_387 = arith.addi %add3A_386, %mul3A_385 : i32
        %add3A_388 = arith.constant 3 : i32
        %add3A_389 = arith.addi %add3A_387, %add3A_388 : i32
        %get3A_390 = arith.index_cast %add3A_389 : i32 to index
        %get3A_391 = arith.constant 0 : index
        %get3A_392 = tpu.vector_load %arg7[%get3A_390, %get3A_391] {strides = array<i32>} : memref<256x64xf32, #tpu.memory_space<vmem>>, vector<16xf32>,
        %add3A_393 = arith.addf %get3A_392, %get3A_97 : vector<16xf32>
        %get3A_394 = arith.index_cast %add3A_389 : i32 to index
        %get3A_395 = arith.constant 16 : index
        %get3A_396 = tpu.vector_load %arg7[%get3A_394, %get3A_395] {strides = array<i32>} : memref<256x64xf32, #tpu.memory_space<vmem>>, vector<16xf32>,
        %add3A_397 = arith.addf %get3A_396, %get3A_100 : vector<16xf32>
        %get3A_398 = arith.index_cast %add3A_389 : i32 to index
        %get3A_399 = arith.constant 32 : index
        %get3A_400 = tpu.vector_load %arg7[%get3A_398, %get3A_399] {strides = array<i32>} : memref<256x64xf32, #tpu.memory_space<vmem>>, vector<16xf32>,
        %add3A_401 = arith.addf %get3A_400, %get3A_103 : vector<16xf32>
        %get3A_402 = arith.index_cast %add3A_389 : i32 to index
        %get3A_403 = arith.constant 48 : index
        %get3A_404 = tpu.vector_load %arg7[%get3A_402, %get3A_403] {strides = array<i32>} : memref<256x64xf32, #tpu.memory_space<vmem>>, vector<16xf32>,
        %add3A_405 = arith.addf %get3A_404, %get3A_106 : vector<16xf32>
        %mul3A_406 = arith.constant 65 : i32
        %mul3A_407 = arith.muli %add3A_389, %mul3A_406 : i32
        %add3A_408 = arith.constant 0 : i32
        %add3A_409 = arith.addi %mul3A_407, %add3A_408 : i32
        %swap3A_410 = arith.index_cast %add3A_409 : i32 to index
        %swap3A_411 = tpu.vector_load %arg9[%swap3A_410] {strides = array<i32>} : memref<16640xf32, #tpu.memory_space<vmem>>, vector<16xf32>,
        tpu.vector_store %arg9[%swap3A_410], %add3A_393 {strides = array<i32>} : memref<16640xf32, #tpu.memory_space<vmem>>, vector<16xf32>,
        %mul3A_412 = arith.constant 65 : i32
        %mul3A_413 = arith.muli %add3A_389, %mul3A_412 : i32
        %add3A_414 = arith.constant 16 : i32
        %add3A_415 = arith.addi %mul3A_413, %add3A_414 : i32
        %swap3A_416 = arith.index_cast %add3A_415 : i32 to index
        %swap3A_417 = tpu.vector_load %arg9[%swap3A_416] {strides = array<i32>} : memref<16640xf32, #tpu.memory_space<vmem>>, vector<16xf32>,
        tpu.vector_store %arg9[%swap3A_416], %add3A_397 {strides = array<i32>} : memref<16640xf32, #tpu.memory_space<vmem>>, vector<16xf32>,
        %mul3A_418 = arith.constant 65 : i32
        %mul3A_419 = arith.muli %add3A_389, %mul3A_418 : i32
        %add3A_420 = arith.constant 32 : i32
        %add3A_421 = arith.addi %mul3A_419, %add3A_420 : i32
        %swap3A_422 = arith.index_cast %add3A_421 : i32 to index
        %swap3A_423 = tpu.vector_load %arg9[%swap3A_422] {strides = array<i32>} : memref<16640xf32, #tpu.memory_space<vmem>>, vector<16xf32>,
        tpu.vector_store %arg9[%swap3A_422], %add3A_401 {strides = array<i32>} : memref<16640xf32, #tpu.memory_space<vmem>>, vector<16xf32>,
        %mul3A_424 = arith.constant 65 : i32
        %mul3A_425 = arith.muli %add3A_389, %mul3A_424 : i32
        %add3A_426 = arith.constant 48 : i32
        %add3A_427 = arith.addi %mul3A_425, %add3A_426 : i32
        %swap3A_428 = arith.index_cast %add3A_427 : i32 to index
        %swap3A_429 = tpu.vector_load %arg9[%swap3A_428] {strides = array<i32>} : memref<16640xf32, #tpu.memory_space<vmem>>, vector<16xf32>,
        tpu.vector_store %arg9[%swap3A_428], %add3A_405 {strides = array<i32>} : memref<16640xf32, #tpu.memory_space<vmem>>, vector<16xf32>,
        %mul3A_430 = arith.constant 8 : i32
        %mul3A_431 = arith.muli %add3A_246, %mul3A_430 : i32
        %add3A_432 = arith.constant 0 : i32
        %add3A_433 = arith.addi %add3A_432, %mul3A_431 : i32
        %add3A_434 = arith.constant 4 : i32
        %add3A_435 = arith.addi %add3A_433, %add3A_434 : i32
        %get3A_436 = arith.index_cast %add3A_435 : i32 to index
        %get3A_437 = arith.constant 0 : index
        %get3A_438 = tpu.vector_load %arg7[%get3A_436, %get3A_437] {strides = array<i32>} : memref<256x64xf32, #tpu.memory_space<vmem>>, vector<16xf32>,
        %add3A_439 = arith.addf %get3A_438, %get3A_97 : vector<16xf32>
        %get3A_440 = arith.index_cast %add3A_435 : i32 to index
        %get3A_441 = arith.constant 16 : index
        %get3A_442 = tpu.vector_load %arg7[%get3A_440, %get3A_441] {strides = array<i32>} : memref<256x64xf32, #tpu.memory_space<vmem>>, vector<16xf32>,
        %add3A_443 = arith.addf %get3A_442, %get3A_100 : vector<16xf32>
        %get3A_444 = arith.index_cast %add3A_435 : i32 to index
        %get3A_445 = arith.constant 32 : index
        %get3A_446 = tpu.vector_load %arg7[%get3A_444, %get3A_445] {strides = array<i32>} : memref<256x64xf32, #tpu.memory_space<vmem>>, vector<16xf32>,
        %add3A_447 = arith.addf %get3A_446, %get3A_103 : vector<16xf32>
        %get3A_448 = arith.index_cast %add3A_435 : i32 to index
        %get3A_449 = arith.constant 48 : index
        %get3A_450 = tpu.vector_load %arg7[%get3A_448, %get3A_449] {strides = array<i32>} : memref<256x64xf32, #tpu.memory_space<vmem>>, vector<16xf32>,
        %add3A_451 = arith.addf %get3A_450, %get3A_106 : vector<16xf32>
        %mul3A_452 = arith.constant 65 : i32
        %mul3A_453 = arith.muli %add3A_435, %mul3A_452 : i32
        %add3A_454 = arith.constant 0 : i32
        %add3A_455 = arith.addi %mul3A_453, %add3A_454 : i32
        %swap3A_456 = arith.index_cast %add3A_455 : i32 to index
        %swap3A_457 = tpu.vector_load %arg9[%swap3A_456] {strides = array<i32>} : memref<16640xf32, #tpu.memory_space<vmem>>, vector<16xf32>,
        tpu.vector_store %arg9[%swap3A_456], %add3A_439 {strides = array<i32>} : memref<16640xf32, #tpu.memory_space<vmem>>, vector<16xf32>,
        %mul3A_458 = arith.constant 65 : i32
        %mul3A_459 = arith.muli %add3A_435, %mul3A_458 : i32
        %add3A_460 = arith.constant 16 : i32
        %add3A_461 = arith.addi %mul3A_459, %add3A_460 : i32
        %swap3A_462 = arith.index_cast %add3A_461 : i32 to index
        %swap3A_463 = tpu.vector_load %arg9[%swap3A_462] {strides = array<i32>} : memref<16640xf32, #tpu.memory_space<vmem>>, vector<16xf32>,
        tpu.vector_store %arg9[%swap3A_462], %add3A_443 {strides = array<i32>} : memref<16640xf32, #tpu.memory_space<vmem>>, vector<16xf32>,
        %mul3A_464 = arith.constant 65 : i32
        %mul3A_465 = arith.muli %add3A_435, %mul3A_464 : i32
        %add3A_466 = arith.constant 32 : i32
        %add3A_467 = arith.addi %mul3A_465, %add3A_466 : i32
        %swap3A_468 = arith.index_cast %add3A_467 : i32 to index
        %swap3A_469 = tpu.vector_load %arg9[%swap3A_468] {strides = array<i32>} : memref<16640xf32, #tpu.memory_space<vmem>>, vector<16xf32>,
        tpu.vector_store %arg9[%swap3A_468], %add3A_447 {strides = array<i32>} : memref<16640xf32, #tpu.memory_space<vmem>>, vector<16xf32>,
        %mul3A_470 = arith.constant 65 : i32
        %mul3A_471 = arith.muli %add3A_435, %mul3A_470 : i32
        %add3A_472 = arith.constant 48 : i32
        %add3A_473 = arith.addi %mul3A_471, %add3A_472 : i32
        %swap3A_474 = arith.index_cast %add3A_473 : i32 to index
        %swap3A_475 = tpu.vector_load %arg9[%swap3A_474] {strides = array<i32>} : memref<16640xf32, #tpu.memory_space<vmem>>, vector<16xf32>,
        tpu.vector_store %arg9[%swap3A_474], %add3A_451 {strides = array<i32>} : memref<16640xf32, #tpu.memory_space<vmem>>, vector<16xf32>,
        %mul3A_476 = arith.constant 8 : i32
        %mul3A_477 = arith.muli %add3A_246, %mul3A_476 : i32
        %add3A_478 = arith.constant 0 : i32
        %add3A_479 = arith.addi %add3A_478, %mul3A_477 : i32
        %add3A_480 = arith.constant 5 : i32
        %add3A_481 = arith.addi %add3A_479, %add3A_480 : i32
        %get3A_482 = arith.index_cast %add3A_481 : i32 to index
        %get3A_483 = arith.constant 0 : index
        %get3A_484 = tpu.vector_load %arg7[%get3A_482, %get3A_483] {strides = array<i32>} : memref<256x64xf32, #tpu.memory_space<vmem>>, vector<16xf32>,
        %add3A_485 = arith.addf %get3A_484, %get3A_97 : vector<16xf32>
        %get3A_486 = arith.index_cast %add3A_481 : i32 to index
        %get3A_487 = arith.constant 16 : index
        %get3A_488 = tpu.vector_load %arg7[%get3A_486, %get3A_487] {strides = array<i32>} : memref<256x64xf32, #tpu.memory_space<vmem>>, vector<16xf32>,
        %add3A_489 = arith.addf %get3A_488, %get3A_100 : vector<16xf32>
        %get3A_490 = arith.index_cast %add3A_481 : i32 to index
        %get3A_491 = arith.constant 32 : index
        %get3A_492 = tpu.vector_load %arg7[%get3A_490, %get3A_491] {strides = array<i32>} : memref<256x64xf32, #tpu.memory_space<vmem>>, vector<16xf32>,
        %add3A_493 = arith.addf %get3A_492, %get3A_103 : vector<16xf32>
        %get3A_494 = arith.index_cast %add3A_481 : i32 to index
        %get3A_495 = arith.constant 48 : index
        %get3A_496 = tpu.vector_load %arg7[%get3A_494, %get3A_495] {strides = array<i32>} : memref<256x64xf32, #tpu.memory_space<vmem>>, vector<16xf32>,
        %add3A_497 = arith.addf %get3A_496, %get3A_106 : vector<16xf32>
        %mul3A_498 = arith.constant 65 : i32
        %mul3A_499 = arith.muli %add3A_481, %mul3A_498 : i32
        %add3A_500 = arith.constant 0 : i32
        %add3A_501 = arith.addi %mul3A_499, %add3A_500 : i32
        %swap3A_502 = arith.index_cast %add3A_501 : i32 to index
        %swap3A_503 = tpu.vector_load %arg9[%swap3A_502] {strides = array<i32>} : memref<16640xf32, #tpu.memory_space<vmem>>, vector<16xf32>,
        tpu.vector_store %arg9[%swap3A_502], %add3A_485 {strides = array<i32>} : memref<16640xf32, #tpu.memory_space<vmem>>, vector<16xf32>,
        %mul3A_504 = arith.constant 65 : i32
        %mul3A_505 = arith.muli %add3A_481, %mul3A_504 : i32
        %add3A_506 = arith.constant 16 : i32
        %add3A_507 = arith.addi %mul3A_505, %add3A_506 : i32
        %swap3A_508 = arith.index_cast %add3A_507 : i32 to index
        %swap3A_509 = tpu.vector_load %arg9[%swap3A_508] {strides = array<i32>} : memref<16640xf32, #tpu.memory_space<vmem>>, vector<16xf32>,
        tpu.vector_store %arg9[%swap3A_508], %add3A_489 {strides = array<i32>} : memref<16640xf32, #tpu.memory_space<vmem>>, vector<16xf32>,
        %mul3A_510 = arith.constant 65 : i32
        %mul3A_511 = arith.muli %add3A_481, %mul3A_510 : i32
        %add3A_512 = arith.constant 32 : i32
        %add3A_513 = arith.addi %mul3A_511, %add3A_512 : i32
        %swap3A_514 = arith.index_cast %add3A_513 : i32 to index
        %swap3A_515 = tpu.vector_load %arg9[%swap3A_514] {strides = array<i32>} : memref<16640xf32, #tpu.memory_space<vmem>>, vector<16xf32>,
        tpu.vector_store %arg9[%swap3A_514], %add3A_493 {strides = array<i32>} : memref<16640xf32, #tpu.memory_space<vmem>>, vector<16xf32>,
        %mul3A_516 = arith.constant 65 : i32
        %mul3A_517 = arith.muli %add3A_481, %mul3A_516 : i32
        %add3A_518 = arith.constant 48 : i32
        %add3A_519 = arith.addi %mul3A_517, %add3A_518 : i32
        %swap3A_520 = arith.index_cast %add3A_519 : i32 to index
        %swap3A_521 = tpu.vector_load %arg9[%swap3A_520] {strides = array<i32>} : memref<16640xf32, #tpu.memory_space<vmem>>, vector<16xf32>,
        tpu.vector_store %arg9[%swap3A_520], %add3A_497 {strides = array<i32>} : memref<16640xf32, #tpu.memory_space<vmem>>, vector<16xf32>,
        %mul3A_522 = arith.constant 8 : i32
        %mul3A_523 = arith.muli %add3A_246, %mul3A_522 : i32
        %add3A_524 = arith.constant 0 : i32
        %add3A_525 = arith.addi %add3A_524, %mul3A_523 : i32
        %add3A_526 = arith.constant 6 : i32
        %add3A_527 = arith.addi %add3A_525, %add3A_526 : i32
        %get3A_528 = arith.index_cast %add3A_527 : i32 to index
        %get3A_529 = arith.constant 0 : index
        %get3A_530 = tpu.vector_load %arg7[%get3A_528, %get3A_529] {strides = array<i32>} : memref<256x64xf32, #tpu.memory_space<vmem>>, vector<16xf32>,
        %add3A_531 = arith.addf %get3A_530, %get3A_97 : vector<16xf32>
        %get3A_532 = arith.index_cast %add3A_527 : i32 to index
        %get3A_533 = arith.constant 16 : index
        %get3A_534 = tpu.vector_load %arg7[%get3A_532, %get3A_533] {strides = array<i32>} : memref<256x64xf32, #tpu.memory_space<vmem>>, vector<16xf32>,
        %add3A_535 = arith.addf %get3A_534, %get3A_100 : vector<16xf32>
        %get3A_536 = arith.index_cast %add3A_527 : i32 to index
        %get3A_537 = arith.constant 32 : index
        %get3A_538 = tpu.vector_load %arg7[%get3A_536, %get3A_537] {strides = array<i32>} : memref<256x64xf32, #tpu.memory_space<vmem>>, vector<16xf32>,
        %add3A_539 = arith.addf %get3A_538, %get3A_103 : vector<16xf32>
        %get3A_540 = arith.index_cast %add3A_527 : i32 to index
        %get3A_541 = arith.constant 48 : index
        %get3A_542 = tpu.vector_load %arg7[%get3A_540, %get3A_541] {strides = array<i32>} : memref<256x64xf32, #tpu.memory_space<vmem>>, vector<16xf32>,
        %add3A_543 = arith.addf %get3A_542, %get3A_106 : vector<16xf32>
        %mul3A_544 = arith.constant 65 : i32
        %mul3A_545 = arith.muli %add3A_527, %mul3A_544 : i32
        %add3A_546 = arith.constant 0 : i32
        %add3A_547 = arith.addi %mul3A_545, %add3A_546 : i32
        %swap3A_548 = arith.index_cast %add3A_547 : i32 to index
        %swap3A_549 = tpu.vector_load %arg9[%swap3A_548] {strides = array<i32>} : memref<16640xf32, #tpu.memory_space<vmem>>, vector<16xf32>,
        tpu.vector_store %arg9[%swap3A_548], %add3A_531 {strides = array<i32>} : memref<16640xf32, #tpu.memory_space<vmem>>, vector<16xf32>,
        %mul3A_550 = arith.constant 65 : i32
        %mul3A_551 = arith.muli %add3A_527, %mul3A_550 : i32
        %add3A_552 = arith.constant 16 : i32
        %add3A_553 = arith.addi %mul3A_551, %add3A_552 : i32
        %swap3A_554 = arith.index_cast %add3A_553 : i32 to index
        %swap3A_555 = tpu.vector_load %arg9[%swap3A_554] {strides = array<i32>} : memref<16640xf32, #tpu.memory_space<vmem>>, vector<16xf32>,
        tpu.vector_store %arg9[%swap3A_554], %add3A_535 {strides = array<i32>} : memref<16640xf32, #tpu.memory_space<vmem>>, vector<16xf32>,
        %mul3A_556 = arith.constant 65 : i32
        %mul3A_557 = arith.muli %add3A_527, %mul3A_556 : i32
        %add3A_558 = arith.constant 32 : i32
        %add3A_559 = arith.addi %mul3A_557, %add3A_558 : i32
        %swap3A_560 = arith.index_cast %add3A_559 : i32 to index
        %swap3A_561 = tpu.vector_load %arg9[%swap3A_560] {strides = array<i32>} : memref<16640xf32, #tpu.memory_space<vmem>>, vector<16xf32>,
        tpu.vector_store %arg9[%swap3A_560], %add3A_539 {strides = array<i32>} : memref<16640xf32, #tpu.memory_space<vmem>>, vector<16xf32>,
        %mul3A_562 = arith.constant 65 : i32
        %mul3A_563 = arith.muli %add3A_527, %mul3A_562 : i32
        %add3A_564 = arith.constant 48 : i32
        %add3A_565 = arith.addi %mul3A_563, %add3A_564 : i32
        %swap3A_566 = arith.index_cast %add3A_565 : i32 to index
        %swap3A_567 = tpu.vector_load %arg9[%swap3A_566] {strides = array<i32>} : memref<16640xf32, #tpu.memory_space<vmem>>, vector<16xf32>,
        tpu.vector_store %arg9[%swap3A_566], %add3A_543 {strides = array<i32>} : memref<16640xf32, #tpu.memory_space<vmem>>, vector<16xf32>,
        %mul3A_568 = arith.constant 8 : i32
        %mul3A_569 = arith.muli %add3A_246, %mul3A_568 : i32
        %add3A_570 = arith.constant 0 : i32
        %add3A_571 = arith.addi %add3A_570, %mul3A_569 : i32
        %add3A_572 = arith.constant 7 : i32
        %add3A_573 = arith.addi %add3A_571, %add3A_572 : i32
        %get3A_574 = arith.index_cast %add3A_573 : i32 to index
        %get3A_575 = arith.constant 0 : index
        %get3A_576 = tpu.vector_load %arg7[%get3A_574, %get3A_575] {strides = array<i32>} : memref<256x64xf32, #tpu.memory_space<vmem>>, vector<16xf32>,
        %add3A_577 = arith.addf %get3A_576, %get3A_97 : vector<16xf32>
        %get3A_578 = arith.index_cast %add3A_573 : i32 to index
        %get3A_579 = arith.constant 16 : index
        %get3A_580 = tpu.vector_load %arg7[%get3A_578, %get3A_579] {strides = array<i32>} : memref<256x64xf32, #tpu.memory_space<vmem>>, vector<16xf32>,
        %add3A_581 = arith.addf %get3A_580, %get3A_100 : vector<16xf32>
        %get3A_582 = arith.index_cast %add3A_573 : i32 to index
        %get3A_583 = arith.constant 32 : index
        %get3A_584 = tpu.vector_load %arg7[%get3A_582, %get3A_583] {strides = array<i32>} : memref<256x64xf32, #tpu.memory_space<vmem>>, vector<16xf32>,
        %add3A_585 = arith.addf %get3A_584, %get3A_103 : vector<16xf32>
        %get3A_586 = arith.index_cast %add3A_573 : i32 to index
        %get3A_587 = arith.constant 48 : index
        %get3A_588 = tpu.vector_load %arg7[%get3A_586, %get3A_587] {strides = array<i32>} : memref<256x64xf32, #tpu.memory_space<vmem>>, vector<16xf32>,
        %add3A_589 = arith.addf %get3A_588, %get3A_106 : vector<16xf32>
        %mul3A_590 = arith.constant 65 : i32
        %mul3A_591 = arith.muli %add3A_573, %mul3A_590 : i32
        %add3A_592 = arith.constant 0 : i32
        %add3A_593 = arith.addi %mul3A_591, %add3A_592 : i32
        %swap3A_594 = arith.index_cast %add3A_593 : i32 to index
        %swap3A_595 = tpu.vector_load %arg9[%swap3A_594] {strides = array<i32>} : memref<16640xf32, #tpu.memory_space<vmem>>, vector<16xf32>,
        tpu.vector_store %arg9[%swap3A_594], %add3A_577 {strides = array<i32>} : memref<16640xf32, #tpu.memory_space<vmem>>, vector<16xf32>,
        %mul3A_596 = arith.constant 65 : i32
        %mul3A_597 = arith.muli %add3A_573, %mul3A_596 : i32
        %add3A_598 = arith.constant 16 : i32
        %add3A_599 = arith.addi %mul3A_597, %add3A_598 : i32
        %swap3A_600 = arith.index_cast %add3A_599 : i32 to index
        %swap3A_601 = tpu.vector_load %arg9[%swap3A_600] {strides = array<i32>} : memref<16640xf32, #tpu.memory_space<vmem>>, vector<16xf32>,
        tpu.vector_store %arg9[%swap3A_600], %add3A_581 {strides = array<i32>} : memref<16640xf32, #tpu.memory_space<vmem>>, vector<16xf32>,
        %mul3A_602 = arith.constant 65 : i32
        %mul3A_603 = arith.muli %add3A_573, %mul3A_602 : i32
        %add3A_604 = arith.constant 32 : i32
        %add3A_605 = arith.addi %mul3A_603, %add3A_604 : i32
        %swap3A_606 = arith.index_cast %add3A_605 : i32 to index
        %swap3A_607 = tpu.vector_load %arg9[%swap3A_606] {strides = array<i32>} : memref<16640xf32, #tpu.memory_space<vmem>>, vector<16xf32>,
        tpu.vector_store %arg9[%swap3A_606], %add3A_585 {strides = array<i32>} : memref<16640xf32, #tpu.memory_space<vmem>>, vector<16xf32>,
        %mul3A_608 = arith.constant 65 : i32
        %mul3A_609 = arith.muli %add3A_573, %mul3A_608 : i32
        %add3A_610 = arith.constant 48 : i32
        %add3A_611 = arith.addi %mul3A_609, %add3A_610 : i32
        %swap3A_612 = arith.index_cast %add3A_611 : i32 to index
        %swap3A_613 = tpu.vector_load %arg9[%swap3A_612] {strides = array<i32>} : memref<16640xf32, #tpu.memory_space<vmem>>, vector<16xf32>,
        tpu.vector_store %arg9[%swap3A_612], %add3A_589 {strides = array<i32>} : memref<16640xf32, #tpu.memory_space<vmem>>, vector<16xf32>,
      }
      %scan3A_111 = arith.constant 16 : i32
      %mul3A_112 = arith.constant 2 : i32
      %mul3A_113 = arith.muli %mul3A_112, %add3A_72 : i32
      %add3A_114 = arith.constant 1 : i32
      %add3A_115 = arith.addi %mul3A_113, %add3A_114 : i32
      %get3A_116 = arith.index_cast %add3A_115 : i32 to index
      %get3A_117 = arith.constant 0 : index
      %get3A_118 = tpu.vector_load %arg12[%get3A_116, %get3A_117] {strides = array<i32>} : memref<200x64xf32, #tpu.memory_space<vmem>>, vector<16xf32>,
      %get3A_119 = arith.index_cast %add3A_115 : i32 to index
      %get3A_120 = arith.constant 16 : index
      %get3A_121 = tpu.vector_load %arg12[%get3A_119, %get3A_120] {strides = array<i32>} : memref<200x64xf32, #tpu.memory_space<vmem>>, vector<16xf32>,
      %get3A_122 = arith.index_cast %add3A_115 : i32 to index
      %get3A_123 = arith.constant 32 : index
      %get3A_124 = tpu.vector_load %arg12[%get3A_122, %get3A_123] {strides = array<i32>} : memref<200x64xf32, #tpu.memory_space<vmem>>, vector<16xf32>,
      %get3A_125 = arith.index_cast %add3A_115 : i32 to index
      %get3A_126 = arith.constant 48 : index
      %get3A_127 = tpu.vector_load %arg12[%get3A_125, %get3A_126] {strides = array<i32>} : memref<200x64xf32, #tpu.memory_space<vmem>>, vector<16xf32>,
      %scan3A_128 = arith.constant 0 : i32
      %scan3A_129 = arith.constant 16 : i32
      %scan3A_130 = arith.addi %scan3A_128, %scan3A_129 : i32
      %scan3A_131 = arith.constant 1 : i32
      scf.for %scan3A_242 = %scan3A_128 to %scan3A_130 step %scan3A_131  : i32 {
        %mul3A_243 = arith.constant 1 : i32
        %mul3A_244 = arith.muli %scan3A_242, %mul3A_243 : i32
        %add3A_245 = arith.constant 0 : i32
        %add3A_246 = arith.addi %add3A_245, %mul3A_244 : i32
        %mul3A_247 = arith.constant 8 : i32
        %mul3A_248 = arith.muli %add3A_246, %mul3A_247 : i32
        %add3A_249 = arith.constant 128 : i32
        %add3A_250 = arith.addi %add3A_249, %mul3A_248 : i32
        %add3A_251 = arith.constant 0 : i32
        %add3A_252 = arith.addi %add3A_250, %add3A_251 : i32
        %get3A_253 = arith.index_cast %add3A_252 : i32 to index
        %get3A_254 = arith.constant 0 : index
        %get3A_255 = tpu.vector_load %arg7[%get3A_253, %get3A_254] {strides = array<i32>} : memref<256x64xf32, #tpu.memory_space<vmem>>, vector<16xf32>,
        %add3A_256 = arith.addf %get3A_255, %get3A_118 : vector<16xf32>
        %get3A_257 = arith.index_cast %add3A_252 : i32 to index
        %get3A_258 = arith.constant 16 : index
        %get3A_259 = tpu.vector_load %arg7[%get3A_257, %get3A_258] {strides = array<i32>} : memref<256x64xf32, #tpu.memory_space<vmem>>, vector<16xf32>,
        %add3A_260 = arith.addf %get3A_259, %get3A_121 : vector<16xf32>
        %get3A_261 = arith.index_cast %add3A_252 : i32 to index
        %get3A_262 = arith.constant 32 : index
        %get3A_263 = tpu.vector_load %arg7[%get3A_261, %get3A_262] {strides = array<i32>} : memref<256x64xf32, #tpu.memory_space<vmem>>, vector<16xf32>,
        %add3A_264 = arith.addf %get3A_263, %get3A_124 : vector<16xf32>
        %get3A_265 = arith.index_cast %add3A_252 : i32 to index
        %get3A_266 = arith.constant 48 : index
        %get3A_267 = tpu.vector_load %arg7[%get3A_265, %get3A_266] {strides = array<i32>} : memref<256x64xf32, #tpu.memory_space<vmem>>, vector<16xf32>,
        %add3A_268 = arith.addf %get3A_267, %get3A_127 : vector<16xf32>
        %mul3A_269 = arith.constant 65 : i32
        %mul3A_270 = arith.muli %add3A_252, %mul3A_269 : i32
        %add3A_271 = arith.constant 0 : i32
        %add3A_272 = arith.addi %mul3A_270, %add3A_271 : i32
        %swap3A = arith.index_cast %add3A_272 : i32 to index
        %swap3A_273 = tpu.vector_load %arg9[%swap3A] {strides = array<i32>} : memref<16640xf32, #tpu.memory_space<vmem>>, vector<16xf32>,
        tpu.vector_store %arg9[%swap3A], %add3A_256 {strides = array<i32>} : memref<16640xf32, #tpu.memory_space<vmem>>, vector<16xf32>,
        %mul3A_274 = arith.constant 65 : i32
        %mul3A_275 = arith.muli %add3A_252, %mul3A_274 : i32
        %add3A_276 = arith.constant 16 : i32
        %add3A_277 = arith.addi %mul3A_275, %add3A_276 : i32
        %swap3A_278 = arith.index_cast %add3A_277 : i32 to index
        %swap3A_279 = tpu.vector_load %arg9[%swap3A_278] {strides = array<i32>} : memref<16640xf32, #tpu.memory_space<vmem>>, vector<16xf32>,
        tpu.vector_store %arg9[%swap3A_278], %add3A_260 {strides = array<i32>} : memref<16640xf32, #tpu.memory_space<vmem>>, vector<16xf32>,
        %mul3A_280 = arith.constant 65 : i32
        %mul3A_281 = arith.muli %add3A_252, %mul3A_280 : i32
        %add3A_282 = arith.constant 32 : i32
        %add3A_283 = arith.addi %mul3A_281, %add3A_282 : i32
        %swap3A_284 = arith.index_cast %add3A_283 : i32 to index
        %swap3A_285 = tpu.vector_load %arg9[%swap3A_284] {strides = array<i32>} : memref<16640xf32, #tpu.memory_space<vmem>>, vector<16xf32>,
        tpu.vector_store %arg9[%swap3A_284], %add3A_264 {strides = array<i32>} : memref<16640xf32, #tpu.memory_space<vmem>>, vector<16xf32>,
        %mul3A_286 = arith.constant 65 : i32
        %mul3A_287 = arith.muli %add3A_252, %mul3A_286 : i32
        %add3A_288 = arith.constant 48 : i32
        %add3A_289 = arith.addi %mul3A_287, %add3A_288 : i32
        %swap3A_290 = arith.index_cast %add3A_289 : i32 to index
        %swap3A_291 = tpu.vector_load %arg9[%swap3A_290] {strides = array<i32>} : memref<16640xf32, #tpu.memory_space<vmem>>, vector<16xf32>,
        tpu.vector_store %arg9[%swap3A_290], %add3A_268 {strides = array<i32>} : memref<16640xf32, #tpu.memory_space<vmem>>, vector<16xf32>,
        %mul3A_292 = arith.constant 8 : i32
        %mul3A_293 = arith.muli %add3A_246, %mul3A_292 : i32
        %add3A_294 = arith.constant 128 : i32
        %add3A_295 = arith.addi %add3A_294, %mul3A_293 : i32
        %add3A_296 = arith.constant 1 : i32
        %add3A_297 = arith.addi %add3A_295, %add3A_296 : i32
        %get3A_298 = arith.index_cast %add3A_297 : i32 to index
        %get3A_299 = arith.constant 0 : index
        %get3A_300 = tpu.vector_load %arg7[%get3A_298, %get3A_299] {strides = array<i32>} : memref<256x64xf32, #tpu.memory_space<vmem>>, vector<16xf32>,
        %add3A_301 = arith.addf %get3A_300, %get3A_118 : vector<16xf32>
        %get3A_302 = arith.index_cast %add3A_297 : i32 to index
        %get3A_303 = arith.constant 16 : index
        %get3A_304 = tpu.vector_load %arg7[%get3A_302, %get3A_303] {strides = array<i32>} : memref<256x64xf32, #tpu.memory_space<vmem>>, vector<16xf32>,
        %add3A_305 = arith.addf %get3A_304, %get3A_121 : vector<16xf32>
        %get3A_306 = arith.index_cast %add3A_297 : i32 to index
        %get3A_307 = arith.constant 32 : index
        %get3A_308 = tpu.vector_load %arg7[%get3A_306, %get3A_307] {strides = array<i32>} : memref<256x64xf32, #tpu.memory_space<vmem>>, vector<16xf32>,
        %add3A_309 = arith.addf %get3A_308, %get3A_124 : vector<16xf32>
        %get3A_310 = arith.index_cast %add3A_297 : i32 to index
        %get3A_311 = arith.constant 48 : index
        %get3A_312 = tpu.vector_load %arg7[%get3A_310, %get3A_311] {strides = array<i32>} : memref<256x64xf32, #tpu.memory_space<vmem>>, vector<16xf32>,
        %add3A_313 = arith.addf %get3A_312, %get3A_127 : vector<16xf32>
        %mul3A_314 = arith.constant 65 : i32
        %mul3A_315 = arith.muli %add3A_297, %mul3A_314 : i32
        %add3A_316 = arith.constant 0 : i32
        %add3A_317 = arith.addi %mul3A_315, %add3A_316 : i32
        %swap3A_318 = arith.index_cast %add3A_317 : i32 to index
        %swap3A_319 = tpu.vector_load %arg9[%swap3A_318] {strides = array<i32>} : memref<16640xf32, #tpu.memory_space<vmem>>, vector<16xf32>,
        tpu.vector_store %arg9[%swap3A_318], %add3A_301 {strides = array<i32>} : memref<16640xf32, #tpu.memory_space<vmem>>, vector<16xf32>,
        %mul3A_320 = arith.constant 65 : i32
        %mul3A_321 = arith.muli %add3A_297, %mul3A_320 : i32
        %add3A_322 = arith.constant 16 : i32
        %add3A_323 = arith.addi %mul3A_321, %add3A_322 : i32
        %swap3A_324 = arith.index_cast %add3A_323 : i32 to index
        %swap3A_325 = tpu.vector_load %arg9[%swap3A_324] {strides = array<i32>} : memref<16640xf32, #tpu.memory_space<vmem>>, vector<16xf32>,
        tpu.vector_store %arg9[%swap3A_324], %add3A_305 {strides = array<i32>} : memref<16640xf32, #tpu.memory_space<vmem>>, vector<16xf32>,
        %mul3A_326 = arith.constant 65 : i32
        %mul3A_327 = arith.muli %add3A_297, %mul3A_326 : i32
        %add3A_328 = arith.constant 32 : i32
        %add3A_329 = arith.addi %mul3A_327, %add3A_328 : i32
        %swap3A_330 = arith.index_cast %add3A_329 : i32 to index
        %swap3A_331 = tpu.vector_load %arg9[%swap3A_330] {strides = array<i32>} : memref<16640xf32, #tpu.memory_space<vmem>>, vector<16xf32>,
        tpu.vector_store %arg9[%swap3A_330], %add3A_309 {strides = array<i32>} : memref<16640xf32, #tpu.memory_space<vmem>>, vector<16xf32>,
        %mul3A_332 = arith.constant 65 : i32
        %mul3A_333 = arith.muli %add3A_297, %mul3A_332 : i32
        %add3A_334 = arith.constant 48 : i32
        %add3A_335 = arith.addi %mul3A_333, %add3A_334 : i32
        %swap3A_336 = arith.index_cast %add3A_335 : i32 to index
        %swap3A_337 = tpu.vector_load %arg9[%swap3A_336] {strides = array<i32>} : memref<16640xf32, #tpu.memory_space<vmem>>, vector<16xf32>,
        tpu.vector_store %arg9[%swap3A_336], %add3A_313 {strides = array<i32>} : memref<16640xf32, #tpu.memory_space<vmem>>, vector<16xf32>,
        %mul3A_338 = arith.constant 8 : i32
        %mul3A_339 = arith.muli %add3A_246, %mul3A_338 : i32
        %add3A_340 = arith.constant 128 : i32
        %add3A_341 = arith.addi %add3A_340, %mul3A_339 : i32
        %add3A_342 = arith.constant 2 : i32
        %add3A_343 = arith.addi %add3A_341, %add3A_342 : i32
        %get3A_344 = arith.index_cast %add3A_343 : i32 to index
        %get3A_345 = arith.constant 0 : index
        %get3A_346 = tpu.vector_load %arg7[%get3A_344, %get3A_345] {strides = array<i32>} : memref<256x64xf32, #tpu.memory_space<vmem>>, vector<16xf32>,
        %add3A_347 = arith.addf %get3A_346, %get3A_118 : vector<16xf32>
        %get3A_348 = arith.index_cast %add3A_343 : i32 to index
        %get3A_349 = arith.constant 16 : index
        %get3A_350 = tpu.vector_load %arg7[%get3A_348, %get3A_349] {strides = array<i32>} : memref<256x64xf32, #tpu.memory_space<vmem>>, vector<16xf32>,
        %add3A_351 = arith.addf %get3A_350, %get3A_121 : vector<16xf32>
        %get3A_352 = arith.index_cast %add3A_343 : i32 to index
        %get3A_353 = arith.constant 32 : index
        %get3A_354 = tpu.vector_load %arg7[%get3A_352, %get3A_353] {strides = array<i32>} : memref<256x64xf32, #tpu.memory_space<vmem>>, vector<16xf32>,
        %add3A_355 = arith.addf %get3A_354, %get3A_124 : vector<16xf32>
        %get3A_356 = arith.index_cast %add3A_343 : i32 to index
        %get3A_357 = arith.constant 48 : index
        %get3A_358 = tpu.vector_load %arg7[%get3A_356, %get3A_357] {strides = array<i32>} : memref<256x64xf32, #tpu.memory_space<vmem>>, vector<16xf32>,
        %add3A_359 = arith.addf %get3A_358, %get3A_127 : vector<16xf32>
        %mul3A_360 = arith.constant 65 : i32
        %mul3A_361 = arith.muli %add3A_343, %mul3A_360 : i32
        %add3A_362 = arith.constant 0 : i32
        %add3A_363 = arith.addi %mul3A_361, %add3A_362 : i32
        %swap3A_364 = arith.index_cast %add3A_363 : i32 to index
        %swap3A_365 = tpu.vector_load %arg9[%swap3A_364] {strides = array<i32>} : memref<16640xf32, #tpu.memory_space<vmem>>, vector<16xf32>,
        tpu.vector_store %arg9[%swap3A_364], %add3A_347 {strides = array<i32>} : memref<16640xf32, #tpu.memory_space<vmem>>, vector<16xf32>,
        %mul3A_366 = arith.constant 65 : i32
        %mul3A_367 = arith.muli %add3A_343, %mul3A_366 : i32
        %add3A_368 = arith.constant 16 : i32
        %add3A_369 = arith.addi %mul3A_367, %add3A_368 : i32
        %swap3A_370 = arith.index_cast %add3A_369 : i32 to index
        %swap3A_371 = tpu.vector_load %arg9[%swap3A_370] {strides = array<i32>} : memref<16640xf32, #tpu.memory_space<vmem>>, vector<16xf32>,
        tpu.vector_store %arg9[%swap3A_370], %add3A_351 {strides = array<i32>} : memref<16640xf32, #tpu.memory_space<vmem>>, vector<16xf32>,
        %mul3A_372 = arith.constant 65 : i32
        %mul3A_373 = arith.muli %add3A_343, %mul3A_372 : i32
        %add3A_374 = arith.constant 32 : i32
        %add3A_375 = arith.addi %mul3A_373, %add3A_374 : i32
        %swap3A_376 = arith.index_cast %add3A_375 : i32 to index
        %swap3A_377 = tpu.vector_load %arg9[%swap3A_376] {strides = array<i32>} : memref<16640xf32, #tpu.memory_space<vmem>>, vector<16xf32>,
        tpu.vector_store %arg9[%swap3A_376], %add3A_355 {strides = array<i32>} : memref<16640xf32, #tpu.memory_space<vmem>>, vector<16xf32>,
        %mul3A_378 = arith.constant 65 : i32
        %mul3A_379 = arith.muli %add3A_343, %mul3A_378 : i32
        %add3A_380 = arith.constant 48 : i32
        %add3A_381 = arith.addi %mul3A_379, %add3A_380 : i32
        %swap3A_382 = arith.index_cast %add3A_381 : i32 to index
        %swap3A_383 = tpu.vector_load %arg9[%swap3A_382] {strides = array<i32>} : memref<16640xf32, #tpu.memory_space<vmem>>, vector<16xf32>,
        tpu.vector_store %arg9[%swap3A_382], %add3A_359 {strides = array<i32>} : memref<16640xf32, #tpu.memory_space<vmem>>, vector<16xf32>,
        %mul3A_384 = arith.constant 8 : i32
        %mul3A_385 = arith.muli %add3A_246, %mul3A_384 : i32
        %add3A_386 = arith.constant 128 : i32
        %add3A_387 = arith.addi %add3A_386, %mul3A_385 : i32
        %add3A_388 = arith.constant 3 : i32
        %add3A_389 = arith.addi %add3A_387, %add3A_388 : i32
        %get3A_390 = arith.index_cast %add3A_389 : i32 to index
        %get3A_391 = arith.constant 0 : index
        %get3A_392 = tpu.vector_load %arg7[%get3A_390, %get3A_391] {strides = array<i32>} : memref<256x64xf32, #tpu.memory_space<vmem>>, vector<16xf32>,
        %add3A_393 = arith.addf %get3A_392, %get3A_118 : vector<16xf32>
        %get3A_394 = arith.index_cast %add3A_389 : i32 to index
        %get3A_395 = arith.constant 16 : index
        %get3A_396 = tpu.vector_load %arg7[%get3A_394, %get3A_395] {strides = array<i32>} : memref<256x64xf32, #tpu.memory_space<vmem>>, vector<16xf32>,
        %add3A_397 = arith.addf %get3A_396, %get3A_121 : vector<16xf32>
        %get3A_398 = arith.index_cast %add3A_389 : i32 to index
        %get3A_399 = arith.constant 32 : index
        %get3A_400 = tpu.vector_load %arg7[%get3A_398, %get3A_399] {strides = array<i32>} : memref<256x64xf32, #tpu.memory_space<vmem>>, vector<16xf32>,
        %add3A_401 = arith.addf %get3A_400, %get3A_124 : vector<16xf32>
        %get3A_402 = arith.index_cast %add3A_389 : i32 to index
        %get3A_403 = arith.constant 48 : index
        %get3A_404 = tpu.vector_load %arg7[%get3A_402, %get3A_403] {strides = array<i32>} : memref<256x64xf32, #tpu.memory_space<vmem>>, vector<16xf32>,
        %add3A_405 = arith.addf %get3A_404, %get3A_127 : vector<16xf32>
        %mul3A_406 = arith.constant 65 : i32
        %mul3A_407 = arith.muli %add3A_389, %mul3A_406 : i32
        %add3A_408 = arith.constant 0 : i32
        %add3A_409 = arith.addi %mul3A_407, %add3A_408 : i32
        %swap3A_410 = arith.index_cast %add3A_409 : i32 to index
        %swap3A_411 = tpu.vector_load %arg9[%swap3A_410] {strides = array<i32>} : memref<16640xf32, #tpu.memory_space<vmem>>, vector<16xf32>,
        tpu.vector_store %arg9[%swap3A_410], %add3A_393 {strides = array<i32>} : memref<16640xf32, #tpu.memory_space<vmem>>, vector<16xf32>,
        %mul3A_412 = arith.constant 65 : i32
        %mul3A_413 = arith.muli %add3A_389, %mul3A_412 : i32
        %add3A_414 = arith.constant 16 : i32
        %add3A_415 = arith.addi %mul3A_413, %add3A_414 : i32
        %swap3A_416 = arith.index_cast %add3A_415 : i32 to index
        %swap3A_417 = tpu.vector_load %arg9[%swap3A_416] {strides = array<i32>} : memref<16640xf32, #tpu.memory_space<vmem>>, vector<16xf32>,
        tpu.vector_store %arg9[%swap3A_416], %add3A_397 {strides = array<i32>} : memref<16640xf32, #tpu.memory_space<vmem>>, vector<16xf32>,
        %mul3A_418 = arith.constant 65 : i32
        %mul3A_419 = arith.muli %add3A_389, %mul3A_418 : i32
        %add3A_420 = arith.constant 32 : i32
        %add3A_421 = arith.addi %mul3A_419, %add3A_420 : i32
        %swap3A_422 = arith.index_cast %add3A_421 : i32 to index
        %swap3A_423 = tpu.vector_load %arg9[%swap3A_422] {strides = array<i32>} : memref<16640xf32, #tpu.memory_space<vmem>>, vector<16xf32>,
        tpu.vector_store %arg9[%swap3A_422], %add3A_401 {strides = array<i32>} : memref<16640xf32, #tpu.memory_space<vmem>>, vector<16xf32>,
        %mul3A_424 = arith.constant 65 : i32
        %mul3A_425 = arith.muli %add3A_389, %mul3A_424 : i32
        %add3A_426 = arith.constant 48 : i32
        %add3A_427 = arith.addi %mul3A_425, %add3A_426 : i32
        %swap3A_428 = arith.index_cast %add3A_427 : i32 to index
        %swap3A_429 = tpu.vector_load %arg9[%swap3A_428] {strides = array<i32>} : memref<16640xf32, #tpu.memory_space<vmem>>, vector<16xf32>,
        tpu.vector_store %arg9[%swap3A_428], %add3A_405 {strides = array<i32>} : memref<16640xf32, #tpu.memory_space<vmem>>, vector<16xf32>,
        %mul3A_430 = arith.constant 8 : i32
        %mul3A_431 = arith.muli %add3A_246, %mul3A_430 : i32
        %add3A_432 = arith.constant 128 : i32
        %add3A_433 = arith.addi %add3A_432, %mul3A_431 : i32
        %add3A_434 = arith.constant 4 : i32
        %add3A_435 = arith.addi %add3A_433, %add3A_434 : i32
        %get3A_436 = arith.index_cast %add3A_435 : i32 to index
        %get3A_437 = arith.constant 0 : index
        %get3A_438 = tpu.vector_load %arg7[%get3A_436, %get3A_437] {strides = array<i32>} : memref<256x64xf32, #tpu.memory_space<vmem>>, vector<16xf32>,
        %add3A_439 = arith.addf %get3A_438, %get3A_118 : vector<16xf32>
        %get3A_440 = arith.index_cast %add3A_435 : i32 to index
        %get3A_441 = arith.constant 16 : index
        %get3A_442 = tpu.vector_load %arg7[%get3A_440, %get3A_441] {strides = array<i32>} : memref<256x64xf32, #tpu.memory_space<vmem>>, vector<16xf32>,
        %add3A_443 = arith.addf %get3A_442, %get3A_121 : vector<16xf32>
        %get3A_444 = arith.index_cast %add3A_435 : i32 to index
        %get3A_445 = arith.constant 32 : index
        %get3A_446 = tpu.vector_load %arg7[%get3A_444, %get3A_445] {strides = array<i32>} : memref<256x64xf32, #tpu.memory_space<vmem>>, vector<16xf32>,
        %add3A_447 = arith.addf %get3A_446, %get3A_124 : vector<16xf32>
        %get3A_448 = arith.index_cast %add3A_435 : i32 to index
        %get3A_449 = arith.constant 48 : index
        %get3A_450 = tpu.vector_load %arg7[%get3A_448, %get3A_449] {strides = array<i32>} : memref<256x64xf32, #tpu.memory_space<vmem>>, vector<16xf32>,
        %add3A_451 = arith.addf %get3A_450, %get3A_127 : vector<16xf32>
        %mul3A_452 = arith.constant 65 : i32
        %mul3A_453 = arith.muli %add3A_435, %mul3A_452 : i32
        %add3A_454 = arith.constant 0 : i32
        %add3A_455 = arith.addi %mul3A_453, %add3A_454 : i32
        %swap3A_456 = arith.index_cast %add3A_455 : i32 to index
        %swap3A_457 = tpu.vector_load %arg9[%swap3A_456] {strides = array<i32>} : memref<16640xf32, #tpu.memory_space<vmem>>, vector<16xf32>,
        tpu.vector_store %arg9[%swap3A_456], %add3A_439 {strides = array<i32>} : memref<16640xf32, #tpu.memory_space<vmem>>, vector<16xf32>,
        %mul3A_458 = arith.constant 65 : i32
        %mul3A_459 = arith.muli %add3A_435, %mul3A_458 : i32
        %add3A_460 = arith.constant 16 : i32
        %add3A_461 = arith.addi %mul3A_459, %add3A_460 : i32
        %swap3A_462 = arith.index_cast %add3A_461 : i32 to index
        %swap3A_463 = tpu.vector_load %arg9[%swap3A_462] {strides = array<i32>} : memref<16640xf32, #tpu.memory_space<vmem>>, vector<16xf32>,
        tpu.vector_store %arg9[%swap3A_462], %add3A_443 {strides = array<i32>} : memref<16640xf32, #tpu.memory_space<vmem>>, vector<16xf32>,
        %mul3A_464 = arith.constant 65 : i32
        %mul3A_465 = arith.muli %add3A_435, %mul3A_464 : i32
        %add3A_466 = arith.constant 32 : i32
        %add3A_467 = arith.addi %mul3A_465, %add3A_466 : i32
        %swap3A_468 = arith.index_cast %add3A_467 : i32 to index
        %swap3A_469 = tpu.vector_load %arg9[%swap3A_468] {strides = array<i32>} : memref<16640xf32, #tpu.memory_space<vmem>>, vector<16xf32>,
        tpu.vector_store %arg9[%swap3A_468], %add3A_447 {strides = array<i32>} : memref<16640xf32, #tpu.memory_space<vmem>>, vector<16xf32>,
        %mul3A_470 = arith.constant 65 : i32
        %mul3A_471 = arith.muli %add3A_435, %mul3A_470 : i32
        %add3A_472 = arith.constant 48 : i32
        %add3A_473 = arith.addi %mul3A_471, %add3A_472 : i32
        %swap3A_474 = arith.index_cast %add3A_473 : i32 to index
        %swap3A_475 = tpu.vector_load %arg9[%swap3A_474] {strides = array<i32>} : memref<16640xf32, #tpu.memory_space<vmem>>, vector<16xf32>,
        tpu.vector_store %arg9[%swap3A_474], %add3A_451 {strides = array<i32>} : memref<16640xf32, #tpu.memory_space<vmem>>, vector<16xf32>,
        %mul3A_476 = arith.constant 8 : i32
        %mul3A_477 = arith.muli %add3A_246, %mul3A_476 : i32
        %add3A_478 = arith.constant 128 : i32
        %add3A_479 = arith.addi %add3A_478, %mul3A_477 : i32
        %add3A_480 = arith.constant 5 : i32
        %add3A_481 = arith.addi %add3A_479, %add3A_480 : i32
        %get3A_482 = arith.index_cast %add3A_481 : i32 to index
        %get3A_483 = arith.constant 0 : index
        %get3A_484 = tpu.vector_load %arg7[%get3A_482, %get3A_483] {strides = array<i32>} : memref<256x64xf32, #tpu.memory_space<vmem>>, vector<16xf32>,
        %add3A_485 = arith.addf %get3A_484, %get3A_118 : vector<16xf32>
        %get3A_486 = arith.index_cast %add3A_481 : i32 to index
        %get3A_487 = arith.constant 16 : index
        %get3A_488 = tpu.vector_load %arg7[%get3A_486, %get3A_487] {strides = array<i32>} : memref<256x64xf32, #tpu.memory_space<vmem>>, vector<16xf32>,
        %add3A_489 = arith.addf %get3A_488, %get3A_121 : vector<16xf32>
        %get3A_490 = arith.index_cast %add3A_481 : i32 to index
        %get3A_491 = arith.constant 32 : index
        %get3A_492 = tpu.vector_load %arg7[%get3A_490, %get3A_491] {strides = array<i32>} : memref<256x64xf32, #tpu.memory_space<vmem>>, vector<16xf32>,
        %add3A_493 = arith.addf %get3A_492, %get3A_124 : vector<16xf32>
        %get3A_494 = arith.index_cast %add3A_481 : i32 to index
        %get3A_495 = arith.constant 48 : index
        %get3A_496 = tpu.vector_load %arg7[%get3A_494, %get3A_495] {strides = array<i32>} : memref<256x64xf32, #tpu.memory_space<vmem>>, vector<16xf32>,
        %add3A_497 = arith.addf %get3A_496, %get3A_127 : vector<16xf32>
        %mul3A_498 = arith.constant 65 : i32
        %mul3A_499 = arith.muli %add3A_481, %mul3A_498 : i32
        %add3A_500 = arith.constant 0 : i32
        %add3A_501 = arith.addi %mul3A_499, %add3A_500 : i32
        %swap3A_502 = arith.index_cast %add3A_501 : i32 to index
        %swap3A_503 = tpu.vector_load %arg9[%swap3A_502] {strides = array<i32>} : memref<16640xf32, #tpu.memory_space<vmem>>, vector<16xf32>,
        tpu.vector_store %arg9[%swap3A_502], %add3A_485 {strides = array<i32>} : memref<16640xf32, #tpu.memory_space<vmem>>, vector<16xf32>,
        %mul3A_504 = arith.constant 65 : i32
        %mul3A_505 = arith.muli %add3A_481, %mul3A_504 : i32
        %add3A_506 = arith.constant 16 : i32
        %add3A_507 = arith.addi %mul3A_505, %add3A_506 : i32
        %swap3A_508 = arith.index_cast %add3A_507 : i32 to index
        %swap3A_509 = tpu.vector_load %arg9[%swap3A_508] {strides = array<i32>} : memref<16640xf32, #tpu.memory_space<vmem>>, vector<16xf32>,
        tpu.vector_store %arg9[%swap3A_508], %add3A_489 {strides = array<i32>} : memref<16640xf32, #tpu.memory_space<vmem>>, vector<16xf32>,
        %mul3A_510 = arith.constant 65 : i32
        %mul3A_511 = arith.muli %add3A_481, %mul3A_510 : i32
        %add3A_512 = arith.constant 32 : i32
        %add3A_513 = arith.addi %mul3A_511, %add3A_512 : i32
        %swap3A_514 = arith.index_cast %add3A_513 : i32 to index
        %swap3A_515 = tpu.vector_load %arg9[%swap3A_514] {strides = array<i32>} : memref<16640xf32, #tpu.memory_space<vmem>>, vector<16xf32>,
        tpu.vector_store %arg9[%swap3A_514], %add3A_493 {strides = array<i32>} : memref<16640xf32, #tpu.memory_space<vmem>>, vector<16xf32>,
        %mul3A_516 = arith.constant 65 : i32
        %mul3A_517 = arith.muli %add3A_481, %mul3A_516 : i32
        %add3A_518 = arith.constant 48 : i32
        %add3A_519 = arith.addi %mul3A_517, %add3A_518 : i32
        %swap3A_520 = arith.index_cast %add3A_519 : i32 to index
        %swap3A_521 = tpu.vector_load %arg9[%swap3A_520] {strides = array<i32>} : memref<16640xf32, #tpu.memory_space<vmem>>, vector<16xf32>,
        tpu.vector_store %arg9[%swap3A_520], %add3A_497 {strides = array<i32>} : memref<16640xf32, #tpu.memory_space<vmem>>, vector<16xf32>,
        %mul3A_522 = arith.constant 8 : i32
        %mul3A_523 = arith.muli %add3A_246, %mul3A_522 : i32
        %add3A_524 = arith.constant 128 : i32
        %add3A_525 = arith.addi %add3A_524, %mul3A_523 : i32
        %add3A_526 = arith.constant 6 : i32
        %add3A_527 = arith.addi %add3A_525, %add3A_526 : i32
        %get3A_528 = arith.index_cast %add3A_527 : i32 to index
        %get3A_529 = arith.constant 0 : index
        %get3A_530 = tpu.vector_load %arg7[%get3A_528, %get3A_529] {strides = array<i32>} : memref<256x64xf32, #tpu.memory_space<vmem>>, vector<16xf32>,
        %add3A_531 = arith.addf %get3A_530, %get3A_118 : vector<16xf32>
        %get3A_532 = arith.index_cast %add3A_527 : i32 to index
        %get3A_533 = arith.constant 16 : index
        %get3A_534 = tpu.vector_load %arg7[%get3A_532, %get3A_533] {strides = array<i32>} : memref<256x64xf32, #tpu.memory_space<vmem>>, vector<16xf32>,
        %add3A_535 = arith.addf %get3A_534, %get3A_121 : vector<16xf32>
        %get3A_536 = arith.index_cast %add3A_527 : i32 to index
        %get3A_537 = arith.constant 32 : index
        %get3A_538 = tpu.vector_load %arg7[%get3A_536, %get3A_537] {strides = array<i32>} : memref<256x64xf32, #tpu.memory_space<vmem>>, vector<16xf32>,
        %add3A_539 = arith.addf %get3A_538, %get3A_124 : vector<16xf32>
        %get3A_540 = arith.index_cast %add3A_527 : i32 to index
        %get3A_541 = arith.constant 48 : index
        %get3A_542 = tpu.vector_load %arg7[%get3A_540, %get3A_541] {strides = array<i32>} : memref<256x64xf32, #tpu.memory_space<vmem>>, vector<16xf32>,
        %add3A_543 = arith.addf %get3A_542, %get3A_127 : vector<16xf32>
        %mul3A_544 = arith.constant 65 : i32
        %mul3A_545 = arith.muli %add3A_527, %mul3A_544 : i32
        %add3A_546 = arith.constant 0 : i32
        %add3A_547 = arith.addi %mul3A_545, %add3A_546 : i32
        %swap3A_548 = arith.index_cast %add3A_547 : i32 to index
        %swap3A_549 = tpu.vector_load %arg9[%swap3A_548] {strides = array<i32>} : memref<16640xf32, #tpu.memory_space<vmem>>, vector<16xf32>,
        tpu.vector_store %arg9[%swap3A_548], %add3A_531 {strides = array<i32>} : memref<16640xf32, #tpu.memory_space<vmem>>, vector<16xf32>,
        %mul3A_550 = arith.constant 65 : i32
        %mul3A_551 = arith.muli %add3A_527, %mul3A_550 : i32
        %add3A_552 = arith.constant 16 : i32
        %add3A_553 = arith.addi %mul3A_551, %add3A_552 : i32
        %swap3A_554 = arith.index_cast %add3A_553 : i32 to index
        %swap3A_555 = tpu.vector_load %arg9[%swap3A_554] {strides = array<i32>} : memref<16640xf32, #tpu.memory_space<vmem>>, vector<16xf32>,
        tpu.vector_store %arg9[%swap3A_554], %add3A_535 {strides = array<i32>} : memref<16640xf32, #tpu.memory_space<vmem>>, vector<16xf32>,
        %mul3A_556 = arith.constant 65 : i32
        %mul3A_557 = arith.muli %add3A_527, %mul3A_556 : i32
        %add3A_558 = arith.constant 32 : i32
        %add3A_559 = arith.addi %mul3A_557, %add3A_558 : i32
        %swap3A_560 = arith.index_cast %add3A_559 : i32 to index
        %swap3A_561 = tpu.vector_load %arg9[%swap3A_560] {strides = array<i32>} : memref<16640xf32, #tpu.memory_space<vmem>>, vector<16xf32>,
        tpu.vector_store %arg9[%swap3A_560], %add3A_539 {strides = array<i32>} : memref<16640xf32, #tpu.memory_space<vmem>>, vector<16xf32>,
        %mul3A_562 = arith.constant 65 : i32
        %mul3A_563 = arith.muli %add3A_527, %mul3A_562 : i32
        %add3A_564 = arith.constant 48 : i32
        %add3A_565 = arith.addi %mul3A_563, %add3A_564 : i32
        %swap3A_566 = arith.index_cast %add3A_565 : i32 to index
        %swap3A_567 = tpu.vector_load %arg9[%swap3A_566] {strides = array<i32>} : memref<16640xf32, #tpu.memory_space<vmem>>, vector<16xf32>,
        tpu.vector_store %arg9[%swap3A_566], %add3A_543 {strides = array<i32>} : memref<16640xf32, #tpu.memory_space<vmem>>, vector<16xf32>,
        %mul3A_568 = arith.constant 8 : i32
        %mul3A_569 = arith.muli %add3A_246, %mul3A_568 : i32
        %add3A_570 = arith.constant 128 : i32
        %add3A_571 = arith.addi %add3A_570, %mul3A_569 : i32
        %add3A_572 = arith.constant 7 : i32
        %add3A_573 = arith.addi %add3A_571, %add3A_572 : i32
        %get3A_574 = arith.index_cast %add3A_573 : i32 to index
        %get3A_575 = arith.constant 0 : index
        %get3A_576 = tpu.vector_load %arg7[%get3A_574, %get3A_575] {strides = array<i32>} : memref<256x64xf32, #tpu.memory_space<vmem>>, vector<16xf32>,
        %add3A_577 = arith.addf %get3A_576, %get3A_118 : vector<16xf32>
        %get3A_578 = arith.index_cast %add3A_573 : i32 to index
        %get3A_579 = arith.constant 16 : index
        %get3A_580 = tpu.vector_load %arg7[%get3A_578, %get3A_579] {strides = array<i32>} : memref<256x64xf32, #tpu.memory_space<vmem>>, vector<16xf32>,
        %add3A_581 = arith.addf %get3A_580, %get3A_121 : vector<16xf32>
        %get3A_582 = arith.index_cast %add3A_573 : i32 to index
        %get3A_583 = arith.constant 32 : index
        %get3A_584 = tpu.vector_load %arg7[%get3A_582, %get3A_583] {strides = array<i32>} : memref<256x64xf32, #tpu.memory_space<vmem>>, vector<16xf32>,
        %add3A_585 = arith.addf %get3A_584, %get3A_124 : vector<16xf32>
        %get3A_586 = arith.index_cast %add3A_573 : i32 to index
        %get3A_587 = arith.constant 48 : index
        %get3A_588 = tpu.vector_load %arg7[%get3A_586, %get3A_587] {strides = array<i32>} : memref<256x64xf32, #tpu.memory_space<vmem>>, vector<16xf32>,
        %add3A_589 = arith.addf %get3A_588, %get3A_127 : vector<16xf32>
        %mul3A_590 = arith.constant 65 : i32
        %mul3A_591 = arith.muli %add3A_573, %mul3A_590 : i32
        %add3A_592 = arith.constant 0 : i32
        %add3A_593 = arith.addi %mul3A_591, %add3A_592 : i32
        %swap3A_594 = arith.index_cast %add3A_593 : i32 to index
        %swap3A_595 = tpu.vector_load %arg9[%swap3A_594] {strides = array<i32>} : memref<16640xf32, #tpu.memory_space<vmem>>, vector<16xf32>,
        tpu.vector_store %arg9[%swap3A_594], %add3A_577 {strides = array<i32>} : memref<16640xf32, #tpu.memory_space<vmem>>, vector<16xf32>,
        %mul3A_596 = arith.constant 65 : i32
        %mul3A_597 = arith.muli %add3A_573, %mul3A_596 : i32
        %add3A_598 = arith.constant 16 : i32
        %add3A_599 = arith.addi %mul3A_597, %add3A_598 : i32
        %swap3A_600 = arith.index_cast %add3A_599 : i32 to index
        %swap3A_601 = tpu.vector_load %arg9[%swap3A_600] {strides = array<i32>} : memref<16640xf32, #tpu.memory_space<vmem>>, vector<16xf32>,
        tpu.vector_store %arg9[%swap3A_600], %add3A_581 {strides = array<i32>} : memref<16640xf32, #tpu.memory_space<vmem>>, vector<16xf32>,
        %mul3A_602 = arith.constant 65 : i32
        %mul3A_603 = arith.muli %add3A_573, %mul3A_602 : i32
        %add3A_604 = arith.constant 32 : i32
        %add3A_605 = arith.addi %mul3A_603, %add3A_604 : i32
        %swap3A_606 = arith.index_cast %add3A_605 : i32 to index
        %swap3A_607 = tpu.vector_load %arg9[%swap3A_606] {strides = array<i32>} : memref<16640xf32, #tpu.memory_space<vmem>>, vector<16xf32>,
        tpu.vector_store %arg9[%swap3A_606], %add3A_585 {strides = array<i32>} : memref<16640xf32, #tpu.memory_space<vmem>>, vector<16xf32>,
        %mul3A_608 = arith.constant 65 : i32
        %mul3A_609 = arith.muli %add3A_573, %mul3A_608 : i32
        %add3A_610 = arith.constant 48 : i32
        %add3A_611 = arith.addi %mul3A_609, %add3A_610 : i32
        %swap3A_612 = arith.index_cast %add3A_611 : i32 to index
        %swap3A_613 = tpu.vector_load %arg9[%swap3A_612] {strides = array<i32>} : memref<16640xf32, #tpu.memory_space<vmem>>, vector<16xf32>,
        tpu.vector_store %arg9[%swap3A_612], %add3A_589 {strides = array<i32>} : memref<16640xf32, #tpu.memory_space<vmem>>, vector<16xf32>,
      }
      %scan3A_132 = arith.constant 16 : i32
      %scan3A_133 = arith.constant 0 : i32
      %scan3A_134 = arith.constant 8 : i32
      %scan3A_135 = arith.addi %scan3A_133, %scan3A_134 : i32
      %scan3A_136 = arith.constant 1 : i32
      scf.for %scan3A_242 = %scan3A_133 to %scan3A_135 step %scan3A_136  : i32 {
        %mul3A_243 = arith.constant 1 : i32
        %mul3A_244 = arith.muli %scan3A_242, %mul3A_243 : i32
        %add3A_245 = arith.constant 0 : i32
        %add3A_246 = arith.addi %add3A_245, %mul3A_244 : i32
        %mul3A_247 = arith.constant 8 : i32
        %mul3A_248 = arith.muli %add3A_246, %mul3A_247 : i32
        %add3A_249 = arith.constant 0 : i32
        %add3A_250 = arith.addi %mul3A_248, %add3A_249 : i32
        %broadcast_in_dim3A = vector.broadcast %add3A_250 : i32 to vector<16xi32>
        %mul3A_251 = arith.constant 65 : i32
        %mul3A_252 = vector.broadcast %mul3A_251 : i32 to vector<16xi32>
        %mul3A_253 = arith.muli %add3A_5, %mul3A_252 : vector<16xi32>
        %add3A_254 = arith.constant 0 : i32
        %add3A_255 = vector.broadcast %add3A_254 : i32 to vector<16xi32>
        %add3A_256 = arith.addi %broadcast_in_dim3A, %add3A_255 : vector<16xi32>
        %add3A_257 = arith.addi %mul3A_253, %add3A_256 : vector<16xi32>
        %gather3A = tpu.vector_load_idx %arg9[%add3A_257] : memref<16640xf32, #tpu.memory_space<vmem>>[vector<16xi32>], vector<16xf32>,
        %mul3A_258 = arith.constant 65 : i32
        %mul3A_259 = vector.broadcast %mul3A_258 : i32 to vector<16xi32>
        %mul3A_260 = arith.muli %add3A_9, %mul3A_259 : vector<16xi32>
        %add3A_261 = arith.constant 0 : i32
        %add3A_262 = vector.broadcast %add3A_261 : i32 to vector<16xi32>
        %add3A_263 = arith.addi %broadcast_in_dim3A, %add3A_262 : vector<16xi32>
        %add3A_264 = arith.addi %mul3A_260, %add3A_263 : vector<16xi32>
        %gather3A_265 = tpu.vector_load_idx %arg9[%add3A_264] : memref<16640xf32, #tpu.memory_space<vmem>>[vector<16xi32>], vector<16xf32>,
        %mul3A_266 = arith.constant 65 : i32
        %mul3A_267 = vector.broadcast %mul3A_266 : i32 to vector<16xi32>
        %mul3A_268 = arith.muli %add3A_13, %mul3A_267 : vector<16xi32>
        %add3A_269 = arith.constant 0 : i32
        %add3A_270 = vector.broadcast %add3A_269 : i32 to vector<16xi32>
        %add3A_271 = arith.addi %broadcast_in_dim3A, %add3A_270 : vector<16xi32>
        %add3A_272 = arith.addi %mul3A_268, %add3A_271 : vector<16xi32>
        %gather3A_273 = tpu.vector_load_idx %arg9[%add3A_272] : memref<16640xf32, #tpu.memory_space<vmem>>[vector<16xi32>], vector<16xf32>,
        %mul3A_274 = arith.constant 65 : i32
        %mul3A_275 = vector.broadcast %mul3A_274 : i32 to vector<16xi32>
        %mul3A_276 = arith.muli %add3A_17, %mul3A_275 : vector<16xi32>
        %add3A_277 = arith.constant 0 : i32
        %add3A_278 = vector.broadcast %add3A_277 : i32 to vector<16xi32>
        %add3A_279 = arith.addi %broadcast_in_dim3A, %add3A_278 : vector<16xi32>
        %add3A_280 = arith.addi %mul3A_276, %add3A_279 : vector<16xi32>
        %gather3A_281 = tpu.vector_load_idx %arg9[%add3A_280] : memref<16640xf32, #tpu.memory_space<vmem>>[vector<16xi32>], vector<16xf32>,
        %mul3A_282 = arith.constant 65 : i32
        %mul3A_283 = vector.broadcast %mul3A_282 : i32 to vector<16xi32>
        %mul3A_284 = arith.muli %add3A_21, %mul3A_283 : vector<16xi32>
        %add3A_285 = arith.constant 0 : i32
        %add3A_286 = vector.broadcast %add3A_285 : i32 to vector<16xi32>
        %add3A_287 = arith.addi %broadcast_in_dim3A, %add3A_286 : vector<16xi32>
        %add3A_288 = arith.addi %mul3A_284, %add3A_287 : vector<16xi32>
        %gather3A_289 = tpu.vector_load_idx %arg9[%add3A_288] : memref<16640xf32, #tpu.memory_space<vmem>>[vector<16xi32>], vector<16xf32>,
        %mul3A_290 = arith.constant 65 : i32
        %mul3A_291 = vector.broadcast %mul3A_290 : i32 to vector<16xi32>
        %mul3A_292 = arith.muli %add3A_25, %mul3A_291 : vector<16xi32>
        %add3A_293 = arith.constant 0 : i32
        %add3A_294 = vector.broadcast %add3A_293 : i32 to vector<16xi32>
        %add3A_295 = arith.addi %broadcast_in_dim3A, %add3A_294 : vector<16xi32>
        %add3A_296 = arith.addi %mul3A_292, %add3A_295 : vector<16xi32>
        %gather3A_297 = tpu.vector_load_idx %arg9[%add3A_296] : memref<16640xf32, #tpu.memory_space<vmem>>[vector<16xi32>], vector<16xf32>,
        %mul3A_298 = arith.constant 65 : i32
        %mul3A_299 = vector.broadcast %mul3A_298 : i32 to vector<16xi32>
        %mul3A_300 = arith.muli %add3A_29, %mul3A_299 : vector<16xi32>
        %add3A_301 = arith.constant 0 : i32
        %add3A_302 = vector.broadcast %add3A_301 : i32 to vector<16xi32>
        %add3A_303 = arith.addi %broadcast_in_dim3A, %add3A_302 : vector<16xi32>
        %add3A_304 = arith.addi %mul3A_300, %add3A_303 : vector<16xi32>
        %gather3A_305 = tpu.vector_load_idx %arg9[%add3A_304] : memref<16640xf32, #tpu.memory_space<vmem>>[vector<16xi32>], vector<16xf32>,
        %mul3A_306 = arith.constant 65 : i32
        %mul3A_307 = vector.broadcast %mul3A_306 : i32 to vector<16xi32>
        %mul3A_308 = arith.muli %add3A_33, %mul3A_307 : vector<16xi32>
        %add3A_309 = arith.constant 0 : i32
        %add3A_310 = vector.broadcast %add3A_309 : i32 to vector<16xi32>
        %add3A_311 = arith.addi %broadcast_in_dim3A, %add3A_310 : vector<16xi32>
        %add3A_312 = arith.addi %mul3A_308, %add3A_311 : vector<16xi32>
        %gather3A_313 = tpu.vector_load_idx %arg9[%add3A_312] : memref<16640xf32, #tpu.memory_space<vmem>>[vector<16xi32>], vector<16xf32>,
        %add3A_314 = arith.constant 0 : i32
        %add3A_315 = arith.addi %add3A_314, %add3A_246 : i32
        %swap3A = arith.index_cast %add3A_315 : i32 to index
        %swap3A_316 = arith.constant 0 : index
        %swap3A_317 = tpu.vector_load %arg10[%swap3A, %swap3A_316] {strides = array<i32>} : memref<16x1024xf32, #tpu.memory_space<vmem>>, vector<16xf32>,
        tpu.vector_store %arg10[%swap3A, %swap3A_316], %gather3A {strides = array<i32>} : memref<16x1024xf32, #tpu.memory_space<vmem>>, vector<16xf32>,
        %add3A_318 = arith.constant 0 : i32
        %add3A_319 = arith.addi %add3A_318, %add3A_246 : i32
        %swap3A_320 = arith.index_cast %add3A_319 : i32 to index
        %swap3A_321 = arith.constant 16 : index
        %swap3A_322 = tpu.vector_load %arg10[%swap3A_320, %swap3A_321] {strides = array<i32>} : memref<16x1024xf32, #tpu.memory_space<vmem>>, vector<16xf32>,
        tpu.vector_store %arg10[%swap3A_320, %swap3A_321], %gather3A_265 {strides = array<i32>} : memref<16x1024xf32, #tpu.memory_space<vmem>>, vector<16xf32>,
        %add3A_323 = arith.constant 0 : i32
        %add3A_324 = arith.addi %add3A_323, %add3A_246 : i32
        %swap3A_325 = arith.index_cast %add3A_324 : i32 to index
        %swap3A_326 = arith.constant 32 : index
        %swap3A_327 = tpu.vector_load %arg10[%swap3A_325, %swap3A_326] {strides = array<i32>} : memref<16x1024xf32, #tpu.memory_space<vmem>>, vector<16xf32>,
        tpu.vector_store %arg10[%swap3A_325, %swap3A_326], %gather3A_273 {strides = array<i32>} : memref<16x1024xf32, #tpu.memory_space<vmem>>, vector<16xf32>,
        %add3A_328 = arith.constant 0 : i32
        %add3A_329 = arith.addi %add3A_328, %add3A_246 : i32
        %swap3A_330 = arith.index_cast %add3A_329 : i32 to index
        %swap3A_331 = arith.constant 48 : index
        %swap3A_332 = tpu.vector_load %arg10[%swap3A_330, %swap3A_331] {strides = array<i32>} : memref<16x1024xf32, #tpu.memory_space<vmem>>, vector<16xf32>,
        tpu.vector_store %arg10[%swap3A_330, %swap3A_331], %gather3A_281 {strides = array<i32>} : memref<16x1024xf32, #tpu.memory_space<vmem>>, vector<16xf32>,
        %add3A_333 = arith.constant 0 : i32
        %add3A_334 = arith.addi %add3A_333, %add3A_246 : i32
        %swap3A_335 = arith.index_cast %add3A_334 : i32 to index
        %swap3A_336 = arith.constant 64 : index
        %swap3A_337 = tpu.vector_load %arg10[%swap3A_335, %swap3A_336] {strides = array<i32>} : memref<16x1024xf32, #tpu.memory_space<vmem>>, vector<16xf32>,
        tpu.vector_store %arg10[%swap3A_335, %swap3A_336], %gather3A_289 {strides = array<i32>} : memref<16x1024xf32, #tpu.memory_space<vmem>>, vector<16xf32>,
        %add3A_338 = arith.constant 0 : i32
        %add3A_339 = arith.addi %add3A_338, %add3A_246 : i32
        %swap3A_340 = arith.index_cast %add3A_339 : i32 to index
        %swap3A_341 = arith.constant 80 : index
        %swap3A_342 = tpu.vector_load %arg10[%swap3A_340, %swap3A_341] {strides = array<i32>} : memref<16x1024xf32, #tpu.memory_space<vmem>>, vector<16xf32>,
        tpu.vector_store %arg10[%swap3A_340, %swap3A_341], %gather3A_297 {strides = array<i32>} : memref<16x1024xf32, #tpu.memory_space<vmem>>, vector<16xf32>,
        %add3A_343 = arith.constant 0 : i32
        %add3A_344 = arith.addi %add3A_343, %add3A_246 : i32
        %swap3A_345 = arith.index_cast %add3A_344 : i32 to index
        %swap3A_346 = arith.constant 96 : index
        %swap3A_347 = tpu.vector_load %arg10[%swap3A_345, %swap3A_346] {strides = array<i32>} : memref<16x1024xf32, #tpu.memory_space<vmem>>, vector<16xf32>,
        tpu.vector_store %arg10[%swap3A_345, %swap3A_346], %gather3A_305 {strides = array<i32>} : memref<16x1024xf32, #tpu.memory_space<vmem>>, vector<16xf32>,
        %add3A_348 = arith.constant 0 : i32
        %add3A_349 = arith.addi %add3A_348, %add3A_246 : i32
        %swap3A_350 = arith.index_cast %add3A_349 : i32 to index
        %swap3A_351 = arith.constant 112 : index
        %swap3A_352 = tpu.vector_load %arg10[%swap3A_350, %swap3A_351] {strides = array<i32>} : memref<16x1024xf32, #tpu.memory_space<vmem>>, vector<16xf32>,
        tpu.vector_store %arg10[%swap3A_350, %swap3A_351], %gather3A_313 {strides = array<i32>} : memref<16x1024xf32, #tpu.memory_space<vmem>>, vector<16xf32>,
        %mul3A_353 = arith.constant 8 : i32
        %mul3A_354 = arith.muli %add3A_246, %mul3A_353 : i32
        %add3A_355 = arith.constant 1 : i32
        %add3A_356 = arith.addi %mul3A_354, %add3A_355 : i32
        %broadcast_in_dim3A_357 = vector.broadcast %add3A_356 : i32 to vector<16xi32>
        %mul3A_358 = arith.constant 65 : i32
        %mul3A_359 = vector.broadcast %mul3A_358 : i32 to vector<16xi32>
        %mul3A_360 = arith.muli %add3A_5, %mul3A_359 : vector<16xi32>
        %add3A_361 = arith.constant 0 : i32
        %add3A_362 = vector.broadcast %add3A_361 : i32 to vector<16xi32>
        %add3A_363 = arith.addi %broadcast_in_dim3A_357, %add3A_362 : vector<16xi32>
        %add3A_364 = arith.addi %mul3A_360, %add3A_363 : vector<16xi32>
        %gather3A_365 = tpu.vector_load_idx %arg9[%add3A_364] : memref<16640xf32, #tpu.memory_space<vmem>>[vector<16xi32>], vector<16xf32>,
        %mul3A_366 = arith.constant 65 : i32
        %mul3A_367 = vector.broadcast %mul3A_366 : i32 to vector<16xi32>
        %mul3A_368 = arith.muli %add3A_9, %mul3A_367 : vector<16xi32>
        %add3A_369 = arith.constant 0 : i32
        %add3A_370 = vector.broadcast %add3A_369 : i32 to vector<16xi32>
        %add3A_371 = arith.addi %broadcast_in_dim3A_357, %add3A_370 : vector<16xi32>
        %add3A_372 = arith.addi %mul3A_368, %add3A_371 : vector<16xi32>
        %gather3A_373 = tpu.vector_load_idx %arg9[%add3A_372] : memref<16640xf32, #tpu.memory_space<vmem>>[vector<16xi32>], vector<16xf32>,
        %mul3A_374 = arith.constant 65 : i32
        %mul3A_375 = vector.broadcast %mul3A_374 : i32 to vector<16xi32>
        %mul3A_376 = arith.muli %add3A_13, %mul3A_375 : vector<16xi32>
        %add3A_377 = arith.constant 0 : i32
        %add3A_378 = vector.broadcast %add3A_377 : i32 to vector<16xi32>
        %add3A_379 = arith.addi %broadcast_in_dim3A_357, %add3A_378 : vector<16xi32>
        %add3A_380 = arith.addi %mul3A_376, %add3A_379 : vector<16xi32>
        %gather3A_381 = tpu.vector_load_idx %arg9[%add3A_380] : memref<16640xf32, #tpu.memory_space<vmem>>[vector<16xi32>], vector<16xf32>,
        %mul3A_382 = arith.constant 65 : i32
        %mul3A_383 = vector.broadcast %mul3A_382 : i32 to vector<16xi32>
        %mul3A_384 = arith.muli %add3A_17, %mul3A_383 : vector<16xi32>
        %add3A_385 = arith.constant 0 : i32
        %add3A_386 = vector.broadcast %add3A_385 : i32 to vector<16xi32>
        %add3A_387 = arith.addi %broadcast_in_dim3A_357, %add3A_386 : vector<16xi32>
        %add3A_388 = arith.addi %mul3A_384, %add3A_387 : vector<16xi32>
        %gather3A_389 = tpu.vector_load_idx %arg9[%add3A_388] : memref<16640xf32, #tpu.memory_space<vmem>>[vector<16xi32>], vector<16xf32>,
        %mul3A_390 = arith.constant 65 : i32
        %mul3A_391 = vector.broadcast %mul3A_390 : i32 to vector<16xi32>
        %mul3A_392 = arith.muli %add3A_21, %mul3A_391 : vector<16xi32>
        %add3A_393 = arith.constant 0 : i32
        %add3A_394 = vector.broadcast %add3A_393 : i32 to vector<16xi32>
        %add3A_395 = arith.addi %broadcast_in_dim3A_357, %add3A_394 : vector<16xi32>
        %add3A_396 = arith.addi %mul3A_392, %add3A_395 : vector<16xi32>
        %gather3A_397 = tpu.vector_load_idx %arg9[%add3A_396] : memref<16640xf32, #tpu.memory_space<vmem>>[vector<16xi32>], vector<16xf32>,
        %mul3A_398 = arith.constant 65 : i32
        %mul3A_399 = vector.broadcast %mul3A_398 : i32 to vector<16xi32>
        %mul3A_400 = arith.muli %add3A_25, %mul3A_399 : vector<16xi32>
        %add3A_401 = arith.constant 0 : i32
        %add3A_402 = vector.broadcast %add3A_401 : i32 to vector<16xi32>
        %add3A_403 = arith.addi %broadcast_in_dim3A_357, %add3A_402 : vector<16xi32>
        %add3A_404 = arith.addi %mul3A_400, %add3A_403 : vector<16xi32>
        %gather3A_405 = tpu.vector_load_idx %arg9[%add3A_404] : memref<16640xf32, #tpu.memory_space<vmem>>[vector<16xi32>], vector<16xf32>,
        %mul3A_406 = arith.constant 65 : i32
        %mul3A_407 = vector.broadcast %mul3A_406 : i32 to vector<16xi32>
        %mul3A_408 = arith.muli %add3A_29, %mul3A_407 : vector<16xi32>
        %add3A_409 = arith.constant 0 : i32
        %add3A_410 = vector.broadcast %add3A_409 : i32 to vector<16xi32>
        %add3A_411 = arith.addi %broadcast_in_dim3A_357, %add3A_410 : vector<16xi32>
        %add3A_412 = arith.addi %mul3A_408, %add3A_411 : vector<16xi32>
        %gather3A_413 = tpu.vector_load_idx %arg9[%add3A_412] : memref<16640xf32, #tpu.memory_space<vmem>>[vector<16xi32>], vector<16xf32>,
        %mul3A_414 = arith.constant 65 : i32
        %mul3A_415 = vector.broadcast %mul3A_414 : i32 to vector<16xi32>
        %mul3A_416 = arith.muli %add3A_33, %mul3A_415 : vector<16xi32>
        %add3A_417 = arith.constant 0 : i32
        %add3A_418 = vector.broadcast %add3A_417 : i32 to vector<16xi32>
        %add3A_419 = arith.addi %broadcast_in_dim3A_357, %add3A_418 : vector<16xi32>
        %add3A_420 = arith.addi %mul3A_416, %add3A_419 : vector<16xi32>
        %gather3A_421 = tpu.vector_load_idx %arg9[%add3A_420] : memref<16640xf32, #tpu.memory_space<vmem>>[vector<16xi32>], vector<16xf32>,
        %add3A_422 = arith.constant 0 : i32
        %add3A_423 = arith.addi %add3A_422, %add3A_246 : i32
        %swap3A_424 = arith.index_cast %add3A_423 : i32 to index
        %swap3A_425 = arith.constant 128 : index
        %swap3A_426 = tpu.vector_load %arg10[%swap3A_424, %swap3A_425] {strides = array<i32>} : memref<16x1024xf32, #tpu.memory_space<vmem>>, vector<16xf32>,
        tpu.vector_store %arg10[%swap3A_424, %swap3A_425], %gather3A_365 {strides = array<i32>} : memref<16x1024xf32, #tpu.memory_space<vmem>>, vector<16xf32>,
        %add3A_427 = arith.constant 0 : i32
        %add3A_428 = arith.addi %add3A_427, %add3A_246 : i32
        %swap3A_429 = arith.index_cast %add3A_428 : i32 to index
        %swap3A_430 = arith.constant 144 : index
        %swap3A_431 = tpu.vector_load %arg10[%swap3A_429, %swap3A_430] {strides = array<i32>} : memref<16x1024xf32, #tpu.memory_space<vmem>>, vector<16xf32>,
        tpu.vector_store %arg10[%swap3A_429, %swap3A_430], %gather3A_373 {strides = array<i32>} : memref<16x1024xf32, #tpu.memory_space<vmem>>, vector<16xf32>,
        %add3A_432 = arith.constant 0 : i32
        %add3A_433 = arith.addi %add3A_432, %add3A_246 : i32
        %swap3A_434 = arith.index_cast %add3A_433 : i32 to index
        %swap3A_435 = arith.constant 160 : index
        %swap3A_436 = tpu.vector_load %arg10[%swap3A_434, %swap3A_435] {strides = array<i32>} : memref<16x1024xf32, #tpu.memory_space<vmem>>, vector<16xf32>,
        tpu.vector_store %arg10[%swap3A_434, %swap3A_435], %gather3A_381 {strides = array<i32>} : memref<16x1024xf32, #tpu.memory_space<vmem>>, vector<16xf32>,
        %add3A_437 = arith.constant 0 : i32
        %add3A_438 = arith.addi %add3A_437, %add3A_246 : i32
        %swap3A_439 = arith.index_cast %add3A_438 : i32 to index
        %swap3A_440 = arith.constant 176 : index
        %swap3A_441 = tpu.vector_load %arg10[%swap3A_439, %swap3A_440] {strides = array<i32>} : memref<16x1024xf32, #tpu.memory_space<vmem>>, vector<16xf32>,
        tpu.vector_store %arg10[%swap3A_439, %swap3A_440], %gather3A_389 {strides = array<i32>} : memref<16x1024xf32, #tpu.memory_space<vmem>>, vector<16xf32>,
        %add3A_442 = arith.constant 0 : i32
        %add3A_443 = arith.addi %add3A_442, %add3A_246 : i32
        %swap3A_444 = arith.index_cast %add3A_443 : i32 to index
        %swap3A_445 = arith.constant 192 : index
        %swap3A_446 = tpu.vector_load %arg10[%swap3A_444, %swap3A_445] {strides = array<i32>} : memref<16x1024xf32, #tpu.memory_space<vmem>>, vector<16xf32>,
        tpu.vector_store %arg10[%swap3A_444, %swap3A_445], %gather3A_397 {strides = array<i32>} : memref<16x1024xf32, #tpu.memory_space<vmem>>, vector<16xf32>,
        %add3A_447 = arith.constant 0 : i32
        %add3A_448 = arith.addi %add3A_447, %add3A_246 : i32
        %swap3A_449 = arith.index_cast %add3A_448 : i32 to index
        %swap3A_450 = arith.constant 208 : index
        %swap3A_451 = tpu.vector_load %arg10[%swap3A_449, %swap3A_450] {strides = array<i32>} : memref<16x1024xf32, #tpu.memory_space<vmem>>, vector<16xf32>,
        tpu.vector_store %arg10[%swap3A_449, %swap3A_450], %gather3A_405 {strides = array<i32>} : memref<16x1024xf32, #tpu.memory_space<vmem>>, vector<16xf32>,
        %add3A_452 = arith.constant 0 : i32
        %add3A_453 = arith.addi %add3A_452, %add3A_246 : i32
        %swap3A_454 = arith.index_cast %add3A_453 : i32 to index
        %swap3A_455 = arith.constant 224 : index
        %swap3A_456 = tpu.vector_load %arg10[%swap3A_454, %swap3A_455] {strides = array<i32>} : memref<16x1024xf32, #tpu.memory_space<vmem>>, vector<16xf32>,
        tpu.vector_store %arg10[%swap3A_454, %swap3A_455], %gather3A_413 {strides = array<i32>} : memref<16x1024xf32, #tpu.memory_space<vmem>>, vector<16xf32>,
        %add3A_457 = arith.constant 0 : i32
        %add3A_458 = arith.addi %add3A_457, %add3A_246 : i32
        %swap3A_459 = arith.index_cast %add3A_458 : i32 to index
        %swap3A_460 = arith.constant 240 : index
        %swap3A_461 = tpu.vector_load %arg10[%swap3A_459, %swap3A_460] {strides = array<i32>} : memref<16x1024xf32, #tpu.memory_space<vmem>>, vector<16xf32>,
        tpu.vector_store %arg10[%swap3A_459, %swap3A_460], %gather3A_421 {strides = array<i32>} : memref<16x1024xf32, #tpu.memory_space<vmem>>, vector<16xf32>,
        %mul3A_462 = arith.constant 8 : i32
        %mul3A_463 = arith.muli %add3A_246, %mul3A_462 : i32
        %add3A_464 = arith.constant 2 : i32
        %add3A_465 = arith.addi %mul3A_463, %add3A_464 : i32
        %broadcast_in_dim3A_466 = vector.broadcast %add3A_465 : i32 to vector<16xi32>
        %mul3A_467 = arith.constant 65 : i32
        %mul3A_468 = vector.broadcast %mul3A_467 : i32 to vector<16xi32>
        %mul3A_469 = arith.muli %add3A_5, %mul3A_468 : vector<16xi32>
        %add3A_470 = arith.constant 0 : i32
        %add3A_471 = vector.broadcast %add3A_470 : i32 to vector<16xi32>
        %add3A_472 = arith.addi %broadcast_in_dim3A_466, %add3A_471 : vector<16xi32>
        %add3A_473 = arith.addi %mul3A_469, %add3A_472 : vector<16xi32>
        %gather3A_474 = tpu.vector_load_idx %arg9[%add3A_473] : memref<16640xf32, #tpu.memory_space<vmem>>[vector<16xi32>], vector<16xf32>,
        %mul3A_475 = arith.constant 65 : i32
        %mul3A_476 = vector.broadcast %mul3A_475 : i32 to vector<16xi32>
        %mul3A_477 = arith.muli %add3A_9, %mul3A_476 : vector<16xi32>
        %add3A_478 = arith.constant 0 : i32
        %add3A_479 = vector.broadcast %add3A_478 : i32 to vector<16xi32>
        %add3A_480 = arith.addi %broadcast_in_dim3A_466, %add3A_479 : vector<16xi32>
        %add3A_481 = arith.addi %mul3A_477, %add3A_480 : vector<16xi32>
        %gather3A_482 = tpu.vector_load_idx %arg9[%add3A_481] : memref<16640xf32, #tpu.memory_space<vmem>>[vector<16xi32>], vector<16xf32>,
        %mul3A_483 = arith.constant 65 : i32
        %mul3A_484 = vector.broadcast %mul3A_483 : i32 to vector<16xi32>
        %mul3A_485 = arith.muli %add3A_13, %mul3A_484 : vector<16xi32>
        %add3A_486 = arith.constant 0 : i32
        %add3A_487 = vector.broadcast %add3A_486 : i32 to vector<16xi32>
        %add3A_488 = arith.addi %broadcast_in_dim3A_466, %add3A_487 : vector<16xi32>
        %add3A_489 = arith.addi %mul3A_485, %add3A_488 : vector<16xi32>
        %gather3A_490 = tpu.vector_load_idx %arg9[%add3A_489] : memref<16640xf32, #tpu.memory_space<vmem>>[vector<16xi32>], vector<16xf32>,
        %mul3A_491 = arith.constant 65 : i32
        %mul3A_492 = vector.broadcast %mul3A_491 : i32 to vector<16xi32>
        %mul3A_493 = arith.muli %add3A_17, %mul3A_492 : vector<16xi32>
        %add3A_494 = arith.constant 0 : i32
        %add3A_495 = vector.broadcast %add3A_494 : i32 to vector<16xi32>
        %add3A_496 = arith.addi %broadcast_in_dim3A_466, %add3A_495 : vector<16xi32>
        %add3A_497 = arith.addi %mul3A_493, %add3A_496 : vector<16xi32>
        %gather3A_498 = tpu.vector_load_idx %arg9[%add3A_497] : memref<16640xf32, #tpu.memory_space<vmem>>[vector<16xi32>], vector<16xf32>,
        %mul3A_499 = arith.constant 65 : i32
        %mul3A_500 = vector.broadcast %mul3A_499 : i32 to vector<16xi32>
        %mul3A_501 = arith.muli %add3A_21, %mul3A_500 : vector<16xi32>
        %add3A_502 = arith.constant 0 : i32
        %add3A_503 = vector.broadcast %add3A_502 : i32 to vector<16xi32>
        %add3A_504 = arith.addi %broadcast_in_dim3A_466, %add3A_503 : vector<16xi32>
        %add3A_505 = arith.addi %mul3A_501, %add3A_504 : vector<16xi32>
        %gather3A_506 = tpu.vector_load_idx %arg9[%add3A_505] : memref<16640xf32, #tpu.memory_space<vmem>>[vector<16xi32>], vector<16xf32>,
        %mul3A_507 = arith.constant 65 : i32
        %mul3A_508 = vector.broadcast %mul3A_507 : i32 to vector<16xi32>
        %mul3A_509 = arith.muli %add3A_25, %mul3A_508 : vector<16xi32>
        %add3A_510 = arith.constant 0 : i32
        %add3A_511 = vector.broadcast %add3A_510 : i32 to vector<16xi32>
        %add3A_512 = arith.addi %broadcast_in_dim3A_466, %add3A_511 : vector<16xi32>
        %add3A_513 = arith.addi %mul3A_509, %add3A_512 : vector<16xi32>
        %gather3A_514 = tpu.vector_load_idx %arg9[%add3A_513] : memref<16640xf32, #tpu.memory_space<vmem>>[vector<16xi32>], vector<16xf32>,
        %mul3A_515 = arith.constant 65 : i32
        %mul3A_516 = vector.broadcast %mul3A_515 : i32 to vector<16xi32>
        %mul3A_517 = arith.muli %add3A_29, %mul3A_516 : vector<16xi32>
        %add3A_518 = arith.constant 0 : i32
        %add3A_519 = vector.broadcast %add3A_518 : i32 to vector<16xi32>
        %add3A_520 = arith.addi %broadcast_in_dim3A_466, %add3A_519 : vector<16xi32>
        %add3A_521 = arith.addi %mul3A_517, %add3A_520 : vector<16xi32>
        %gather3A_522 = tpu.vector_load_idx %arg9[%add3A_521] : memref<16640xf32, #tpu.memory_space<vmem>>[vector<16xi32>], vector<16xf32>,
        %mul3A_523 = arith.constant 65 : i32
        %mul3A_524 = vector.broadcast %mul3A_523 : i32 to vector<16xi32>
        %mul3A_525 = arith.muli %add3A_33, %mul3A_524 : vector<16xi32>
        %add3A_526 = arith.constant 0 : i32
        %add3A_527 = vector.broadcast %add3A_526 : i32 to vector<16xi32>
        %add3A_528 = arith.addi %broadcast_in_dim3A_466, %add3A_527 : vector<16xi32>
        %add3A_529 = arith.addi %mul3A_525, %add3A_528 : vector<16xi32>
        %gather3A_530 = tpu.vector_load_idx %arg9[%add3A_529] : memref<16640xf32, #tpu.memory_space<vmem>>[vector<16xi32>], vector<16xf32>,
        %add3A_531 = arith.constant 0 : i32
        %add3A_532 = arith.addi %add3A_531, %add3A_246 : i32
        %swap3A_533 = arith.index_cast %add3A_532 : i32 to index
        %swap3A_534 = arith.constant 256 : index
        %swap3A_535 = tpu.vector_load %arg10[%swap3A_533, %swap3A_534] {strides = array<i32>} : memref<16x1024xf32, #tpu.memory_space<vmem>>, vector<16xf32>,
        tpu.vector_store %arg10[%swap3A_533, %swap3A_534], %gather3A_474 {strides = array<i32>} : memref<16x1024xf32, #tpu.memory_space<vmem>>, vector<16xf32>,
        %add3A_536 = arith.constant 0 : i32
        %add3A_537 = arith.addi %add3A_536, %add3A_246 : i32
        %swap3A_538 = arith.index_cast %add3A_537 : i32 to index
        %swap3A_539 = arith.constant 272 : index
        %swap3A_540 = tpu.vector_load %arg10[%swap3A_538, %swap3A_539] {strides = array<i32>} : memref<16x1024xf32, #tpu.memory_space<vmem>>, vector<16xf32>,
        tpu.vector_store %arg10[%swap3A_538, %swap3A_539], %gather3A_482 {strides = array<i32>} : memref<16x1024xf32, #tpu.memory_space<vmem>>, vector<16xf32>,
        %add3A_541 = arith.constant 0 : i32
        %add3A_542 = arith.addi %add3A_541, %add3A_246 : i32
        %swap3A_543 = arith.index_cast %add3A_542 : i32 to index
        %swap3A_544 = arith.constant 288 : index
        %swap3A_545 = tpu.vector_load %arg10[%swap3A_543, %swap3A_544] {strides = array<i32>} : memref<16x1024xf32, #tpu.memory_space<vmem>>, vector<16xf32>,
        tpu.vector_store %arg10[%swap3A_543, %swap3A_544], %gather3A_490 {strides = array<i32>} : memref<16x1024xf32, #tpu.memory_space<vmem>>, vector<16xf32>,
        %add3A_546 = arith.constant 0 : i32
        %add3A_547 = arith.addi %add3A_546, %add3A_246 : i32
        %swap3A_548 = arith.index_cast %add3A_547 : i32 to index
        %swap3A_549 = arith.constant 304 : index
        %swap3A_550 = tpu.vector_load %arg10[%swap3A_548, %swap3A_549] {strides = array<i32>} : memref<16x1024xf32, #tpu.memory_space<vmem>>, vector<16xf32>,
        tpu.vector_store %arg10[%swap3A_548, %swap3A_549], %gather3A_498 {strides = array<i32>} : memref<16x1024xf32, #tpu.memory_space<vmem>>, vector<16xf32>,
        %add3A_551 = arith.constant 0 : i32
        %add3A_552 = arith.addi %add3A_551, %add3A_246 : i32
        %swap3A_553 = arith.index_cast %add3A_552 : i32 to index
        %swap3A_554 = arith.constant 320 : index
        %swap3A_555 = tpu.vector_load %arg10[%swap3A_553, %swap3A_554] {strides = array<i32>} : memref<16x1024xf32, #tpu.memory_space<vmem>>, vector<16xf32>,
        tpu.vector_store %arg10[%swap3A_553, %swap3A_554], %gather3A_506 {strides = array<i32>} : memref<16x1024xf32, #tpu.memory_space<vmem>>, vector<16xf32>,
        %add3A_556 = arith.constant 0 : i32
        %add3A_557 = arith.addi %add3A_556, %add3A_246 : i32
        %swap3A_558 = arith.index_cast %add3A_557 : i32 to index
        %swap3A_559 = arith.constant 336 : index
        %swap3A_560 = tpu.vector_load %arg10[%swap3A_558, %swap3A_559] {strides = array<i32>} : memref<16x1024xf32, #tpu.memory_space<vmem>>, vector<16xf32>,
        tpu.vector_store %arg10[%swap3A_558, %swap3A_559], %gather3A_514 {strides = array<i32>} : memref<16x1024xf32, #tpu.memory_space<vmem>>, vector<16xf32>,
        %add3A_561 = arith.constant 0 : i32
        %add3A_562 = arith.addi %add3A_561, %add3A_246 : i32
        %swap3A_563 = arith.index_cast %add3A_562 : i32 to index
        %swap3A_564 = arith.constant 352 : index
        %swap3A_565 = tpu.vector_load %arg10[%swap3A_563, %swap3A_564] {strides = array<i32>} : memref<16x1024xf32, #tpu.memory_space<vmem>>, vector<16xf32>,
        tpu.vector_store %arg10[%swap3A_563, %swap3A_564], %gather3A_522 {strides = array<i32>} : memref<16x1024xf32, #tpu.memory_space<vmem>>, vector<16xf32>,
        %add3A_566 = arith.constant 0 : i32
        %add3A_567 = arith.addi %add3A_566, %add3A_246 : i32
        %swap3A_568 = arith.index_cast %add3A_567 : i32 to index
        %swap3A_569 = arith.constant 368 : index
        %swap3A_570 = tpu.vector_load %arg10[%swap3A_568, %swap3A_569] {strides = array<i32>} : memref<16x1024xf32, #tpu.memory_space<vmem>>, vector<16xf32>,
        tpu.vector_store %arg10[%swap3A_568, %swap3A_569], %gather3A_530 {strides = array<i32>} : memref<16x1024xf32, #tpu.memory_space<vmem>>, vector<16xf32>,
        %mul3A_571 = arith.constant 8 : i32
        %mul3A_572 = arith.muli %add3A_246, %mul3A_571 : i32
        %add3A_573 = arith.constant 3 : i32
        %add3A_574 = arith.addi %mul3A_572, %add3A_573 : i32
        %broadcast_in_dim3A_575 = vector.broadcast %add3A_574 : i32 to vector<16xi32>
        %mul3A_576 = arith.constant 65 : i32
        %mul3A_577 = vector.broadcast %mul3A_576 : i32 to vector<16xi32>
        %mul3A_578 = arith.muli %add3A_5, %mul3A_577 : vector<16xi32>
        %add3A_579 = arith.constant 0 : i32
        %add3A_580 = vector.broadcast %add3A_579 : i32 to vector<16xi32>
        %add3A_581 = arith.addi %broadcast_in_dim3A_575, %add3A_580 : vector<16xi32>
        %add3A_582 = arith.addi %mul3A_578, %add3A_581 : vector<16xi32>
        %gather3A_583 = tpu.vector_load_idx %arg9[%add3A_582] : memref<16640xf32, #tpu.memory_space<vmem>>[vector<16xi32>], vector<16xf32>,
        %mul3A_584 = arith.constant 65 : i32
        %mul3A_585 = vector.broadcast %mul3A_584 : i32 to vector<16xi32>
        %mul3A_586 = arith.muli %add3A_9, %mul3A_585 : vector<16xi32>
        %add3A_587 = arith.constant 0 : i32
        %add3A_588 = vector.broadcast %add3A_587 : i32 to vector<16xi32>
        %add3A_589 = arith.addi %broadcast_in_dim3A_575, %add3A_588 : vector<16xi32>
        %add3A_590 = arith.addi %mul3A_586, %add3A_589 : vector<16xi32>
        %gather3A_591 = tpu.vector_load_idx %arg9[%add3A_590] : memref<16640xf32, #tpu.memory_space<vmem>>[vector<16xi32>], vector<16xf32>,
        %mul3A_592 = arith.constant 65 : i32
        %mul3A_593 = vector.broadcast %mul3A_592 : i32 to vector<16xi32>
        %mul3A_594 = arith.muli %add3A_13, %mul3A_593 : vector<16xi32>
        %add3A_595 = arith.constant 0 : i32
        %add3A_596 = vector.broadcast %add3A_595 : i32 to vector<16xi32>
        %add3A_597 = arith.addi %broadcast_in_dim3A_575, %add3A_596 : vector<16xi32>
        %add3A_598 = arith.addi %mul3A_594, %add3A_597 : vector<16xi32>
        %gather3A_599 = tpu.vector_load_idx %arg9[%add3A_598] : memref<16640xf32, #tpu.memory_space<vmem>>[vector<16xi32>], vector<16xf32>,
        %mul3A_600 = arith.constant 65 : i32
        %mul3A_601 = vector.broadcast %mul3A_600 : i32 to vector<16xi32>
        %mul3A_602 = arith.muli %add3A_17, %mul3A_601 : vector<16xi32>
        %add3A_603 = arith.constant 0 : i32
        %add3A_604 = vector.broadcast %add3A_603 : i32 to vector<16xi32>
        %add3A_605 = arith.addi %broadcast_in_dim3A_575, %add3A_604 : vector<16xi32>
        %add3A_606 = arith.addi %mul3A_602, %add3A_605 : vector<16xi32>
        %gather3A_607 = tpu.vector_load_idx %arg9[%add3A_606] : memref<16640xf32, #tpu.memory_space<vmem>>[vector<16xi32>], vector<16xf32>,
        %mul3A_608 = arith.constant 65 : i32
        %mul3A_609 = vector.broadcast %mul3A_608 : i32 to vector<16xi32>
        %mul3A_610 = arith.muli %add3A_21, %mul3A_609 : vector<16xi32>
        %add3A_611 = arith.constant 0 : i32
        %add3A_612 = vector.broadcast %add3A_611 : i32 to vector<16xi32>
        %add3A_613 = arith.addi %broadcast_in_dim3A_575, %add3A_612 : vector<16xi32>
        %add3A_614 = arith.addi %mul3A_610, %add3A_613 : vector<16xi32>
        %gather3A_615 = tpu.vector_load_idx %arg9[%add3A_614] : memref<16640xf32, #tpu.memory_space<vmem>>[vector<16xi32>], vector<16xf32>,
        %mul3A_616 = arith.constant 65 : i32
        %mul3A_617 = vector.broadcast %mul3A_616 : i32 to vector<16xi32>
        %mul3A_618 = arith.muli %add3A_25, %mul3A_617 : vector<16xi32>
        %add3A_619 = arith.constant 0 : i32
        %add3A_620 = vector.broadcast %add3A_619 : i32 to vector<16xi32>
        %add3A_621 = arith.addi %broadcast_in_dim3A_575, %add3A_620 : vector<16xi32>
        %add3A_622 = arith.addi %mul3A_618, %add3A_621 : vector<16xi32>
        %gather3A_623 = tpu.vector_load_idx %arg9[%add3A_622] : memref<16640xf32, #tpu.memory_space<vmem>>[vector<16xi32>], vector<16xf32>,
        %mul3A_624 = arith.constant 65 : i32
        %mul3A_625 = vector.broadcast %mul3A_624 : i32 to vector<16xi32>
        %mul3A_626 = arith.muli %add3A_29, %mul3A_625 : vector<16xi32>
        %add3A_627 = arith.constant 0 : i32
        %add3A_628 = vector.broadcast %add3A_627 : i32 to vector<16xi32>
        %add3A_629 = arith.addi %broadcast_in_dim3A_575, %add3A_628 : vector<16xi32>
        %add3A_630 = arith.addi %mul3A_626, %add3A_629 : vector<16xi32>
        %gather3A_631 = tpu.vector_load_idx %arg9[%add3A_630] : memref<16640xf32, #tpu.memory_space<vmem>>[vector<16xi32>], vector<16xf32>,
        %mul3A_632 = arith.constant 65 : i32
        %mul3A_633 = vector.broadcast %mul3A_632 : i32 to vector<16xi32>
        %mul3A_634 = arith.muli %add3A_33, %mul3A_633 : vector<16xi32>
        %add3A_635 = arith.constant 0 : i32
        %add3A_636 = vector.broadcast %add3A_635 : i32 to vector<16xi32>
        %add3A_637 = arith.addi %broadcast_in_dim3A_575, %add3A_636 : vector<16xi32>
        %add3A_638 = arith.addi %mul3A_634, %add3A_637 : vector<16xi32>
        %gather3A_639 = tpu.vector_load_idx %arg9[%add3A_638] : memref<16640xf32, #tpu.memory_space<vmem>>[vector<16xi32>], vector<16xf32>,
        %add3A_640 = arith.constant 0 : i32
        %add3A_641 = arith.addi %add3A_640, %add3A_246 : i32
        %swap3A_642 = arith.index_cast %add3A_641 : i32 to index
        %swap3A_643 = arith.constant 384 : index
        %swap3A_644 = tpu.vector_load %arg10[%swap3A_642, %swap3A_643] {strides = array<i32>} : memref<16x1024xf32, #tpu.memory_space<vmem>>, vector<16xf32>,
        tpu.vector_store %arg10[%swap3A_642, %swap3A_643], %gather3A_583 {strides = array<i32>} : memref<16x1024xf32, #tpu.memory_space<vmem>>, vector<16xf32>,
        %add3A_645 = arith.constant 0 : i32
        %add3A_646 = arith.addi %add3A_645, %add3A_246 : i32
        %swap3A_647 = arith.index_cast %add3A_646 : i32 to index
        %swap3A_648 = arith.constant 400 : index
        %swap3A_649 = tpu.vector_load %arg10[%swap3A_647, %swap3A_648] {strides = array<i32>} : memref<16x1024xf32, #tpu.memory_space<vmem>>, vector<16xf32>,
        tpu.vector_store %arg10[%swap3A_647, %swap3A_648], %gather3A_591 {strides = array<i32>} : memref<16x1024xf32, #tpu.memory_space<vmem>>, vector<16xf32>,
        %add3A_650 = arith.constant 0 : i32
        %add3A_651 = arith.addi %add3A_650, %add3A_246 : i32
        %swap3A_652 = arith.index_cast %add3A_651 : i32 to index
        %swap3A_653 = arith.constant 416 : index
        %swap3A_654 = tpu.vector_load %arg10[%swap3A_652, %swap3A_653] {strides = array<i32>} : memref<16x1024xf32, #tpu.memory_space<vmem>>, vector<16xf32>,
        tpu.vector_store %arg10[%swap3A_652, %swap3A_653], %gather3A_599 {strides = array<i32>} : memref<16x1024xf32, #tpu.memory_space<vmem>>, vector<16xf32>,
        %add3A_655 = arith.constant 0 : i32
        %add3A_656 = arith.addi %add3A_655, %add3A_246 : i32
        %swap3A_657 = arith.index_cast %add3A_656 : i32 to index
        %swap3A_658 = arith.constant 432 : index
        %swap3A_659 = tpu.vector_load %arg10[%swap3A_657, %swap3A_658] {strides = array<i32>} : memref<16x1024xf32, #tpu.memory_space<vmem>>, vector<16xf32>,
        tpu.vector_store %arg10[%swap3A_657, %swap3A_658], %gather3A_607 {strides = array<i32>} : memref<16x1024xf32, #tpu.memory_space<vmem>>, vector<16xf32>,
        %add3A_660 = arith.constant 0 : i32
        %add3A_661 = arith.addi %add3A_660, %add3A_246 : i32
        %swap3A_662 = arith.index_cast %add3A_661 : i32 to index
        %swap3A_663 = arith.constant 448 : index
        %swap3A_664 = tpu.vector_load %arg10[%swap3A_662, %swap3A_663] {strides = array<i32>} : memref<16x1024xf32, #tpu.memory_space<vmem>>, vector<16xf32>,
        tpu.vector_store %arg10[%swap3A_662, %swap3A_663], %gather3A_615 {strides = array<i32>} : memref<16x1024xf32, #tpu.memory_space<vmem>>, vector<16xf32>,
        %add3A_665 = arith.constant 0 : i32
        %add3A_666 = arith.addi %add3A_665, %add3A_246 : i32
        %swap3A_667 = arith.index_cast %add3A_666 : i32 to index
        %swap3A_668 = arith.constant 464 : index
        %swap3A_669 = tpu.vector_load %arg10[%swap3A_667, %swap3A_668] {strides = array<i32>} : memref<16x1024xf32, #tpu.memory_space<vmem>>, vector<16xf32>,
        tpu.vector_store %arg10[%swap3A_667, %swap3A_668], %gather3A_623 {strides = array<i32>} : memref<16x1024xf32, #tpu.memory_space<vmem>>, vector<16xf32>,
        %add3A_670 = arith.constant 0 : i32
        %add3A_671 = arith.addi %add3A_670, %add3A_246 : i32
        %swap3A_672 = arith.index_cast %add3A_671 : i32 to index
        %swap3A_673 = arith.constant 480 : index
        %swap3A_674 = tpu.vector_load %arg10[%swap3A_672, %swap3A_673] {strides = array<i32>} : memref<16x1024xf32, #tpu.memory_space<vmem>>, vector<16xf32>,
        tpu.vector_store %arg10[%swap3A_672, %swap3A_673], %gather3A_631 {strides = array<i32>} : memref<16x1024xf32, #tpu.memory_space<vmem>>, vector<16xf32>,
        %add3A_675 = arith.constant 0 : i32
        %add3A_676 = arith.addi %add3A_675, %add3A_246 : i32
        %swap3A_677 = arith.index_cast %add3A_676 : i32 to index
        %swap3A_678 = arith.constant 496 : index
        %swap3A_679 = tpu.vector_load %arg10[%swap3A_677, %swap3A_678] {strides = array<i32>} : memref<16x1024xf32, #tpu.memory_space<vmem>>, vector<16xf32>,
        tpu.vector_store %arg10[%swap3A_677, %swap3A_678], %gather3A_639 {strides = array<i32>} : memref<16x1024xf32, #tpu.memory_space<vmem>>, vector<16xf32>,
        %mul3A_680 = arith.constant 8 : i32
        %mul3A_681 = arith.muli %add3A_246, %mul3A_680 : i32
        %add3A_682 = arith.constant 4 : i32
        %add3A_683 = arith.addi %mul3A_681, %add3A_682 : i32
        %broadcast_in_dim3A_684 = vector.broadcast %add3A_683 : i32 to vector<16xi32>
        %mul3A_685 = arith.constant 65 : i32
        %mul3A_686 = vector.broadcast %mul3A_685 : i32 to vector<16xi32>
        %mul3A_687 = arith.muli %add3A_5, %mul3A_686 : vector<16xi32>
        %add3A_688 = arith.constant 0 : i32
        %add3A_689 = vector.broadcast %add3A_688 : i32 to vector<16xi32>
        %add3A_690 = arith.addi %broadcast_in_dim3A_684, %add3A_689 : vector<16xi32>
        %add3A_691 = arith.addi %mul3A_687, %add3A_690 : vector<16xi32>
        %gather3A_692 = tpu.vector_load_idx %arg9[%add3A_691] : memref<16640xf32, #tpu.memory_space<vmem>>[vector<16xi32>], vector<16xf32>,
        %mul3A_693 = arith.constant 65 : i32
        %mul3A_694 = vector.broadcast %mul3A_693 : i32 to vector<16xi32>
        %mul3A_695 = arith.muli %add3A_9, %mul3A_694 : vector<16xi32>
        %add3A_696 = arith.constant 0 : i32
        %add3A_697 = vector.broadcast %add3A_696 : i32 to vector<16xi32>
        %add3A_698 = arith.addi %broadcast_in_dim3A_684, %add3A_697 : vector<16xi32>
        %add3A_699 = arith.addi %mul3A_695, %add3A_698 : vector<16xi32>
        %gather3A_700 = tpu.vector_load_idx %arg9[%add3A_699] : memref<16640xf32, #tpu.memory_space<vmem>>[vector<16xi32>], vector<16xf32>,
        %mul3A_701 = arith.constant 65 : i32
        %mul3A_702 = vector.broadcast %mul3A_701 : i32 to vector<16xi32>
        %mul3A_703 = arith.muli %add3A_13, %mul3A_702 : vector<16xi32>
        %add3A_704 = arith.constant 0 : i32
        %add3A_705 = vector.broadcast %add3A_704 : i32 to vector<16xi32>
        %add3A_706 = arith.addi %broadcast_in_dim3A_684, %add3A_705 : vector<16xi32>
        %add3A_707 = arith.addi %mul3A_703, %add3A_706 : vector<16xi32>
        %gather3A_708 = tpu.vector_load_idx %arg9[%add3A_707] : memref<16640xf32, #tpu.memory_space<vmem>>[vector<16xi32>], vector<16xf32>,
        %mul3A_709 = arith.constant 65 : i32
        %mul3A_710 = vector.broadcast %mul3A_709 : i32 to vector<16xi32>
        %mul3A_711 = arith.muli %add3A_17, %mul3A_710 : vector<16xi32>
        %add3A_712 = arith.constant 0 : i32
        %add3A_713 = vector.broadcast %add3A_712 : i32 to vector<16xi32>
        %add3A_714 = arith.addi %broadcast_in_dim3A_684, %add3A_713 : vector<16xi32>
        %add3A_715 = arith.addi %mul3A_711, %add3A_714 : vector<16xi32>
        %gather3A_716 = tpu.vector_load_idx %arg9[%add3A_715] : memref<16640xf32, #tpu.memory_space<vmem>>[vector<16xi32>], vector<16xf32>,
        %mul3A_717 = arith.constant 65 : i32
        %mul3A_718 = vector.broadcast %mul3A_717 : i32 to vector<16xi32>
        %mul3A_719 = arith.muli %add3A_21, %mul3A_718 : vector<16xi32>
        %add3A_720 = arith.constant 0 : i32
        %add3A_721 = vector.broadcast %add3A_720 : i32 to vector<16xi32>
        %add3A_722 = arith.addi %broadcast_in_dim3A_684, %add3A_721 : vector<16xi32>
        %add3A_723 = arith.addi %mul3A_719, %add3A_722 : vector<16xi32>
        %gather3A_724 = tpu.vector_load_idx %arg9[%add3A_723] : memref<16640xf32, #tpu.memory_space<vmem>>[vector<16xi32>], vector<16xf32>,
        %mul3A_725 = arith.constant 65 : i32
        %mul3A_726 = vector.broadcast %mul3A_725 : i32 to vector<16xi32>
        %mul3A_727 = arith.muli %add3A_25, %mul3A_726 : vector<16xi32>
        %add3A_728 = arith.constant 0 : i32
        %add3A_729 = vector.broadcast %add3A_728 : i32 to vector<16xi32>
        %add3A_730 = arith.addi %broadcast_in_dim3A_684, %add3A_729 : vector<16xi32>
        %add3A_731 = arith.addi %mul3A_727, %add3A_730 : vector<16xi32>
        %gather3A_732 = tpu.vector_load_idx %arg9[%add3A_731] : memref<16640xf32, #tpu.memory_space<vmem>>[vector<16xi32>], vector<16xf32>,
        %mul3A_733 = arith.constant 65 : i32
        %mul3A_734 = vector.broadcast %mul3A_733 : i32 to vector<16xi32>
        %mul3A_735 = arith.muli %add3A_29, %mul3A_734 : vector<16xi32>
        %add3A_736 = arith.constant 0 : i32
        %add3A_737 = vector.broadcast %add3A_736 : i32 to vector<16xi32>
        %add3A_738 = arith.addi %broadcast_in_dim3A_684, %add3A_737 : vector<16xi32>
        %add3A_739 = arith.addi %mul3A_735, %add3A_738 : vector<16xi32>
        %gather3A_740 = tpu.vector_load_idx %arg9[%add3A_739] : memref<16640xf32, #tpu.memory_space<vmem>>[vector<16xi32>], vector<16xf32>,
        %mul3A_741 = arith.constant 65 : i32
        %mul3A_742 = vector.broadcast %mul3A_741 : i32 to vector<16xi32>
        %mul3A_743 = arith.muli %add3A_33, %mul3A_742 : vector<16xi32>
        %add3A_744 = arith.constant 0 : i32
        %add3A_745 = vector.broadcast %add3A_744 : i32 to vector<16xi32>
        %add3A_746 = arith.addi %broadcast_in_dim3A_684, %add3A_745 : vector<16xi32>
        %add3A_747 = arith.addi %mul3A_743, %add3A_746 : vector<16xi32>
        %gather3A_748 = tpu.vector_load_idx %arg9[%add3A_747] : memref<16640xf32, #tpu.memory_space<vmem>>[vector<16xi32>], vector<16xf32>,
        %add3A_749 = arith.constant 0 : i32
        %add3A_750 = arith.addi %add3A_749, %add3A_246 : i32
        %swap3A_751 = arith.index_cast %add3A_750 : i32 to index
        %swap3A_752 = arith.constant 512 : index
        %swap3A_753 = tpu.vector_load %arg10[%swap3A_751, %swap3A_752] {strides = array<i32>} : memref<16x1024xf32, #tpu.memory_space<vmem>>, vector<16xf32>,
        tpu.vector_store %arg10[%swap3A_751, %swap3A_752], %gather3A_692 {strides = array<i32>} : memref<16x1024xf32, #tpu.memory_space<vmem>>, vector<16xf32>,
        %add3A_754 = arith.constant 0 : i32
        %add3A_755 = arith.addi %add3A_754, %add3A_246 : i32
        %swap3A_756 = arith.index_cast %add3A_755 : i32 to index
        %swap3A_757 = arith.constant 528 : index
        %swap3A_758 = tpu.vector_load %arg10[%swap3A_756, %swap3A_757] {strides = array<i32>} : memref<16x1024xf32, #tpu.memory_space<vmem>>, vector<16xf32>,
        tpu.vector_store %arg10[%swap3A_756, %swap3A_757], %gather3A_700 {strides = array<i32>} : memref<16x1024xf32, #tpu.memory_space<vmem>>, vector<16xf32>,
        %add3A_759 = arith.constant 0 : i32
        %add3A_760 = arith.addi %add3A_759, %add3A_246 : i32
        %swap3A_761 = arith.index_cast %add3A_760 : i32 to index
        %swap3A_762 = arith.constant 544 : index
        %swap3A_763 = tpu.vector_load %arg10[%swap3A_761, %swap3A_762] {strides = array<i32>} : memref<16x1024xf32, #tpu.memory_space<vmem>>, vector<16xf32>,
        tpu.vector_store %arg10[%swap3A_761, %swap3A_762], %gather3A_708 {strides = array<i32>} : memref<16x1024xf32, #tpu.memory_space<vmem>>, vector<16xf32>,
        %add3A_764 = arith.constant 0 : i32
        %add3A_765 = arith.addi %add3A_764, %add3A_246 : i32
        %swap3A_766 = arith.index_cast %add3A_765 : i32 to index
        %swap3A_767 = arith.constant 560 : index
        %swap3A_768 = tpu.vector_load %arg10[%swap3A_766, %swap3A_767] {strides = array<i32>} : memref<16x1024xf32, #tpu.memory_space<vmem>>, vector<16xf32>,
        tpu.vector_store %arg10[%swap3A_766, %swap3A_767], %gather3A_716 {strides = array<i32>} : memref<16x1024xf32, #tpu.memory_space<vmem>>, vector<16xf32>,
        %add3A_769 = arith.constant 0 : i32
        %add3A_770 = arith.addi %add3A_769, %add3A_246 : i32
        %swap3A_771 = arith.index_cast %add3A_770 : i32 to index
        %swap3A_772 = arith.constant 576 : index
        %swap3A_773 = tpu.vector_load %arg10[%swap3A_771, %swap3A_772] {strides = array<i32>} : memref<16x1024xf32, #tpu.memory_space<vmem>>, vector<16xf32>,
        tpu.vector_store %arg10[%swap3A_771, %swap3A_772], %gather3A_724 {strides = array<i32>} : memref<16x1024xf32, #tpu.memory_space<vmem>>, vector<16xf32>,
        %add3A_774 = arith.constant 0 : i32
        %add3A_775 = arith.addi %add3A_774, %add3A_246 : i32
        %swap3A_776 = arith.index_cast %add3A_775 : i32 to index
        %swap3A_777 = arith.constant 592 : index
        %swap3A_778 = tpu.vector_load %arg10[%swap3A_776, %swap3A_777] {strides = array<i32>} : memref<16x1024xf32, #tpu.memory_space<vmem>>, vector<16xf32>,
        tpu.vector_store %arg10[%swap3A_776, %swap3A_777], %gather3A_732 {strides = array<i32>} : memref<16x1024xf32, #tpu.memory_space<vmem>>, vector<16xf32>,
        %add3A_779 = arith.constant 0 : i32
        %add3A_780 = arith.addi %add3A_779, %add3A_246 : i32
        %swap3A_781 = arith.index_cast %add3A_780 : i32 to index
        %swap3A_782 = arith.constant 608 : index
        %swap3A_783 = tpu.vector_load %arg10[%swap3A_781, %swap3A_782] {strides = array<i32>} : memref<16x1024xf32, #tpu.memory_space<vmem>>, vector<16xf32>,
        tpu.vector_store %arg10[%swap3A_781, %swap3A_782], %gather3A_740 {strides = array<i32>} : memref<16x1024xf32, #tpu.memory_space<vmem>>, vector<16xf32>,
        %add3A_784 = arith.constant 0 : i32
        %add3A_785 = arith.addi %add3A_784, %add3A_246 : i32
        %swap3A_786 = arith.index_cast %add3A_785 : i32 to index
        %swap3A_787 = arith.constant 624 : index
        %swap3A_788 = tpu.vector_load %arg10[%swap3A_786, %swap3A_787] {strides = array<i32>} : memref<16x1024xf32, #tpu.memory_space<vmem>>, vector<16xf32>,
        tpu.vector_store %arg10[%swap3A_786, %swap3A_787], %gather3A_748 {strides = array<i32>} : memref<16x1024xf32, #tpu.memory_space<vmem>>, vector<16xf32>,
        %mul3A_789 = arith.constant 8 : i32
        %mul3A_790 = arith.muli %add3A_246, %mul3A_789 : i32
        %add3A_791 = arith.constant 5 : i32
        %add3A_792 = arith.addi %mul3A_790, %add3A_791 : i32
        %broadcast_in_dim3A_793 = vector.broadcast %add3A_792 : i32 to vector<16xi32>
        %mul3A_794 = arith.constant 65 : i32
        %mul3A_795 = vector.broadcast %mul3A_794 : i32 to vector<16xi32>
        %mul3A_796 = arith.muli %add3A_5, %mul3A_795 : vector<16xi32>
        %add3A_797 = arith.constant 0 : i32
        %add3A_798 = vector.broadcast %add3A_797 : i32 to vector<16xi32>
        %add3A_799 = arith.addi %broadcast_in_dim3A_793, %add3A_798 : vector<16xi32>
        %add3A_800 = arith.addi %mul3A_796, %add3A_799 : vector<16xi32>
        %gather3A_801 = tpu.vector_load_idx %arg9[%add3A_800] : memref<16640xf32, #tpu.memory_space<vmem>>[vector<16xi32>], vector<16xf32>,
        %mul3A_802 = arith.constant 65 : i32
        %mul3A_803 = vector.broadcast %mul3A_802 : i32 to vector<16xi32>
        %mul3A_804 = arith.muli %add3A_9, %mul3A_803 : vector<16xi32>
        %add3A_805 = arith.constant 0 : i32
        %add3A_806 = vector.broadcast %add3A_805 : i32 to vector<16xi32>
        %add3A_807 = arith.addi %broadcast_in_dim3A_793, %add3A_806 : vector<16xi32>
        %add3A_808 = arith.addi %mul3A_804, %add3A_807 : vector<16xi32>
        %gather3A_809 = tpu.vector_load_idx %arg9[%add3A_808] : memref<16640xf32, #tpu.memory_space<vmem>>[vector<16xi32>], vector<16xf32>,
        %mul3A_810 = arith.constant 65 : i32
        %mul3A_811 = vector.broadcast %mul3A_810 : i32 to vector<16xi32>
        %mul3A_812 = arith.muli %add3A_13, %mul3A_811 : vector<16xi32>
        %add3A_813 = arith.constant 0 : i32
        %add3A_814 = vector.broadcast %add3A_813 : i32 to vector<16xi32>
        %add3A_815 = arith.addi %broadcast_in_dim3A_793, %add3A_814 : vector<16xi32>
        %add3A_816 = arith.addi %mul3A_812, %add3A_815 : vector<16xi32>
        %gather3A_817 = tpu.vector_load_idx %arg9[%add3A_816] : memref<16640xf32, #tpu.memory_space<vmem>>[vector<16xi32>], vector<16xf32>,
        %mul3A_818 = arith.constant 65 : i32
        %mul3A_819 = vector.broadcast %mul3A_818 : i32 to vector<16xi32>
        %mul3A_820 = arith.muli %add3A_17, %mul3A_819 : vector<16xi32>
        %add3A_821 = arith.constant 0 : i32
        %add3A_822 = vector.broadcast %add3A_821 : i32 to vector<16xi32>
        %add3A_823 = arith.addi %broadcast_in_dim3A_793, %add3A_822 : vector<16xi32>
        %add3A_824 = arith.addi %mul3A_820, %add3A_823 : vector<16xi32>
        %gather3A_825 = tpu.vector_load_idx %arg9[%add3A_824] : memref<16640xf32, #tpu.memory_space<vmem>>[vector<16xi32>], vector<16xf32>,
        %mul3A_826 = arith.constant 65 : i32
        %mul3A_827 = vector.broadcast %mul3A_826 : i32 to vector<16xi32>
        %mul3A_828 = arith.muli %add3A_21, %mul3A_827 : vector<16xi32>
        %add3A_829 = arith.constant 0 : i32
        %add3A_830 = vector.broadcast %add3A_829 : i32 to vector<16xi32>
        %add3A_831 = arith.addi %broadcast_in_dim3A_793, %add3A_830 : vector<16xi32>
        %add3A_832 = arith.addi %mul3A_828, %add3A_831 : vector<16xi32>
        %gather3A_833 = tpu.vector_load_idx %arg9[%add3A_832] : memref<16640xf32, #tpu.memory_space<vmem>>[vector<16xi32>], vector<16xf32>,
        %mul3A_834 = arith.constant 65 : i32
        %mul3A_835 = vector.broadcast %mul3A_834 : i32 to vector<16xi32>
        %mul3A_836 = arith.muli %add3A_25, %mul3A_835 : vector<16xi32>
        %add3A_837 = arith.constant 0 : i32
        %add3A_838 = vector.broadcast %add3A_837 : i32 to vector<16xi32>
        %add3A_839 = arith.addi %broadcast_in_dim3A_793, %add3A_838 : vector<16xi32>
        %add3A_840 = arith.addi %mul3A_836, %add3A_839 : vector<16xi32>
        %gather3A_841 = tpu.vector_load_idx %arg9[%add3A_840] : memref<16640xf32, #tpu.memory_space<vmem>>[vector<16xi32>], vector<16xf32>,
        %mul3A_842 = arith.constant 65 : i32
        %mul3A_843 = vector.broadcast %mul3A_842 : i32 to vector<16xi32>
        %mul3A_844 = arith.muli %add3A_29, %mul3A_843 : vector<16xi32>
        %add3A_845 = arith.constant 0 : i32
        %add3A_846 = vector.broadcast %add3A_845 : i32 to vector<16xi32>
        %add3A_847 = arith.addi %broadcast_in_dim3A_793, %add3A_846 : vector<16xi32>
        %add3A_848 = arith.addi %mul3A_844, %add3A_847 : vector<16xi32>
        %gather3A_849 = tpu.vector_load_idx %arg9[%add3A_848] : memref<16640xf32, #tpu.memory_space<vmem>>[vector<16xi32>], vector<16xf32>,
        %mul3A_850 = arith.constant 65 : i32
        %mul3A_851 = vector.broadcast %mul3A_850 : i32 to vector<16xi32>
        %mul3A_852 = arith.muli %add3A_33, %mul3A_851 : vector<16xi32>
        %add3A_853 = arith.constant 0 : i32
        %add3A_854 = vector.broadcast %add3A_853 : i32 to vector<16xi32>
        %add3A_855 = arith.addi %broadcast_in_dim3A_793, %add3A_854 : vector<16xi32>
        %add3A_856 = arith.addi %mul3A_852, %add3A_855 : vector<16xi32>
        %gather3A_857 = tpu.vector_load_idx %arg9[%add3A_856] : memref<16640xf32, #tpu.memory_space<vmem>>[vector<16xi32>], vector<16xf32>,
        %add3A_858 = arith.constant 0 : i32
        %add3A_859 = arith.addi %add3A_858, %add3A_246 : i32
        %swap3A_860 = arith.index_cast %add3A_859 : i32 to index
        %swap3A_861 = arith.constant 640 : index
        %swap3A_862 = tpu.vector_load %arg10[%swap3A_860, %swap3A_861] {strides = array<i32>} : memref<16x1024xf32, #tpu.memory_space<vmem>>, vector<16xf32>,
        tpu.vector_store %arg10[%swap3A_860, %swap3A_861], %gather3A_801 {strides = array<i32>} : memref<16x1024xf32, #tpu.memory_space<vmem>>, vector<16xf32>,
        %add3A_863 = arith.constant 0 : i32
        %add3A_864 = arith.addi %add3A_863, %add3A_246 : i32
        %swap3A_865 = arith.index_cast %add3A_864 : i32 to index
        %swap3A_866 = arith.constant 656 : index
        %swap3A_867 = tpu.vector_load %arg10[%swap3A_865, %swap3A_866] {strides = array<i32>} : memref<16x1024xf32, #tpu.memory_space<vmem>>, vector<16xf32>,
        tpu.vector_store %arg10[%swap3A_865, %swap3A_866], %gather3A_809 {strides = array<i32>} : memref<16x1024xf32, #tpu.memory_space<vmem>>, vector<16xf32>,
        %add3A_868 = arith.constant 0 : i32
        %add3A_869 = arith.addi %add3A_868, %add3A_246 : i32
        %swap3A_870 = arith.index_cast %add3A_869 : i32 to index
        %swap3A_871 = arith.constant 672 : index
        %swap3A_872 = tpu.vector_load %arg10[%swap3A_870, %swap3A_871] {strides = array<i32>} : memref<16x1024xf32, #tpu.memory_space<vmem>>, vector<16xf32>,
        tpu.vector_store %arg10[%swap3A_870, %swap3A_871], %gather3A_817 {strides = array<i32>} : memref<16x1024xf32, #tpu.memory_space<vmem>>, vector<16xf32>,
        %add3A_873 = arith.constant 0 : i32
        %add3A_874 = arith.addi %add3A_873, %add3A_246 : i32
        %swap3A_875 = arith.index_cast %add3A_874 : i32 to index
        %swap3A_876 = arith.constant 688 : index
        %swap3A_877 = tpu.vector_load %arg10[%swap3A_875, %swap3A_876] {strides = array<i32>} : memref<16x1024xf32, #tpu.memory_space<vmem>>, vector<16xf32>,
        tpu.vector_store %arg10[%swap3A_875, %swap3A_876], %gather3A_825 {strides = array<i32>} : memref<16x1024xf32, #tpu.memory_space<vmem>>, vector<16xf32>,
        %add3A_878 = arith.constant 0 : i32
        %add3A_879 = arith.addi %add3A_878, %add3A_246 : i32
        %swap3A_880 = arith.index_cast %add3A_879 : i32 to index
        %swap3A_881 = arith.constant 704 : index
        %swap3A_882 = tpu.vector_load %arg10[%swap3A_880, %swap3A_881] {strides = array<i32>} : memref<16x1024xf32, #tpu.memory_space<vmem>>, vector<16xf32>,
        tpu.vector_store %arg10[%swap3A_880, %swap3A_881], %gather3A_833 {strides = array<i32>} : memref<16x1024xf32, #tpu.memory_space<vmem>>, vector<16xf32>,
        %add3A_883 = arith.constant 0 : i32
        %add3A_884 = arith.addi %add3A_883, %add3A_246 : i32
        %swap3A_885 = arith.index_cast %add3A_884 : i32 to index
        %swap3A_886 = arith.constant 720 : index
        %swap3A_887 = tpu.vector_load %arg10[%swap3A_885, %swap3A_886] {strides = array<i32>} : memref<16x1024xf32, #tpu.memory_space<vmem>>, vector<16xf32>,
        tpu.vector_store %arg10[%swap3A_885, %swap3A_886], %gather3A_841 {strides = array<i32>} : memref<16x1024xf32, #tpu.memory_space<vmem>>, vector<16xf32>,
        %add3A_888 = arith.constant 0 : i32
        %add3A_889 = arith.addi %add3A_888, %add3A_246 : i32
        %swap3A_890 = arith.index_cast %add3A_889 : i32 to index
        %swap3A_891 = arith.constant 736 : index
        %swap3A_892 = tpu.vector_load %arg10[%swap3A_890, %swap3A_891] {strides = array<i32>} : memref<16x1024xf32, #tpu.memory_space<vmem>>, vector<16xf32>,
        tpu.vector_store %arg10[%swap3A_890, %swap3A_891], %gather3A_849 {strides = array<i32>} : memref<16x1024xf32, #tpu.memory_space<vmem>>, vector<16xf32>,
        %add3A_893 = arith.constant 0 : i32
        %add3A_894 = arith.addi %add3A_893, %add3A_246 : i32
        %swap3A_895 = arith.index_cast %add3A_894 : i32 to index
        %swap3A_896 = arith.constant 752 : index
        %swap3A_897 = tpu.vector_load %arg10[%swap3A_895, %swap3A_896] {strides = array<i32>} : memref<16x1024xf32, #tpu.memory_space<vmem>>, vector<16xf32>,
        tpu.vector_store %arg10[%swap3A_895, %swap3A_896], %gather3A_857 {strides = array<i32>} : memref<16x1024xf32, #tpu.memory_space<vmem>>, vector<16xf32>,
        %mul3A_898 = arith.constant 8 : i32
        %mul3A_899 = arith.muli %add3A_246, %mul3A_898 : i32
        %add3A_900 = arith.constant 6 : i32
        %add3A_901 = arith.addi %mul3A_899, %add3A_900 : i32
        %broadcast_in_dim3A_902 = vector.broadcast %add3A_901 : i32 to vector<16xi32>
        %mul3A_903 = arith.constant 65 : i32
        %mul3A_904 = vector.broadcast %mul3A_903 : i32 to vector<16xi32>
        %mul3A_905 = arith.muli %add3A_5, %mul3A_904 : vector<16xi32>
        %add3A_906 = arith.constant 0 : i32
        %add3A_907 = vector.broadcast %add3A_906 : i32 to vector<16xi32>
        %add3A_908 = arith.addi %broadcast_in_dim3A_902, %add3A_907 : vector<16xi32>
        %add3A_909 = arith.addi %mul3A_905, %add3A_908 : vector<16xi32>
        %gather3A_910 = tpu.vector_load_idx %arg9[%add3A_909] : memref<16640xf32, #tpu.memory_space<vmem>>[vector<16xi32>], vector<16xf32>,
        %mul3A_911 = arith.constant 65 : i32
        %mul3A_912 = vector.broadcast %mul3A_911 : i32 to vector<16xi32>
        %mul3A_913 = arith.muli %add3A_9, %mul3A_912 : vector<16xi32>
        %add3A_914 = arith.constant 0 : i32
        %add3A_915 = vector.broadcast %add3A_914 : i32 to vector<16xi32>
        %add3A_916 = arith.addi %broadcast_in_dim3A_902, %add3A_915 : vector<16xi32>
        %add3A_917 = arith.addi %mul3A_913, %add3A_916 : vector<16xi32>
        %gather3A_918 = tpu.vector_load_idx %arg9[%add3A_917] : memref<16640xf32, #tpu.memory_space<vmem>>[vector<16xi32>], vector<16xf32>,
        %mul3A_919 = arith.constant 65 : i32
        %mul3A_920 = vector.broadcast %mul3A_919 : i32 to vector<16xi32>
        %mul3A_921 = arith.muli %add3A_13, %mul3A_920 : vector<16xi32>
        %add3A_922 = arith.constant 0 : i32
        %add3A_923 = vector.broadcast %add3A_922 : i32 to vector<16xi32>
        %add3A_924 = arith.addi %broadcast_in_dim3A_902, %add3A_923 : vector<16xi32>
        %add3A_925 = arith.addi %mul3A_921, %add3A_924 : vector<16xi32>
        %gather3A_926 = tpu.vector_load_idx %arg9[%add3A_925] : memref<16640xf32, #tpu.memory_space<vmem>>[vector<16xi32>], vector<16xf32>,
        %mul3A_927 = arith.constant 65 : i32
        %mul3A_928 = vector.broadcast %mul3A_927 : i32 to vector<16xi32>
        %mul3A_929 = arith.muli %add3A_17, %mul3A_928 : vector<16xi32>
        %add3A_930 = arith.constant 0 : i32
        %add3A_931 = vector.broadcast %add3A_930 : i32 to vector<16xi32>
        %add3A_932 = arith.addi %broadcast_in_dim3A_902, %add3A_931 : vector<16xi32>
        %add3A_933 = arith.addi %mul3A_929, %add3A_932 : vector<16xi32>
        %gather3A_934 = tpu.vector_load_idx %arg9[%add3A_933] : memref<16640xf32, #tpu.memory_space<vmem>>[vector<16xi32>], vector<16xf32>,
        %mul3A_935 = arith.constant 65 : i32
        %mul3A_936 = vector.broadcast %mul3A_935 : i32 to vector<16xi32>
        %mul3A_937 = arith.muli %add3A_21, %mul3A_936 : vector<16xi32>
        %add3A_938 = arith.constant 0 : i32
        %add3A_939 = vector.broadcast %add3A_938 : i32 to vector<16xi32>
        %add3A_940 = arith.addi %broadcast_in_dim3A_902, %add3A_939 : vector<16xi32>
        %add3A_941 = arith.addi %mul3A_937, %add3A_940 : vector<16xi32>
        %gather3A_942 = tpu.vector_load_idx %arg9[%add3A_941] : memref<16640xf32, #tpu.memory_space<vmem>>[vector<16xi32>], vector<16xf32>,
        %mul3A_943 = arith.constant 65 : i32
        %mul3A_944 = vector.broadcast %mul3A_943 : i32 to vector<16xi32>
        %mul3A_945 = arith.muli %add3A_25, %mul3A_944 : vector<16xi32>
        %add3A_946 = arith.constant 0 : i32
        %add3A_947 = vector.broadcast %add3A_946 : i32 to vector<16xi32>
        %add3A_948 = arith.addi %broadcast_in_dim3A_902, %add3A_947 : vector<16xi32>
        %add3A_949 = arith.addi %mul3A_945, %add3A_948 : vector<16xi32>
        %gather3A_950 = tpu.vector_load_idx %arg9[%add3A_949] : memref<16640xf32, #tpu.memory_space<vmem>>[vector<16xi32>], vector<16xf32>,
        %mul3A_951 = arith.constant 65 : i32
        %mul3A_952 = vector.broadcast %mul3A_951 : i32 to vector<16xi32>
        %mul3A_953 = arith.muli %add3A_29, %mul3A_952 : vector<16xi32>
        %add3A_954 = arith.constant 0 : i32
        %add3A_955 = vector.broadcast %add3A_954 : i32 to vector<16xi32>
        %add3A_956 = arith.addi %broadcast_in_dim3A_902, %add3A_955 : vector<16xi32>
        %add3A_957 = arith.addi %mul3A_953, %add3A_956 : vector<16xi32>
        %gather3A_958 = tpu.vector_load_idx %arg9[%add3A_957] : memref<16640xf32, #tpu.memory_space<vmem>>[vector<16xi32>], vector<16xf32>,
        %mul3A_959 = arith.constant 65 : i32
        %mul3A_960 = vector.broadcast %mul3A_959 : i32 to vector<16xi32>
        %mul3A_961 = arith.muli %add3A_33, %mul3A_960 : vector<16xi32>
        %add3A_962 = arith.constant 0 : i32
        %add3A_963 = vector.broadcast %add3A_962 : i32 to vector<16xi32>
        %add3A_964 = arith.addi %broadcast_in_dim3A_902, %add3A_963 : vector<16xi32>
        %add3A_965 = arith.addi %mul3A_961, %add3A_964 : vector<16xi32>
        %gather3A_966 = tpu.vector_load_idx %arg9[%add3A_965] : memref<16640xf32, #tpu.memory_space<vmem>>[vector<16xi32>], vector<16xf32>,
        %add3A_967 = arith.constant 0 : i32
        %add3A_968 = arith.addi %add3A_967, %add3A_246 : i32
        %swap3A_969 = arith.index_cast %add3A_968 : i32 to index
        %swap3A_970 = arith.constant 768 : index
        %swap3A_971 = tpu.vector_load %arg10[%swap3A_969, %swap3A_970] {strides = array<i32>} : memref<16x1024xf32, #tpu.memory_space<vmem>>, vector<16xf32>,
        tpu.vector_store %arg10[%swap3A_969, %swap3A_970], %gather3A_910 {strides = array<i32>} : memref<16x1024xf32, #tpu.memory_space<vmem>>, vector<16xf32>,
        %add3A_972 = arith.constant 0 : i32
        %add3A_973 = arith.addi %add3A_972, %add3A_246 : i32
        %swap3A_974 = arith.index_cast %add3A_973 : i32 to index
        %swap3A_975 = arith.constant 784 : index
        %swap3A_976 = tpu.vector_load %arg10[%swap3A_974, %swap3A_975] {strides = array<i32>} : memref<16x1024xf32, #tpu.memory_space<vmem>>, vector<16xf32>,
        tpu.vector_store %arg10[%swap3A_974, %swap3A_975], %gather3A_918 {strides = array<i32>} : memref<16x1024xf32, #tpu.memory_space<vmem>>, vector<16xf32>,
        %add3A_977 = arith.constant 0 : i32
        %add3A_978 = arith.addi %add3A_977, %add3A_246 : i32
        %swap3A_979 = arith.index_cast %add3A_978 : i32 to index
        %swap3A_980 = arith.constant 800 : index
        %swap3A_981 = tpu.vector_load %arg10[%swap3A_979, %swap3A_980] {strides = array<i32>} : memref<16x1024xf32, #tpu.memory_space<vmem>>, vector<16xf32>,
        tpu.vector_store %arg10[%swap3A_979, %swap3A_980], %gather3A_926 {strides = array<i32>} : memref<16x1024xf32, #tpu.memory_space<vmem>>, vector<16xf32>,
        %add3A_982 = arith.constant 0 : i32
        %add3A_983 = arith.addi %add3A_982, %add3A_246 : i32
        %swap3A_984 = arith.index_cast %add3A_983 : i32 to index
        %swap3A_985 = arith.constant 816 : index
        %swap3A_986 = tpu.vector_load %arg10[%swap3A_984, %swap3A_985] {strides = array<i32>} : memref<16x1024xf32, #tpu.memory_space<vmem>>, vector<16xf32>,
        tpu.vector_store %arg10[%swap3A_984, %swap3A_985], %gather3A_934 {strides = array<i32>} : memref<16x1024xf32, #tpu.memory_space<vmem>>, vector<16xf32>,
        %add3A_987 = arith.constant 0 : i32
        %add3A_988 = arith.addi %add3A_987, %add3A_246 : i32
        %swap3A_989 = arith.index_cast %add3A_988 : i32 to index
        %swap3A_990 = arith.constant 832 : index
        %swap3A_991 = tpu.vector_load %arg10[%swap3A_989, %swap3A_990] {strides = array<i32>} : memref<16x1024xf32, #tpu.memory_space<vmem>>, vector<16xf32>,
        tpu.vector_store %arg10[%swap3A_989, %swap3A_990], %gather3A_942 {strides = array<i32>} : memref<16x1024xf32, #tpu.memory_space<vmem>>, vector<16xf32>,
        %add3A_992 = arith.constant 0 : i32
        %add3A_993 = arith.addi %add3A_992, %add3A_246 : i32
        %swap3A_994 = arith.index_cast %add3A_993 : i32 to index
        %swap3A_995 = arith.constant 848 : index
        %swap3A_996 = tpu.vector_load %arg10[%swap3A_994, %swap3A_995] {strides = array<i32>} : memref<16x1024xf32, #tpu.memory_space<vmem>>, vector<16xf32>,
        tpu.vector_store %arg10[%swap3A_994, %swap3A_995], %gather3A_950 {strides = array<i32>} : memref<16x1024xf32, #tpu.memory_space<vmem>>, vector<16xf32>,
        %add3A_997 = arith.constant 0 : i32
        %add3A_998 = arith.addi %add3A_997, %add3A_246 : i32
        %swap3A_999 = arith.index_cast %add3A_998 : i32 to index
        %swap3A_1000 = arith.constant 864 : index
        %swap3A_1001 = tpu.vector_load %arg10[%swap3A_999, %swap3A_1000] {strides = array<i32>} : memref<16x1024xf32, #tpu.memory_space<vmem>>, vector<16xf32>,
        tpu.vector_store %arg10[%swap3A_999, %swap3A_1000], %gather3A_958 {strides = array<i32>} : memref<16x1024xf32, #tpu.memory_space<vmem>>, vector<16xf32>,
        %add3A_1002 = arith.constant 0 : i32
        %add3A_1003 = arith.addi %add3A_1002, %add3A_246 : i32
        %swap3A_1004 = arith.index_cast %add3A_1003 : i32 to index
        %swap3A_1005 = arith.constant 880 : index
        %swap3A_1006 = tpu.vector_load %arg10[%swap3A_1004, %swap3A_1005] {strides = array<i32>} : memref<16x1024xf32, #tpu.memory_space<vmem>>, vector<16xf32>,
        tpu.vector_store %arg10[%swap3A_1004, %swap3A_1005], %gather3A_966 {strides = array<i32>} : memref<16x1024xf32, #tpu.memory_space<vmem>>, vector<16xf32>,
        %mul3A_1007 = arith.constant 8 : i32
        %mul3A_1008 = arith.muli %add3A_246, %mul3A_1007 : i32
        %add3A_1009 = arith.constant 7 : i32
        %add3A_1010 = arith.addi %mul3A_1008, %add3A_1009 : i32
        %broadcast_in_dim3A_1011 = vector.broadcast %add3A_1010 : i32 to vector<16xi32>
        %mul3A_1012 = arith.constant 65 : i32
        %mul3A_1013 = vector.broadcast %mul3A_1012 : i32 to vector<16xi32>
        %mul3A_1014 = arith.muli %add3A_5, %mul3A_1013 : vector<16xi32>
        %add3A_1015 = arith.constant 0 : i32
        %add3A_1016 = vector.broadcast %add3A_1015 : i32 to vector<16xi32>
        %add3A_1017 = arith.addi %broadcast_in_dim3A_1011, %add3A_1016 : vector<16xi32>
        %add3A_1018 = arith.addi %mul3A_1014, %add3A_1017 : vector<16xi32>
        %gather3A_1019 = tpu.vector_load_idx %arg9[%add3A_1018] : memref<16640xf32, #tpu.memory_space<vmem>>[vector<16xi32>], vector<16xf32>,
        %mul3A_1020 = arith.constant 65 : i32
        %mul3A_1021 = vector.broadcast %mul3A_1020 : i32 to vector<16xi32>
        %mul3A_1022 = arith.muli %add3A_9, %mul3A_1021 : vector<16xi32>
        %add3A_1023 = arith.constant 0 : i32
        %add3A_1024 = vector.broadcast %add3A_1023 : i32 to vector<16xi32>
        %add3A_1025 = arith.addi %broadcast_in_dim3A_1011, %add3A_1024 : vector<16xi32>
        %add3A_1026 = arith.addi %mul3A_1022, %add3A_1025 : vector<16xi32>
        %gather3A_1027 = tpu.vector_load_idx %arg9[%add3A_1026] : memref<16640xf32, #tpu.memory_space<vmem>>[vector<16xi32>], vector<16xf32>,
        %mul3A_1028 = arith.constant 65 : i32
        %mul3A_1029 = vector.broadcast %mul3A_1028 : i32 to vector<16xi32>
        %mul3A_1030 = arith.muli %add3A_13, %mul3A_1029 : vector<16xi32>
        %add3A_1031 = arith.constant 0 : i32
        %add3A_1032 = vector.broadcast %add3A_1031 : i32 to vector<16xi32>
        %add3A_1033 = arith.addi %broadcast_in_dim3A_1011, %add3A_1032 : vector<16xi32>
        %add3A_1034 = arith.addi %mul3A_1030, %add3A_1033 : vector<16xi32>
        %gather3A_1035 = tpu.vector_load_idx %arg9[%add3A_1034] : memref<16640xf32, #tpu.memory_space<vmem>>[vector<16xi32>], vector<16xf32>,
        %mul3A_1036 = arith.constant 65 : i32
        %mul3A_1037 = vector.broadcast %mul3A_1036 : i32 to vector<16xi32>
        %mul3A_1038 = arith.muli %add3A_17, %mul3A_1037 : vector<16xi32>
        %add3A_1039 = arith.constant 0 : i32
        %add3A_1040 = vector.broadcast %add3A_1039 : i32 to vector<16xi32>
        %add3A_1041 = arith.addi %broadcast_in_dim3A_1011, %add3A_1040 : vector<16xi32>
        %add3A_1042 = arith.addi %mul3A_1038, %add3A_1041 : vector<16xi32>
        %gather3A_1043 = tpu.vector_load_idx %arg9[%add3A_1042] : memref<16640xf32, #tpu.memory_space<vmem>>[vector<16xi32>], vector<16xf32>,
        %mul3A_1044 = arith.constant 65 : i32
        %mul3A_1045 = vector.broadcast %mul3A_1044 : i32 to vector<16xi32>
        %mul3A_1046 = arith.muli %add3A_21, %mul3A_1045 : vector<16xi32>
        %add3A_1047 = arith.constant 0 : i32
        %add3A_1048 = vector.broadcast %add3A_1047 : i32 to vector<16xi32>
        %add3A_1049 = arith.addi %broadcast_in_dim3A_1011, %add3A_1048 : vector<16xi32>
        %add3A_1050 = arith.addi %mul3A_1046, %add3A_1049 : vector<16xi32>
        %gather3A_1051 = tpu.vector_load_idx %arg9[%add3A_1050] : memref<16640xf32, #tpu.memory_space<vmem>>[vector<16xi32>], vector<16xf32>,
        %mul3A_1052 = arith.constant 65 : i32
        %mul3A_1053 = vector.broadcast %mul3A_1052 : i32 to vector<16xi32>
        %mul3A_1054 = arith.muli %add3A_25, %mul3A_1053 : vector<16xi32>
        %add3A_1055 = arith.constant 0 : i32
        %add3A_1056 = vector.broadcast %add3A_1055 : i32 to vector<16xi32>
        %add3A_1057 = arith.addi %broadcast_in_dim3A_1011, %add3A_1056 : vector<16xi32>
        %add3A_1058 = arith.addi %mul3A_1054, %add3A_1057 : vector<16xi32>
        %gather3A_1059 = tpu.vector_load_idx %arg9[%add3A_1058] : memref<16640xf32, #tpu.memory_space<vmem>>[vector<16xi32>], vector<16xf32>,
        %mul3A_1060 = arith.constant 65 : i32
        %mul3A_1061 = vector.broadcast %mul3A_1060 : i32 to vector<16xi32>
        %mul3A_1062 = arith.muli %add3A_29, %mul3A_1061 : vector<16xi32>
        %add3A_1063 = arith.constant 0 : i32
        %add3A_1064 = vector.broadcast %add3A_1063 : i32 to vector<16xi32>
        %add3A_1065 = arith.addi %broadcast_in_dim3A_1011, %add3A_1064 : vector<16xi32>
        %add3A_1066 = arith.addi %mul3A_1062, %add3A_1065 : vector<16xi32>
        %gather3A_1067 = tpu.vector_load_idx %arg9[%add3A_1066] : memref<16640xf32, #tpu.memory_space<vmem>>[vector<16xi32>], vector<16xf32>,
        %mul3A_1068 = arith.constant 65 : i32
        %mul3A_1069 = vector.broadcast %mul3A_1068 : i32 to vector<16xi32>
        %mul3A_1070 = arith.muli %add3A_33, %mul3A_1069 : vector<16xi32>
        %add3A_1071 = arith.constant 0 : i32
        %add3A_1072 = vector.broadcast %add3A_1071 : i32 to vector<16xi32>
        %add3A_1073 = arith.addi %broadcast_in_dim3A_1011, %add3A_1072 : vector<16xi32>
        %add3A_1074 = arith.addi %mul3A_1070, %add3A_1073 : vector<16xi32>
        %gather3A_1075 = tpu.vector_load_idx %arg9[%add3A_1074] : memref<16640xf32, #tpu.memory_space<vmem>>[vector<16xi32>], vector<16xf32>,
        %add3A_1076 = arith.constant 0 : i32
        %add3A_1077 = arith.addi %add3A_1076, %add3A_246 : i32
        %swap3A_1078 = arith.index_cast %add3A_1077 : i32 to index
        %swap3A_1079 = arith.constant 896 : index
        %swap3A_1080 = tpu.vector_load %arg10[%swap3A_1078, %swap3A_1079] {strides = array<i32>} : memref<16x1024xf32, #tpu.memory_space<vmem>>, vector<16xf32>,
        tpu.vector_store %arg10[%swap3A_1078, %swap3A_1079], %gather3A_1019 {strides = array<i32>} : memref<16x1024xf32, #tpu.memory_space<vmem>>, vector<16xf32>,
        %add3A_1081 = arith.constant 0 : i32
        %add3A_1082 = arith.addi %add3A_1081, %add3A_246 : i32
        %swap3A_1083 = arith.index_cast %add3A_1082 : i32 to index
        %swap3A_1084 = arith.constant 912 : index
        %swap3A_1085 = tpu.vector_load %arg10[%swap3A_1083, %swap3A_1084] {strides = array<i32>} : memref<16x1024xf32, #tpu.memory_space<vmem>>, vector<16xf32>,
        tpu.vector_store %arg10[%swap3A_1083, %swap3A_1084], %gather3A_1027 {strides = array<i32>} : memref<16x1024xf32, #tpu.memory_space<vmem>>, vector<16xf32>,
        %add3A_1086 = arith.constant 0 : i32
        %add3A_1087 = arith.addi %add3A_1086, %add3A_246 : i32
        %swap3A_1088 = arith.index_cast %add3A_1087 : i32 to index
        %swap3A_1089 = arith.constant 928 : index
        %swap3A_1090 = tpu.vector_load %arg10[%swap3A_1088, %swap3A_1089] {strides = array<i32>} : memref<16x1024xf32, #tpu.memory_space<vmem>>, vector<16xf32>,
        tpu.vector_store %arg10[%swap3A_1088, %swap3A_1089], %gather3A_1035 {strides = array<i32>} : memref<16x1024xf32, #tpu.memory_space<vmem>>, vector<16xf32>,
        %add3A_1091 = arith.constant 0 : i32
        %add3A_1092 = arith.addi %add3A_1091, %add3A_246 : i32
        %swap3A_1093 = arith.index_cast %add3A_1092 : i32 to index
        %swap3A_1094 = arith.constant 944 : index
        %swap3A_1095 = tpu.vector_load %arg10[%swap3A_1093, %swap3A_1094] {strides = array<i32>} : memref<16x1024xf32, #tpu.memory_space<vmem>>, vector<16xf32>,
        tpu.vector_store %arg10[%swap3A_1093, %swap3A_1094], %gather3A_1043 {strides = array<i32>} : memref<16x1024xf32, #tpu.memory_space<vmem>>, vector<16xf32>,
        %add3A_1096 = arith.constant 0 : i32
        %add3A_1097 = arith.addi %add3A_1096, %add3A_246 : i32
        %swap3A_1098 = arith.index_cast %add3A_1097 : i32 to index
        %swap3A_1099 = arith.constant 960 : index
        %swap3A_1100 = tpu.vector_load %arg10[%swap3A_1098, %swap3A_1099] {strides = array<i32>} : memref<16x1024xf32, #tpu.memory_space<vmem>>, vector<16xf32>,
        tpu.vector_store %arg10[%swap3A_1098, %swap3A_1099], %gather3A_1051 {strides = array<i32>} : memref<16x1024xf32, #tpu.memory_space<vmem>>, vector<16xf32>,
        %add3A_1101 = arith.constant 0 : i32
        %add3A_1102 = arith.addi %add3A_1101, %add3A_246 : i32
        %swap3A_1103 = arith.index_cast %add3A_1102 : i32 to index
        %swap3A_1104 = arith.constant 976 : index
        %swap3A_1105 = tpu.vector_load %arg10[%swap3A_1103, %swap3A_1104] {strides = array<i32>} : memref<16x1024xf32, #tpu.memory_space<vmem>>, vector<16xf32>,
        tpu.vector_store %arg10[%swap3A_1103, %swap3A_1104], %gather3A_1059 {strides = array<i32>} : memref<16x1024xf32, #tpu.memory_space<vmem>>, vector<16xf32>,
        %add3A_1106 = arith.constant 0 : i32
        %add3A_1107 = arith.addi %add3A_1106, %add3A_246 : i32
        %swap3A_1108 = arith.index_cast %add3A_1107 : i32 to index
        %swap3A_1109 = arith.constant 992 : index
        %swap3A_1110 = tpu.vector_load %arg10[%swap3A_1108, %swap3A_1109] {strides = array<i32>} : memref<16x1024xf32, #tpu.memory_space<vmem>>, vector<16xf32>,
        tpu.vector_store %arg10[%swap3A_1108, %swap3A_1109], %gather3A_1067 {strides = array<i32>} : memref<16x1024xf32, #tpu.memory_space<vmem>>, vector<16xf32>,
        %add3A_1111 = arith.constant 0 : i32
        %add3A_1112 = arith.addi %add3A_1111, %add3A_246 : i32
        %swap3A_1113 = arith.index_cast %add3A_1112 : i32 to index
        %swap3A_1114 = arith.constant 1008 : index
        %swap3A_1115 = tpu.vector_load %arg10[%swap3A_1113, %swap3A_1114] {strides = array<i32>} : memref<16x1024xf32, #tpu.memory_space<vmem>>, vector<16xf32>,
        tpu.vector_store %arg10[%swap3A_1113, %swap3A_1114], %gather3A_1075 {strides = array<i32>} : memref<16x1024xf32, #tpu.memory_space<vmem>>, vector<16xf32>,
        %mul3A_1116 = arith.constant 8 : i32
        %mul3A_1117 = arith.muli %add3A_246, %mul3A_1116 : i32
        %add3A_1118 = arith.constant 0 : i32
        %add3A_1119 = arith.addi %mul3A_1117, %add3A_1118 : i32
        %broadcast_in_dim3A_1120 = vector.broadcast %add3A_1119 : i32 to vector<16xi32>
        %mul3A_1121 = arith.constant 65 : i32
        %mul3A_1122 = vector.broadcast %mul3A_1121 : i32 to vector<16xi32>
        %mul3A_1123 = arith.muli %add3A_5, %mul3A_1122 : vector<16xi32>
        %add3A_1124 = arith.constant 8320 : i32
        %add3A_1125 = vector.broadcast %add3A_1124 : i32 to vector<16xi32>
        %add3A_1126 = arith.addi %broadcast_in_dim3A_1120, %add3A_1125 : vector<16xi32>
        %add3A_1127 = arith.addi %mul3A_1123, %add3A_1126 : vector<16xi32>
        %gather3A_1128 = tpu.vector_load_idx %arg9[%add3A_1127] : memref<16640xf32, #tpu.memory_space<vmem>>[vector<16xi32>], vector<16xf32>,
        %mul3A_1129 = arith.constant 65 : i32
        %mul3A_1130 = vector.broadcast %mul3A_1129 : i32 to vector<16xi32>
        %mul3A_1131 = arith.muli %add3A_9, %mul3A_1130 : vector<16xi32>
        %add3A_1132 = arith.constant 8320 : i32
        %add3A_1133 = vector.broadcast %add3A_1132 : i32 to vector<16xi32>
        %add3A_1134 = arith.addi %broadcast_in_dim3A_1120, %add3A_1133 : vector<16xi32>
        %add3A_1135 = arith.addi %mul3A_1131, %add3A_1134 : vector<16xi32>
        %gather3A_1136 = tpu.vector_load_idx %arg9[%add3A_1135] : memref<16640xf32, #tpu.memory_space<vmem>>[vector<16xi32>], vector<16xf32>,
        %mul3A_1137 = arith.constant 65 : i32
        %mul3A_1138 = vector.broadcast %mul3A_1137 : i32 to vector<16xi32>
        %mul3A_1139 = arith.muli %add3A_13, %mul3A_1138 : vector<16xi32>
        %add3A_1140 = arith.constant 8320 : i32
        %add3A_1141 = vector.broadcast %add3A_1140 : i32 to vector<16xi32>
        %add3A_1142 = arith.addi %broadcast_in_dim3A_1120, %add3A_1141 : vector<16xi32>
        %add3A_1143 = arith.addi %mul3A_1139, %add3A_1142 : vector<16xi32>
        %gather3A_1144 = tpu.vector_load_idx %arg9[%add3A_1143] : memref<16640xf32, #tpu.memory_space<vmem>>[vector<16xi32>], vector<16xf32>,
        %mul3A_1145 = arith.constant 65 : i32
        %mul3A_1146 = vector.broadcast %mul3A_1145 : i32 to vector<16xi32>
        %mul3A_1147 = arith.muli %add3A_17, %mul3A_1146 : vector<16xi32>
        %add3A_1148 = arith.constant 8320 : i32
        %add3A_1149 = vector.broadcast %add3A_1148 : i32 to vector<16xi32>
        %add3A_1150 = arith.addi %broadcast_in_dim3A_1120, %add3A_1149 : vector<16xi32>
        %add3A_1151 = arith.addi %mul3A_1147, %add3A_1150 : vector<16xi32>
        %gather3A_1152 = tpu.vector_load_idx %arg9[%add3A_1151] : memref<16640xf32, #tpu.memory_space<vmem>>[vector<16xi32>], vector<16xf32>,
        %mul3A_1153 = arith.constant 65 : i32
        %mul3A_1154 = vector.broadcast %mul3A_1153 : i32 to vector<16xi32>
        %mul3A_1155 = arith.muli %add3A_21, %mul3A_1154 : vector<16xi32>
        %add3A_1156 = arith.constant 8320 : i32
        %add3A_1157 = vector.broadcast %add3A_1156 : i32 to vector<16xi32>
        %add3A_1158 = arith.addi %broadcast_in_dim3A_1120, %add3A_1157 : vector<16xi32>
        %add3A_1159 = arith.addi %mul3A_1155, %add3A_1158 : vector<16xi32>
        %gather3A_1160 = tpu.vector_load_idx %arg9[%add3A_1159] : memref<16640xf32, #tpu.memory_space<vmem>>[vector<16xi32>], vector<16xf32>,
        %mul3A_1161 = arith.constant 65 : i32
        %mul3A_1162 = vector.broadcast %mul3A_1161 : i32 to vector<16xi32>
        %mul3A_1163 = arith.muli %add3A_25, %mul3A_1162 : vector<16xi32>
        %add3A_1164 = arith.constant 8320 : i32
        %add3A_1165 = vector.broadcast %add3A_1164 : i32 to vector<16xi32>
        %add3A_1166 = arith.addi %broadcast_in_dim3A_1120, %add3A_1165 : vector<16xi32>
        %add3A_1167 = arith.addi %mul3A_1163, %add3A_1166 : vector<16xi32>
        %gather3A_1168 = tpu.vector_load_idx %arg9[%add3A_1167] : memref<16640xf32, #tpu.memory_space<vmem>>[vector<16xi32>], vector<16xf32>,
        %mul3A_1169 = arith.constant 65 : i32
        %mul3A_1170 = vector.broadcast %mul3A_1169 : i32 to vector<16xi32>
        %mul3A_1171 = arith.muli %add3A_29, %mul3A_1170 : vector<16xi32>
        %add3A_1172 = arith.constant 8320 : i32
        %add3A_1173 = vector.broadcast %add3A_1172 : i32 to vector<16xi32>
        %add3A_1174 = arith.addi %broadcast_in_dim3A_1120, %add3A_1173 : vector<16xi32>
        %add3A_1175 = arith.addi %mul3A_1171, %add3A_1174 : vector<16xi32>
        %gather3A_1176 = tpu.vector_load_idx %arg9[%add3A_1175] : memref<16640xf32, #tpu.memory_space<vmem>>[vector<16xi32>], vector<16xf32>,
        %mul3A_1177 = arith.constant 65 : i32
        %mul3A_1178 = vector.broadcast %mul3A_1177 : i32 to vector<16xi32>
        %mul3A_1179 = arith.muli %add3A_33, %mul3A_1178 : vector<16xi32>
        %add3A_1180 = arith.constant 8320 : i32
        %add3A_1181 = vector.broadcast %add3A_1180 : i32 to vector<16xi32>
        %add3A_1182 = arith.addi %broadcast_in_dim3A_1120, %add3A_1181 : vector<16xi32>
        %add3A_1183 = arith.addi %mul3A_1179, %add3A_1182 : vector<16xi32>
        %gather3A_1184 = tpu.vector_load_idx %arg9[%add3A_1183] : memref<16640xf32, #tpu.memory_space<vmem>>[vector<16xi32>], vector<16xf32>,
        %add3A_1185 = arith.constant 8 : i32
        %add3A_1186 = arith.addi %add3A_1185, %add3A_246 : i32
        %swap3A_1187 = arith.index_cast %add3A_1186 : i32 to index
        %swap3A_1188 = arith.constant 0 : index
        %swap3A_1189 = tpu.vector_load %arg10[%swap3A_1187, %swap3A_1188] {strides = array<i32>} : memref<16x1024xf32, #tpu.memory_space<vmem>>, vector<16xf32>,
        tpu.vector_store %arg10[%swap3A_1187, %swap3A_1188], %gather3A_1128 {strides = array<i32>} : memref<16x1024xf32, #tpu.memory_space<vmem>>, vector<16xf32>,
        %add3A_1190 = arith.constant 8 : i32
        %add3A_1191 = arith.addi %add3A_1190, %add3A_246 : i32
        %swap3A_1192 = arith.index_cast %add3A_1191 : i32 to index
        %swap3A_1193 = arith.constant 16 : index
        %swap3A_1194 = tpu.vector_load %arg10[%swap3A_1192, %swap3A_1193] {strides = array<i32>} : memref<16x1024xf32, #tpu.memory_space<vmem>>, vector<16xf32>,
        tpu.vector_store %arg10[%swap3A_1192, %swap3A_1193], %gather3A_1136 {strides = array<i32>} : memref<16x1024xf32, #tpu.memory_space<vmem>>, vector<16xf32>,
        %add3A_1195 = arith.constant 8 : i32
        %add3A_1196 = arith.addi %add3A_1195, %add3A_246 : i32
        %swap3A_1197 = arith.index_cast %add3A_1196 : i32 to index
        %swap3A_1198 = arith.constant 32 : index
        %swap3A_1199 = tpu.vector_load %arg10[%swap3A_1197, %swap3A_1198] {strides = array<i32>} : memref<16x1024xf32, #tpu.memory_space<vmem>>, vector<16xf32>,
        tpu.vector_store %arg10[%swap3A_1197, %swap3A_1198], %gather3A_1144 {strides = array<i32>} : memref<16x1024xf32, #tpu.memory_space<vmem>>, vector<16xf32>,
        %add3A_1200 = arith.constant 8 : i32
        %add3A_1201 = arith.addi %add3A_1200, %add3A_246 : i32
        %swap3A_1202 = arith.index_cast %add3A_1201 : i32 to index
        %swap3A_1203 = arith.constant 48 : index
        %swap3A_1204 = tpu.vector_load %arg10[%swap3A_1202, %swap3A_1203] {strides = array<i32>} : memref<16x1024xf32, #tpu.memory_space<vmem>>, vector<16xf32>,
        tpu.vector_store %arg10[%swap3A_1202, %swap3A_1203], %gather3A_1152 {strides = array<i32>} : memref<16x1024xf32, #tpu.memory_space<vmem>>, vector<16xf32>,
        %add3A_1205 = arith.constant 8 : i32
        %add3A_1206 = arith.addi %add3A_1205, %add3A_246 : i32
        %swap3A_1207 = arith.index_cast %add3A_1206 : i32 to index
        %swap3A_1208 = arith.constant 64 : index
        %swap3A_1209 = tpu.vector_load %arg10[%swap3A_1207, %swap3A_1208] {strides = array<i32>} : memref<16x1024xf32, #tpu.memory_space<vmem>>, vector<16xf32>,
        tpu.vector_store %arg10[%swap3A_1207, %swap3A_1208], %gather3A_1160 {strides = array<i32>} : memref<16x1024xf32, #tpu.memory_space<vmem>>, vector<16xf32>,
        %add3A_1210 = arith.constant 8 : i32
        %add3A_1211 = arith.addi %add3A_1210, %add3A_246 : i32
        %swap3A_1212 = arith.index_cast %add3A_1211 : i32 to index
        %swap3A_1213 = arith.constant 80 : index
        %swap3A_1214 = tpu.vector_load %arg10[%swap3A_1212, %swap3A_1213] {strides = array<i32>} : memref<16x1024xf32, #tpu.memory_space<vmem>>, vector<16xf32>,
        tpu.vector_store %arg10[%swap3A_1212, %swap3A_1213], %gather3A_1168 {strides = array<i32>} : memref<16x1024xf32, #tpu.memory_space<vmem>>, vector<16xf32>,
        %add3A_1215 = arith.constant 8 : i32
        %add3A_1216 = arith.addi %add3A_1215, %add3A_246 : i32
        %swap3A_1217 = arith.index_cast %add3A_1216 : i32 to index
        %swap3A_1218 = arith.constant 96 : index
        %swap3A_1219 = tpu.vector_load %arg10[%swap3A_1217, %swap3A_1218] {strides = array<i32>} : memref<16x1024xf32, #tpu.memory_space<vmem>>, vector<16xf32>,
        tpu.vector_store %arg10[%swap3A_1217, %swap3A_1218], %gather3A_1176 {strides = array<i32>} : memref<16x1024xf32, #tpu.memory_space<vmem>>, vector<16xf32>,
        %add3A_1220 = arith.constant 8 : i32
        %add3A_1221 = arith.addi %add3A_1220, %add3A_246 : i32
        %swap3A_1222 = arith.index_cast %add3A_1221 : i32 to index
        %swap3A_1223 = arith.constant 112 : index
        %swap3A_1224 = tpu.vector_load %arg10[%swap3A_1222, %swap3A_1223] {strides = array<i32>} : memref<16x1024xf32, #tpu.memory_space<vmem>>, vector<16xf32>,
        tpu.vector_store %arg10[%swap3A_1222, %swap3A_1223], %gather3A_1184 {strides = array<i32>} : memref<16x1024xf32, #tpu.memory_space<vmem>>, vector<16xf32>,
        %mul3A_1225 = arith.constant 8 : i32
        %mul3A_1226 = arith.muli %add3A_246, %mul3A_1225 : i32
        %add3A_1227 = arith.constant 1 : i32
        %add3A_1228 = arith.addi %mul3A_1226, %add3A_1227 : i32
        %broadcast_in_dim3A_1229 = vector.broadcast %add3A_1228 : i32 to vector<16xi32>
        %mul3A_1230 = arith.constant 65 : i32
        %mul3A_1231 = vector.broadcast %mul3A_1230 : i32 to vector<16xi32>
        %mul3A_1232 = arith.muli %add3A_5, %mul3A_1231 : vector<16xi32>
        %add3A_1233 = arith.constant 8320 : i32
        %add3A_1234 = vector.broadcast %add3A_1233 : i32 to vector<16xi32>
        %add3A_1235 = arith.addi %broadcast_in_dim3A_1229, %add3A_1234 : vector<16xi32>
        %add3A_1236 = arith.addi %mul3A_1232, %add3A_1235 : vector<16xi32>
        %gather3A_1237 = tpu.vector_load_idx %arg9[%add3A_1236] : memref<16640xf32, #tpu.memory_space<vmem>>[vector<16xi32>], vector<16xf32>,
        %mul3A_1238 = arith.constant 65 : i32
        %mul3A_1239 = vector.broadcast %mul3A_1238 : i32 to vector<16xi32>
        %mul3A_1240 = arith.muli %add3A_9, %mul3A_1239 : vector<16xi32>
        %add3A_1241 = arith.constant 8320 : i32
        %add3A_1242 = vector.broadcast %add3A_1241 : i32 to vector<16xi32>
        %add3A_1243 = arith.addi %broadcast_in_dim3A_1229, %add3A_1242 : vector<16xi32>
        %add3A_1244 = arith.addi %mul3A_1240, %add3A_1243 : vector<16xi32>
        %gather3A_1245 = tpu.vector_load_idx %arg9[%add3A_1244] : memref<16640xf32, #tpu.memory_space<vmem>>[vector<16xi32>], vector<16xf32>,
        %mul3A_1246 = arith.constant 65 : i32
        %mul3A_1247 = vector.broadcast %mul3A_1246 : i32 to vector<16xi32>
        %mul3A_1248 = arith.muli %add3A_13, %mul3A_1247 : vector<16xi32>
        %add3A_1249 = arith.constant 8320 : i32
        %add3A_1250 = vector.broadcast %add3A_1249 : i32 to vector<16xi32>
        %add3A_1251 = arith.addi %broadcast_in_dim3A_1229, %add3A_1250 : vector<16xi32>
        %add3A_1252 = arith.addi %mul3A_1248, %add3A_1251 : vector<16xi32>
        %gather3A_1253 = tpu.vector_load_idx %arg9[%add3A_1252] : memref<16640xf32, #tpu.memory_space<vmem>>[vector<16xi32>], vector<16xf32>,
        %mul3A_1254 = arith.constant 65 : i32
        %mul3A_1255 = vector.broadcast %mul3A_1254 : i32 to vector<16xi32>
        %mul3A_1256 = arith.muli %add3A_17, %mul3A_1255 : vector<16xi32>
        %add3A_1257 = arith.constant 8320 : i32
        %add3A_1258 = vector.broadcast %add3A_1257 : i32 to vector<16xi32>
        %add3A_1259 = arith.addi %broadcast_in_dim3A_1229, %add3A_1258 : vector<16xi32>
        %add3A_1260 = arith.addi %mul3A_1256, %add3A_1259 : vector<16xi32>
        %gather3A_1261 = tpu.vector_load_idx %arg9[%add3A_1260] : memref<16640xf32, #tpu.memory_space<vmem>>[vector<16xi32>], vector<16xf32>,
        %mul3A_1262 = arith.constant 65 : i32
        %mul3A_1263 = vector.broadcast %mul3A_1262 : i32 to vector<16xi32>
        %mul3A_1264 = arith.muli %add3A_21, %mul3A_1263 : vector<16xi32>
        %add3A_1265 = arith.constant 8320 : i32
        %add3A_1266 = vector.broadcast %add3A_1265 : i32 to vector<16xi32>
        %add3A_1267 = arith.addi %broadcast_in_dim3A_1229, %add3A_1266 : vector<16xi32>
        %add3A_1268 = arith.addi %mul3A_1264, %add3A_1267 : vector<16xi32>
        %gather3A_1269 = tpu.vector_load_idx %arg9[%add3A_1268] : memref<16640xf32, #tpu.memory_space<vmem>>[vector<16xi32>], vector<16xf32>,
        %mul3A_1270 = arith.constant 65 : i32
        %mul3A_1271 = vector.broadcast %mul3A_1270 : i32 to vector<16xi32>
        %mul3A_1272 = arith.muli %add3A_25, %mul3A_1271 : vector<16xi32>
        %add3A_1273 = arith.constant 8320 : i32
        %add3A_1274 = vector.broadcast %add3A_1273 : i32 to vector<16xi32>
        %add3A_1275 = arith.addi %broadcast_in_dim3A_1229, %add3A_1274 : vector<16xi32>
        %add3A_1276 = arith.addi %mul3A_1272, %add3A_1275 : vector<16xi32>
        %gather3A_1277 = tpu.vector_load_idx %arg9[%add3A_1276] : memref<16640xf32, #tpu.memory_space<vmem>>[vector<16xi32>], vector<16xf32>,
        %mul3A_1278 = arith.constant 65 : i32
        %mul3A_1279 = vector.broadcast %mul3A_1278 : i32 to vector<16xi32>
        %mul3A_1280 = arith.muli %add3A_29, %mul3A_1279 : vector<16xi32>
        %add3A_1281 = arith.constant 8320 : i32
        %add3A_1282 = vector.broadcast %add3A_1281 : i32 to vector<16xi32>
        %add3A_1283 = arith.addi %broadcast_in_dim3A_1229, %add3A_1282 : vector<16xi32>
        %add3A_1284 = arith.addi %mul3A_1280, %add3A_1283 : vector<16xi32>
        %gather3A_1285 = tpu.vector_load_idx %arg9[%add3A_1284] : memref<16640xf32, #tpu.memory_space<vmem>>[vector<16xi32>], vector<16xf32>,
        %mul3A_1286 = arith.constant 65 : i32
        %mul3A_1287 = vector.broadcast %mul3A_1286 : i32 to vector<16xi32>
        %mul3A_1288 = arith.muli %add3A_33, %mul3A_1287 : vector<16xi32>
        %add3A_1289 = arith.constant 8320 : i32
        %add3A_1290 = vector.broadcast %add3A_1289 : i32 to vector<16xi32>
        %add3A_1291 = arith.addi %broadcast_in_dim3A_1229, %add3A_1290 : vector<16xi32>
        %add3A_1292 = arith.addi %mul3A_1288, %add3A_1291 : vector<16xi32>
        %gather3A_1293 = tpu.vector_load_idx %arg9[%add3A_1292] : memref<16640xf32, #tpu.memory_space<vmem>>[vector<16xi32>], vector<16xf32>,
        %add3A_1294 = arith.constant 8 : i32
        %add3A_1295 = arith.addi %add3A_1294, %add3A_246 : i32
        %swap3A_1296 = arith.index_cast %add3A_1295 : i32 to index
        %swap3A_1297 = arith.constant 128 : index
        %swap3A_1298 = tpu.vector_load %arg10[%swap3A_1296, %swap3A_1297] {strides = array<i32>} : memref<16x1024xf32, #tpu.memory_space<vmem>>, vector<16xf32>,
        tpu.vector_store %arg10[%swap3A_1296, %swap3A_1297], %gather3A_1237 {strides = array<i32>} : memref<16x1024xf32, #tpu.memory_space<vmem>>, vector<16xf32>,
        %add3A_1299 = arith.constant 8 : i32
        %add3A_1300 = arith.addi %add3A_1299, %add3A_246 : i32
        %swap3A_1301 = arith.index_cast %add3A_1300 : i32 to index
        %swap3A_1302 = arith.constant 144 : index
        %swap3A_1303 = tpu.vector_load %arg10[%swap3A_1301, %swap3A_1302] {strides = array<i32>} : memref<16x1024xf32, #tpu.memory_space<vmem>>, vector<16xf32>,
        tpu.vector_store %arg10[%swap3A_1301, %swap3A_1302], %gather3A_1245 {strides = array<i32>} : memref<16x1024xf32, #tpu.memory_space<vmem>>, vector<16xf32>,
        %add3A_1304 = arith.constant 8 : i32
        %add3A_1305 = arith.addi %add3A_1304, %add3A_246 : i32
        %swap3A_1306 = arith.index_cast %add3A_1305 : i32 to index
        %swap3A_1307 = arith.constant 160 : index
        %swap3A_1308 = tpu.vector_load %arg10[%swap3A_1306, %swap3A_1307] {strides = array<i32>} : memref<16x1024xf32, #tpu.memory_space<vmem>>, vector<16xf32>,
        tpu.vector_store %arg10[%swap3A_1306, %swap3A_1307], %gather3A_1253 {strides = array<i32>} : memref<16x1024xf32, #tpu.memory_space<vmem>>, vector<16xf32>,
        %add3A_1309 = arith.constant 8 : i32
        %add3A_1310 = arith.addi %add3A_1309, %add3A_246 : i32
        %swap3A_1311 = arith.index_cast %add3A_1310 : i32 to index
        %swap3A_1312 = arith.constant 176 : index
        %swap3A_1313 = tpu.vector_load %arg10[%swap3A_1311, %swap3A_1312] {strides = array<i32>} : memref<16x1024xf32, #tpu.memory_space<vmem>>, vector<16xf32>,
        tpu.vector_store %arg10[%swap3A_1311, %swap3A_1312], %gather3A_1261 {strides = array<i32>} : memref<16x1024xf32, #tpu.memory_space<vmem>>, vector<16xf32>,
        %add3A_1314 = arith.constant 8 : i32
        %add3A_1315 = arith.addi %add3A_1314, %add3A_246 : i32
        %swap3A_1316 = arith.index_cast %add3A_1315 : i32 to index
        %swap3A_1317 = arith.constant 192 : index
        %swap3A_1318 = tpu.vector_load %arg10[%swap3A_1316, %swap3A_1317] {strides = array<i32>} : memref<16x1024xf32, #tpu.memory_space<vmem>>, vector<16xf32>,
        tpu.vector_store %arg10[%swap3A_1316, %swap3A_1317], %gather3A_1269 {strides = array<i32>} : memref<16x1024xf32, #tpu.memory_space<vmem>>, vector<16xf32>,
        %add3A_1319 = arith.constant 8 : i32
        %add3A_1320 = arith.addi %add3A_1319, %add3A_246 : i32
        %swap3A_1321 = arith.index_cast %add3A_1320 : i32 to index
        %swap3A_1322 = arith.constant 208 : index
        %swap3A_1323 = tpu.vector_load %arg10[%swap3A_1321, %swap3A_1322] {strides = array<i32>} : memref<16x1024xf32, #tpu.memory_space<vmem>>, vector<16xf32>,
        tpu.vector_store %arg10[%swap3A_1321, %swap3A_1322], %gather3A_1277 {strides = array<i32>} : memref<16x1024xf32, #tpu.memory_space<vmem>>, vector<16xf32>,
        %add3A_1324 = arith.constant 8 : i32
        %add3A_1325 = arith.addi %add3A_1324, %add3A_246 : i32
        %swap3A_1326 = arith.index_cast %add3A_1325 : i32 to index
        %swap3A_1327 = arith.constant 224 : index
        %swap3A_1328 = tpu.vector_load %arg10[%swap3A_1326, %swap3A_1327] {strides = array<i32>} : memref<16x1024xf32, #tpu.memory_space<vmem>>, vector<16xf32>,
        tpu.vector_store %arg10[%swap3A_1326, %swap3A_1327], %gather3A_1285 {strides = array<i32>} : memref<16x1024xf32, #tpu.memory_space<vmem>>, vector<16xf32>,
        %add3A_1329 = arith.constant 8 : i32
        %add3A_1330 = arith.addi %add3A_1329, %add3A_246 : i32
        %swap3A_1331 = arith.index_cast %add3A_1330 : i32 to index
        %swap3A_1332 = arith.constant 240 : index
        %swap3A_1333 = tpu.vector_load %arg10[%swap3A_1331, %swap3A_1332] {strides = array<i32>} : memref<16x1024xf32, #tpu.memory_space<vmem>>, vector<16xf32>,
        tpu.vector_store %arg10[%swap3A_1331, %swap3A_1332], %gather3A_1293 {strides = array<i32>} : memref<16x1024xf32, #tpu.memory_space<vmem>>, vector<16xf32>,
        %mul3A_1334 = arith.constant 8 : i32
        %mul3A_1335 = arith.muli %add3A_246, %mul3A_1334 : i32
        %add3A_1336 = arith.constant 2 : i32
        %add3A_1337 = arith.addi %mul3A_1335, %add3A_1336 : i32
        %broadcast_in_dim3A_1338 = vector.broadcast %add3A_1337 : i32 to vector<16xi32>
        %mul3A_1339 = arith.constant 65 : i32
        %mul3A_1340 = vector.broadcast %mul3A_1339 : i32 to vector<16xi32>
        %mul3A_1341 = arith.muli %add3A_5, %mul3A_1340 : vector<16xi32>
        %add3A_1342 = arith.constant 8320 : i32
        %add3A_1343 = vector.broadcast %add3A_1342 : i32 to vector<16xi32>
        %add3A_1344 = arith.addi %broadcast_in_dim3A_1338, %add3A_1343 : vector<16xi32>
        %add3A_1345 = arith.addi %mul3A_1341, %add3A_1344 : vector<16xi32>
        %gather3A_1346 = tpu.vector_load_idx %arg9[%add3A_1345] : memref<16640xf32, #tpu.memory_space<vmem>>[vector<16xi32>], vector<16xf32>,
        %mul3A_1347 = arith.constant 65 : i32
        %mul3A_1348 = vector.broadcast %mul3A_1347 : i32 to vector<16xi32>
        %mul3A_1349 = arith.muli %add3A_9, %mul3A_1348 : vector<16xi32>
        %add3A_1350 = arith.constant 8320 : i32
        %add3A_1351 = vector.broadcast %add3A_1350 : i32 to vector<16xi32>
        %add3A_1352 = arith.addi %broadcast_in_dim3A_1338, %add3A_1351 : vector<16xi32>
        %add3A_1353 = arith.addi %mul3A_1349, %add3A_1352 : vector<16xi32>
        %gather3A_1354 = tpu.vector_load_idx %arg9[%add3A_1353] : memref<16640xf32, #tpu.memory_space<vmem>>[vector<16xi32>], vector<16xf32>,
        %mul3A_1355 = arith.constant 65 : i32
        %mul3A_1356 = vector.broadcast %mul3A_1355 : i32 to vector<16xi32>
        %mul3A_1357 = arith.muli %add3A_13, %mul3A_1356 : vector<16xi32>
        %add3A_1358 = arith.constant 8320 : i32
        %add3A_1359 = vector.broadcast %add3A_1358 : i32 to vector<16xi32>
        %add3A_1360 = arith.addi %broadcast_in_dim3A_1338, %add3A_1359 : vector<16xi32>
        %add3A_1361 = arith.addi %mul3A_1357, %add3A_1360 : vector<16xi32>
        %gather3A_1362 = tpu.vector_load_idx %arg9[%add3A_1361] : memref<16640xf32, #tpu.memory_space<vmem>>[vector<16xi32>], vector<16xf32>,
        %mul3A_1363 = arith.constant 65 : i32
        %mul3A_1364 = vector.broadcast %mul3A_1363 : i32 to vector<16xi32>
        %mul3A_1365 = arith.muli %add3A_17, %mul3A_1364 : vector<16xi32>
        %add3A_1366 = arith.constant 8320 : i32
        %add3A_1367 = vector.broadcast %add3A_1366 : i32 to vector<16xi32>
        %add3A_1368 = arith.addi %broadcast_in_dim3A_1338, %add3A_1367 : vector<16xi32>
        %add3A_1369 = arith.addi %mul3A_1365, %add3A_1368 : vector<16xi32>
        %gather3A_1370 = tpu.vector_load_idx %arg9[%add3A_1369] : memref<16640xf32, #tpu.memory_space<vmem>>[vector<16xi32>], vector<16xf32>,
        %mul3A_1371 = arith.constant 65 : i32
        %mul3A_1372 = vector.broadcast %mul3A_1371 : i32 to vector<16xi32>
        %mul3A_1373 = arith.muli %add3A_21, %mul3A_1372 : vector<16xi32>
        %add3A_1374 = arith.constant 8320 : i32
        %add3A_1375 = vector.broadcast %add3A_1374 : i32 to vector<16xi32>
        %add3A_1376 = arith.addi %broadcast_in_dim3A_1338, %add3A_1375 : vector<16xi32>
        %add3A_1377 = arith.addi %mul3A_1373, %add3A_1376 : vector<16xi32>
        %gather3A_1378 = tpu.vector_load_idx %arg9[%add3A_1377] : memref<16640xf32, #tpu.memory_space<vmem>>[vector<16xi32>], vector<16xf32>,
        %mul3A_1379 = arith.constant 65 : i32
        %mul3A_1380 = vector.broadcast %mul3A_1379 : i32 to vector<16xi32>
        %mul3A_1381 = arith.muli %add3A_25, %mul3A_1380 : vector<16xi32>
        %add3A_1382 = arith.constant 8320 : i32
        %add3A_1383 = vector.broadcast %add3A_1382 : i32 to vector<16xi32>
        %add3A_1384 = arith.addi %broadcast_in_dim3A_1338, %add3A_1383 : vector<16xi32>
        %add3A_1385 = arith.addi %mul3A_1381, %add3A_1384 : vector<16xi32>
        %gather3A_1386 = tpu.vector_load_idx %arg9[%add3A_1385] : memref<16640xf32, #tpu.memory_space<vmem>>[vector<16xi32>], vector<16xf32>,
        %mul3A_1387 = arith.constant 65 : i32
        %mul3A_1388 = vector.broadcast %mul3A_1387 : i32 to vector<16xi32>
        %mul3A_1389 = arith.muli %add3A_29, %mul3A_1388 : vector<16xi32>
        %add3A_1390 = arith.constant 8320 : i32
        %add3A_1391 = vector.broadcast %add3A_1390 : i32 to vector<16xi32>
        %add3A_1392 = arith.addi %broadcast_in_dim3A_1338, %add3A_1391 : vector<16xi32>
        %add3A_1393 = arith.addi %mul3A_1389, %add3A_1392 : vector<16xi32>
        %gather3A_1394 = tpu.vector_load_idx %arg9[%add3A_1393] : memref<16640xf32, #tpu.memory_space<vmem>>[vector<16xi32>], vector<16xf32>,
        %mul3A_1395 = arith.constant 65 : i32
        %mul3A_1396 = vector.broadcast %mul3A_1395 : i32 to vector<16xi32>
        %mul3A_1397 = arith.muli %add3A_33, %mul3A_1396 : vector<16xi32>
        %add3A_1398 = arith.constant 8320 : i32
        %add3A_1399 = vector.broadcast %add3A_1398 : i32 to vector<16xi32>
        %add3A_1400 = arith.addi %broadcast_in_dim3A_1338, %add3A_1399 : vector<16xi32>
        %add3A_1401 = arith.addi %mul3A_1397, %add3A_1400 : vector<16xi32>
        %gather3A_1402 = tpu.vector_load_idx %arg9[%add3A_1401] : memref<16640xf32, #tpu.memory_space<vmem>>[vector<16xi32>], vector<16xf32>,
        %add3A_1403 = arith.constant 8 : i32
        %add3A_1404 = arith.addi %add3A_1403, %add3A_246 : i32
        %swap3A_1405 = arith.index_cast %add3A_1404 : i32 to index
        %swap3A_1406 = arith.constant 256 : index
        %swap3A_1407 = tpu.vector_load %arg10[%swap3A_1405, %swap3A_1406] {strides = array<i32>} : memref<16x1024xf32, #tpu.memory_space<vmem>>, vector<16xf32>,
        tpu.vector_store %arg10[%swap3A_1405, %swap3A_1406], %gather3A_1346 {strides = array<i32>} : memref<16x1024xf32, #tpu.memory_space<vmem>>, vector<16xf32>,
        %add3A_1408 = arith.constant 8 : i32
        %add3A_1409 = arith.addi %add3A_1408, %add3A_246 : i32
        %swap3A_1410 = arith.index_cast %add3A_1409 : i32 to index
        %swap3A_1411 = arith.constant 272 : index
        %swap3A_1412 = tpu.vector_load %arg10[%swap3A_1410, %swap3A_1411] {strides = array<i32>} : memref<16x1024xf32, #tpu.memory_space<vmem>>, vector<16xf32>,
        tpu.vector_store %arg10[%swap3A_1410, %swap3A_1411], %gather3A_1354 {strides = array<i32>} : memref<16x1024xf32, #tpu.memory_space<vmem>>, vector<16xf32>,
        %add3A_1413 = arith.constant 8 : i32
        %add3A_1414 = arith.addi %add3A_1413, %add3A_246 : i32
        %swap3A_1415 = arith.index_cast %add3A_1414 : i32 to index
        %swap3A_1416 = arith.constant 288 : index
        %swap3A_1417 = tpu.vector_load %arg10[%swap3A_1415, %swap3A_1416] {strides = array<i32>} : memref<16x1024xf32, #tpu.memory_space<vmem>>, vector<16xf32>,
        tpu.vector_store %arg10[%swap3A_1415, %swap3A_1416], %gather3A_1362 {strides = array<i32>} : memref<16x1024xf32, #tpu.memory_space<vmem>>, vector<16xf32>,
        %add3A_1418 = arith.constant 8 : i32
        %add3A_1419 = arith.addi %add3A_1418, %add3A_246 : i32
        %swap3A_1420 = arith.index_cast %add3A_1419 : i32 to index
        %swap3A_1421 = arith.constant 304 : index
        %swap3A_1422 = tpu.vector_load %arg10[%swap3A_1420, %swap3A_1421] {strides = array<i32>} : memref<16x1024xf32, #tpu.memory_space<vmem>>, vector<16xf32>,
        tpu.vector_store %arg10[%swap3A_1420, %swap3A_1421], %gather3A_1370 {strides = array<i32>} : memref<16x1024xf32, #tpu.memory_space<vmem>>, vector<16xf32>,
        %add3A_1423 = arith.constant 8 : i32
        %add3A_1424 = arith.addi %add3A_1423, %add3A_246 : i32
        %swap3A_1425 = arith.index_cast %add3A_1424 : i32 to index
        %swap3A_1426 = arith.constant 320 : index
        %swap3A_1427 = tpu.vector_load %arg10[%swap3A_1425, %swap3A_1426] {strides = array<i32>} : memref<16x1024xf32, #tpu.memory_space<vmem>>, vector<16xf32>,
        tpu.vector_store %arg10[%swap3A_1425, %swap3A_1426], %gather3A_1378 {strides = array<i32>} : memref<16x1024xf32, #tpu.memory_space<vmem>>, vector<16xf32>,
        %add3A_1428 = arith.constant 8 : i32
        %add3A_1429 = arith.addi %add3A_1428, %add3A_246 : i32
        %swap3A_1430 = arith.index_cast %add3A_1429 : i32 to index
        %swap3A_1431 = arith.constant 336 : index
        %swap3A_1432 = tpu.vector_load %arg10[%swap3A_1430, %swap3A_1431] {strides = array<i32>} : memref<16x1024xf32, #tpu.memory_space<vmem>>, vector<16xf32>,
        tpu.vector_store %arg10[%swap3A_1430, %swap3A_1431], %gather3A_1386 {strides = array<i32>} : memref<16x1024xf32, #tpu.memory_space<vmem>>, vector<16xf32>,
        %add3A_1433 = arith.constant 8 : i32
        %add3A_1434 = arith.addi %add3A_1433, %add3A_246 : i32
        %swap3A_1435 = arith.index_cast %add3A_1434 : i32 to index
        %swap3A_1436 = arith.constant 352 : index
        %swap3A_1437 = tpu.vector_load %arg10[%swap3A_1435, %swap3A_1436] {strides = array<i32>} : memref<16x1024xf32, #tpu.memory_space<vmem>>, vector<16xf32>,
        tpu.vector_store %arg10[%swap3A_1435, %swap3A_1436], %gather3A_1394 {strides = array<i32>} : memref<16x1024xf32, #tpu.memory_space<vmem>>, vector<16xf32>,
        %add3A_1438 = arith.constant 8 : i32
        %add3A_1439 = arith.addi %add3A_1438, %add3A_246 : i32
        %swap3A_1440 = arith.index_cast %add3A_1439 : i32 to index
        %swap3A_1441 = arith.constant 368 : index
        %swap3A_1442 = tpu.vector_load %arg10[%swap3A_1440, %swap3A_1441] {strides = array<i32>} : memref<16x1024xf32, #tpu.memory_space<vmem>>, vector<16xf32>,
        tpu.vector_store %arg10[%swap3A_1440, %swap3A_1441], %gather3A_1402 {strides = array<i32>} : memref<16x1024xf32, #tpu.memory_space<vmem>>, vector<16xf32>,
        %mul3A_1443 = arith.constant 8 : i32
        %mul3A_1444 = arith.muli %add3A_246, %mul3A_1443 : i32
        %add3A_1445 = arith.constant 3 : i32
        %add3A_1446 = arith.addi %mul3A_1444, %add3A_1445 : i32
        %broadcast_in_dim3A_1447 = vector.broadcast %add3A_1446 : i32 to vector<16xi32>
        %mul3A_1448 = arith.constant 65 : i32
        %mul3A_1449 = vector.broadcast %mul3A_1448 : i32 to vector<16xi32>
        %mul3A_1450 = arith.muli %add3A_5, %mul3A_1449 : vector<16xi32>
        %add3A_1451 = arith.constant 8320 : i32
        %add3A_1452 = vector.broadcast %add3A_1451 : i32 to vector<16xi32>
        %add3A_1453 = arith.addi %broadcast_in_dim3A_1447, %add3A_1452 : vector<16xi32>
        %add3A_1454 = arith.addi %mul3A_1450, %add3A_1453 : vector<16xi32>
        %gather3A_1455 = tpu.vector_load_idx %arg9[%add3A_1454] : memref<16640xf32, #tpu.memory_space<vmem>>[vector<16xi32>], vector<16xf32>,
        %mul3A_1456 = arith.constant 65 : i32
        %mul3A_1457 = vector.broadcast %mul3A_1456 : i32 to vector<16xi32>
        %mul3A_1458 = arith.muli %add3A_9, %mul3A_1457 : vector<16xi32>
        %add3A_1459 = arith.constant 8320 : i32
        %add3A_1460 = vector.broadcast %add3A_1459 : i32 to vector<16xi32>
        %add3A_1461 = arith.addi %broadcast_in_dim3A_1447, %add3A_1460 : vector<16xi32>
        %add3A_1462 = arith.addi %mul3A_1458, %add3A_1461 : vector<16xi32>
        %gather3A_1463 = tpu.vector_load_idx %arg9[%add3A_1462] : memref<16640xf32, #tpu.memory_space<vmem>>[vector<16xi32>], vector<16xf32>,
        %mul3A_1464 = arith.constant 65 : i32
        %mul3A_1465 = vector.broadcast %mul3A_1464 : i32 to vector<16xi32>
        %mul3A_1466 = arith.muli %add3A_13, %mul3A_1465 : vector<16xi32>
        %add3A_1467 = arith.constant 8320 : i32
        %add3A_1468 = vector.broadcast %add3A_1467 : i32 to vector<16xi32>
        %add3A_1469 = arith.addi %broadcast_in_dim3A_1447, %add3A_1468 : vector<16xi32>
        %add3A_1470 = arith.addi %mul3A_1466, %add3A_1469 : vector<16xi32>
        %gather3A_1471 = tpu.vector_load_idx %arg9[%add3A_1470] : memref<16640xf32, #tpu.memory_space<vmem>>[vector<16xi32>], vector<16xf32>,
        %mul3A_1472 = arith.constant 65 : i32
        %mul3A_1473 = vector.broadcast %mul3A_1472 : i32 to vector<16xi32>
        %mul3A_1474 = arith.muli %add3A_17, %mul3A_1473 : vector<16xi32>
        %add3A_1475 = arith.constant 8320 : i32
        %add3A_1476 = vector.broadcast %add3A_1475 : i32 to vector<16xi32>
        %add3A_1477 = arith.addi %broadcast_in_dim3A_1447, %add3A_1476 : vector<16xi32>
        %add3A_1478 = arith.addi %mul3A_1474, %add3A_1477 : vector<16xi32>
        %gather3A_1479 = tpu.vector_load_idx %arg9[%add3A_1478] : memref<16640xf32, #tpu.memory_space<vmem>>[vector<16xi32>], vector<16xf32>,
        %mul3A_1480 = arith.constant 65 : i32
        %mul3A_1481 = vector.broadcast %mul3A_1480 : i32 to vector<16xi32>
        %mul3A_1482 = arith.muli %add3A_21, %mul3A_1481 : vector<16xi32>
        %add3A_1483 = arith.constant 8320 : i32
        %add3A_1484 = vector.broadcast %add3A_1483 : i32 to vector<16xi32>
        %add3A_1485 = arith.addi %broadcast_in_dim3A_1447, %add3A_1484 : vector<16xi32>
        %add3A_1486 = arith.addi %mul3A_1482, %add3A_1485 : vector<16xi32>
        %gather3A_1487 = tpu.vector_load_idx %arg9[%add3A_1486] : memref<16640xf32, #tpu.memory_space<vmem>>[vector<16xi32>], vector<16xf32>,
        %mul3A_1488 = arith.constant 65 : i32
        %mul3A_1489 = vector.broadcast %mul3A_1488 : i32 to vector<16xi32>
        %mul3A_1490 = arith.muli %add3A_25, %mul3A_1489 : vector<16xi32>
        %add3A_1491 = arith.constant 8320 : i32
        %add3A_1492 = vector.broadcast %add3A_1491 : i32 to vector<16xi32>
        %add3A_1493 = arith.addi %broadcast_in_dim3A_1447, %add3A_1492 : vector<16xi32>
        %add3A_1494 = arith.addi %mul3A_1490, %add3A_1493 : vector<16xi32>
        %gather3A_1495 = tpu.vector_load_idx %arg9[%add3A_1494] : memref<16640xf32, #tpu.memory_space<vmem>>[vector<16xi32>], vector<16xf32>,
        %mul3A_1496 = arith.constant 65 : i32
        %mul3A_1497 = vector.broadcast %mul3A_1496 : i32 to vector<16xi32>
        %mul3A_1498 = arith.muli %add3A_29, %mul3A_1497 : vector<16xi32>
        %add3A_1499 = arith.constant 8320 : i32
        %add3A_1500 = vector.broadcast %add3A_1499 : i32 to vector<16xi32>
        %add3A_1501 = arith.addi %broadcast_in_dim3A_1447, %add3A_1500 : vector<16xi32>
        %add3A_1502 = arith.addi %mul3A_1498, %add3A_1501 : vector<16xi32>
        %gather3A_1503 = tpu.vector_load_idx %arg9[%add3A_1502] : memref<16640xf32, #tpu.memory_space<vmem>>[vector<16xi32>], vector<16xf32>,
        %mul3A_1504 = arith.constant 65 : i32
        %mul3A_1505 = vector.broadcast %mul3A_1504 : i32 to vector<16xi32>
        %mul3A_1506 = arith.muli %add3A_33, %mul3A_1505 : vector<16xi32>
        %add3A_1507 = arith.constant 8320 : i32
        %add3A_1508 = vector.broadcast %add3A_1507 : i32 to vector<16xi32>
        %add3A_1509 = arith.addi %broadcast_in_dim3A_1447, %add3A_1508 : vector<16xi32>
        %add3A_1510 = arith.addi %mul3A_1506, %add3A_1509 : vector<16xi32>
        %gather3A_1511 = tpu.vector_load_idx %arg9[%add3A_1510] : memref<16640xf32, #tpu.memory_space<vmem>>[vector<16xi32>], vector<16xf32>,
        %add3A_1512 = arith.constant 8 : i32
        %add3A_1513 = arith.addi %add3A_1512, %add3A_246 : i32
        %swap3A_1514 = arith.index_cast %add3A_1513 : i32 to index
        %swap3A_1515 = arith.constant 384 : index
        %swap3A_1516 = tpu.vector_load %arg10[%swap3A_1514, %swap3A_1515] {strides = array<i32>} : memref<16x1024xf32, #tpu.memory_space<vmem>>, vector<16xf32>,
        tpu.vector_store %arg10[%swap3A_1514, %swap3A_1515], %gather3A_1455 {strides = array<i32>} : memref<16x1024xf32, #tpu.memory_space<vmem>>, vector<16xf32>,
        %add3A_1517 = arith.constant 8 : i32
        %add3A_1518 = arith.addi %add3A_1517, %add3A_246 : i32
        %swap3A_1519 = arith.index_cast %add3A_1518 : i32 to index
        %swap3A_1520 = arith.constant 400 : index
        %swap3A_1521 = tpu.vector_load %arg10[%swap3A_1519, %swap3A_1520] {strides = array<i32>} : memref<16x1024xf32, #tpu.memory_space<vmem>>, vector<16xf32>,
        tpu.vector_store %arg10[%swap3A_1519, %swap3A_1520], %gather3A_1463 {strides = array<i32>} : memref<16x1024xf32, #tpu.memory_space<vmem>>, vector<16xf32>,
        %add3A_1522 = arith.constant 8 : i32
        %add3A_1523 = arith.addi %add3A_1522, %add3A_246 : i32
        %swap3A_1524 = arith.index_cast %add3A_1523 : i32 to index
        %swap3A_1525 = arith.constant 416 : index
        %swap3A_1526 = tpu.vector_load %arg10[%swap3A_1524, %swap3A_1525] {strides = array<i32>} : memref<16x1024xf32, #tpu.memory_space<vmem>>, vector<16xf32>,
        tpu.vector_store %arg10[%swap3A_1524, %swap3A_1525], %gather3A_1471 {strides = array<i32>} : memref<16x1024xf32, #tpu.memory_space<vmem>>, vector<16xf32>,
        %add3A_1527 = arith.constant 8 : i32
        %add3A_1528 = arith.addi %add3A_1527, %add3A_246 : i32
        %swap3A_1529 = arith.index_cast %add3A_1528 : i32 to index
        %swap3A_1530 = arith.constant 432 : index
        %swap3A_1531 = tpu.vector_load %arg10[%swap3A_1529, %swap3A_1530] {strides = array<i32>} : memref<16x1024xf32, #tpu.memory_space<vmem>>, vector<16xf32>,
        tpu.vector_store %arg10[%swap3A_1529, %swap3A_1530], %gather3A_1479 {strides = array<i32>} : memref<16x1024xf32, #tpu.memory_space<vmem>>, vector<16xf32>,
        %add3A_1532 = arith.constant 8 : i32
        %add3A_1533 = arith.addi %add3A_1532, %add3A_246 : i32
        %swap3A_1534 = arith.index_cast %add3A_1533 : i32 to index
        %swap3A_1535 = arith.constant 448 : index
        %swap3A_1536 = tpu.vector_load %arg10[%swap3A_1534, %swap3A_1535] {strides = array<i32>} : memref<16x1024xf32, #tpu.memory_space<vmem>>, vector<16xf32>,
        tpu.vector_store %arg10[%swap3A_1534, %swap3A_1535], %gather3A_1487 {strides = array<i32>} : memref<16x1024xf32, #tpu.memory_space<vmem>>, vector<16xf32>,
        %add3A_1537 = arith.constant 8 : i32
        %add3A_1538 = arith.addi %add3A_1537, %add3A_246 : i32
        %swap3A_1539 = arith.index_cast %add3A_1538 : i32 to index
        %swap3A_1540 = arith.constant 464 : index
        %swap3A_1541 = tpu.vector_load %arg10[%swap3A_1539, %swap3A_1540] {strides = array<i32>} : memref<16x1024xf32, #tpu.memory_space<vmem>>, vector<16xf32>,
        tpu.vector_store %arg10[%swap3A_1539, %swap3A_1540], %gather3A_1495 {strides = array<i32>} : memref<16x1024xf32, #tpu.memory_space<vmem>>, vector<16xf32>,
        %add3A_1542 = arith.constant 8 : i32
        %add3A_1543 = arith.addi %add3A_1542, %add3A_246 : i32
        %swap3A_1544 = arith.index_cast %add3A_1543 : i32 to index
        %swap3A_1545 = arith.constant 480 : index
        %swap3A_1546 = tpu.vector_load %arg10[%swap3A_1544, %swap3A_1545] {strides = array<i32>} : memref<16x1024xf32, #tpu.memory_space<vmem>>, vector<16xf32>,
        tpu.vector_store %arg10[%swap3A_1544, %swap3A_1545], %gather3A_1503 {strides = array<i32>} : memref<16x1024xf32, #tpu.memory_space<vmem>>, vector<16xf32>,
        %add3A_1547 = arith.constant 8 : i32
        %add3A_1548 = arith.addi %add3A_1547, %add3A_246 : i32
        %swap3A_1549 = arith.index_cast %add3A_1548 : i32 to index
        %swap3A_1550 = arith.constant 496 : index
        %swap3A_1551 = tpu.vector_load %arg10[%swap3A_1549, %swap3A_1550] {strides = array<i32>} : memref<16x1024xf32, #tpu.memory_space<vmem>>, vector<16xf32>,
        tpu.vector_store %arg10[%swap3A_1549, %swap3A_1550], %gather3A_1511 {strides = array<i32>} : memref<16x1024xf32, #tpu.memory_space<vmem>>, vector<16xf32>,
        %mul3A_1552 = arith.constant 8 : i32
        %mul3A_1553 = arith.muli %add3A_246, %mul3A_1552 : i32
        %add3A_1554 = arith.constant 4 : i32
        %add3A_1555 = arith.addi %mul3A_1553, %add3A_1554 : i32
        %broadcast_in_dim3A_1556 = vector.broadcast %add3A_1555 : i32 to vector<16xi32>
        %mul3A_1557 = arith.constant 65 : i32
        %mul3A_1558 = vector.broadcast %mul3A_1557 : i32 to vector<16xi32>
        %mul3A_1559 = arith.muli %add3A_5, %mul3A_1558 : vector<16xi32>
        %add3A_1560 = arith.constant 8320 : i32
        %add3A_1561 = vector.broadcast %add3A_1560 : i32 to vector<16xi32>
        %add3A_1562 = arith.addi %broadcast_in_dim3A_1556, %add3A_1561 : vector<16xi32>
        %add3A_1563 = arith.addi %mul3A_1559, %add3A_1562 : vector<16xi32>
        %gather3A_1564 = tpu.vector_load_idx %arg9[%add3A_1563] : memref<16640xf32, #tpu.memory_space<vmem>>[vector<16xi32>], vector<16xf32>,
        %mul3A_1565 = arith.constant 65 : i32
        %mul3A_1566 = vector.broadcast %mul3A_1565 : i32 to vector<16xi32>
        %mul3A_1567 = arith.muli %add3A_9, %mul3A_1566 : vector<16xi32>
        %add3A_1568 = arith.constant 8320 : i32
        %add3A_1569 = vector.broadcast %add3A_1568 : i32 to vector<16xi32>
        %add3A_1570 = arith.addi %broadcast_in_dim3A_1556, %add3A_1569 : vector<16xi32>
        %add3A_1571 = arith.addi %mul3A_1567, %add3A_1570 : vector<16xi32>
        %gather3A_1572 = tpu.vector_load_idx %arg9[%add3A_1571] : memref<16640xf32, #tpu.memory_space<vmem>>[vector<16xi32>], vector<16xf32>,
        %mul3A_1573 = arith.constant 65 : i32
        %mul3A_1574 = vector.broadcast %mul3A_1573 : i32 to vector<16xi32>
        %mul3A_1575 = arith.muli %add3A_13, %mul3A_1574 : vector<16xi32>
        %add3A_1576 = arith.constant 8320 : i32
        %add3A_1577 = vector.broadcast %add3A_1576 : i32 to vector<16xi32>
        %add3A_1578 = arith.addi %broadcast_in_dim3A_1556, %add3A_1577 : vector<16xi32>
        %add3A_1579 = arith.addi %mul3A_1575, %add3A_1578 : vector<16xi32>
        %gather3A_1580 = tpu.vector_load_idx %arg9[%add3A_1579] : memref<16640xf32, #tpu.memory_space<vmem>>[vector<16xi32>], vector<16xf32>,
        %mul3A_1581 = arith.constant 65 : i32
        %mul3A_1582 = vector.broadcast %mul3A_1581 : i32 to vector<16xi32>
        %mul3A_1583 = arith.muli %add3A_17, %mul3A_1582 : vector<16xi32>
        %add3A_1584 = arith.constant 8320 : i32
        %add3A_1585 = vector.broadcast %add3A_1584 : i32 to vector<16xi32>
        %add3A_1586 = arith.addi %broadcast_in_dim3A_1556, %add3A_1585 : vector<16xi32>
        %add3A_1587 = arith.addi %mul3A_1583, %add3A_1586 : vector<16xi32>
        %gather3A_1588 = tpu.vector_load_idx %arg9[%add3A_1587] : memref<16640xf32, #tpu.memory_space<vmem>>[vector<16xi32>], vector<16xf32>,
        %mul3A_1589 = arith.constant 65 : i32
        %mul3A_1590 = vector.broadcast %mul3A_1589 : i32 to vector<16xi32>
        %mul3A_1591 = arith.muli %add3A_21, %mul3A_1590 : vector<16xi32>
        %add3A_1592 = arith.constant 8320 : i32
        %add3A_1593 = vector.broadcast %add3A_1592 : i32 to vector<16xi32>
        %add3A_1594 = arith.addi %broadcast_in_dim3A_1556, %add3A_1593 : vector<16xi32>
        %add3A_1595 = arith.addi %mul3A_1591, %add3A_1594 : vector<16xi32>
        %gather3A_1596 = tpu.vector_load_idx %arg9[%add3A_1595] : memref<16640xf32, #tpu.memory_space<vmem>>[vector<16xi32>], vector<16xf32>,
        %mul3A_1597 = arith.constant 65 : i32
        %mul3A_1598 = vector.broadcast %mul3A_1597 : i32 to vector<16xi32>
        %mul3A_1599 = arith.muli %add3A_25, %mul3A_1598 : vector<16xi32>
        %add3A_1600 = arith.constant 8320 : i32
        %add3A_1601 = vector.broadcast %add3A_1600 : i32 to vector<16xi32>
        %add3A_1602 = arith.addi %broadcast_in_dim3A_1556, %add3A_1601 : vector<16xi32>
        %add3A_1603 = arith.addi %mul3A_1599, %add3A_1602 : vector<16xi32>
        %gather3A_1604 = tpu.vector_load_idx %arg9[%add3A_1603] : memref<16640xf32, #tpu.memory_space<vmem>>[vector<16xi32>], vector<16xf32>,
        %mul3A_1605 = arith.constant 65 : i32
        %mul3A_1606 = vector.broadcast %mul3A_1605 : i32 to vector<16xi32>
        %mul3A_1607 = arith.muli %add3A_29, %mul3A_1606 : vector<16xi32>
        %add3A_1608 = arith.constant 8320 : i32
        %add3A_1609 = vector.broadcast %add3A_1608 : i32 to vector<16xi32>
        %add3A_1610 = arith.addi %broadcast_in_dim3A_1556, %add3A_1609 : vector<16xi32>
        %add3A_1611 = arith.addi %mul3A_1607, %add3A_1610 : vector<16xi32>
        %gather3A_1612 = tpu.vector_load_idx %arg9[%add3A_1611] : memref<16640xf32, #tpu.memory_space<vmem>>[vector<16xi32>], vector<16xf32>,
        %mul3A_1613 = arith.constant 65 : i32
        %mul3A_1614 = vector.broadcast %mul3A_1613 : i32 to vector<16xi32>
        %mul3A_1615 = arith.muli %add3A_33, %mul3A_1614 : vector<16xi32>
        %add3A_1616 = arith.constant 8320 : i32
        %add3A_1617 = vector.broadcast %add3A_1616 : i32 to vector<16xi32>
        %add3A_1618 = arith.addi %broadcast_in_dim3A_1556, %add3A_1617 : vector<16xi32>
        %add3A_1619 = arith.addi %mul3A_1615, %add3A_1618 : vector<16xi32>
        %gather3A_1620 = tpu.vector_load_idx %arg9[%add3A_1619] : memref<16640xf32, #tpu.memory_space<vmem>>[vector<16xi32>], vector<16xf32>,
        %add3A_1621 = arith.constant 8 : i32
        %add3A_1622 = arith.addi %add3A_1621, %add3A_246 : i32
        %swap3A_1623 = arith.index_cast %add3A_1622 : i32 to index
        %swap3A_1624 = arith.constant 512 : index
        %swap3A_1625 = tpu.vector_load %arg10[%swap3A_1623, %swap3A_1624] {strides = array<i32>} : memref<16x1024xf32, #tpu.memory_space<vmem>>, vector<16xf32>,
        tpu.vector_store %arg10[%swap3A_1623, %swap3A_1624], %gather3A_1564 {strides = array<i32>} : memref<16x1024xf32, #tpu.memory_space<vmem>>, vector<16xf32>,
        %add3A_1626 = arith.constant 8 : i32
        %add3A_1627 = arith.addi %add3A_1626, %add3A_246 : i32
        %swap3A_1628 = arith.index_cast %add3A_1627 : i32 to index
        %swap3A_1629 = arith.constant 528 : index
        %swap3A_1630 = tpu.vector_load %arg10[%swap3A_1628, %swap3A_1629] {strides = array<i32>} : memref<16x1024xf32, #tpu.memory_space<vmem>>, vector<16xf32>,
        tpu.vector_store %arg10[%swap3A_1628, %swap3A_1629], %gather3A_1572 {strides = array<i32>} : memref<16x1024xf32, #tpu.memory_space<vmem>>, vector<16xf32>,
        %add3A_1631 = arith.constant 8 : i32
        %add3A_1632 = arith.addi %add3A_1631, %add3A_246 : i32
        %swap3A_1633 = arith.index_cast %add3A_1632 : i32 to index
        %swap3A_1634 = arith.constant 544 : index
        %swap3A_1635 = tpu.vector_load %arg10[%swap3A_1633, %swap3A_1634] {strides = array<i32>} : memref<16x1024xf32, #tpu.memory_space<vmem>>, vector<16xf32>,
        tpu.vector_store %arg10[%swap3A_1633, %swap3A_1634], %gather3A_1580 {strides = array<i32>} : memref<16x1024xf32, #tpu.memory_space<vmem>>, vector<16xf32>,
        %add3A_1636 = arith.constant 8 : i32
        %add3A_1637 = arith.addi %add3A_1636, %add3A_246 : i32
        %swap3A_1638 = arith.index_cast %add3A_1637 : i32 to index
        %swap3A_1639 = arith.constant 560 : index
        %swap3A_1640 = tpu.vector_load %arg10[%swap3A_1638, %swap3A_1639] {strides = array<i32>} : memref<16x1024xf32, #tpu.memory_space<vmem>>, vector<16xf32>,
        tpu.vector_store %arg10[%swap3A_1638, %swap3A_1639], %gather3A_1588 {strides = array<i32>} : memref<16x1024xf32, #tpu.memory_space<vmem>>, vector<16xf32>,
        %add3A_1641 = arith.constant 8 : i32
        %add3A_1642 = arith.addi %add3A_1641, %add3A_246 : i32
        %swap3A_1643 = arith.index_cast %add3A_1642 : i32 to index
        %swap3A_1644 = arith.constant 576 : index
        %swap3A_1645 = tpu.vector_load %arg10[%swap3A_1643, %swap3A_1644] {strides = array<i32>} : memref<16x1024xf32, #tpu.memory_space<vmem>>, vector<16xf32>,
        tpu.vector_store %arg10[%swap3A_1643, %swap3A_1644], %gather3A_1596 {strides = array<i32>} : memref<16x1024xf32, #tpu.memory_space<vmem>>, vector<16xf32>,
        %add3A_1646 = arith.constant 8 : i32
        %add3A_1647 = arith.addi %add3A_1646, %add3A_246 : i32
        %swap3A_1648 = arith.index_cast %add3A_1647 : i32 to index
        %swap3A_1649 = arith.constant 592 : index
        %swap3A_1650 = tpu.vector_load %arg10[%swap3A_1648, %swap3A_1649] {strides = array<i32>} : memref<16x1024xf32, #tpu.memory_space<vmem>>, vector<16xf32>,
        tpu.vector_store %arg10[%swap3A_1648, %swap3A_1649], %gather3A_1604 {strides = array<i32>} : memref<16x1024xf32, #tpu.memory_space<vmem>>, vector<16xf32>,
        %add3A_1651 = arith.constant 8 : i32
        %add3A_1652 = arith.addi %add3A_1651, %add3A_246 : i32
        %swap3A_1653 = arith.index_cast %add3A_1652 : i32 to index
        %swap3A_1654 = arith.constant 608 : index
        %swap3A_1655 = tpu.vector_load %arg10[%swap3A_1653, %swap3A_1654] {strides = array<i32>} : memref<16x1024xf32, #tpu.memory_space<vmem>>, vector<16xf32>,
        tpu.vector_store %arg10[%swap3A_1653, %swap3A_1654], %gather3A_1612 {strides = array<i32>} : memref<16x1024xf32, #tpu.memory_space<vmem>>, vector<16xf32>,
        %add3A_1656 = arith.constant 8 : i32
        %add3A_1657 = arith.addi %add3A_1656, %add3A_246 : i32
        %swap3A_1658 = arith.index_cast %add3A_1657 : i32 to index
        %swap3A_1659 = arith.constant 624 : index
        %swap3A_1660 = tpu.vector_load %arg10[%swap3A_1658, %swap3A_1659] {strides = array<i32>} : memref<16x1024xf32, #tpu.memory_space<vmem>>, vector<16xf32>,
        tpu.vector_store %arg10[%swap3A_1658, %swap3A_1659], %gather3A_1620 {strides = array<i32>} : memref<16x1024xf32, #tpu.memory_space<vmem>>, vector<16xf32>,
        %mul3A_1661 = arith.constant 8 : i32
        %mul3A_1662 = arith.muli %add3A_246, %mul3A_1661 : i32
        %add3A_1663 = arith.constant 5 : i32
        %add3A_1664 = arith.addi %mul3A_1662, %add3A_1663 : i32
        %broadcast_in_dim3A_1665 = vector.broadcast %add3A_1664 : i32 to vector<16xi32>
        %mul3A_1666 = arith.constant 65 : i32
        %mul3A_1667 = vector.broadcast %mul3A_1666 : i32 to vector<16xi32>
        %mul3A_1668 = arith.muli %add3A_5, %mul3A_1667 : vector<16xi32>
        %add3A_1669 = arith.constant 8320 : i32
        %add3A_1670 = vector.broadcast %add3A_1669 : i32 to vector<16xi32>
        %add3A_1671 = arith.addi %broadcast_in_dim3A_1665, %add3A_1670 : vector<16xi32>
        %add3A_1672 = arith.addi %mul3A_1668, %add3A_1671 : vector<16xi32>
        %gather3A_1673 = tpu.vector_load_idx %arg9[%add3A_1672] : memref<16640xf32, #tpu.memory_space<vmem>>[vector<16xi32>], vector<16xf32>,
        %mul3A_1674 = arith.constant 65 : i32
        %mul3A_1675 = vector.broadcast %mul3A_1674 : i32 to vector<16xi32>
        %mul3A_1676 = arith.muli %add3A_9, %mul3A_1675 : vector<16xi32>
        %add3A_1677 = arith.constant 8320 : i32
        %add3A_1678 = vector.broadcast %add3A_1677 : i32 to vector<16xi32>
        %add3A_1679 = arith.addi %broadcast_in_dim3A_1665, %add3A_1678 : vector<16xi32>
        %add3A_1680 = arith.addi %mul3A_1676, %add3A_1679 : vector<16xi32>
        %gather3A_1681 = tpu.vector_load_idx %arg9[%add3A_1680] : memref<16640xf32, #tpu.memory_space<vmem>>[vector<16xi32>], vector<16xf32>,
        %mul3A_1682 = arith.constant 65 : i32
        %mul3A_1683 = vector.broadcast %mul3A_1682 : i32 to vector<16xi32>
        %mul3A_1684 = arith.muli %add3A_13, %mul3A_1683 : vector<16xi32>
        %add3A_1685 = arith.constant 8320 : i32
        %add3A_1686 = vector.broadcast %add3A_1685 : i32 to vector<16xi32>
        %add3A_1687 = arith.addi %broadcast_in_dim3A_1665, %add3A_1686 : vector<16xi32>
        %add3A_1688 = arith.addi %mul3A_1684, %add3A_1687 : vector<16xi32>
        %gather3A_1689 = tpu.vector_load_idx %arg9[%add3A_1688] : memref<16640xf32, #tpu.memory_space<vmem>>[vector<16xi32>], vector<16xf32>,
        %mul3A_1690 = arith.constant 65 : i32
        %mul3A_1691 = vector.broadcast %mul3A_1690 : i32 to vector<16xi32>
        %mul3A_1692 = arith.muli %add3A_17, %mul3A_1691 : vector<16xi32>
        %add3A_1693 = arith.constant 8320 : i32
        %add3A_1694 = vector.broadcast %add3A_1693 : i32 to vector<16xi32>
        %add3A_1695 = arith.addi %broadcast_in_dim3A_1665, %add3A_1694 : vector<16xi32>
        %add3A_1696 = arith.addi %mul3A_1692, %add3A_1695 : vector<16xi32>
        %gather3A_1697 = tpu.vector_load_idx %arg9[%add3A_1696] : memref<16640xf32, #tpu.memory_space<vmem>>[vector<16xi32>], vector<16xf32>,
        %mul3A_1698 = arith.constant 65 : i32
        %mul3A_1699 = vector.broadcast %mul3A_1698 : i32 to vector<16xi32>
        %mul3A_1700 = arith.muli %add3A_21, %mul3A_1699 : vector<16xi32>
        %add3A_1701 = arith.constant 8320 : i32
        %add3A_1702 = vector.broadcast %add3A_1701 : i32 to vector<16xi32>
        %add3A_1703 = arith.addi %broadcast_in_dim3A_1665, %add3A_1702 : vector<16xi32>
        %add3A_1704 = arith.addi %mul3A_1700, %add3A_1703 : vector<16xi32>
        %gather3A_1705 = tpu.vector_load_idx %arg9[%add3A_1704] : memref<16640xf32, #tpu.memory_space<vmem>>[vector<16xi32>], vector<16xf32>,
        %mul3A_1706 = arith.constant 65 : i32
        %mul3A_1707 = vector.broadcast %mul3A_1706 : i32 to vector<16xi32>
        %mul3A_1708 = arith.muli %add3A_25, %mul3A_1707 : vector<16xi32>
        %add3A_1709 = arith.constant 8320 : i32
        %add3A_1710 = vector.broadcast %add3A_1709 : i32 to vector<16xi32>
        %add3A_1711 = arith.addi %broadcast_in_dim3A_1665, %add3A_1710 : vector<16xi32>
        %add3A_1712 = arith.addi %mul3A_1708, %add3A_1711 : vector<16xi32>
        %gather3A_1713 = tpu.vector_load_idx %arg9[%add3A_1712] : memref<16640xf32, #tpu.memory_space<vmem>>[vector<16xi32>], vector<16xf32>,
        %mul3A_1714 = arith.constant 65 : i32
        %mul3A_1715 = vector.broadcast %mul3A_1714 : i32 to vector<16xi32>
        %mul3A_1716 = arith.muli %add3A_29, %mul3A_1715 : vector<16xi32>
        %add3A_1717 = arith.constant 8320 : i32
        %add3A_1718 = vector.broadcast %add3A_1717 : i32 to vector<16xi32>
        %add3A_1719 = arith.addi %broadcast_in_dim3A_1665, %add3A_1718 : vector<16xi32>
        %add3A_1720 = arith.addi %mul3A_1716, %add3A_1719 : vector<16xi32>
        %gather3A_1721 = tpu.vector_load_idx %arg9[%add3A_1720] : memref<16640xf32, #tpu.memory_space<vmem>>[vector<16xi32>], vector<16xf32>,
        %mul3A_1722 = arith.constant 65 : i32
        %mul3A_1723 = vector.broadcast %mul3A_1722 : i32 to vector<16xi32>
        %mul3A_1724 = arith.muli %add3A_33, %mul3A_1723 : vector<16xi32>
        %add3A_1725 = arith.constant 8320 : i32
        %add3A_1726 = vector.broadcast %add3A_1725 : i32 to vector<16xi32>
        %add3A_1727 = arith.addi %broadcast_in_dim3A_1665, %add3A_1726 : vector<16xi32>
        %add3A_1728 = arith.addi %mul3A_1724, %add3A_1727 : vector<16xi32>
        %gather3A_1729 = tpu.vector_load_idx %arg9[%add3A_1728] : memref<16640xf32, #tpu.memory_space<vmem>>[vector<16xi32>], vector<16xf32>,
        %add3A_1730 = arith.constant 8 : i32
        %add3A_1731 = arith.addi %add3A_1730, %add3A_246 : i32
        %swap3A_1732 = arith.index_cast %add3A_1731 : i32 to index
        %swap3A_1733 = arith.constant 640 : index
        %swap3A_1734 = tpu.vector_load %arg10[%swap3A_1732, %swap3A_1733] {strides = array<i32>} : memref<16x1024xf32, #tpu.memory_space<vmem>>, vector<16xf32>,
        tpu.vector_store %arg10[%swap3A_1732, %swap3A_1733], %gather3A_1673 {strides = array<i32>} : memref<16x1024xf32, #tpu.memory_space<vmem>>, vector<16xf32>,
        %add3A_1735 = arith.constant 8 : i32
        %add3A_1736 = arith.addi %add3A_1735, %add3A_246 : i32
        %swap3A_1737 = arith.index_cast %add3A_1736 : i32 to index
        %swap3A_1738 = arith.constant 656 : index
        %swap3A_1739 = tpu.vector_load %arg10[%swap3A_1737, %swap3A_1738] {strides = array<i32>} : memref<16x1024xf32, #tpu.memory_space<vmem>>, vector<16xf32>,
        tpu.vector_store %arg10[%swap3A_1737, %swap3A_1738], %gather3A_1681 {strides = array<i32>} : memref<16x1024xf32, #tpu.memory_space<vmem>>, vector<16xf32>,
        %add3A_1740 = arith.constant 8 : i32
        %add3A_1741 = arith.addi %add3A_1740, %add3A_246 : i32
        %swap3A_1742 = arith.index_cast %add3A_1741 : i32 to index
        %swap3A_1743 = arith.constant 672 : index
        %swap3A_1744 = tpu.vector_load %arg10[%swap3A_1742, %swap3A_1743] {strides = array<i32>} : memref<16x1024xf32, #tpu.memory_space<vmem>>, vector<16xf32>,
        tpu.vector_store %arg10[%swap3A_1742, %swap3A_1743], %gather3A_1689 {strides = array<i32>} : memref<16x1024xf32, #tpu.memory_space<vmem>>, vector<16xf32>,
        %add3A_1745 = arith.constant 8 : i32
        %add3A_1746 = arith.addi %add3A_1745, %add3A_246 : i32
        %swap3A_1747 = arith.index_cast %add3A_1746 : i32 to index
        %swap3A_1748 = arith.constant 688 : index
        %swap3A_1749 = tpu.vector_load %arg10[%swap3A_1747, %swap3A_1748] {strides = array<i32>} : memref<16x1024xf32, #tpu.memory_space<vmem>>, vector<16xf32>,
        tpu.vector_store %arg10[%swap3A_1747, %swap3A_1748], %gather3A_1697 {strides = array<i32>} : memref<16x1024xf32, #tpu.memory_space<vmem>>, vector<16xf32>,
        %add3A_1750 = arith.constant 8 : i32
        %add3A_1751 = arith.addi %add3A_1750, %add3A_246 : i32
        %swap3A_1752 = arith.index_cast %add3A_1751 : i32 to index
        %swap3A_1753 = arith.constant 704 : index
        %swap3A_1754 = tpu.vector_load %arg10[%swap3A_1752, %swap3A_1753] {strides = array<i32>} : memref<16x1024xf32, #tpu.memory_space<vmem>>, vector<16xf32>,
        tpu.vector_store %arg10[%swap3A_1752, %swap3A_1753], %gather3A_1705 {strides = array<i32>} : memref<16x1024xf32, #tpu.memory_space<vmem>>, vector<16xf32>,
        %add3A_1755 = arith.constant 8 : i32
        %add3A_1756 = arith.addi %add3A_1755, %add3A_246 : i32
        %swap3A_1757 = arith.index_cast %add3A_1756 : i32 to index
        %swap3A_1758 = arith.constant 720 : index
        %swap3A_1759 = tpu.vector_load %arg10[%swap3A_1757, %swap3A_1758] {strides = array<i32>} : memref<16x1024xf32, #tpu.memory_space<vmem>>, vector<16xf32>,
        tpu.vector_store %arg10[%swap3A_1757, %swap3A_1758], %gather3A_1713 {strides = array<i32>} : memref<16x1024xf32, #tpu.memory_space<vmem>>, vector<16xf32>,
        %add3A_1760 = arith.constant 8 : i32
        %add3A_1761 = arith.addi %add3A_1760, %add3A_246 : i32
        %swap3A_1762 = arith.index_cast %add3A_1761 : i32 to index
        %swap3A_1763 = arith.constant 736 : index
        %swap3A_1764 = tpu.vector_load %arg10[%swap3A_1762, %swap3A_1763] {strides = array<i32>} : memref<16x1024xf32, #tpu.memory_space<vmem>>, vector<16xf32>,
        tpu.vector_store %arg10[%swap3A_1762, %swap3A_1763], %gather3A_1721 {strides = array<i32>} : memref<16x1024xf32, #tpu.memory_space<vmem>>, vector<16xf32>,
        %add3A_1765 = arith.constant 8 : i32
        %add3A_1766 = arith.addi %add3A_1765, %add3A_246 : i32
        %swap3A_1767 = arith.index_cast %add3A_1766 : i32 to index
        %swap3A_1768 = arith.constant 752 : index
        %swap3A_1769 = tpu.vector_load %arg10[%swap3A_1767, %swap3A_1768] {strides = array<i32>} : memref<16x1024xf32, #tpu.memory_space<vmem>>, vector<16xf32>,
        tpu.vector_store %arg10[%swap3A_1767, %swap3A_1768], %gather3A_1729 {strides = array<i32>} : memref<16x1024xf32, #tpu.memory_space<vmem>>, vector<16xf32>,
        %mul3A_1770 = arith.constant 8 : i32
        %mul3A_1771 = arith.muli %add3A_246, %mul3A_1770 : i32
        %add3A_1772 = arith.constant 6 : i32
        %add3A_1773 = arith.addi %mul3A_1771, %add3A_1772 : i32
        %broadcast_in_dim3A_1774 = vector.broadcast %add3A_1773 : i32 to vector<16xi32>
        %mul3A_1775 = arith.constant 65 : i32
        %mul3A_1776 = vector.broadcast %mul3A_1775 : i32 to vector<16xi32>
        %mul3A_1777 = arith.muli %add3A_5, %mul3A_1776 : vector<16xi32>
        %add3A_1778 = arith.constant 8320 : i32
        %add3A_1779 = vector.broadcast %add3A_1778 : i32 to vector<16xi32>
        %add3A_1780 = arith.addi %broadcast_in_dim3A_1774, %add3A_1779 : vector<16xi32>
        %add3A_1781 = arith.addi %mul3A_1777, %add3A_1780 : vector<16xi32>
        %gather3A_1782 = tpu.vector_load_idx %arg9[%add3A_1781] : memref<16640xf32, #tpu.memory_space<vmem>>[vector<16xi32>], vector<16xf32>,
        %mul3A_1783 = arith.constant 65 : i32
        %mul3A_1784 = vector.broadcast %mul3A_1783 : i32 to vector<16xi32>
        %mul3A_1785 = arith.muli %add3A_9, %mul3A_1784 : vector<16xi32>
        %add3A_1786 = arith.constant 8320 : i32
        %add3A_1787 = vector.broadcast %add3A_1786 : i32 to vector<16xi32>
        %add3A_1788 = arith.addi %broadcast_in_dim3A_1774, %add3A_1787 : vector<16xi32>
        %add3A_1789 = arith.addi %mul3A_1785, %add3A_1788 : vector<16xi32>
        %gather3A_1790 = tpu.vector_load_idx %arg9[%add3A_1789] : memref<16640xf32, #tpu.memory_space<vmem>>[vector<16xi32>], vector<16xf32>,
        %mul3A_1791 = arith.constant 65 : i32
        %mul3A_1792 = vector.broadcast %mul3A_1791 : i32 to vector<16xi32>
        %mul3A_1793 = arith.muli %add3A_13, %mul3A_1792 : vector<16xi32>
        %add3A_1794 = arith.constant 8320 : i32
        %add3A_1795 = vector.broadcast %add3A_1794 : i32 to vector<16xi32>
        %add3A_1796 = arith.addi %broadcast_in_dim3A_1774, %add3A_1795 : vector<16xi32>
        %add3A_1797 = arith.addi %mul3A_1793, %add3A_1796 : vector<16xi32>
        %gather3A_1798 = tpu.vector_load_idx %arg9[%add3A_1797] : memref<16640xf32, #tpu.memory_space<vmem>>[vector<16xi32>], vector<16xf32>,
        %mul3A_1799 = arith.constant 65 : i32
        %mul3A_1800 = vector.broadcast %mul3A_1799 : i32 to vector<16xi32>
        %mul3A_1801 = arith.muli %add3A_17, %mul3A_1800 : vector<16xi32>
        %add3A_1802 = arith.constant 8320 : i32
        %add3A_1803 = vector.broadcast %add3A_1802 : i32 to vector<16xi32>
        %add3A_1804 = arith.addi %broadcast_in_dim3A_1774, %add3A_1803 : vector<16xi32>
        %add3A_1805 = arith.addi %mul3A_1801, %add3A_1804 : vector<16xi32>
        %gather3A_1806 = tpu.vector_load_idx %arg9[%add3A_1805] : memref<16640xf32, #tpu.memory_space<vmem>>[vector<16xi32>], vector<16xf32>,
        %mul3A_1807 = arith.constant 65 : i32
        %mul3A_1808 = vector.broadcast %mul3A_1807 : i32 to vector<16xi32>
        %mul3A_1809 = arith.muli %add3A_21, %mul3A_1808 : vector<16xi32>
        %add3A_1810 = arith.constant 8320 : i32
        %add3A_1811 = vector.broadcast %add3A_1810 : i32 to vector<16xi32>
        %add3A_1812 = arith.addi %broadcast_in_dim3A_1774, %add3A_1811 : vector<16xi32>
        %add3A_1813 = arith.addi %mul3A_1809, %add3A_1812 : vector<16xi32>
        %gather3A_1814 = tpu.vector_load_idx %arg9[%add3A_1813] : memref<16640xf32, #tpu.memory_space<vmem>>[vector<16xi32>], vector<16xf32>,
        %mul3A_1815 = arith.constant 65 : i32
        %mul3A_1816 = vector.broadcast %mul3A_1815 : i32 to vector<16xi32>
        %mul3A_1817 = arith.muli %add3A_25, %mul3A_1816 : vector<16xi32>
        %add3A_1818 = arith.constant 8320 : i32
        %add3A_1819 = vector.broadcast %add3A_1818 : i32 to vector<16xi32>
        %add3A_1820 = arith.addi %broadcast_in_dim3A_1774, %add3A_1819 : vector<16xi32>
        %add3A_1821 = arith.addi %mul3A_1817, %add3A_1820 : vector<16xi32>
        %gather3A_1822 = tpu.vector_load_idx %arg9[%add3A_1821] : memref<16640xf32, #tpu.memory_space<vmem>>[vector<16xi32>], vector<16xf32>,
        %mul3A_1823 = arith.constant 65 : i32
        %mul3A_1824 = vector.broadcast %mul3A_1823 : i32 to vector<16xi32>
        %mul3A_1825 = arith.muli %add3A_29, %mul3A_1824 : vector<16xi32>
        %add3A_1826 = arith.constant 8320 : i32
        %add3A_1827 = vector.broadcast %add3A_1826 : i32 to vector<16xi32>
        %add3A_1828 = arith.addi %broadcast_in_dim3A_1774, %add3A_1827 : vector<16xi32>
        %add3A_1829 = arith.addi %mul3A_1825, %add3A_1828 : vector<16xi32>
        %gather3A_1830 = tpu.vector_load_idx %arg9[%add3A_1829] : memref<16640xf32, #tpu.memory_space<vmem>>[vector<16xi32>], vector<16xf32>,
        %mul3A_1831 = arith.constant 65 : i32
        %mul3A_1832 = vector.broadcast %mul3A_1831 : i32 to vector<16xi32>
        %mul3A_1833 = arith.muli %add3A_33, %mul3A_1832 : vector<16xi32>
        %add3A_1834 = arith.constant 8320 : i32
        %add3A_1835 = vector.broadcast %add3A_1834 : i32 to vector<16xi32>
        %add3A_1836 = arith.addi %broadcast_in_dim3A_1774, %add3A_1835 : vector<16xi32>
        %add3A_1837 = arith.addi %mul3A_1833, %add3A_1836 : vector<16xi32>
        %gather3A_1838 = tpu.vector_load_idx %arg9[%add3A_1837] : memref<16640xf32, #tpu.memory_space<vmem>>[vector<16xi32>], vector<16xf32>,
        %add3A_1839 = arith.constant 8 : i32
        %add3A_1840 = arith.addi %add3A_1839, %add3A_246 : i32
        %swap3A_1841 = arith.index_cast %add3A_1840 : i32 to index
        %swap3A_1842 = arith.constant 768 : index
        %swap3A_1843 = tpu.vector_load %arg10[%swap3A_1841, %swap3A_1842] {strides = array<i32>} : memref<16x1024xf32, #tpu.memory_space<vmem>>, vector<16xf32>,
        tpu.vector_store %arg10[%swap3A_1841, %swap3A_1842], %gather3A_1782 {strides = array<i32>} : memref<16x1024xf32, #tpu.memory_space<vmem>>, vector<16xf32>,
        %add3A_1844 = arith.constant 8 : i32
        %add3A_1845 = arith.addi %add3A_1844, %add3A_246 : i32
        %swap3A_1846 = arith.index_cast %add3A_1845 : i32 to index
        %swap3A_1847 = arith.constant 784 : index
        %swap3A_1848 = tpu.vector_load %arg10[%swap3A_1846, %swap3A_1847] {strides = array<i32>} : memref<16x1024xf32, #tpu.memory_space<vmem>>, vector<16xf32>,
        tpu.vector_store %arg10[%swap3A_1846, %swap3A_1847], %gather3A_1790 {strides = array<i32>} : memref<16x1024xf32, #tpu.memory_space<vmem>>, vector<16xf32>,
        %add3A_1849 = arith.constant 8 : i32
        %add3A_1850 = arith.addi %add3A_1849, %add3A_246 : i32
        %swap3A_1851 = arith.index_cast %add3A_1850 : i32 to index
        %swap3A_1852 = arith.constant 800 : index
        %swap3A_1853 = tpu.vector_load %arg10[%swap3A_1851, %swap3A_1852] {strides = array<i32>} : memref<16x1024xf32, #tpu.memory_space<vmem>>, vector<16xf32>,
        tpu.vector_store %arg10[%swap3A_1851, %swap3A_1852], %gather3A_1798 {strides = array<i32>} : memref<16x1024xf32, #tpu.memory_space<vmem>>, vector<16xf32>,
        %add3A_1854 = arith.constant 8 : i32
        %add3A_1855 = arith.addi %add3A_1854, %add3A_246 : i32
        %swap3A_1856 = arith.index_cast %add3A_1855 : i32 to index
        %swap3A_1857 = arith.constant 816 : index
        %swap3A_1858 = tpu.vector_load %arg10[%swap3A_1856, %swap3A_1857] {strides = array<i32>} : memref<16x1024xf32, #tpu.memory_space<vmem>>, vector<16xf32>,
        tpu.vector_store %arg10[%swap3A_1856, %swap3A_1857], %gather3A_1806 {strides = array<i32>} : memref<16x1024xf32, #tpu.memory_space<vmem>>, vector<16xf32>,
        %add3A_1859 = arith.constant 8 : i32
        %add3A_1860 = arith.addi %add3A_1859, %add3A_246 : i32
        %swap3A_1861 = arith.index_cast %add3A_1860 : i32 to index
        %swap3A_1862 = arith.constant 832 : index
        %swap3A_1863 = tpu.vector_load %arg10[%swap3A_1861, %swap3A_1862] {strides = array<i32>} : memref<16x1024xf32, #tpu.memory_space<vmem>>, vector<16xf32>,
        tpu.vector_store %arg10[%swap3A_1861, %swap3A_1862], %gather3A_1814 {strides = array<i32>} : memref<16x1024xf32, #tpu.memory_space<vmem>>, vector<16xf32>,
        %add3A_1864 = arith.constant 8 : i32
        %add3A_1865 = arith.addi %add3A_1864, %add3A_246 : i32
        %swap3A_1866 = arith.index_cast %add3A_1865 : i32 to index
        %swap3A_1867 = arith.constant 848 : index
        %swap3A_1868 = tpu.vector_load %arg10[%swap3A_1866, %swap3A_1867] {strides = array<i32>} : memref<16x1024xf32, #tpu.memory_space<vmem>>, vector<16xf32>,
        tpu.vector_store %arg10[%swap3A_1866, %swap3A_1867], %gather3A_1822 {strides = array<i32>} : memref<16x1024xf32, #tpu.memory_space<vmem>>, vector<16xf32>,
        %add3A_1869 = arith.constant 8 : i32
        %add3A_1870 = arith.addi %add3A_1869, %add3A_246 : i32
        %swap3A_1871 = arith.index_cast %add3A_1870 : i32 to index
        %swap3A_1872 = arith.constant 864 : index
        %swap3A_1873 = tpu.vector_load %arg10[%swap3A_1871, %swap3A_1872] {strides = array<i32>} : memref<16x1024xf32, #tpu.memory_space<vmem>>, vector<16xf32>,
        tpu.vector_store %arg10[%swap3A_1871, %swap3A_1872], %gather3A_1830 {strides = array<i32>} : memref<16x1024xf32, #tpu.memory_space<vmem>>, vector<16xf32>,
        %add3A_1874 = arith.constant 8 : i32
        %add3A_1875 = arith.addi %add3A_1874, %add3A_246 : i32
        %swap3A_1876 = arith.index_cast %add3A_1875 : i32 to index
        %swap3A_1877 = arith.constant 880 : index
        %swap3A_1878 = tpu.vector_load %arg10[%swap3A_1876, %swap3A_1877] {strides = array<i32>} : memref<16x1024xf32, #tpu.memory_space<vmem>>, vector<16xf32>,
        tpu.vector_store %arg10[%swap3A_1876, %swap3A_1877], %gather3A_1838 {strides = array<i32>} : memref<16x1024xf32, #tpu.memory_space<vmem>>, vector<16xf32>,
        %mul3A_1879 = arith.constant 8 : i32
        %mul3A_1880 = arith.muli %add3A_246, %mul3A_1879 : i32
        %add3A_1881 = arith.constant 7 : i32
        %add3A_1882 = arith.addi %mul3A_1880, %add3A_1881 : i32
        %broadcast_in_dim3A_1883 = vector.broadcast %add3A_1882 : i32 to vector<16xi32>
        %mul3A_1884 = arith.constant 65 : i32
        %mul3A_1885 = vector.broadcast %mul3A_1884 : i32 to vector<16xi32>
        %mul3A_1886 = arith.muli %add3A_5, %mul3A_1885 : vector<16xi32>
        %add3A_1887 = arith.constant 8320 : i32
        %add3A_1888 = vector.broadcast %add3A_1887 : i32 to vector<16xi32>
        %add3A_1889 = arith.addi %broadcast_in_dim3A_1883, %add3A_1888 : vector<16xi32>
        %add3A_1890 = arith.addi %mul3A_1886, %add3A_1889 : vector<16xi32>
        %gather3A_1891 = tpu.vector_load_idx %arg9[%add3A_1890] : memref<16640xf32, #tpu.memory_space<vmem>>[vector<16xi32>], vector<16xf32>,
        %mul3A_1892 = arith.constant 65 : i32
        %mul3A_1893 = vector.broadcast %mul3A_1892 : i32 to vector<16xi32>
        %mul3A_1894 = arith.muli %add3A_9, %mul3A_1893 : vector<16xi32>
        %add3A_1895 = arith.constant 8320 : i32
        %add3A_1896 = vector.broadcast %add3A_1895 : i32 to vector<16xi32>
        %add3A_1897 = arith.addi %broadcast_in_dim3A_1883, %add3A_1896 : vector<16xi32>
        %add3A_1898 = arith.addi %mul3A_1894, %add3A_1897 : vector<16xi32>
        %gather3A_1899 = tpu.vector_load_idx %arg9[%add3A_1898] : memref<16640xf32, #tpu.memory_space<vmem>>[vector<16xi32>], vector<16xf32>,
        %mul3A_1900 = arith.constant 65 : i32
        %mul3A_1901 = vector.broadcast %mul3A_1900 : i32 to vector<16xi32>
        %mul3A_1902 = arith.muli %add3A_13, %mul3A_1901 : vector<16xi32>
        %add3A_1903 = arith.constant 8320 : i32
        %add3A_1904 = vector.broadcast %add3A_1903 : i32 to vector<16xi32>
        %add3A_1905 = arith.addi %broadcast_in_dim3A_1883, %add3A_1904 : vector<16xi32>
        %add3A_1906 = arith.addi %mul3A_1902, %add3A_1905 : vector<16xi32>
        %gather3A_1907 = tpu.vector_load_idx %arg9[%add3A_1906] : memref<16640xf32, #tpu.memory_space<vmem>>[vector<16xi32>], vector<16xf32>,
        %mul3A_1908 = arith.constant 65 : i32
        %mul3A_1909 = vector.broadcast %mul3A_1908 : i32 to vector<16xi32>
        %mul3A_1910 = arith.muli %add3A_17, %mul3A_1909 : vector<16xi32>
        %add3A_1911 = arith.constant 8320 : i32
        %add3A_1912 = vector.broadcast %add3A_1911 : i32 to vector<16xi32>
        %add3A_1913 = arith.addi %broadcast_in_dim3A_1883, %add3A_1912 : vector<16xi32>
        %add3A_1914 = arith.addi %mul3A_1910, %add3A_1913 : vector<16xi32>
        %gather3A_1915 = tpu.vector_load_idx %arg9[%add3A_1914] : memref<16640xf32, #tpu.memory_space<vmem>>[vector<16xi32>], vector<16xf32>,
        %mul3A_1916 = arith.constant 65 : i32
        %mul3A_1917 = vector.broadcast %mul3A_1916 : i32 to vector<16xi32>
        %mul3A_1918 = arith.muli %add3A_21, %mul3A_1917 : vector<16xi32>
        %add3A_1919 = arith.constant 8320 : i32
        %add3A_1920 = vector.broadcast %add3A_1919 : i32 to vector<16xi32>
        %add3A_1921 = arith.addi %broadcast_in_dim3A_1883, %add3A_1920 : vector<16xi32>
        %add3A_1922 = arith.addi %mul3A_1918, %add3A_1921 : vector<16xi32>
        %gather3A_1923 = tpu.vector_load_idx %arg9[%add3A_1922] : memref<16640xf32, #tpu.memory_space<vmem>>[vector<16xi32>], vector<16xf32>,
        %mul3A_1924 = arith.constant 65 : i32
        %mul3A_1925 = vector.broadcast %mul3A_1924 : i32 to vector<16xi32>
        %mul3A_1926 = arith.muli %add3A_25, %mul3A_1925 : vector<16xi32>
        %add3A_1927 = arith.constant 8320 : i32
        %add3A_1928 = vector.broadcast %add3A_1927 : i32 to vector<16xi32>
        %add3A_1929 = arith.addi %broadcast_in_dim3A_1883, %add3A_1928 : vector<16xi32>
        %add3A_1930 = arith.addi %mul3A_1926, %add3A_1929 : vector<16xi32>
        %gather3A_1931 = tpu.vector_load_idx %arg9[%add3A_1930] : memref<16640xf32, #tpu.memory_space<vmem>>[vector<16xi32>], vector<16xf32>,
        %mul3A_1932 = arith.constant 65 : i32
        %mul3A_1933 = vector.broadcast %mul3A_1932 : i32 to vector<16xi32>
        %mul3A_1934 = arith.muli %add3A_29, %mul3A_1933 : vector<16xi32>
        %add3A_1935 = arith.constant 8320 : i32
        %add3A_1936 = vector.broadcast %add3A_1935 : i32 to vector<16xi32>
        %add3A_1937 = arith.addi %broadcast_in_dim3A_1883, %add3A_1936 : vector<16xi32>
        %add3A_1938 = arith.addi %mul3A_1934, %add3A_1937 : vector<16xi32>
        %gather3A_1939 = tpu.vector_load_idx %arg9[%add3A_1938] : memref<16640xf32, #tpu.memory_space<vmem>>[vector<16xi32>], vector<16xf32>,
        %mul3A_1940 = arith.constant 65 : i32
        %mul3A_1941 = vector.broadcast %mul3A_1940 : i32 to vector<16xi32>
        %mul3A_1942 = arith.muli %add3A_33, %mul3A_1941 : vector<16xi32>
        %add3A_1943 = arith.constant 8320 : i32
        %add3A_1944 = vector.broadcast %add3A_1943 : i32 to vector<16xi32>
        %add3A_1945 = arith.addi %broadcast_in_dim3A_1883, %add3A_1944 : vector<16xi32>
        %add3A_1946 = arith.addi %mul3A_1942, %add3A_1945 : vector<16xi32>
        %gather3A_1947 = tpu.vector_load_idx %arg9[%add3A_1946] : memref<16640xf32, #tpu.memory_space<vmem>>[vector<16xi32>], vector<16xf32>,
        %add3A_1948 = arith.constant 8 : i32
        %add3A_1949 = arith.addi %add3A_1948, %add3A_246 : i32
        %swap3A_1950 = arith.index_cast %add3A_1949 : i32 to index
        %swap3A_1951 = arith.constant 896 : index
        %swap3A_1952 = tpu.vector_load %arg10[%swap3A_1950, %swap3A_1951] {strides = array<i32>} : memref<16x1024xf32, #tpu.memory_space<vmem>>, vector<16xf32>,
        tpu.vector_store %arg10[%swap3A_1950, %swap3A_1951], %gather3A_1891 {strides = array<i32>} : memref<16x1024xf32, #tpu.memory_space<vmem>>, vector<16xf32>,
        %add3A_1953 = arith.constant 8 : i32
        %add3A_1954 = arith.addi %add3A_1953, %add3A_246 : i32
        %swap3A_1955 = arith.index_cast %add3A_1954 : i32 to index
        %swap3A_1956 = arith.constant 912 : index
        %swap3A_1957 = tpu.vector_load %arg10[%swap3A_1955, %swap3A_1956] {strides = array<i32>} : memref<16x1024xf32, #tpu.memory_space<vmem>>, vector<16xf32>,
        tpu.vector_store %arg10[%swap3A_1955, %swap3A_1956], %gather3A_1899 {strides = array<i32>} : memref<16x1024xf32, #tpu.memory_space<vmem>>, vector<16xf32>,
        %add3A_1958 = arith.constant 8 : i32
        %add3A_1959 = arith.addi %add3A_1958, %add3A_246 : i32
        %swap3A_1960 = arith.index_cast %add3A_1959 : i32 to index
        %swap3A_1961 = arith.constant 928 : index
        %swap3A_1962 = tpu.vector_load %arg10[%swap3A_1960, %swap3A_1961] {strides = array<i32>} : memref<16x1024xf32, #tpu.memory_space<vmem>>, vector<16xf32>,
        tpu.vector_store %arg10[%swap3A_1960, %swap3A_1961], %gather3A_1907 {strides = array<i32>} : memref<16x1024xf32, #tpu.memory_space<vmem>>, vector<16xf32>,
        %add3A_1963 = arith.constant 8 : i32
        %add3A_1964 = arith.addi %add3A_1963, %add3A_246 : i32
        %swap3A_1965 = arith.index_cast %add3A_1964 : i32 to index
        %swap3A_1966 = arith.constant 944 : index
        %swap3A_1967 = tpu.vector_load %arg10[%swap3A_1965, %swap3A_1966] {strides = array<i32>} : memref<16x1024xf32, #tpu.memory_space<vmem>>, vector<16xf32>,
        tpu.vector_store %arg10[%swap3A_1965, %swap3A_1966], %gather3A_1915 {strides = array<i32>} : memref<16x1024xf32, #tpu.memory_space<vmem>>, vector<16xf32>,
        %add3A_1968 = arith.constant 8 : i32
        %add3A_1969 = arith.addi %add3A_1968, %add3A_246 : i32
        %swap3A_1970 = arith.index_cast %add3A_1969 : i32 to index
        %swap3A_1971 = arith.constant 960 : index
        %swap3A_1972 = tpu.vector_load %arg10[%swap3A_1970, %swap3A_1971] {strides = array<i32>} : memref<16x1024xf32, #tpu.memory_space<vmem>>, vector<16xf32>,
        tpu.vector_store %arg10[%swap3A_1970, %swap3A_1971], %gather3A_1923 {strides = array<i32>} : memref<16x1024xf32, #tpu.memory_space<vmem>>, vector<16xf32>,
        %add3A_1973 = arith.constant 8 : i32
        %add3A_1974 = arith.addi %add3A_1973, %add3A_246 : i32
        %swap3A_1975 = arith.index_cast %add3A_1974 : i32 to index
        %swap3A_1976 = arith.constant 976 : index
        %swap3A_1977 = tpu.vector_load %arg10[%swap3A_1975, %swap3A_1976] {strides = array<i32>} : memref<16x1024xf32, #tpu.memory_space<vmem>>, vector<16xf32>,
        tpu.vector_store %arg10[%swap3A_1975, %swap3A_1976], %gather3A_1931 {strides = array<i32>} : memref<16x1024xf32, #tpu.memory_space<vmem>>, vector<16xf32>,
        %add3A_1978 = arith.constant 8 : i32
        %add3A_1979 = arith.addi %add3A_1978, %add3A_246 : i32
        %swap3A_1980 = arith.index_cast %add3A_1979 : i32 to index
        %swap3A_1981 = arith.constant 992 : index
        %swap3A_1982 = tpu.vector_load %arg10[%swap3A_1980, %swap3A_1981] {strides = array<i32>} : memref<16x1024xf32, #tpu.memory_space<vmem>>, vector<16xf32>,
        tpu.vector_store %arg10[%swap3A_1980, %swap3A_1981], %gather3A_1939 {strides = array<i32>} : memref<16x1024xf32, #tpu.memory_space<vmem>>, vector<16xf32>,
        %add3A_1983 = arith.constant 8 : i32
        %add3A_1984 = arith.addi %add3A_1983, %add3A_246 : i32
        %swap3A_1985 = arith.index_cast %add3A_1984 : i32 to index
        %swap3A_1986 = arith.constant 1008 : index
        %swap3A_1987 = tpu.vector_load %arg10[%swap3A_1985, %swap3A_1986] {strides = array<i32>} : memref<16x1024xf32, #tpu.memory_space<vmem>>, vector<16xf32>,
        tpu.vector_store %arg10[%swap3A_1985, %swap3A_1986], %gather3A_1947 {strides = array<i32>} : memref<16x1024xf32, #tpu.memory_space<vmem>>, vector<16xf32>,
      }
      %scan3A_137 = arith.constant 8 : i32
      %dma_start3A_138 = arith.constant 0 : i32
      %dma_start3A_139 = arith.constant 0 : i32
      %dma_start3A_140 = tpu.memref_slice %arg5[%add3A_72, %dma_start3A_138, %add3A, %dma_start3A_139] : memref<100x16x32x1024xf32, #tpu.memory_space<hbm>> -> memref<1x16x1x1024xf32, #tpu.memory_space<hbm>>
      %dma_start3A_141 = tpu.memref_squeeze %dma_start3A_140 : memref<1x16x1x1024xf32, #tpu.memory_space<hbm>> -> memref<16x1024xf32, #tpu.memory_space<hbm>>
      %dma_start3A_142 = arith.constant 0 : i32
      %dma_start3A_143 = arith.constant 0 : i32
      %dma_start3A_144 = tpu.memref_slice %arg5[%add3A_72, %dma_start3A_142, %add3A, %dma_start3A_143] : memref<100x16x32x1024xf32, #tpu.memory_space<hbm>> -> memref<1x16x1x1024xf32, #tpu.memory_space<hbm>>
      %dma_start3A_145 = tpu.memref_squeeze %dma_start3A_144 : memref<1x16x1x1024xf32, #tpu.memory_space<hbm>> -> memref<16x1024xf32, #tpu.memory_space<hbm>>
      tpu.enqueue_dma source(%arg10 : memref<16x1024xf32, #tpu.memory_space<vmem>>) target(%dma_start3A_145 : memref<16x1024xf32, #tpu.memory_space<hbm>>) target_semaphore(%arg15 : memref<!tpu.dma_semaphore, #tpu.memory_space<semaphore_mem>>)
      %dma_wait3A_146 = tpu.memref_slice %arg6[%mul3A_87] : memref<25600xi32, #tpu.memory_space<vmem>> -> memref<256xi32, #tpu.memory_space<vmem>>
      %dma_wait3A_147 = arith.constant 0 : i32
      %dma_wait3A_148 = arith.constant 0 : i32
      %dma_wait3A_149 = tpu.memref_slice %arg2[%dma_wait3A_147, %dma_wait3A_148] : memref<1000000x64xf32, #tpu.memory_space<hbm>> -> memref<1000000x64xf32, #tpu.memory_space<hbm>>
      tpu.wait_indirect_dma semaphore(%arg14 : memref<!tpu.dma_semaphore, #tpu.memory_space<semaphore_mem>>) src(%dma_wait3A_149 : memref<1000000x64xf32, #tpu.memory_space<hbm>>) dst(%arg8 : memref<256x64xf32, #tpu.memory_space<vmem>>)
      %mul3A_150 = arith.constant 2 : i32
      %mul3A_151 = arith.muli %mul3A_150, %add3A_68 : i32
      %add3A_152 = arith.constant 1 : i32
      %add3A_153 = arith.addi %mul3A_151, %add3A_152 : i32
      %ge3A_154 = arith.constant 2 : i32
      %ge3A_155 = arith.cmpi sge, %add3A_153, %ge3A_154 : i32
      %convert_element_type3A_156 = arith.extui %ge3A_155 : i1 to i32
      %cond3A_157 = arith.constant 0 : i32
      %cond3A_158 = arith.cmpi ne, %convert_element_type3A_156, %cond3A_157 : i32
      scf.if %cond3A_158 {
        %dma_wait3A_242 = arith.constant 0 : i32
        %dma_wait3A_243 = arith.constant 0 : i32
        %dma_wait3A_244 = arith.constant 0 : i32
        %dma_wait3A_245 = tpu.memref_slice %arg5[%dma_wait3A_242, %dma_wait3A_243, %add3A, %dma_wait3A_244] : memref<100x16x32x1024xf32, #tpu.memory_space<hbm>> -> memref<1x16x1x1024xf32, #tpu.memory_space<hbm>>
        %dma_wait3A_246 = tpu.memref_squeeze %dma_wait3A_245 : memref<1x16x1x1024xf32, #tpu.memory_space<hbm>> -> memref<16x1024xf32, #tpu.memory_space<hbm>>
        %dma_wait3A_247 = arith.constant 0 : i32
        %dma_wait3A_248 = arith.constant 0 : i32
        %dma_wait3A_249 = tpu.memref_slice %arg5[%dma_wait3A_242, %dma_wait3A_247, %add3A, %dma_wait3A_248] : memref<100x16x32x1024xf32, #tpu.memory_space<hbm>> -> memref<1x16x1x1024xf32, #tpu.memory_space<hbm>>
        %dma_wait3A_250 = tpu.memref_squeeze %dma_wait3A_249 : memref<1x16x1x1024xf32, #tpu.memory_space<hbm>> -> memref<16x1024xf32, #tpu.memory_space<hbm>>
        tpu.wait_dma2 semaphore(%arg16 : memref<!tpu.dma_semaphore, #tpu.memory_space<semaphore_mem>>) src(%arg11 : memref<16x1024xf32, #tpu.memory_space<vmem>>) dst(%dma_wait3A_250 : memref<16x1024xf32, #tpu.memory_space<hbm>>)
      } else {
      }
      %add3A_159 = arith.constant 1 : i32
      %add3A_160 = arith.addi %add3A_153, %add3A_159 : i32
      %jit3A_161 = arith.constant 100 : i32
      %eq3A_162 = arith.constant 0 : i32
      %eq3A_163 = arith.cmpi eq, %jit3A_161, %eq3A_162 : i32
      %jit3A_164 = arith.constant 1 : i32
      %select_n3A_165 = arith.select %eq3A_163, %jit3A_164, %jit3A_161 : i32
      %rem3A_166 = arith.remsi %add3A_160, %select_n3A_165 : i32
      %ne3A_167 = arith.constant 0 : i32
      %ne3A_168 = arith.cmpi ne, %rem3A_166, %ne3A_167 : i32
      %lt3A_169 = arith.constant 0 : i32
      %lt3A_170 = arith.cmpi slt, %rem3A_166, %lt3A_169 : i32
      %lt3A_171 = arith.constant 0 : i32
      %lt3A_172 = arith.cmpi slt, %select_n3A_165, %lt3A_171 : i32
      %ne3A_173 = arith.xori %lt3A_170, %lt3A_172 : i1
      %and3A_174 = arith.andi %ne3A_173, %ne3A_168 : i1
      %add3A_175 = arith.addi %rem3A_166, %select_n3A_165 : i32
      %select_n3A_176 = arith.select %and3A_174, %add3A_175, %rem3A_166 : i32
      %mul3A_177 = arith.constant 256 : i32
      %mul3A_178 = arith.muli %select_n3A_176, %mul3A_177 : i32
      %dma_start3A_179 = tpu.memref_slice %arg6[%mul3A_178] : memref<25600xi32, #tpu.memory_space<vmem>> -> memref<256xi32, #tpu.memory_space<vmem>>
      %dma_start3A_180 = arith.constant 0 : i32
      %dma_start3A_181 = arith.constant 0 : i32
      %dma_start3A_182 = tpu.memref_slice %arg2[%dma_start3A_180, %dma_start3A_181] : memref<1000000x64xf32, #tpu.memory_space<hbm>> -> memref<1000000x64xf32, #tpu.memory_space<hbm>>
      tpu.enqueue_indirect_dma source(%dma_start3A_182 : memref<1000000x64xf32, #tpu.memory_space<hbm>>) target(%arg7 : memref<256x64xf32, #tpu.memory_space<vmem>>) offsets(%dma_start3A_179 : memref<256xi32, #tpu.memory_space<vmem>>) semaphore(%arg13 : memref<!tpu.dma_semaphore, #tpu.memory_space<semaphore_mem>>)
      %mul3A_183 = arith.constant 2 : i32
      %mul3A_184 = arith.muli %mul3A_183, %add3A_153 : i32
      %add3A_185 = arith.constant 0 : i32
      %add3A_186 = arith.addi %mul3A_184, %add3A_185 : i32
      %get3A_187 = arith.index_cast %add3A_186 : i32 to index
      %get3A_188 = arith.constant 0 : index
      %get3A_189 = tpu.vector_load %arg12[%get3A_187, %get3A_188] {strides = array<i32>} : memref<200x64xf32, #tpu.memory_space<vmem>>, vector<16xf32>,
      %get3A_190 = arith.index_cast %add3A_186 : i32 to index
      %get3A_191 = arith.constant 16 : index
      %get3A_192 = tpu.vector_load %arg12[%get3A_190, %get3A_191] {strides = array<i32>} : memref<200x64xf32, #tpu.memory_space<vmem>>, vector<16xf32>,
      %get3A_193 = arith.index_cast %add3A_186 : i32 to index
      %get3A_194 = arith.constant 32 : index
      %get3A_195 = tpu.vector_load %arg12[%get3A_193, %get3A_194] {strides = array<i32>} : memref<200x64xf32, #tpu.memory_space<vmem>>, vector<16xf32>,
      %get3A_196 = arith.index_cast %add3A_186 : i32 to index
      %get3A_197 = arith.constant 48 : index
      %get3A_198 = tpu.vector_load %arg12[%get3A_196, %get3A_197] {strides = array<i32>} : memref<200x64xf32, #tpu.memory_space<vmem>>, vector<16xf32>,
      %scan3A_199 = arith.constant 0 : i32
      %scan3A_200 = arith.constant 16 : i32
      %scan3A_201 = arith.addi %scan3A_199, %scan3A_200 : i32
      %scan3A_202 = arith.constant 1 : i32
      scf.for %scan3A_242 = %scan3A_199 to %scan3A_201 step %scan3A_202  : i32 {
        %mul3A_243 = arith.constant 1 : i32
        %mul3A_244 = arith.muli %scan3A_242, %mul3A_243 : i32
        %add3A_245 = arith.constant 0 : i32
        %add3A_246 = arith.addi %add3A_245, %mul3A_244 : i32
        %mul3A_247 = arith.constant 8 : i32
        %mul3A_248 = arith.muli %add3A_246, %mul3A_247 : i32
        %add3A_249 = arith.constant 0 : i32
        %add3A_250 = arith.addi %add3A_249, %mul3A_248 : i32
        %add3A_251 = arith.constant 0 : i32
        %add3A_252 = arith.addi %add3A_250, %add3A_251 : i32
        %get3A_253 = arith.index_cast %add3A_252 : i32 to index
        %get3A_254 = arith.constant 0 : index
        %get3A_255 = tpu.vector_load %arg8[%get3A_253, %get3A_254] {strides = array<i32>} : memref<256x64xf32, #tpu.memory_space<vmem>>, vector<16xf32>,
        %add3A_256 = arith.addf %get3A_255, %get3A_189 : vector<16xf32>
        %get3A_257 = arith.index_cast %add3A_252 : i32 to index
        %get3A_258 = arith.constant 16 : index
        %get3A_259 = tpu.vector_load %arg8[%get3A_257, %get3A_258] {strides = array<i32>} : memref<256x64xf32, #tpu.memory_space<vmem>>, vector<16xf32>,
        %add3A_260 = arith.addf %get3A_259, %get3A_192 : vector<16xf32>
        %get3A_261 = arith.index_cast %add3A_252 : i32 to index
        %get3A_262 = arith.constant 32 : index
        %get3A_263 = tpu.vector_load %arg8[%get3A_261, %get3A_262] {strides = array<i32>} : memref<256x64xf32, #tpu.memory_space<vmem>>, vector<16xf32>,
        %add3A_264 = arith.addf %get3A_263, %get3A_195 : vector<16xf32>
        %get3A_265 = arith.index_cast %add3A_252 : i32 to index
        %get3A_266 = arith.constant 48 : index
        %get3A_267 = tpu.vector_load %arg8[%get3A_265, %get3A_266] {strides = array<i32>} : memref<256x64xf32, #tpu.memory_space<vmem>>, vector<16xf32>,
        %add3A_268 = arith.addf %get3A_267, %get3A_198 : vector<16xf32>
        %mul3A_269 = arith.constant 65 : i32
        %mul3A_270 = arith.muli %add3A_252, %mul3A_269 : i32
        %add3A_271 = arith.constant 0 : i32
        %add3A_272 = arith.addi %mul3A_270, %add3A_271 : i32
        %swap3A = arith.index_cast %add3A_272 : i32 to index
        %swap3A_273 = tpu.vector_load %arg9[%swap3A] {strides = array<i32>} : memref<16640xf32, #tpu.memory_space<vmem>>, vector<16xf32>,
        tpu.vector_store %arg9[%swap3A], %add3A_256 {strides = array<i32>} : memref<16640xf32, #tpu.memory_space<vmem>>, vector<16xf32>,
        %mul3A_274 = arith.constant 65 : i32
        %mul3A_275 = arith.muli %add3A_252, %mul3A_274 : i32
        %add3A_276 = arith.constant 16 : i32
        %add3A_277 = arith.addi %mul3A_275, %add3A_276 : i32
        %swap3A_278 = arith.index_cast %add3A_277 : i32 to index
        %swap3A_279 = tpu.vector_load %arg9[%swap3A_278] {strides = array<i32>} : memref<16640xf32, #tpu.memory_space<vmem>>, vector<16xf32>,
        tpu.vector_store %arg9[%swap3A_278], %add3A_260 {strides = array<i32>} : memref<16640xf32, #tpu.memory_space<vmem>>, vector<16xf32>,
        %mul3A_280 = arith.constant 65 : i32
        %mul3A_281 = arith.muli %add3A_252, %mul3A_280 : i32
        %add3A_282 = arith.constant 32 : i32
        %add3A_283 = arith.addi %mul3A_281, %add3A_282 : i32
        %swap3A_284 = arith.index_cast %add3A_283 : i32 to index
        %swap3A_285 = tpu.vector_load %arg9[%swap3A_284] {strides = array<i32>} : memref<16640xf32, #tpu.memory_space<vmem>>, vector<16xf32>,
        tpu.vector_store %arg9[%swap3A_284], %add3A_264 {strides = array<i32>} : memref<16640xf32, #tpu.memory_space<vmem>>, vector<16xf32>,
        %mul3A_286 = arith.constant 65 : i32
        %mul3A_287 = arith.muli %add3A_252, %mul3A_286 : i32
        %add3A_288 = arith.constant 48 : i32
        %add3A_289 = arith.addi %mul3A_287, %add3A_288 : i32
        %swap3A_290 = arith.index_cast %add3A_289 : i32 to index
        %swap3A_291 = tpu.vector_load %arg9[%swap3A_290] {strides = array<i32>} : memref<16640xf32, #tpu.memory_space<vmem>>, vector<16xf32>,
        tpu.vector_store %arg9[%swap3A_290], %add3A_268 {strides = array<i32>} : memref<16640xf32, #tpu.memory_space<vmem>>, vector<16xf32>,
        %mul3A_292 = arith.constant 8 : i32
        %mul3A_293 = arith.muli %add3A_246, %mul3A_292 : i32
        %add3A_294 = arith.constant 0 : i32
        %add3A_295 = arith.addi %add3A_294, %mul3A_293 : i32
        %add3A_296 = arith.constant 1 : i32
        %add3A_297 = arith.addi %add3A_295, %add3A_296 : i32
        %get3A_298 = arith.index_cast %add3A_297 : i32 to index
        %get3A_299 = arith.constant 0 : index
        %get3A_300 = tpu.vector_load %arg8[%get3A_298, %get3A_299] {strides = array<i32>} : memref<256x64xf32, #tpu.memory_space<vmem>>, vector<16xf32>,
        %add3A_301 = arith.addf %get3A_300, %get3A_189 : vector<16xf32>
        %get3A_302 = arith.index_cast %add3A_297 : i32 to index
        %get3A_303 = arith.constant 16 : index
        %get3A_304 = tpu.vector_load %arg8[%get3A_302, %get3A_303] {strides = array<i32>} : memref<256x64xf32, #tpu.memory_space<vmem>>, vector<16xf32>,
        %add3A_305 = arith.addf %get3A_304, %get3A_192 : vector<16xf32>
        %get3A_306 = arith.index_cast %add3A_297 : i32 to index
        %get3A_307 = arith.constant 32 : index
        %get3A_308 = tpu.vector_load %arg8[%get3A_306, %get3A_307] {strides = array<i32>} : memref<256x64xf32, #tpu.memory_space<vmem>>, vector<16xf32>,
        %add3A_309 = arith.addf %get3A_308, %get3A_195 : vector<16xf32>
        %get3A_310 = arith.index_cast %add3A_297 : i32 to index
        %get3A_311 = arith.constant 48 : index
        %get3A_312 = tpu.vector_load %arg8[%get3A_310, %get3A_311] {strides = array<i32>} : memref<256x64xf32, #tpu.memory_space<vmem>>, vector<16xf32>,
        %add3A_313 = arith.addf %get3A_312, %get3A_198 : vector<16xf32>
        %mul3A_314 = arith.constant 65 : i32
        %mul3A_315 = arith.muli %add3A_297, %mul3A_314 : i32
        %add3A_316 = arith.constant 0 : i32
        %add3A_317 = arith.addi %mul3A_315, %add3A_316 : i32
        %swap3A_318 = arith.index_cast %add3A_317 : i32 to index
        %swap3A_319 = tpu.vector_load %arg9[%swap3A_318] {strides = array<i32>} : memref<16640xf32, #tpu.memory_space<vmem>>, vector<16xf32>,
        tpu.vector_store %arg9[%swap3A_318], %add3A_301 {strides = array<i32>} : memref<16640xf32, #tpu.memory_space<vmem>>, vector<16xf32>,
        %mul3A_320 = arith.constant 65 : i32
        %mul3A_321 = arith.muli %add3A_297, %mul3A_320 : i32
        %add3A_322 = arith.constant 16 : i32
        %add3A_323 = arith.addi %mul3A_321, %add3A_322 : i32
        %swap3A_324 = arith.index_cast %add3A_323 : i32 to index
        %swap3A_325 = tpu.vector_load %arg9[%swap3A_324] {strides = array<i32>} : memref<16640xf32, #tpu.memory_space<vmem>>, vector<16xf32>,
        tpu.vector_store %arg9[%swap3A_324], %add3A_305 {strides = array<i32>} : memref<16640xf32, #tpu.memory_space<vmem>>, vector<16xf32>,
        %mul3A_326 = arith.constant 65 : i32
        %mul3A_327 = arith.muli %add3A_297, %mul3A_326 : i32
        %add3A_328 = arith.constant 32 : i32
        %add3A_329 = arith.addi %mul3A_327, %add3A_328 : i32
        %swap3A_330 = arith.index_cast %add3A_329 : i32 to index
        %swap3A_331 = tpu.vector_load %arg9[%swap3A_330] {strides = array<i32>} : memref<16640xf32, #tpu.memory_space<vmem>>, vector<16xf32>,
        tpu.vector_store %arg9[%swap3A_330], %add3A_309 {strides = array<i32>} : memref<16640xf32, #tpu.memory_space<vmem>>, vector<16xf32>,
        %mul3A_332 = arith.constant 65 : i32
        %mul3A_333 = arith.muli %add3A_297, %mul3A_332 : i32
        %add3A_334 = arith.constant 48 : i32
        %add3A_335 = arith.addi %mul3A_333, %add3A_334 : i32
        %swap3A_336 = arith.index_cast %add3A_335 : i32 to index
        %swap3A_337 = tpu.vector_load %arg9[%swap3A_336] {strides = array<i32>} : memref<16640xf32, #tpu.memory_space<vmem>>, vector<16xf32>,
        tpu.vector_store %arg9[%swap3A_336], %add3A_313 {strides = array<i32>} : memref<16640xf32, #tpu.memory_space<vmem>>, vector<16xf32>,
        %mul3A_338 = arith.constant 8 : i32
        %mul3A_339 = arith.muli %add3A_246, %mul3A_338 : i32
        %add3A_340 = arith.constant 0 : i32
        %add3A_341 = arith.addi %add3A_340, %mul3A_339 : i32
        %add3A_342 = arith.constant 2 : i32
        %add3A_343 = arith.addi %add3A_341, %add3A_342 : i32
        %get3A_344 = arith.index_cast %add3A_343 : i32 to index
        %get3A_345 = arith.constant 0 : index
        %get3A_346 = tpu.vector_load %arg8[%get3A_344, %get3A_345] {strides = array<i32>} : memref<256x64xf32, #tpu.memory_space<vmem>>, vector<16xf32>,
        %add3A_347 = arith.addf %get3A_346, %get3A_189 : vector<16xf32>
        %get3A_348 = arith.index_cast %add3A_343 : i32 to index
        %get3A_349 = arith.constant 16 : index
        %get3A_350 = tpu.vector_load %arg8[%get3A_348, %get3A_349] {strides = array<i32>} : memref<256x64xf32, #tpu.memory_space<vmem>>, vector<16xf32>,
        %add3A_351 = arith.addf %get3A_350, %get3A_192 : vector<16xf32>
        %get3A_352 = arith.index_cast %add3A_343 : i32 to index
        %get3A_353 = arith.constant 32 : index
        %get3A_354 = tpu.vector_load %arg8[%get3A_352, %get3A_353] {strides = array<i32>} : memref<256x64xf32, #tpu.memory_space<vmem>>, vector<16xf32>,
        %add3A_355 = arith.addf %get3A_354, %get3A_195 : vector<16xf32>
        %get3A_356 = arith.index_cast %add3A_343 : i32 to index
        %get3A_357 = arith.constant 48 : index
        %get3A_358 = tpu.vector_load %arg8[%get3A_356, %get3A_357] {strides = array<i32>} : memref<256x64xf32, #tpu.memory_space<vmem>>, vector<16xf32>,
        %add3A_359 = arith.addf %get3A_358, %get3A_198 : vector<16xf32>
        %mul3A_360 = arith.constant 65 : i32
        %mul3A_361 = arith.muli %add3A_343, %mul3A_360 : i32
        %add3A_362 = arith.constant 0 : i32
        %add3A_363 = arith.addi %mul3A_361, %add3A_362 : i32
        %swap3A_364 = arith.index_cast %add3A_363 : i32 to index
        %swap3A_365 = tpu.vector_load %arg9[%swap3A_364] {strides = array<i32>} : memref<16640xf32, #tpu.memory_space<vmem>>, vector<16xf32>,
        tpu.vector_store %arg9[%swap3A_364], %add3A_347 {strides = array<i32>} : memref<16640xf32, #tpu.memory_space<vmem>>, vector<16xf32>,
        %mul3A_366 = arith.constant 65 : i32
        %mul3A_367 = arith.muli %add3A_343, %mul3A_366 : i32
        %add3A_368 = arith.constant 16 : i32
        %add3A_369 = arith.addi %mul3A_367, %add3A_368 : i32
        %swap3A_370 = arith.index_cast %add3A_369 : i32 to index
        %swap3A_371 = tpu.vector_load %arg9[%swap3A_370] {strides = array<i32>} : memref<16640xf32, #tpu.memory_space<vmem>>, vector<16xf32>,
        tpu.vector_store %arg9[%swap3A_370], %add3A_351 {strides = array<i32>} : memref<16640xf32, #tpu.memory_space<vmem>>, vector<16xf32>,
        %mul3A_372 = arith.constant 65 : i32
        %mul3A_373 = arith.muli %add3A_343, %mul3A_372 : i32
        %add3A_374 = arith.constant 32 : i32
        %add3A_375 = arith.addi %mul3A_373, %add3A_374 : i32
        %swap3A_376 = arith.index_cast %add3A_375 : i32 to index
        %swap3A_377 = tpu.vector_load %arg9[%swap3A_376] {strides = array<i32>} : memref<16640xf32, #tpu.memory_space<vmem>>, vector<16xf32>,
        tpu.vector_store %arg9[%swap3A_376], %add3A_355 {strides = array<i32>} : memref<16640xf32, #tpu.memory_space<vmem>>, vector<16xf32>,
        %mul3A_378 = arith.constant 65 : i32
        %mul3A_379 = arith.muli %add3A_343, %mul3A_378 : i32
        %add3A_380 = arith.constant 48 : i32
        %add3A_381 = arith.addi %mul3A_379, %add3A_380 : i32
        %swap3A_382 = arith.index_cast %add3A_381 : i32 to index
        %swap3A_383 = tpu.vector_load %arg9[%swap3A_382] {strides = array<i32>} : memref<16640xf32, #tpu.memory_space<vmem>>, vector<16xf32>,
        tpu.vector_store %arg9[%swap3A_382], %add3A_359 {strides = array<i32>} : memref<16640xf32, #tpu.memory_space<vmem>>, vector<16xf32>,
        %mul3A_384 = arith.constant 8 : i32
        %mul3A_385 = arith.muli %add3A_246, %mul3A_384 : i32
        %add3A_386 = arith.constant 0 : i32
        %add3A_387 = arith.addi %add3A_386, %mul3A_385 : i32
        %add3A_388 = arith.constant 3 : i32
        %add3A_389 = arith.addi %add3A_387, %add3A_388 : i32
        %get3A_390 = arith.index_cast %add3A_389 : i32 to index
        %get3A_391 = arith.constant 0 : index
        %get3A_392 = tpu.vector_load %arg8[%get3A_390, %get3A_391] {strides = array<i32>} : memref<256x64xf32, #tpu.memory_space<vmem>>, vector<16xf32>,
        %add3A_393 = arith.addf %get3A_392, %get3A_189 : vector<16xf32>
        %get3A_394 = arith.index_cast %add3A_389 : i32 to index
        %get3A_395 = arith.constant 16 : index
        %get3A_396 = tpu.vector_load %arg8[%get3A_394, %get3A_395] {strides = array<i32>} : memref<256x64xf32, #tpu.memory_space<vmem>>, vector<16xf32>,
        %add3A_397 = arith.addf %get3A_396, %get3A_192 : vector<16xf32>
        %get3A_398 = arith.index_cast %add3A_389 : i32 to index
        %get3A_399 = arith.constant 32 : index
        %get3A_400 = tpu.vector_load %arg8[%get3A_398, %get3A_399] {strides = array<i32>} : memref<256x64xf32, #tpu.memory_space<vmem>>, vector<16xf32>,
        %add3A_401 = arith.addf %get3A_400, %get3A_195 : vector<16xf32>
        %get3A_402 = arith.index_cast %add3A_389 : i32 to index
        %get3A_403 = arith.constant 48 : index
        %get3A_404 = tpu.vector_load %arg8[%get3A_402, %get3A_403] {strides = array<i32>} : memref<256x64xf32, #tpu.memory_space<vmem>>, vector<16xf32>,
        %add3A_405 = arith.addf %get3A_404, %get3A_198 : vector<16xf32>
        %mul3A_406 = arith.constant 65 : i32
        %mul3A_407 = arith.muli %add3A_389, %mul3A_406 : i32
        %add3A_408 = arith.constant 0 : i32
        %add3A_409 = arith.addi %mul3A_407, %add3A_408 : i32
        %swap3A_410 = arith.index_cast %add3A_409 : i32 to index
        %swap3A_411 = tpu.vector_load %arg9[%swap3A_410] {strides = array<i32>} : memref<16640xf32, #tpu.memory_space<vmem>>, vector<16xf32>,
        tpu.vector_store %arg9[%swap3A_410], %add3A_393 {strides = array<i32>} : memref<16640xf32, #tpu.memory_space<vmem>>, vector<16xf32>,
        %mul3A_412 = arith.constant 65 : i32
        %mul3A_413 = arith.muli %add3A_389, %mul3A_412 : i32
        %add3A_414 = arith.constant 16 : i32
        %add3A_415 = arith.addi %mul3A_413, %add3A_414 : i32
        %swap3A_416 = arith.index_cast %add3A_415 : i32 to index
        %swap3A_417 = tpu.vector_load %arg9[%swap3A_416] {strides = array<i32>} : memref<16640xf32, #tpu.memory_space<vmem>>, vector<16xf32>,
        tpu.vector_store %arg9[%swap3A_416], %add3A_397 {strides = array<i32>} : memref<16640xf32, #tpu.memory_space<vmem>>, vector<16xf32>,
        %mul3A_418 = arith.constant 65 : i32
        %mul3A_419 = arith.muli %add3A_389, %mul3A_418 : i32
        %add3A_420 = arith.constant 32 : i32
        %add3A_421 = arith.addi %mul3A_419, %add3A_420 : i32
        %swap3A_422 = arith.index_cast %add3A_421 : i32 to index
        %swap3A_423 = tpu.vector_load %arg9[%swap3A_422] {strides = array<i32>} : memref<16640xf32, #tpu.memory_space<vmem>>, vector<16xf32>,
        tpu.vector_store %arg9[%swap3A_422], %add3A_401 {strides = array<i32>} : memref<16640xf32, #tpu.memory_space<vmem>>, vector<16xf32>,
        %mul3A_424 = arith.constant 65 : i32
        %mul3A_425 = arith.muli %add3A_389, %mul3A_424 : i32
        %add3A_426 = arith.constant 48 : i32
        %add3A_427 = arith.addi %mul3A_425, %add3A_426 : i32
        %swap3A_428 = arith.index_cast %add3A_427 : i32 to index
        %swap3A_429 = tpu.vector_load %arg9[%swap3A_428] {strides = array<i32>} : memref<16640xf32, #tpu.memory_space<vmem>>, vector<16xf32>,
        tpu.vector_store %arg9[%swap3A_428], %add3A_405 {strides = array<i32>} : memref<16640xf32, #tpu.memory_space<vmem>>, vector<16xf32>,
        %mul3A_430 = arith.constant 8 : i32
        %mul3A_431 = arith.muli %add3A_246, %mul3A_430 : i32
        %add3A_432 = arith.constant 0 : i32
        %add3A_433 = arith.addi %add3A_432, %mul3A_431 : i32
        %add3A_434 = arith.constant 4 : i32
        %add3A_435 = arith.addi %add3A_433, %add3A_434 : i32
        %get3A_436 = arith.index_cast %add3A_435 : i32 to index
        %get3A_437 = arith.constant 0 : index
        %get3A_438 = tpu.vector_load %arg8[%get3A_436, %get3A_437] {strides = array<i32>} : memref<256x64xf32, #tpu.memory_space<vmem>>, vector<16xf32>,
        %add3A_439 = arith.addf %get3A_438, %get3A_189 : vector<16xf32>
        %get3A_440 = arith.index_cast %add3A_435 : i32 to index
        %get3A_441 = arith.constant 16 : index
        %get3A_442 = tpu.vector_load %arg8[%get3A_440, %get3A_441] {strides = array<i32>} : memref<256x64xf32, #tpu.memory_space<vmem>>, vector<16xf32>,
        %add3A_443 = arith.addf %get3A_442, %get3A_192 : vector<16xf32>
        %get3A_444 = arith.index_cast %add3A_435 : i32 to index
        %get3A_445 = arith.constant 32 : index
        %get3A_446 = tpu.vector_load %arg8[%get3A_444, %get3A_445] {strides = array<i32>} : memref<256x64xf32, #tpu.memory_space<vmem>>, vector<16xf32>,
        %add3A_447 = arith.addf %get3A_446, %get3A_195 : vector<16xf32>
        %get3A_448 = arith.index_cast %add3A_435 : i32 to index
        %get3A_449 = arith.constant 48 : index
        %get3A_450 = tpu.vector_load %arg8[%get3A_448, %get3A_449] {strides = array<i32>} : memref<256x64xf32, #tpu.memory_space<vmem>>, vector<16xf32>,
        %add3A_451 = arith.addf %get3A_450, %get3A_198 : vector<16xf32>
        %mul3A_452 = arith.constant 65 : i32
        %mul3A_453 = arith.muli %add3A_435, %mul3A_452 : i32
        %add3A_454 = arith.constant 0 : i32
        %add3A_455 = arith.addi %mul3A_453, %add3A_454 : i32
        %swap3A_456 = arith.index_cast %add3A_455 : i32 to index
        %swap3A_457 = tpu.vector_load %arg9[%swap3A_456] {strides = array<i32>} : memref<16640xf32, #tpu.memory_space<vmem>>, vector<16xf32>,
        tpu.vector_store %arg9[%swap3A_456], %add3A_439 {strides = array<i32>} : memref<16640xf32, #tpu.memory_space<vmem>>, vector<16xf32>,
        %mul3A_458 = arith.constant 65 : i32
        %mul3A_459 = arith.muli %add3A_435, %mul3A_458 : i32
        %add3A_460 = arith.constant 16 : i32
        %add3A_461 = arith.addi %mul3A_459, %add3A_460 : i32
        %swap3A_462 = arith.index_cast %add3A_461 : i32 to index
        %swap3A_463 = tpu.vector_load %arg9[%swap3A_462] {strides = array<i32>} : memref<16640xf32, #tpu.memory_space<vmem>>, vector<16xf32>,
        tpu.vector_store %arg9[%swap3A_462], %add3A_443 {strides = array<i32>} : memref<16640xf32, #tpu.memory_space<vmem>>, vector<16xf32>,
        %mul3A_464 = arith.constant 65 : i32
        %mul3A_465 = arith.muli %add3A_435, %mul3A_464 : i32
        %add3A_466 = arith.constant 32 : i32
        %add3A_467 = arith.addi %mul3A_465, %add3A_466 : i32
        %swap3A_468 = arith.index_cast %add3A_467 : i32 to index
        %swap3A_469 = tpu.vector_load %arg9[%swap3A_468] {strides = array<i32>} : memref<16640xf32, #tpu.memory_space<vmem>>, vector<16xf32>,
        tpu.vector_store %arg9[%swap3A_468], %add3A_447 {strides = array<i32>} : memref<16640xf32, #tpu.memory_space<vmem>>, vector<16xf32>,
        %mul3A_470 = arith.constant 65 : i32
        %mul3A_471 = arith.muli %add3A_435, %mul3A_470 : i32
        %add3A_472 = arith.constant 48 : i32
        %add3A_473 = arith.addi %mul3A_471, %add3A_472 : i32
        %swap3A_474 = arith.index_cast %add3A_473 : i32 to index
        %swap3A_475 = tpu.vector_load %arg9[%swap3A_474] {strides = array<i32>} : memref<16640xf32, #tpu.memory_space<vmem>>, vector<16xf32>,
        tpu.vector_store %arg9[%swap3A_474], %add3A_451 {strides = array<i32>} : memref<16640xf32, #tpu.memory_space<vmem>>, vector<16xf32>,
        %mul3A_476 = arith.constant 8 : i32
        %mul3A_477 = arith.muli %add3A_246, %mul3A_476 : i32
        %add3A_478 = arith.constant 0 : i32
        %add3A_479 = arith.addi %add3A_478, %mul3A_477 : i32
        %add3A_480 = arith.constant 5 : i32
        %add3A_481 = arith.addi %add3A_479, %add3A_480 : i32
        %get3A_482 = arith.index_cast %add3A_481 : i32 to index
        %get3A_483 = arith.constant 0 : index
        %get3A_484 = tpu.vector_load %arg8[%get3A_482, %get3A_483] {strides = array<i32>} : memref<256x64xf32, #tpu.memory_space<vmem>>, vector<16xf32>,
        %add3A_485 = arith.addf %get3A_484, %get3A_189 : vector<16xf32>
        %get3A_486 = arith.index_cast %add3A_481 : i32 to index
        %get3A_487 = arith.constant 16 : index
        %get3A_488 = tpu.vector_load %arg8[%get3A_486, %get3A_487] {strides = array<i32>} : memref<256x64xf32, #tpu.memory_space<vmem>>, vector<16xf32>,
        %add3A_489 = arith.addf %get3A_488, %get3A_192 : vector<16xf32>
        %get3A_490 = arith.index_cast %add3A_481 : i32 to index
        %get3A_491 = arith.constant 32 : index
        %get3A_492 = tpu.vector_load %arg8[%get3A_490, %get3A_491] {strides = array<i32>} : memref<256x64xf32, #tpu.memory_space<vmem>>, vector<16xf32>,
        %add3A_493 = arith.addf %get3A_492, %get3A_195 : vector<16xf32>
        %get3A_494 = arith.index_cast %add3A_481 : i32 to index
        %get3A_495 = arith.constant 48 : index
        %get3A_496 = tpu.vector_load %arg8[%get3A_494, %get3A_495] {strides = array<i32>} : memref<256x64xf32, #tpu.memory_space<vmem>>, vector<16xf32>,
        %add3A_497 = arith.addf %get3A_496, %get3A_198 : vector<16xf32>
        %mul3A_498 = arith.constant 65 : i32
        %mul3A_499 = arith.muli %add3A_481, %mul3A_498 : i32
        %add3A_500 = arith.constant 0 : i32
        %add3A_501 = arith.addi %mul3A_499, %add3A_500 : i32
        %swap3A_502 = arith.index_cast %add3A_501 : i32 to index
        %swap3A_503 = tpu.vector_load %arg9[%swap3A_502] {strides = array<i32>} : memref<16640xf32, #tpu.memory_space<vmem>>, vector<16xf32>,
        tpu.vector_store %arg9[%swap3A_502], %add3A_485 {strides = array<i32>} : memref<16640xf32, #tpu.memory_space<vmem>>, vector<16xf32>,
        %mul3A_504 = arith.constant 65 : i32
        %mul3A_505 = arith.muli %add3A_481, %mul3A_504 : i32
        %add3A_506 = arith.constant 16 : i32
        %add3A_507 = arith.addi %mul3A_505, %add3A_506 : i32
        %swap3A_508 = arith.index_cast %add3A_507 : i32 to index
        %swap3A_509 = tpu.vector_load %arg9[%swap3A_508] {strides = array<i32>} : memref<16640xf32, #tpu.memory_space<vmem>>, vector<16xf32>,
        tpu.vector_store %arg9[%swap3A_508], %add3A_489 {strides = array<i32>} : memref<16640xf32, #tpu.memory_space<vmem>>, vector<16xf32>,
        %mul3A_510 = arith.constant 65 : i32
        %mul3A_511 = arith.muli %add3A_481, %mul3A_510 : i32
        %add3A_512 = arith.constant 32 : i32
        %add3A_513 = arith.addi %mul3A_511, %add3A_512 : i32
        %swap3A_514 = arith.index_cast %add3A_513 : i32 to index
        %swap3A_515 = tpu.vector_load %arg9[%swap3A_514] {strides = array<i32>} : memref<16640xf32, #tpu.memory_space<vmem>>, vector<16xf32>,
        tpu.vector_store %arg9[%swap3A_514], %add3A_493 {strides = array<i32>} : memref<16640xf32, #tpu.memory_space<vmem>>, vector<16xf32>,
        %mul3A_516 = arith.constant 65 : i32
        %mul3A_517 = arith.muli %add3A_481, %mul3A_516 : i32
        %add3A_518 = arith.constant 48 : i32
        %add3A_519 = arith.addi %mul3A_517, %add3A_518 : i32
        %swap3A_520 = arith.index_cast %add3A_519 : i32 to index
        %swap3A_521 = tpu.vector_load %arg9[%swap3A_520] {strides = array<i32>} : memref<16640xf32, #tpu.memory_space<vmem>>, vector<16xf32>,
        tpu.vector_store %arg9[%swap3A_520], %add3A_497 {strides = array<i32>} : memref<16640xf32, #tpu.memory_space<vmem>>, vector<16xf32>,
        %mul3A_522 = arith.constant 8 : i32
        %mul3A_523 = arith.muli %add3A_246, %mul3A_522 : i32
        %add3A_524 = arith.constant 0 : i32
        %add3A_525 = arith.addi %add3A_524, %mul3A_523 : i32
        %add3A_526 = arith.constant 6 : i32
        %add3A_527 = arith.addi %add3A_525, %add3A_526 : i32
        %get3A_528 = arith.index_cast %add3A_527 : i32 to index
        %get3A_529 = arith.constant 0 : index
        %get3A_530 = tpu.vector_load %arg8[%get3A_528, %get3A_529] {strides = array<i32>} : memref<256x64xf32, #tpu.memory_space<vmem>>, vector<16xf32>,
        %add3A_531 = arith.addf %get3A_530, %get3A_189 : vector<16xf32>
        %get3A_532 = arith.index_cast %add3A_527 : i32 to index
        %get3A_533 = arith.constant 16 : index
        %get3A_534 = tpu.vector_load %arg8[%get3A_532, %get3A_533] {strides = array<i32>} : memref<256x64xf32, #tpu.memory_space<vmem>>, vector<16xf32>,
        %add3A_535 = arith.addf %get3A_534, %get3A_192 : vector<16xf32>
        %get3A_536 = arith.index_cast %add3A_527 : i32 to index
        %get3A_537 = arith.constant 32 : index
        %get3A_538 = tpu.vector_load %arg8[%get3A_536, %get3A_537] {strides = array<i32>} : memref<256x64xf32, #tpu.memory_space<vmem>>, vector<16xf32>,
        %add3A_539 = arith.addf %get3A_538, %get3A_195 : vector<16xf32>
        %get3A_540 = arith.index_cast %add3A_527 : i32 to index
        %get3A_541 = arith.constant 48 : index
        %get3A_542 = tpu.vector_load %arg8[%get3A_540, %get3A_541] {strides = array<i32>} : memref<256x64xf32, #tpu.memory_space<vmem>>, vector<16xf32>,
        %add3A_543 = arith.addf %get3A_542, %get3A_198 : vector<16xf32>
        %mul3A_544 = arith.constant 65 : i32
        %mul3A_545 = arith.muli %add3A_527, %mul3A_544 : i32
        %add3A_546 = arith.constant 0 : i32
        %add3A_547 = arith.addi %mul3A_545, %add3A_546 : i32
        %swap3A_548 = arith.index_cast %add3A_547 : i32 to index
        %swap3A_549 = tpu.vector_load %arg9[%swap3A_548] {strides = array<i32>} : memref<16640xf32, #tpu.memory_space<vmem>>, vector<16xf32>,
        tpu.vector_store %arg9[%swap3A_548], %add3A_531 {strides = array<i32>} : memref<16640xf32, #tpu.memory_space<vmem>>, vector<16xf32>,
        %mul3A_550 = arith.constant 65 : i32
        %mul3A_551 = arith.muli %add3A_527, %mul3A_550 : i32
        %add3A_552 = arith.constant 16 : i32
        %add3A_553 = arith.addi %mul3A_551, %add3A_552 : i32
        %swap3A_554 = arith.index_cast %add3A_553 : i32 to index
        %swap3A_555 = tpu.vector_load %arg9[%swap3A_554] {strides = array<i32>} : memref<16640xf32, #tpu.memory_space<vmem>>, vector<16xf32>,
        tpu.vector_store %arg9[%swap3A_554], %add3A_535 {strides = array<i32>} : memref<16640xf32, #tpu.memory_space<vmem>>, vector<16xf32>,
        %mul3A_556 = arith.constant 65 : i32
        %mul3A_557 = arith.muli %add3A_527, %mul3A_556 : i32
        %add3A_558 = arith.constant 32 : i32
        %add3A_559 = arith.addi %mul3A_557, %add3A_558 : i32
        %swap3A_560 = arith.index_cast %add3A_559 : i32 to index
        %swap3A_561 = tpu.vector_load %arg9[%swap3A_560] {strides = array<i32>} : memref<16640xf32, #tpu.memory_space<vmem>>, vector<16xf32>,
        tpu.vector_store %arg9[%swap3A_560], %add3A_539 {strides = array<i32>} : memref<16640xf32, #tpu.memory_space<vmem>>, vector<16xf32>,
        %mul3A_562 = arith.constant 65 : i32
        %mul3A_563 = arith.muli %add3A_527, %mul3A_562 : i32
        %add3A_564 = arith.constant 48 : i32
        %add3A_565 = arith.addi %mul3A_563, %add3A_564 : i32
        %swap3A_566 = arith.index_cast %add3A_565 : i32 to index
        %swap3A_567 = tpu.vector_load %arg9[%swap3A_566] {strides = array<i32>} : memref<16640xf32, #tpu.memory_space<vmem>>, vector<16xf32>,
        tpu.vector_store %arg9[%swap3A_566], %add3A_543 {strides = array<i32>} : memref<16640xf32, #tpu.memory_space<vmem>>, vector<16xf32>,
        %mul3A_568 = arith.constant 8 : i32
        %mul3A_569 = arith.muli %add3A_246, %mul3A_568 : i32
        %add3A_570 = arith.constant 0 : i32
        %add3A_571 = arith.addi %add3A_570, %mul3A_569 : i32
        %add3A_572 = arith.constant 7 : i32
        %add3A_573 = arith.addi %add3A_571, %add3A_572 : i32
        %get3A_574 = arith.index_cast %add3A_573 : i32 to index
        %get3A_575 = arith.constant 0 : index
        %get3A_576 = tpu.vector_load %arg8[%get3A_574, %get3A_575] {strides = array<i32>} : memref<256x64xf32, #tpu.memory_space<vmem>>, vector<16xf32>,
        %add3A_577 = arith.addf %get3A_576, %get3A_189 : vector<16xf32>
        %get3A_578 = arith.index_cast %add3A_573 : i32 to index
        %get3A_579 = arith.constant 16 : index
        %get3A_580 = tpu.vector_load %arg8[%get3A_578, %get3A_579] {strides = array<i32>} : memref<256x64xf32, #tpu.memory_space<vmem>>, vector<16xf32>,
        %add3A_581 = arith.addf %get3A_580, %get3A_192 : vector<16xf32>
        %get3A_582 = arith.index_cast %add3A_573 : i32 to index
        %get3A_583 = arith.constant 32 : index
        %get3A_584 = tpu.vector_load %arg8[%get3A_582, %get3A_583] {strides = array<i32>} : memref<256x64xf32, #tpu.memory_space<vmem>>, vector<16xf32>,
        %add3A_585 = arith.addf %get3A_584, %get3A_195 : vector<16xf32>
        %get3A_586 = arith.index_cast %add3A_573 : i32 to index
        %get3A_587 = arith.constant 48 : index
        %get3A_588 = tpu.vector_load %arg8[%get3A_586, %get3A_587] {strides = array<i32>} : memref<256x64xf32, #tpu.memory_space<vmem>>, vector<16xf32>,
        %add3A_589 = arith.addf %get3A_588, %get3A_198 : vector<16xf32>
        %mul3A_590 = arith.constant 65 : i32
        %mul3A_591 = arith.muli %add3A_573, %mul3A_590 : i32
        %add3A_592 = arith.constant 0 : i32
        %add3A_593 = arith.addi %mul3A_591, %add3A_592 : i32
        %swap3A_594 = arith.index_cast %add3A_593 : i32 to index
        %swap3A_595 = tpu.vector_load %arg9[%swap3A_594] {strides = array<i32>} : memref<16640xf32, #tpu.memory_space<vmem>>, vector<16xf32>,
        tpu.vector_store %arg9[%swap3A_594], %add3A_577 {strides = array<i32>} : memref<16640xf32, #tpu.memory_space<vmem>>, vector<16xf32>,
        %mul3A_596 = arith.constant 65 : i32
        %mul3A_597 = arith.muli %add3A_573, %mul3A_596 : i32
        %add3A_598 = arith.constant 16 : i32
        %add3A_599 = arith.addi %mul3A_597, %add3A_598 : i32
        %swap3A_600 = arith.index_cast %add3A_599 : i32 to index
        %swap3A_601 = tpu.vector_load %arg9[%swap3A_600] {strides = array<i32>} : memref<16640xf32, #tpu.memory_space<vmem>>, vector<16xf32>,
        tpu.vector_store %arg9[%swap3A_600], %add3A_581 {strides = array<i32>} : memref<16640xf32, #tpu.memory_space<vmem>>, vector<16xf32>,
        %mul3A_602 = arith.constant 65 : i32
        %mul3A_603 = arith.muli %add3A_573, %mul3A_602 : i32
        %add3A_604 = arith.constant 32 : i32
        %add3A_605 = arith.addi %mul3A_603, %add3A_604 : i32
        %swap3A_606 = arith.index_cast %add3A_605 : i32 to index
        %swap3A_607 = tpu.vector_load %arg9[%swap3A_606] {strides = array<i32>} : memref<16640xf32, #tpu.memory_space<vmem>>, vector<16xf32>,
        tpu.vector_store %arg9[%swap3A_606], %add3A_585 {strides = array<i32>} : memref<16640xf32, #tpu.memory_space<vmem>>, vector<16xf32>,
        %mul3A_608 = arith.constant 65 : i32
        %mul3A_609 = arith.muli %add3A_573, %mul3A_608 : i32
        %add3A_610 = arith.constant 48 : i32
        %add3A_611 = arith.addi %mul3A_609, %add3A_610 : i32
        %swap3A_612 = arith.index_cast %add3A_611 : i32 to index
        %swap3A_613 = tpu.vector_load %arg9[%swap3A_612] {strides = array<i32>} : memref<16640xf32, #tpu.memory_space<vmem>>, vector<16xf32>,
        tpu.vector_store %arg9[%swap3A_612], %add3A_589 {strides = array<i32>} : memref<16640xf32, #tpu.memory_space<vmem>>, vector<16xf32>,
      }
      %scan3A_203 = arith.constant 16 : i32
      %mul3A_204 = arith.constant 2 : i32
      %mul3A_205 = arith.muli %mul3A_204, %add3A_153 : i32
      %add3A_206 = arith.constant 1 : i32
      %add3A_207 = arith.addi %mul3A_205, %add3A_206 : i32
      %get3A_208 = arith.index_cast %add3A_207 : i32 to index
      %get3A_209 = arith.constant 0 : index
      %get3A_210 = tpu.vector_load %arg12[%get3A_208, %get3A_209] {strides = array<i32>} : memref<200x64xf32, #tpu.memory_space<vmem>>, vector<16xf32>,
      %get3A_211 = arith.index_cast %add3A_207 : i32 to index
      %get3A_212 = arith.constant 16 : index
      %get3A_213 = tpu.vector_load %arg12[%get3A_211, %get3A_212] {strides = array<i32>} : memref<200x64xf32, #tpu.memory_space<vmem>>, vector<16xf32>,
      %get3A_214 = arith.index_cast %add3A_207 : i32 to index
      %get3A_215 = arith.constant 32 : index
      %get3A_216 = tpu.vector_load %arg12[%get3A_214, %get3A_215] {strides = array<i32>} : memref<200x64xf32, #tpu.memory_space<vmem>>, vector<16xf32>,
      %get3A_217 = arith.index_cast %add3A_207 : i32 to index
      %get3A_218 = arith.constant 48 : index
      %get3A_219 = tpu.vector_load %arg12[%get3A_217, %get3A_218] {strides = array<i32>} : memref<200x64xf32, #tpu.memory_space<vmem>>, vector<16xf32>,
      %scan3A_220 = arith.constant 0 : i32
      %scan3A_221 = arith.constant 16 : i32
      %scan3A_222 = arith.addi %scan3A_220, %scan3A_221 : i32
      %scan3A_223 = arith.constant 1 : i32
      scf.for %scan3A_242 = %scan3A_220 to %scan3A_222 step %scan3A_223  : i32 {
        %mul3A_243 = arith.constant 1 : i32
        %mul3A_244 = arith.muli %scan3A_242, %mul3A_243 : i32
        %add3A_245 = arith.constant 0 : i32
        %add3A_246 = arith.addi %add3A_245, %mul3A_244 : i32
        %mul3A_247 = arith.constant 8 : i32
        %mul3A_248 = arith.muli %add3A_246, %mul3A_247 : i32
        %add3A_249 = arith.constant 128 : i32
        %add3A_250 = arith.addi %add3A_249, %mul3A_248 : i32
        %add3A_251 = arith.constant 0 : i32
        %add3A_252 = arith.addi %add3A_250, %add3A_251 : i32
        %get3A_253 = arith.index_cast %add3A_252 : i32 to index
        %get3A_254 = arith.constant 0 : index
        %get3A_255 = tpu.vector_load %arg8[%get3A_253, %get3A_254] {strides = array<i32>} : memref<256x64xf32, #tpu.memory_space<vmem>>, vector<16xf32>,
        %add3A_256 = arith.addf %get3A_255, %get3A_210 : vector<16xf32>
        %get3A_257 = arith.index_cast %add3A_252 : i32 to index
        %get3A_258 = arith.constant 16 : index
        %get3A_259 = tpu.vector_load %arg8[%get3A_257, %get3A_258] {strides = array<i32>} : memref<256x64xf32, #tpu.memory_space<vmem>>, vector<16xf32>,
        %add3A_260 = arith.addf %get3A_259, %get3A_213 : vector<16xf32>
        %get3A_261 = arith.index_cast %add3A_252 : i32 to index
        %get3A_262 = arith.constant 32 : index
        %get3A_263 = tpu.vector_load %arg8[%get3A_261, %get3A_262] {strides = array<i32>} : memref<256x64xf32, #tpu.memory_space<vmem>>, vector<16xf32>,
        %add3A_264 = arith.addf %get3A_263, %get3A_216 : vector<16xf32>
        %get3A_265 = arith.index_cast %add3A_252 : i32 to index
        %get3A_266 = arith.constant 48 : index
        %get3A_267 = tpu.vector_load %arg8[%get3A_265, %get3A_266] {strides = array<i32>} : memref<256x64xf32, #tpu.memory_space<vmem>>, vector<16xf32>,
        %add3A_268 = arith.addf %get3A_267, %get3A_219 : vector<16xf32>
        %mul3A_269 = arith.constant 65 : i32
        %mul3A_270 = arith.muli %add3A_252, %mul3A_269 : i32
        %add3A_271 = arith.constant 0 : i32
        %add3A_272 = arith.addi %mul3A_270, %add3A_271 : i32
        %swap3A = arith.index_cast %add3A_272 : i32 to index
        %swap3A_273 = tpu.vector_load %arg9[%swap3A] {strides = array<i32>} : memref<16640xf32, #tpu.memory_space<vmem>>, vector<16xf32>,
        tpu.vector_store %arg9[%swap3A], %add3A_256 {strides = array<i32>} : memref<16640xf32, #tpu.memory_space<vmem>>, vector<16xf32>,
        %mul3A_274 = arith.constant 65 : i32
        %mul3A_275 = arith.muli %add3A_252, %mul3A_274 : i32
        %add3A_276 = arith.constant 16 : i32
        %add3A_277 = arith.addi %mul3A_275, %add3A_276 : i32
        %swap3A_278 = arith.index_cast %add3A_277 : i32 to index
        %swap3A_279 = tpu.vector_load %arg9[%swap3A_278] {strides = array<i32>} : memref<16640xf32, #tpu.memory_space<vmem>>, vector<16xf32>,
        tpu.vector_store %arg9[%swap3A_278], %add3A_260 {strides = array<i32>} : memref<16640xf32, #tpu.memory_space<vmem>>, vector<16xf32>,
        %mul3A_280 = arith.constant 65 : i32
        %mul3A_281 = arith.muli %add3A_252, %mul3A_280 : i32
        %add3A_282 = arith.constant 32 : i32
        %add3A_283 = arith.addi %mul3A_281, %add3A_282 : i32
        %swap3A_284 = arith.index_cast %add3A_283 : i32 to index
        %swap3A_285 = tpu.vector_load %arg9[%swap3A_284] {strides = array<i32>} : memref<16640xf32, #tpu.memory_space<vmem>>, vector<16xf32>,
        tpu.vector_store %arg9[%swap3A_284], %add3A_264 {strides = array<i32>} : memref<16640xf32, #tpu.memory_space<vmem>>, vector<16xf32>,
        %mul3A_286 = arith.constant 65 : i32
        %mul3A_287 = arith.muli %add3A_252, %mul3A_286 : i32
        %add3A_288 = arith.constant 48 : i32
        %add3A_289 = arith.addi %mul3A_287, %add3A_288 : i32
        %swap3A_290 = arith.index_cast %add3A_289 : i32 to index
        %swap3A_291 = tpu.vector_load %arg9[%swap3A_290] {strides = array<i32>} : memref<16640xf32, #tpu.memory_space<vmem>>, vector<16xf32>,
        tpu.vector_store %arg9[%swap3A_290], %add3A_268 {strides = array<i32>} : memref<16640xf32, #tpu.memory_space<vmem>>, vector<16xf32>,
        %mul3A_292 = arith.constant 8 : i32
        %mul3A_293 = arith.muli %add3A_246, %mul3A_292 : i32
        %add3A_294 = arith.constant 128 : i32
        %add3A_295 = arith.addi %add3A_294, %mul3A_293 : i32
        %add3A_296 = arith.constant 1 : i32
        %add3A_297 = arith.addi %add3A_295, %add3A_296 : i32
        %get3A_298 = arith.index_cast %add3A_297 : i32 to index
        %get3A_299 = arith.constant 0 : index
        %get3A_300 = tpu.vector_load %arg8[%get3A_298, %get3A_299] {strides = array<i32>} : memref<256x64xf32, #tpu.memory_space<vmem>>, vector<16xf32>,
        %add3A_301 = arith.addf %get3A_300, %get3A_210 : vector<16xf32>
        %get3A_302 = arith.index_cast %add3A_297 : i32 to index
        %get3A_303 = arith.constant 16 : index
        %get3A_304 = tpu.vector_load %arg8[%get3A_302, %get3A_303] {strides = array<i32>} : memref<256x64xf32, #tpu.memory_space<vmem>>, vector<16xf32>,
        %add3A_305 = arith.addf %get3A_304, %get3A_213 : vector<16xf32>
        %get3A_306 = arith.index_cast %add3A_297 : i32 to index
        %get3A_307 = arith.constant 32 : index
        %get3A_308 = tpu.vector_load %arg8[%get3A_306, %get3A_307] {strides = array<i32>} : memref<256x64xf32, #tpu.memory_space<vmem>>, vector<16xf32>,
        %add3A_309 = arith.addf %get3A_308, %get3A_216 : vector<16xf32>
        %get3A_310 = arith.index_cast %add3A_297 : i32 to index
        %get3A_311 = arith.constant 48 : index
        %get3A_312 = tpu.vector_load %arg8[%get3A_310, %get3A_311] {strides = array<i32>} : memref<256x64xf32, #tpu.memory_space<vmem>>, vector<16xf32>,
        %add3A_313 = arith.addf %get3A_312, %get3A_219 : vector<16xf32>
        %mul3A_314 = arith.constant 65 : i32
        %mul3A_315 = arith.muli %add3A_297, %mul3A_314 : i32
        %add3A_316 = arith.constant 0 : i32
        %add3A_317 = arith.addi %mul3A_315, %add3A_316 : i32
        %swap3A_318 = arith.index_cast %add3A_317 : i32 to index
        %swap3A_319 = tpu.vector_load %arg9[%swap3A_318] {strides = array<i32>} : memref<16640xf32, #tpu.memory_space<vmem>>, vector<16xf32>,
        tpu.vector_store %arg9[%swap3A_318], %add3A_301 {strides = array<i32>} : memref<16640xf32, #tpu.memory_space<vmem>>, vector<16xf32>,
        %mul3A_320 = arith.constant 65 : i32
        %mul3A_321 = arith.muli %add3A_297, %mul3A_320 : i32
        %add3A_322 = arith.constant 16 : i32
        %add3A_323 = arith.addi %mul3A_321, %add3A_322 : i32
        %swap3A_324 = arith.index_cast %add3A_323 : i32 to index
        %swap3A_325 = tpu.vector_load %arg9[%swap3A_324] {strides = array<i32>} : memref<16640xf32, #tpu.memory_space<vmem>>, vector<16xf32>,
        tpu.vector_store %arg9[%swap3A_324], %add3A_305 {strides = array<i32>} : memref<16640xf32, #tpu.memory_space<vmem>>, vector<16xf32>,
        %mul3A_326 = arith.constant 65 : i32
        %mul3A_327 = arith.muli %add3A_297, %mul3A_326 : i32
        %add3A_328 = arith.constant 32 : i32
        %add3A_329 = arith.addi %mul3A_327, %add3A_328 : i32
        %swap3A_330 = arith.index_cast %add3A_329 : i32 to index
        %swap3A_331 = tpu.vector_load %arg9[%swap3A_330] {strides = array<i32>} : memref<16640xf32, #tpu.memory_space<vmem>>, vector<16xf32>,
        tpu.vector_store %arg9[%swap3A_330], %add3A_309 {strides = array<i32>} : memref<16640xf32, #tpu.memory_space<vmem>>, vector<16xf32>,
        %mul3A_332 = arith.constant 65 : i32
        %mul3A_333 = arith.muli %add3A_297, %mul3A_332 : i32
        %add3A_334 = arith.constant 48 : i32
        %add3A_335 = arith.addi %mul3A_333, %add3A_334 : i32
        %swap3A_336 = arith.index_cast %add3A_335 : i32 to index
        %swap3A_337 = tpu.vector_load %arg9[%swap3A_336] {strides = array<i32>} : memref<16640xf32, #tpu.memory_space<vmem>>, vector<16xf32>,
        tpu.vector_store %arg9[%swap3A_336], %add3A_313 {strides = array<i32>} : memref<16640xf32, #tpu.memory_space<vmem>>, vector<16xf32>,
        %mul3A_338 = arith.constant 8 : i32
        %mul3A_339 = arith.muli %add3A_246, %mul3A_338 : i32
        %add3A_340 = arith.constant 128 : i32
        %add3A_341 = arith.addi %add3A_340, %mul3A_339 : i32
        %add3A_342 = arith.constant 2 : i32
        %add3A_343 = arith.addi %add3A_341, %add3A_342 : i32
        %get3A_344 = arith.index_cast %add3A_343 : i32 to index
        %get3A_345 = arith.constant 0 : index
        %get3A_346 = tpu.vector_load %arg8[%get3A_344, %get3A_345] {strides = array<i32>} : memref<256x64xf32, #tpu.memory_space<vmem>>, vector<16xf32>,
        %add3A_347 = arith.addf %get3A_346, %get3A_210 : vector<16xf32>
        %get3A_348 = arith.index_cast %add3A_343 : i32 to index
        %get3A_349 = arith.constant 16 : index
        %get3A_350 = tpu.vector_load %arg8[%get3A_348, %get3A_349] {strides = array<i32>} : memref<256x64xf32, #tpu.memory_space<vmem>>, vector<16xf32>,
        %add3A_351 = arith.addf %get3A_350, %get3A_213 : vector<16xf32>
        %get3A_352 = arith.index_cast %add3A_343 : i32 to index
        %get3A_353 = arith.constant 32 : index
        %get3A_354 = tpu.vector_load %arg8[%get3A_352, %get3A_353] {strides = array<i32>} : memref<256x64xf32, #tpu.memory_space<vmem>>, vector<16xf32>,
        %add3A_355 = arith.addf %get3A_354, %get3A_216 : vector<16xf32>
        %get3A_356 = arith.index_cast %add3A_343 : i32 to index
        %get3A_357 = arith.constant 48 : index
        %get3A_358 = tpu.vector_load %arg8[%get3A_356, %get3A_357] {strides = array<i32>} : memref<256x64xf32, #tpu.memory_space<vmem>>, vector<16xf32>,
        %add3A_359 = arith.addf %get3A_358, %get3A_219 : vector<16xf32>
        %mul3A_360 = arith.constant 65 : i32
        %mul3A_361 = arith.muli %add3A_343, %mul3A_360 : i32
        %add3A_362 = arith.constant 0 : i32
        %add3A_363 = arith.addi %mul3A_361, %add3A_362 : i32
        %swap3A_364 = arith.index_cast %add3A_363 : i32 to index
        %swap3A_365 = tpu.vector_load %arg9[%swap3A_364] {strides = array<i32>} : memref<16640xf32, #tpu.memory_space<vmem>>, vector<16xf32>,
        tpu.vector_store %arg9[%swap3A_364], %add3A_347 {strides = array<i32>} : memref<16640xf32, #tpu.memory_space<vmem>>, vector<16xf32>,
        %mul3A_366 = arith.constant 65 : i32
        %mul3A_367 = arith.muli %add3A_343, %mul3A_366 : i32
        %add3A_368 = arith.constant 16 : i32
        %add3A_369 = arith.addi %mul3A_367, %add3A_368 : i32
        %swap3A_370 = arith.index_cast %add3A_369 : i32 to index
        %swap3A_371 = tpu.vector_load %arg9[%swap3A_370] {strides = array<i32>} : memref<16640xf32, #tpu.memory_space<vmem>>, vector<16xf32>,
        tpu.vector_store %arg9[%swap3A_370], %add3A_351 {strides = array<i32>} : memref<16640xf32, #tpu.memory_space<vmem>>, vector<16xf32>,
        %mul3A_372 = arith.constant 65 : i32
        %mul3A_373 = arith.muli %add3A_343, %mul3A_372 : i32
        %add3A_374 = arith.constant 32 : i32
        %add3A_375 = arith.addi %mul3A_373, %add3A_374 : i32
        %swap3A_376 = arith.index_cast %add3A_375 : i32 to index
        %swap3A_377 = tpu.vector_load %arg9[%swap3A_376] {strides = array<i32>} : memref<16640xf32, #tpu.memory_space<vmem>>, vector<16xf32>,
        tpu.vector_store %arg9[%swap3A_376], %add3A_355 {strides = array<i32>} : memref<16640xf32, #tpu.memory_space<vmem>>, vector<16xf32>,
        %mul3A_378 = arith.constant 65 : i32
        %mul3A_379 = arith.muli %add3A_343, %mul3A_378 : i32
        %add3A_380 = arith.constant 48 : i32
        %add3A_381 = arith.addi %mul3A_379, %add3A_380 : i32
        %swap3A_382 = arith.index_cast %add3A_381 : i32 to index
        %swap3A_383 = tpu.vector_load %arg9[%swap3A_382] {strides = array<i32>} : memref<16640xf32, #tpu.memory_space<vmem>>, vector<16xf32>,
        tpu.vector_store %arg9[%swap3A_382], %add3A_359 {strides = array<i32>} : memref<16640xf32, #tpu.memory_space<vmem>>, vector<16xf32>,
        %mul3A_384 = arith.constant 8 : i32
        %mul3A_385 = arith.muli %add3A_246, %mul3A_384 : i32
        %add3A_386 = arith.constant 128 : i32
        %add3A_387 = arith.addi %add3A_386, %mul3A_385 : i32
        %add3A_388 = arith.constant 3 : i32
        %add3A_389 = arith.addi %add3A_387, %add3A_388 : i32
        %get3A_390 = arith.index_cast %add3A_389 : i32 to index
        %get3A_391 = arith.constant 0 : index
        %get3A_392 = tpu.vector_load %arg8[%get3A_390, %get3A_391] {strides = array<i32>} : memref<256x64xf32, #tpu.memory_space<vmem>>, vector<16xf32>,
        %add3A_393 = arith.addf %get3A_392, %get3A_210 : vector<16xf32>
        %get3A_394 = arith.index_cast %add3A_389 : i32 to index
        %get3A_395 = arith.constant 16 : index
        %get3A_396 = tpu.vector_load %arg8[%get3A_394, %get3A_395] {strides = array<i32>} : memref<256x64xf32, #tpu.memory_space<vmem>>, vector<16xf32>,
        %add3A_397 = arith.addf %get3A_396, %get3A_213 : vector<16xf32>
        %get3A_398 = arith.index_cast %add3A_389 : i32 to index
        %get3A_399 = arith.constant 32 : index
        %get3A_400 = tpu.vector_load %arg8[%get3A_398, %get3A_399] {strides = array<i32>} : memref<256x64xf32, #tpu.memory_space<vmem>>, vector<16xf32>,
        %add3A_401 = arith.addf %get3A_400, %get3A_216 : vector<16xf32>
        %get3A_402 = arith.index_cast %add3A_389 : i32 to index
        %get3A_403 = arith.constant 48 : index
        %get3A_404 = tpu.vector_load %arg8[%get3A_402, %get3A_403] {strides = array<i32>} : memref<256x64xf32, #tpu.memory_space<vmem>>, vector<16xf32>,
        %add3A_405 = arith.addf %get3A_404, %get3A_219 : vector<16xf32>
        %mul3A_406 = arith.constant 65 : i32
        %mul3A_407 = arith.muli %add3A_389, %mul3A_406 : i32
        %add3A_408 = arith.constant 0 : i32
        %add3A_409 = arith.addi %mul3A_407, %add3A_408 : i32
        %swap3A_410 = arith.index_cast %add3A_409 : i32 to index
        %swap3A_411 = tpu.vector_load %arg9[%swap3A_410] {strides = array<i32>} : memref<16640xf32, #tpu.memory_space<vmem>>, vector<16xf32>,
        tpu.vector_store %arg9[%swap3A_410], %add3A_393 {strides = array<i32>} : memref<16640xf32, #tpu.memory_space<vmem>>, vector<16xf32>,
        %mul3A_412 = arith.constant 65 : i32
        %mul3A_413 = arith.muli %add3A_389, %mul3A_412 : i32
        %add3A_414 = arith.constant 16 : i32
        %add3A_415 = arith.addi %mul3A_413, %add3A_414 : i32
        %swap3A_416 = arith.index_cast %add3A_415 : i32 to index
        %swap3A_417 = tpu.vector_load %arg9[%swap3A_416] {strides = array<i32>} : memref<16640xf32, #tpu.memory_space<vmem>>, vector<16xf32>,
        tpu.vector_store %arg9[%swap3A_416], %add3A_397 {strides = array<i32>} : memref<16640xf32, #tpu.memory_space<vmem>>, vector<16xf32>,
        %mul3A_418 = arith.constant 65 : i32
        %mul3A_419 = arith.muli %add3A_389, %mul3A_418 : i32
        %add3A_420 = arith.constant 32 : i32
        %add3A_421 = arith.addi %mul3A_419, %add3A_420 : i32
        %swap3A_422 = arith.index_cast %add3A_421 : i32 to index
        %swap3A_423 = tpu.vector_load %arg9[%swap3A_422] {strides = array<i32>} : memref<16640xf32, #tpu.memory_space<vmem>>, vector<16xf32>,
        tpu.vector_store %arg9[%swap3A_422], %add3A_401 {strides = array<i32>} : memref<16640xf32, #tpu.memory_space<vmem>>, vector<16xf32>,
        %mul3A_424 = arith.constant 65 : i32
        %mul3A_425 = arith.muli %add3A_389, %mul3A_424 : i32
        %add3A_426 = arith.constant 48 : i32
        %add3A_427 = arith.addi %mul3A_425, %add3A_426 : i32
        %swap3A_428 = arith.index_cast %add3A_427 : i32 to index
        %swap3A_429 = tpu.vector_load %arg9[%swap3A_428] {strides = array<i32>} : memref<16640xf32, #tpu.memory_space<vmem>>, vector<16xf32>,
        tpu.vector_store %arg9[%swap3A_428], %add3A_405 {strides = array<i32>} : memref<16640xf32, #tpu.memory_space<vmem>>, vector<16xf32>,
        %mul3A_430 = arith.constant 8 : i32
        %mul3A_431 = arith.muli %add3A_246, %mul3A_430 : i32
        %add3A_432 = arith.constant 128 : i32
        %add3A_433 = arith.addi %add3A_432, %mul3A_431 : i32
        %add3A_434 = arith.constant 4 : i32
        %add3A_435 = arith.addi %add3A_433, %add3A_434 : i32
        %get3A_436 = arith.index_cast %add3A_435 : i32 to index
        %get3A_437 = arith.constant 0 : index
        %get3A_438 = tpu.vector_load %arg8[%get3A_436, %get3A_437] {strides = array<i32>} : memref<256x64xf32, #tpu.memory_space<vmem>>, vector<16xf32>,
        %add3A_439 = arith.addf %get3A_438, %get3A_210 : vector<16xf32>
        %get3A_440 = arith.index_cast %add3A_435 : i32 to index
        %get3A_441 = arith.constant 16 : index
        %get3A_442 = tpu.vector_load %arg8[%get3A_440, %get3A_441] {strides = array<i32>} : memref<256x64xf32, #tpu.memory_space<vmem>>, vector<16xf32>,
        %add3A_443 = arith.addf %get3A_442, %get3A_213 : vector<16xf32>
        %get3A_444 = arith.index_cast %add3A_435 : i32 to index
        %get3A_445 = arith.constant 32 : index
        %get3A_446 = tpu.vector_load %arg8[%get3A_444, %get3A_445] {strides = array<i32>} : memref<256x64xf32, #tpu.memory_space<vmem>>, vector<16xf32>,
        %add3A_447 = arith.addf %get3A_446, %get3A_216 : vector<16xf32>
        %get3A_448 = arith.index_cast %add3A_435 : i32 to index
        %get3A_449 = arith.constant 48 : index
        %get3A_450 = tpu.vector_load %arg8[%get3A_448, %get3A_449] {strides = array<i32>} : memref<256x64xf32, #tpu.memory_space<vmem>>, vector<16xf32>,
        %add3A_451 = arith.addf %get3A_450, %get3A_219 : vector<16xf32>
        %mul3A_452 = arith.constant 65 : i32
        %mul3A_453 = arith.muli %add3A_435, %mul3A_452 : i32
        %add3A_454 = arith.constant 0 : i32
        %add3A_455 = arith.addi %mul3A_453, %add3A_454 : i32
        %swap3A_456 = arith.index_cast %add3A_455 : i32 to index
        %swap3A_457 = tpu.vector_load %arg9[%swap3A_456] {strides = array<i32>} : memref<16640xf32, #tpu.memory_space<vmem>>, vector<16xf32>,
        tpu.vector_store %arg9[%swap3A_456], %add3A_439 {strides = array<i32>} : memref<16640xf32, #tpu.memory_space<vmem>>, vector<16xf32>,
        %mul3A_458 = arith.constant 65 : i32
        %mul3A_459 = arith.muli %add3A_435, %mul3A_458 : i32
        %add3A_460 = arith.constant 16 : i32
        %add3A_461 = arith.addi %mul3A_459, %add3A_460 : i32
        %swap3A_462 = arith.index_cast %add3A_461 : i32 to index
        %swap3A_463 = tpu.vector_load %arg9[%swap3A_462] {strides = array<i32>} : memref<16640xf32, #tpu.memory_space<vmem>>, vector<16xf32>,
        tpu.vector_store %arg9[%swap3A_462], %add3A_443 {strides = array<i32>} : memref<16640xf32, #tpu.memory_space<vmem>>, vector<16xf32>,
        %mul3A_464 = arith.constant 65 : i32
        %mul3A_465 = arith.muli %add3A_435, %mul3A_464 : i32
        %add3A_466 = arith.constant 32 : i32
        %add3A_467 = arith.addi %mul3A_465, %add3A_466 : i32
        %swap3A_468 = arith.index_cast %add3A_467 : i32 to index
        %swap3A_469 = tpu.vector_load %arg9[%swap3A_468] {strides = array<i32>} : memref<16640xf32, #tpu.memory_space<vmem>>, vector<16xf32>,
        tpu.vector_store %arg9[%swap3A_468], %add3A_447 {strides = array<i32>} : memref<16640xf32, #tpu.memory_space<vmem>>, vector<16xf32>,
        %mul3A_470 = arith.constant 65 : i32
        %mul3A_471 = arith.muli %add3A_435, %mul3A_470 : i32
        %add3A_472 = arith.constant 48 : i32
        %add3A_473 = arith.addi %mul3A_471, %add3A_472 : i32
        %swap3A_474 = arith.index_cast %add3A_473 : i32 to index
        %swap3A_475 = tpu.vector_load %arg9[%swap3A_474] {strides = array<i32>} : memref<16640xf32, #tpu.memory_space<vmem>>, vector<16xf32>,
        tpu.vector_store %arg9[%swap3A_474], %add3A_451 {strides = array<i32>} : memref<16640xf32, #tpu.memory_space<vmem>>, vector<16xf32>,
        %mul3A_476 = arith.constant 8 : i32
        %mul3A_477 = arith.muli %add3A_246, %mul3A_476 : i32
        %add3A_478 = arith.constant 128 : i32
        %add3A_479 = arith.addi %add3A_478, %mul3A_477 : i32
        %add3A_480 = arith.constant 5 : i32
        %add3A_481 = arith.addi %add3A_479, %add3A_480 : i32
        %get3A_482 = arith.index_cast %add3A_481 : i32 to index
        %get3A_483 = arith.constant 0 : index
        %get3A_484 = tpu.vector_load %arg8[%get3A_482, %get3A_483] {strides = array<i32>} : memref<256x64xf32, #tpu.memory_space<vmem>>, vector<16xf32>,
        %add3A_485 = arith.addf %get3A_484, %get3A_210 : vector<16xf32>
        %get3A_486 = arith.index_cast %add3A_481 : i32 to index
        %get3A_487 = arith.constant 16 : index
        %get3A_488 = tpu.vector_load %arg8[%get3A_486, %get3A_487] {strides = array<i32>} : memref<256x64xf32, #tpu.memory_space<vmem>>, vector<16xf32>,
        %add3A_489 = arith.addf %get3A_488, %get3A_213 : vector<16xf32>
        %get3A_490 = arith.index_cast %add3A_481 : i32 to index
        %get3A_491 = arith.constant 32 : index
        %get3A_492 = tpu.vector_load %arg8[%get3A_490, %get3A_491] {strides = array<i32>} : memref<256x64xf32, #tpu.memory_space<vmem>>, vector<16xf32>,
        %add3A_493 = arith.addf %get3A_492, %get3A_216 : vector<16xf32>
        %get3A_494 = arith.index_cast %add3A_481 : i32 to index
        %get3A_495 = arith.constant 48 : index
        %get3A_496 = tpu.vector_load %arg8[%get3A_494, %get3A_495] {strides = array<i32>} : memref<256x64xf32, #tpu.memory_space<vmem>>, vector<16xf32>,
        %add3A_497 = arith.addf %get3A_496, %get3A_219 : vector<16xf32>
        %mul3A_498 = arith.constant 65 : i32
        %mul3A_499 = arith.muli %add3A_481, %mul3A_498 : i32
        %add3A_500 = arith.constant 0 : i32
        %add3A_501 = arith.addi %mul3A_499, %add3A_500 : i32
        %swap3A_502 = arith.index_cast %add3A_501 : i32 to index
        %swap3A_503 = tpu.vector_load %arg9[%swap3A_502] {strides = array<i32>} : memref<16640xf32, #tpu.memory_space<vmem>>, vector<16xf32>,
        tpu.vector_store %arg9[%swap3A_502], %add3A_485 {strides = array<i32>} : memref<16640xf32, #tpu.memory_space<vmem>>, vector<16xf32>,
        %mul3A_504 = arith.constant 65 : i32
        %mul3A_505 = arith.muli %add3A_481, %mul3A_504 : i32
        %add3A_506 = arith.constant 16 : i32
        %add3A_507 = arith.addi %mul3A_505, %add3A_506 : i32
        %swap3A_508 = arith.index_cast %add3A_507 : i32 to index
        %swap3A_509 = tpu.vector_load %arg9[%swap3A_508] {strides = array<i32>} : memref<16640xf32, #tpu.memory_space<vmem>>, vector<16xf32>,
        tpu.vector_store %arg9[%swap3A_508], %add3A_489 {strides = array<i32>} : memref<16640xf32, #tpu.memory_space<vmem>>, vector<16xf32>,
        %mul3A_510 = arith.constant 65 : i32
        %mul3A_511 = arith.muli %add3A_481, %mul3A_510 : i32
        %add3A_512 = arith.constant 32 : i32
        %add3A_513 = arith.addi %mul3A_511, %add3A_512 : i32
        %swap3A_514 = arith.index_cast %add3A_513 : i32 to index
        %swap3A_515 = tpu.vector_load %arg9[%swap3A_514] {strides = array<i32>} : memref<16640xf32, #tpu.memory_space<vmem>>, vector<16xf32>,
        tpu.vector_store %arg9[%swap3A_514], %add3A_493 {strides = array<i32>} : memref<16640xf32, #tpu.memory_space<vmem>>, vector<16xf32>,
        %mul3A_516 = arith.constant 65 : i32
        %mul3A_517 = arith.muli %add3A_481, %mul3A_516 : i32
        %add3A_518 = arith.constant 48 : i32
        %add3A_519 = arith.addi %mul3A_517, %add3A_518 : i32
        %swap3A_520 = arith.index_cast %add3A_519 : i32 to index
        %swap3A_521 = tpu.vector_load %arg9[%swap3A_520] {strides = array<i32>} : memref<16640xf32, #tpu.memory_space<vmem>>, vector<16xf32>,
        tpu.vector_store %arg9[%swap3A_520], %add3A_497 {strides = array<i32>} : memref<16640xf32, #tpu.memory_space<vmem>>, vector<16xf32>,
        %mul3A_522 = arith.constant 8 : i32
        %mul3A_523 = arith.muli %add3A_246, %mul3A_522 : i32
        %add3A_524 = arith.constant 128 : i32
        %add3A_525 = arith.addi %add3A_524, %mul3A_523 : i32
        %add3A_526 = arith.constant 6 : i32
        %add3A_527 = arith.addi %add3A_525, %add3A_526 : i32
        %get3A_528 = arith.index_cast %add3A_527 : i32 to index
        %get3A_529 = arith.constant 0 : index
        %get3A_530 = tpu.vector_load %arg8[%get3A_528, %get3A_529] {strides = array<i32>} : memref<256x64xf32, #tpu.memory_space<vmem>>, vector<16xf32>,
        %add3A_531 = arith.addf %get3A_530, %get3A_210 : vector<16xf32>
        %get3A_532 = arith.index_cast %add3A_527 : i32 to index
        %get3A_533 = arith.constant 16 : index
        %get3A_534 = tpu.vector_load %arg8[%get3A_532, %get3A_533] {strides = array<i32>} : memref<256x64xf32, #tpu.memory_space<vmem>>, vector<16xf32>,
        %add3A_535 = arith.addf %get3A_534, %get3A_213 : vector<16xf32>
        %get3A_536 = arith.index_cast %add3A_527 : i32 to index
        %get3A_537 = arith.constant 32 : index
        %get3A_538 = tpu.vector_load %arg8[%get3A_536, %get3A_537] {strides = array<i32>} : memref<256x64xf32, #tpu.memory_space<vmem>>, vector<16xf32>,
        %add3A_539 = arith.addf %get3A_538, %get3A_216 : vector<16xf32>
        %get3A_540 = arith.index_cast %add3A_527 : i32 to index
        %get3A_541 = arith.constant 48 : index
        %get3A_542 = tpu.vector_load %arg8[%get3A_540, %get3A_541] {strides = array<i32>} : memref<256x64xf32, #tpu.memory_space<vmem>>, vector<16xf32>,
        %add3A_543 = arith.addf %get3A_542, %get3A_219 : vector<16xf32>
        %mul3A_544 = arith.constant 65 : i32
        %mul3A_545 = arith.muli %add3A_527, %mul3A_544 : i32
        %add3A_546 = arith.constant 0 : i32
        %add3A_547 = arith.addi %mul3A_545, %add3A_546 : i32
        %swap3A_548 = arith.index_cast %add3A_547 : i32 to index
        %swap3A_549 = tpu.vector_load %arg9[%swap3A_548] {strides = array<i32>} : memref<16640xf32, #tpu.memory_space<vmem>>, vector<16xf32>,
        tpu.vector_store %arg9[%swap3A_548], %add3A_531 {strides = array<i32>} : memref<16640xf32, #tpu.memory_space<vmem>>, vector<16xf32>,
        %mul3A_550 = arith.constant 65 : i32
        %mul3A_551 = arith.muli %add3A_527, %mul3A_550 : i32
        %add3A_552 = arith.constant 16 : i32
        %add3A_553 = arith.addi %mul3A_551, %add3A_552 : i32
        %swap3A_554 = arith.index_cast %add3A_553 : i32 to index
        %swap3A_555 = tpu.vector_load %arg9[%swap3A_554] {strides = array<i32>} : memref<16640xf32, #tpu.memory_space<vmem>>, vector<16xf32>,
        tpu.vector_store %arg9[%swap3A_554], %add3A_535 {strides = array<i32>} : memref<16640xf32, #tpu.memory_space<vmem>>, vector<16xf32>,
        %mul3A_556 = arith.constant 65 : i32
        %mul3A_557 = arith.muli %add3A_527, %mul3A_556 : i32
        %add3A_558 = arith.constant 32 : i32
        %add3A_559 = arith.addi %mul3A_557, %add3A_558 : i32
        %swap3A_560 = arith.index_cast %add3A_559 : i32 to index
        %swap3A_561 = tpu.vector_load %arg9[%swap3A_560] {strides = array<i32>} : memref<16640xf32, #tpu.memory_space<vmem>>, vector<16xf32>,
        tpu.vector_store %arg9[%swap3A_560], %add3A_539 {strides = array<i32>} : memref<16640xf32, #tpu.memory_space<vmem>>, vector<16xf32>,
        %mul3A_562 = arith.constant 65 : i32
        %mul3A_563 = arith.muli %add3A_527, %mul3A_562 : i32
        %add3A_564 = arith.constant 48 : i32
        %add3A_565 = arith.addi %mul3A_563, %add3A_564 : i32
        %swap3A_566 = arith.index_cast %add3A_565 : i32 to index
        %swap3A_567 = tpu.vector_load %arg9[%swap3A_566] {strides = array<i32>} : memref<16640xf32, #tpu.memory_space<vmem>>, vector<16xf32>,
        tpu.vector_store %arg9[%swap3A_566], %add3A_543 {strides = array<i32>} : memref<16640xf32, #tpu.memory_space<vmem>>, vector<16xf32>,
        %mul3A_568 = arith.constant 8 : i32
        %mul3A_569 = arith.muli %add3A_246, %mul3A_568 : i32
        %add3A_570 = arith.constant 128 : i32
        %add3A_571 = arith.addi %add3A_570, %mul3A_569 : i32
        %add3A_572 = arith.constant 7 : i32
        %add3A_573 = arith.addi %add3A_571, %add3A_572 : i32
        %get3A_574 = arith.index_cast %add3A_573 : i32 to index
        %get3A_575 = arith.constant 0 : index
        %get3A_576 = tpu.vector_load %arg8[%get3A_574, %get3A_575] {strides = array<i32>} : memref<256x64xf32, #tpu.memory_space<vmem>>, vector<16xf32>,
        %add3A_577 = arith.addf %get3A_576, %get3A_210 : vector<16xf32>
        %get3A_578 = arith.index_cast %add3A_573 : i32 to index
        %get3A_579 = arith.constant 16 : index
        %get3A_580 = tpu.vector_load %arg8[%get3A_578, %get3A_579] {strides = array<i32>} : memref<256x64xf32, #tpu.memory_space<vmem>>, vector<16xf32>,
        %add3A_581 = arith.addf %get3A_580, %get3A_213 : vector<16xf32>
        %get3A_582 = arith.index_cast %add3A_573 : i32 to index
        %get3A_583 = arith.constant 32 : index
        %get3A_584 = tpu.vector_load %arg8[%get3A_582, %get3A_583] {strides = array<i32>} : memref<256x64xf32, #tpu.memory_space<vmem>>, vector<16xf32>,
        %add3A_585 = arith.addf %get3A_584, %get3A_216 : vector<16xf32>
        %get3A_586 = arith.index_cast %add3A_573 : i32 to index
        %get3A_587 = arith.constant 48 : index
        %get3A_588 = tpu.vector_load %arg8[%get3A_586, %get3A_587] {strides = array<i32>} : memref<256x64xf32, #tpu.memory_space<vmem>>, vector<16xf32>,
        %add3A_589 = arith.addf %get3A_588, %get3A_219 : vector<16xf32>
        %mul3A_590 = arith.constant 65 : i32
        %mul3A_591 = arith.muli %add3A_573, %mul3A_590 : i32
        %add3A_592 = arith.constant 0 : i32
        %add3A_593 = arith.addi %mul3A_591, %add3A_592 : i32
        %swap3A_594 = arith.index_cast %add3A_593 : i32 to index
        %swap3A_595 = tpu.vector_load %arg9[%swap3A_594] {strides = array<i32>} : memref<16640xf32, #tpu.memory_space<vmem>>, vector<16xf32>,
        tpu.vector_store %arg9[%swap3A_594], %add3A_577 {strides = array<i32>} : memref<16640xf32, #tpu.memory_space<vmem>>, vector<16xf32>,
        %mul3A_596 = arith.constant 65 : i32
        %mul3A_597 = arith.muli %add3A_573, %mul3A_596 : i32
        %add3A_598 = arith.constant 16 : i32
        %add3A_599 = arith.addi %mul3A_597, %add3A_598 : i32
        %swap3A_600 = arith.index_cast %add3A_599 : i32 to index
        %swap3A_601 = tpu.vector_load %arg9[%swap3A_600] {strides = array<i32>} : memref<16640xf32, #tpu.memory_space<vmem>>, vector<16xf32>,
        tpu.vector_store %arg9[%swap3A_600], %add3A_581 {strides = array<i32>} : memref<16640xf32, #tpu.memory_space<vmem>>, vector<16xf32>,
        %mul3A_602 = arith.constant 65 : i32
        %mul3A_603 = arith.muli %add3A_573, %mul3A_602 : i32
        %add3A_604 = arith.constant 32 : i32
        %add3A_605 = arith.addi %mul3A_603, %add3A_604 : i32
        %swap3A_606 = arith.index_cast %add3A_605 : i32 to index
        %swap3A_607 = tpu.vector_load %arg9[%swap3A_606] {strides = array<i32>} : memref<16640xf32, #tpu.memory_space<vmem>>, vector<16xf32>,
        tpu.vector_store %arg9[%swap3A_606], %add3A_585 {strides = array<i32>} : memref<16640xf32, #tpu.memory_space<vmem>>, vector<16xf32>,
        %mul3A_608 = arith.constant 65 : i32
        %mul3A_609 = arith.muli %add3A_573, %mul3A_608 : i32
        %add3A_610 = arith.constant 48 : i32
        %add3A_611 = arith.addi %mul3A_609, %add3A_610 : i32
        %swap3A_612 = arith.index_cast %add3A_611 : i32 to index
        %swap3A_613 = tpu.vector_load %arg9[%swap3A_612] {strides = array<i32>} : memref<16640xf32, #tpu.memory_space<vmem>>, vector<16xf32>,
        tpu.vector_store %arg9[%swap3A_612], %add3A_589 {strides = array<i32>} : memref<16640xf32, #tpu.memory_space<vmem>>, vector<16xf32>,
      }
      %scan3A_224 = arith.constant 16 : i32
      %scan3A_225 = arith.constant 0 : i32
      %scan3A_226 = arith.constant 8 : i32
      %scan3A_227 = arith.addi %scan3A_225, %scan3A_226 : i32
      %scan3A_228 = arith.constant 1 : i32
      scf.for %scan3A_242 = %scan3A_225 to %scan3A_227 step %scan3A_228  : i32 {
        %mul3A_243 = arith.constant 1 : i32
        %mul3A_244 = arith.muli %scan3A_242, %mul3A_243 : i32
        %add3A_245 = arith.constant 0 : i32
        %add3A_246 = arith.addi %add3A_245, %mul3A_244 : i32
        %mul3A_247 = arith.constant 8 : i32
        %mul3A_248 = arith.muli %add3A_246, %mul3A_247 : i32
        %add3A_249 = arith.constant 0 : i32
        %add3A_250 = arith.addi %mul3A_248, %add3A_249 : i32
        %broadcast_in_dim3A = vector.broadcast %add3A_250 : i32 to vector<16xi32>
        %mul3A_251 = arith.constant 65 : i32
        %mul3A_252 = vector.broadcast %mul3A_251 : i32 to vector<16xi32>
        %mul3A_253 = arith.muli %add3A_5, %mul3A_252 : vector<16xi32>
        %add3A_254 = arith.constant 0 : i32
        %add3A_255 = vector.broadcast %add3A_254 : i32 to vector<16xi32>
        %add3A_256 = arith.addi %broadcast_in_dim3A, %add3A_255 : vector<16xi32>
        %add3A_257 = arith.addi %mul3A_253, %add3A_256 : vector<16xi32>
        %gather3A = tpu.vector_load_idx %arg9[%add3A_257] : memref<16640xf32, #tpu.memory_space<vmem>>[vector<16xi32>], vector<16xf32>,
        %mul3A_258 = arith.constant 65 : i32
        %mul3A_259 = vector.broadcast %mul3A_258 : i32 to vector<16xi32>
        %mul3A_260 = arith.muli %add3A_9, %mul3A_259 : vector<16xi32>
        %add3A_261 = arith.constant 0 : i32
        %add3A_262 = vector.broadcast %add3A_261 : i32 to vector<16xi32>
        %add3A_263 = arith.addi %broadcast_in_dim3A, %add3A_262 : vector<16xi32>
        %add3A_264 = arith.addi %mul3A_260, %add3A_263 : vector<16xi32>
        %gather3A_265 = tpu.vector_load_idx %arg9[%add3A_264] : memref<16640xf32, #tpu.memory_space<vmem>>[vector<16xi32>], vector<16xf32>,
        %mul3A_266 = arith.constant 65 : i32
        %mul3A_267 = vector.broadcast %mul3A_266 : i32 to vector<16xi32>
        %mul3A_268 = arith.muli %add3A_13, %mul3A_267 : vector<16xi32>
        %add3A_269 = arith.constant 0 : i32
        %add3A_270 = vector.broadcast %add3A_269 : i32 to vector<16xi32>
        %add3A_271 = arith.addi %broadcast_in_dim3A, %add3A_270 : vector<16xi32>
        %add3A_272 = arith.addi %mul3A_268, %add3A_271 : vector<16xi32>
        %gather3A_273 = tpu.vector_load_idx %arg9[%add3A_272] : memref<16640xf32, #tpu.memory_space<vmem>>[vector<16xi32>], vector<16xf32>,
        %mul3A_274 = arith.constant 65 : i32
        %mul3A_275 = vector.broadcast %mul3A_274 : i32 to vector<16xi32>
        %mul3A_276 = arith.muli %add3A_17, %mul3A_275 : vector<16xi32>
        %add3A_277 = arith.constant 0 : i32
        %add3A_278 = vector.broadcast %add3A_277 : i32 to vector<16xi32>
        %add3A_279 = arith.addi %broadcast_in_dim3A, %add3A_278 : vector<16xi32>
        %add3A_280 = arith.addi %mul3A_276, %add3A_279 : vector<16xi32>
        %gather3A_281 = tpu.vector_load_idx %arg9[%add3A_280] : memref<16640xf32, #tpu.memory_space<vmem>>[vector<16xi32>], vector<16xf32>,
        %mul3A_282 = arith.constant 65 : i32
        %mul3A_283 = vector.broadcast %mul3A_282 : i32 to vector<16xi32>
        %mul3A_284 = arith.muli %add3A_21, %mul3A_283 : vector<16xi32>
        %add3A_285 = arith.constant 0 : i32
        %add3A_286 = vector.broadcast %add3A_285 : i32 to vector<16xi32>
        %add3A_287 = arith.addi %broadcast_in_dim3A, %add3A_286 : vector<16xi32>
        %add3A_288 = arith.addi %mul3A_284, %add3A_287 : vector<16xi32>
        %gather3A_289 = tpu.vector_load_idx %arg9[%add3A_288] : memref<16640xf32, #tpu.memory_space<vmem>>[vector<16xi32>], vector<16xf32>,
        %mul3A_290 = arith.constant 65 : i32
        %mul3A_291 = vector.broadcast %mul3A_290 : i32 to vector<16xi32>
        %mul3A_292 = arith.muli %add3A_25, %mul3A_291 : vector<16xi32>
        %add3A_293 = arith.constant 0 : i32
        %add3A_294 = vector.broadcast %add3A_293 : i32 to vector<16xi32>
        %add3A_295 = arith.addi %broadcast_in_dim3A, %add3A_294 : vector<16xi32>
        %add3A_296 = arith.addi %mul3A_292, %add3A_295 : vector<16xi32>
        %gather3A_297 = tpu.vector_load_idx %arg9[%add3A_296] : memref<16640xf32, #tpu.memory_space<vmem>>[vector<16xi32>], vector<16xf32>,
        %mul3A_298 = arith.constant 65 : i32
        %mul3A_299 = vector.broadcast %mul3A_298 : i32 to vector<16xi32>
        %mul3A_300 = arith.muli %add3A_29, %mul3A_299 : vector<16xi32>
        %add3A_301 = arith.constant 0 : i32
        %add3A_302 = vector.broadcast %add3A_301 : i32 to vector<16xi32>
        %add3A_303 = arith.addi %broadcast_in_dim3A, %add3A_302 : vector<16xi32>
        %add3A_304 = arith.addi %mul3A_300, %add3A_303 : vector<16xi32>
        %gather3A_305 = tpu.vector_load_idx %arg9[%add3A_304] : memref<16640xf32, #tpu.memory_space<vmem>>[vector<16xi32>], vector<16xf32>,
        %mul3A_306 = arith.constant 65 : i32
        %mul3A_307 = vector.broadcast %mul3A_306 : i32 to vector<16xi32>
        %mul3A_308 = arith.muli %add3A_33, %mul3A_307 : vector<16xi32>
        %add3A_309 = arith.constant 0 : i32
        %add3A_310 = vector.broadcast %add3A_309 : i32 to vector<16xi32>
        %add3A_311 = arith.addi %broadcast_in_dim3A, %add3A_310 : vector<16xi32>
        %add3A_312 = arith.addi %mul3A_308, %add3A_311 : vector<16xi32>
        %gather3A_313 = tpu.vector_load_idx %arg9[%add3A_312] : memref<16640xf32, #tpu.memory_space<vmem>>[vector<16xi32>], vector<16xf32>,
        %add3A_314 = arith.constant 0 : i32
        %add3A_315 = arith.addi %add3A_314, %add3A_246 : i32
        %swap3A = arith.index_cast %add3A_315 : i32 to index
        %swap3A_316 = arith.constant 0 : index
        %swap3A_317 = tpu.vector_load %arg11[%swap3A, %swap3A_316] {strides = array<i32>} : memref<16x1024xf32, #tpu.memory_space<vmem>>, vector<16xf32>,
        tpu.vector_store %arg11[%swap3A, %swap3A_316], %gather3A {strides = array<i32>} : memref<16x1024xf32, #tpu.memory_space<vmem>>, vector<16xf32>,
        %add3A_318 = arith.constant 0 : i32
        %add3A_319 = arith.addi %add3A_318, %add3A_246 : i32
        %swap3A_320 = arith.index_cast %add3A_319 : i32 to index
        %swap3A_321 = arith.constant 16 : index
        %swap3A_322 = tpu.vector_load %arg11[%swap3A_320, %swap3A_321] {strides = array<i32>} : memref<16x1024xf32, #tpu.memory_space<vmem>>, vector<16xf32>,
        tpu.vector_store %arg11[%swap3A_320, %swap3A_321], %gather3A_265 {strides = array<i32>} : memref<16x1024xf32, #tpu.memory_space<vmem>>, vector<16xf32>,
        %add3A_323 = arith.constant 0 : i32
        %add3A_324 = arith.addi %add3A_323, %add3A_246 : i32
        %swap3A_325 = arith.index_cast %add3A_324 : i32 to index
        %swap3A_326 = arith.constant 32 : index
        %swap3A_327 = tpu.vector_load %arg11[%swap3A_325, %swap3A_326] {strides = array<i32>} : memref<16x1024xf32, #tpu.memory_space<vmem>>, vector<16xf32>,
        tpu.vector_store %arg11[%swap3A_325, %swap3A_326], %gather3A_273 {strides = array<i32>} : memref<16x1024xf32, #tpu.memory_space<vmem>>, vector<16xf32>,
        %add3A_328 = arith.constant 0 : i32
        %add3A_329 = arith.addi %add3A_328, %add3A_246 : i32
        %swap3A_330 = arith.index_cast %add3A_329 : i32 to index
        %swap3A_331 = arith.constant 48 : index
        %swap3A_332 = tpu.vector_load %arg11[%swap3A_330, %swap3A_331] {strides = array<i32>} : memref<16x1024xf32, #tpu.memory_space<vmem>>, vector<16xf32>,
        tpu.vector_store %arg11[%swap3A_330, %swap3A_331], %gather3A_281 {strides = array<i32>} : memref<16x1024xf32, #tpu.memory_space<vmem>>, vector<16xf32>,
        %add3A_333 = arith.constant 0 : i32
        %add3A_334 = arith.addi %add3A_333, %add3A_246 : i32
        %swap3A_335 = arith.index_cast %add3A_334 : i32 to index
        %swap3A_336 = arith.constant 64 : index
        %swap3A_337 = tpu.vector_load %arg11[%swap3A_335, %swap3A_336] {strides = array<i32>} : memref<16x1024xf32, #tpu.memory_space<vmem>>, vector<16xf32>,
        tpu.vector_store %arg11[%swap3A_335, %swap3A_336], %gather3A_289 {strides = array<i32>} : memref<16x1024xf32, #tpu.memory_space<vmem>>, vector<16xf32>,
        %add3A_338 = arith.constant 0 : i32
        %add3A_339 = arith.addi %add3A_338, %add3A_246 : i32
        %swap3A_340 = arith.index_cast %add3A_339 : i32 to index
        %swap3A_341 = arith.constant 80 : index
        %swap3A_342 = tpu.vector_load %arg11[%swap3A_340, %swap3A_341] {strides = array<i32>} : memref<16x1024xf32, #tpu.memory_space<vmem>>, vector<16xf32>,
        tpu.vector_store %arg11[%swap3A_340, %swap3A_341], %gather3A_297 {strides = array<i32>} : memref<16x1024xf32, #tpu.memory_space<vmem>>, vector<16xf32>,
        %add3A_343 = arith.constant 0 : i32
        %add3A_344 = arith.addi %add3A_343, %add3A_246 : i32
        %swap3A_345 = arith.index_cast %add3A_344 : i32 to index
        %swap3A_346 = arith.constant 96 : index
        %swap3A_347 = tpu.vector_load %arg11[%swap3A_345, %swap3A_346] {strides = array<i32>} : memref<16x1024xf32, #tpu.memory_space<vmem>>, vector<16xf32>,
        tpu.vector_store %arg11[%swap3A_345, %swap3A_346], %gather3A_305 {strides = array<i32>} : memref<16x1024xf32, #tpu.memory_space<vmem>>, vector<16xf32>,
        %add3A_348 = arith.constant 0 : i32
        %add3A_349 = arith.addi %add3A_348, %add3A_246 : i32
        %swap3A_350 = arith.index_cast %add3A_349 : i32 to index
        %swap3A_351 = arith.constant 112 : index
        %swap3A_352 = tpu.vector_load %arg11[%swap3A_350, %swap3A_351] {strides = array<i32>} : memref<16x1024xf32, #tpu.memory_space<vmem>>, vector<16xf32>,
        tpu.vector_store %arg11[%swap3A_350, %swap3A_351], %gather3A_313 {strides = array<i32>} : memref<16x1024xf32, #tpu.memory_space<vmem>>, vector<16xf32>,
        %mul3A_353 = arith.constant 8 : i32
        %mul3A_354 = arith.muli %add3A_246, %mul3A_353 : i32
        %add3A_355 = arith.constant 1 : i32
        %add3A_356 = arith.addi %mul3A_354, %add3A_355 : i32
        %broadcast_in_dim3A_357 = vector.broadcast %add3A_356 : i32 to vector<16xi32>
        %mul3A_358 = arith.constant 65 : i32
        %mul3A_359 = vector.broadcast %mul3A_358 : i32 to vector<16xi32>
        %mul3A_360 = arith.muli %add3A_5, %mul3A_359 : vector<16xi32>
        %add3A_361 = arith.constant 0 : i32
        %add3A_362 = vector.broadcast %add3A_361 : i32 to vector<16xi32>
        %add3A_363 = arith.addi %broadcast_in_dim3A_357, %add3A_362 : vector<16xi32>
        %add3A_364 = arith.addi %mul3A_360, %add3A_363 : vector<16xi32>
        %gather3A_365 = tpu.vector_load_idx %arg9[%add3A_364] : memref<16640xf32, #tpu.memory_space<vmem>>[vector<16xi32>], vector<16xf32>,
        %mul3A_366 = arith.constant 65 : i32
        %mul3A_367 = vector.broadcast %mul3A_366 : i32 to vector<16xi32>
        %mul3A_368 = arith.muli %add3A_9, %mul3A_367 : vector<16xi32>
        %add3A_369 = arith.constant 0 : i32
        %add3A_370 = vector.broadcast %add3A_369 : i32 to vector<16xi32>
        %add3A_371 = arith.addi %broadcast_in_dim3A_357, %add3A_370 : vector<16xi32>
        %add3A_372 = arith.addi %mul3A_368, %add3A_371 : vector<16xi32>
        %gather3A_373 = tpu.vector_load_idx %arg9[%add3A_372] : memref<16640xf32, #tpu.memory_space<vmem>>[vector<16xi32>], vector<16xf32>,
        %mul3A_374 = arith.constant 65 : i32
        %mul3A_375 = vector.broadcast %mul3A_374 : i32 to vector<16xi32>
        %mul3A_376 = arith.muli %add3A_13, %mul3A_375 : vector<16xi32>
        %add3A_377 = arith.constant 0 : i32
        %add3A_378 = vector.broadcast %add3A_377 : i32 to vector<16xi32>
        %add3A_379 = arith.addi %broadcast_in_dim3A_357, %add3A_378 : vector<16xi32>
        %add3A_380 = arith.addi %mul3A_376, %add3A_379 : vector<16xi32>
        %gather3A_381 = tpu.vector_load_idx %arg9[%add3A_380] : memref<16640xf32, #tpu.memory_space<vmem>>[vector<16xi32>], vector<16xf32>,
        %mul3A_382 = arith.constant 65 : i32
        %mul3A_383 = vector.broadcast %mul3A_382 : i32 to vector<16xi32>
        %mul3A_384 = arith.muli %add3A_17, %mul3A_383 : vector<16xi32>
        %add3A_385 = arith.constant 0 : i32
        %add3A_386 = vector.broadcast %add3A_385 : i32 to vector<16xi32>
        %add3A_387 = arith.addi %broadcast_in_dim3A_357, %add3A_386 : vector<16xi32>
        %add3A_388 = arith.addi %mul3A_384, %add3A_387 : vector<16xi32>
        %gather3A_389 = tpu.vector_load_idx %arg9[%add3A_388] : memref<16640xf32, #tpu.memory_space<vmem>>[vector<16xi32>], vector<16xf32>,
        %mul3A_390 = arith.constant 65 : i32
        %mul3A_391 = vector.broadcast %mul3A_390 : i32 to vector<16xi32>
        %mul3A_392 = arith.muli %add3A_21, %mul3A_391 : vector<16xi32>
        %add3A_393 = arith.constant 0 : i32
        %add3A_394 = vector.broadcast %add3A_393 : i32 to vector<16xi32>
        %add3A_395 = arith.addi %broadcast_in_dim3A_357, %add3A_394 : vector<16xi32>
        %add3A_396 = arith.addi %mul3A_392, %add3A_395 : vector<16xi32>
        %gather3A_397 = tpu.vector_load_idx %arg9[%add3A_396] : memref<16640xf32, #tpu.memory_space<vmem>>[vector<16xi32>], vector<16xf32>,
        %mul3A_398 = arith.constant 65 : i32
        %mul3A_399 = vector.broadcast %mul3A_398 : i32 to vector<16xi32>
        %mul3A_400 = arith.muli %add3A_25, %mul3A_399 : vector<16xi32>
        %add3A_401 = arith.constant 0 : i32
        %add3A_402 = vector.broadcast %add3A_401 : i32 to vector<16xi32>
        %add3A_403 = arith.addi %broadcast_in_dim3A_357, %add3A_402 : vector<16xi32>
        %add3A_404 = arith.addi %mul3A_400, %add3A_403 : vector<16xi32>
        %gather3A_405 = tpu.vector_load_idx %arg9[%add3A_404] : memref<16640xf32, #tpu.memory_space<vmem>>[vector<16xi32>], vector<16xf32>,
        %mul3A_406 = arith.constant 65 : i32
        %mul3A_407 = vector.broadcast %mul3A_406 : i32 to vector<16xi32>
        %mul3A_408 = arith.muli %add3A_29, %mul3A_407 : vector<16xi32>
        %add3A_409 = arith.constant 0 : i32
        %add3A_410 = vector.broadcast %add3A_409 : i32 to vector<16xi32>
        %add3A_411 = arith.addi %broadcast_in_dim3A_357, %add3A_410 : vector<16xi32>
        %add3A_412 = arith.addi %mul3A_408, %add3A_411 : vector<16xi32>
        %gather3A_413 = tpu.vector_load_idx %arg9[%add3A_412] : memref<16640xf32, #tpu.memory_space<vmem>>[vector<16xi32>], vector<16xf32>,
        %mul3A_414 = arith.constant 65 : i32
        %mul3A_415 = vector.broadcast %mul3A_414 : i32 to vector<16xi32>
        %mul3A_416 = arith.muli %add3A_33, %mul3A_415 : vector<16xi32>
        %add3A_417 = arith.constant 0 : i32
        %add3A_418 = vector.broadcast %add3A_417 : i32 to vector<16xi32>
        %add3A_419 = arith.addi %broadcast_in_dim3A_357, %add3A_418 : vector<16xi32>
        %add3A_420 = arith.addi %mul3A_416, %add3A_419 : vector<16xi32>
        %gather3A_421 = tpu.vector_load_idx %arg9[%add3A_420] : memref<16640xf32, #tpu.memory_space<vmem>>[vector<16xi32>], vector<16xf32>,
        %add3A_422 = arith.constant 0 : i32
        %add3A_423 = arith.addi %add3A_422, %add3A_246 : i32
        %swap3A_424 = arith.index_cast %add3A_423 : i32 to index
        %swap3A_425 = arith.constant 128 : index
        %swap3A_426 = tpu.vector_load %arg11[%swap3A_424, %swap3A_425] {strides = array<i32>} : memref<16x1024xf32, #tpu.memory_space<vmem>>, vector<16xf32>,
        tpu.vector_store %arg11[%swap3A_424, %swap3A_425], %gather3A_365 {strides = array<i32>} : memref<16x1024xf32, #tpu.memory_space<vmem>>, vector<16xf32>,
        %add3A_427 = arith.constant 0 : i32
        %add3A_428 = arith.addi %add3A_427, %add3A_246 : i32
        %swap3A_429 = arith.index_cast %add3A_428 : i32 to index
        %swap3A_430 = arith.constant 144 : index
        %swap3A_431 = tpu.vector_load %arg11[%swap3A_429, %swap3A_430] {strides = array<i32>} : memref<16x1024xf32, #tpu.memory_space<vmem>>, vector<16xf32>,
        tpu.vector_store %arg11[%swap3A_429, %swap3A_430], %gather3A_373 {strides = array<i32>} : memref<16x1024xf32, #tpu.memory_space<vmem>>, vector<16xf32>,
        %add3A_432 = arith.constant 0 : i32
        %add3A_433 = arith.addi %add3A_432, %add3A_246 : i32
        %swap3A_434 = arith.index_cast %add3A_433 : i32 to index
        %swap3A_435 = arith.constant 160 : index
        %swap3A_436 = tpu.vector_load %arg11[%swap3A_434, %swap3A_435] {strides = array<i32>} : memref<16x1024xf32, #tpu.memory_space<vmem>>, vector<16xf32>,
        tpu.vector_store %arg11[%swap3A_434, %swap3A_435], %gather3A_381 {strides = array<i32>} : memref<16x1024xf32, #tpu.memory_space<vmem>>, vector<16xf32>,
        %add3A_437 = arith.constant 0 : i32
        %add3A_438 = arith.addi %add3A_437, %add3A_246 : i32
        %swap3A_439 = arith.index_cast %add3A_438 : i32 to index
        %swap3A_440 = arith.constant 176 : index
        %swap3A_441 = tpu.vector_load %arg11[%swap3A_439, %swap3A_440] {strides = array<i32>} : memref<16x1024xf32, #tpu.memory_space<vmem>>, vector<16xf32>,
        tpu.vector_store %arg11[%swap3A_439, %swap3A_440], %gather3A_389 {strides = array<i32>} : memref<16x1024xf32, #tpu.memory_space<vmem>>, vector<16xf32>,
        %add3A_442 = arith.constant 0 : i32
        %add3A_443 = arith.addi %add3A_442, %add3A_246 : i32
        %swap3A_444 = arith.index_cast %add3A_443 : i32 to index
        %swap3A_445 = arith.constant 192 : index
        %swap3A_446 = tpu.vector_load %arg11[%swap3A_444, %swap3A_445] {strides = array<i32>} : memref<16x1024xf32, #tpu.memory_space<vmem>>, vector<16xf32>,
        tpu.vector_store %arg11[%swap3A_444, %swap3A_445], %gather3A_397 {strides = array<i32>} : memref<16x1024xf32, #tpu.memory_space<vmem>>, vector<16xf32>,
        %add3A_447 = arith.constant 0 : i32
        %add3A_448 = arith.addi %add3A_447, %add3A_246 : i32
        %swap3A_449 = arith.index_cast %add3A_448 : i32 to index
        %swap3A_450 = arith.constant 208 : index
        %swap3A_451 = tpu.vector_load %arg11[%swap3A_449, %swap3A_450] {strides = array<i32>} : memref<16x1024xf32, #tpu.memory_space<vmem>>, vector<16xf32>,
        tpu.vector_store %arg11[%swap3A_449, %swap3A_450], %gather3A_405 {strides = array<i32>} : memref<16x1024xf32, #tpu.memory_space<vmem>>, vector<16xf32>,
        %add3A_452 = arith.constant 0 : i32
        %add3A_453 = arith.addi %add3A_452, %add3A_246 : i32
        %swap3A_454 = arith.index_cast %add3A_453 : i32 to index
        %swap3A_455 = arith.constant 224 : index
        %swap3A_456 = tpu.vector_load %arg11[%swap3A_454, %swap3A_455] {strides = array<i32>} : memref<16x1024xf32, #tpu.memory_space<vmem>>, vector<16xf32>,
        tpu.vector_store %arg11[%swap3A_454, %swap3A_455], %gather3A_413 {strides = array<i32>} : memref<16x1024xf32, #tpu.memory_space<vmem>>, vector<16xf32>,
        %add3A_457 = arith.constant 0 : i32
        %add3A_458 = arith.addi %add3A_457, %add3A_246 : i32
        %swap3A_459 = arith.index_cast %add3A_458 : i32 to index
        %swap3A_460 = arith.constant 240 : index
        %swap3A_461 = tpu.vector_load %arg11[%swap3A_459, %swap3A_460] {strides = array<i32>} : memref<16x1024xf32, #tpu.memory_space<vmem>>, vector<16xf32>,
        tpu.vector_store %arg11[%swap3A_459, %swap3A_460], %gather3A_421 {strides = array<i32>} : memref<16x1024xf32, #tpu.memory_space<vmem>>, vector<16xf32>,
        %mul3A_462 = arith.constant 8 : i32
        %mul3A_463 = arith.muli %add3A_246, %mul3A_462 : i32
        %add3A_464 = arith.constant 2 : i32
        %add3A_465 = arith.addi %mul3A_463, %add3A_464 : i32
        %broadcast_in_dim3A_466 = vector.broadcast %add3A_465 : i32 to vector<16xi32>
        %mul3A_467 = arith.constant 65 : i32
        %mul3A_468 = vector.broadcast %mul3A_467 : i32 to vector<16xi32>
        %mul3A_469 = arith.muli %add3A_5, %mul3A_468 : vector<16xi32>
        %add3A_470 = arith.constant 0 : i32
        %add3A_471 = vector.broadcast %add3A_470 : i32 to vector<16xi32>
        %add3A_472 = arith.addi %broadcast_in_dim3A_466, %add3A_471 : vector<16xi32>
        %add3A_473 = arith.addi %mul3A_469, %add3A_472 : vector<16xi32>
        %gather3A_474 = tpu.vector_load_idx %arg9[%add3A_473] : memref<16640xf32, #tpu.memory_space<vmem>>[vector<16xi32>], vector<16xf32>,
        %mul3A_475 = arith.constant 65 : i32
        %mul3A_476 = vector.broadcast %mul3A_475 : i32 to vector<16xi32>
        %mul3A_477 = arith.muli %add3A_9, %mul3A_476 : vector<16xi32>
        %add3A_478 = arith.constant 0 : i32
        %add3A_479 = vector.broadcast %add3A_478 : i32 to vector<16xi32>
        %add3A_480 = arith.addi %broadcast_in_dim3A_466, %add3A_479 : vector<16xi32>
        %add3A_481 = arith.addi %mul3A_477, %add3A_480 : vector<16xi32>
        %gather3A_482 = tpu.vector_load_idx %arg9[%add3A_481] : memref<16640xf32, #tpu.memory_space<vmem>>[vector<16xi32>], vector<16xf32>,
        %mul3A_483 = arith.constant 65 : i32
        %mul3A_484 = vector.broadcast %mul3A_483 : i32 to vector<16xi32>
        %mul3A_485 = arith.muli %add3A_13, %mul3A_484 : vector<16xi32>
        %add3A_486 = arith.constant 0 : i32
        %add3A_487 = vector.broadcast %add3A_486 : i32 to vector<16xi32>
        %add3A_488 = arith.addi %broadcast_in_dim3A_466, %add3A_487 : vector<16xi32>
        %add3A_489 = arith.addi %mul3A_485, %add3A_488 : vector<16xi32>
        %gather3A_490 = tpu.vector_load_idx %arg9[%add3A_489] : memref<16640xf32, #tpu.memory_space<vmem>>[vector<16xi32>], vector<16xf32>,
        %mul3A_491 = arith.constant 65 : i32
        %mul3A_492 = vector.broadcast %mul3A_491 : i32 to vector<16xi32>
        %mul3A_493 = arith.muli %add3A_17, %mul3A_492 : vector<16xi32>
        %add3A_494 = arith.constant 0 : i32
        %add3A_495 = vector.broadcast %add3A_494 : i32 to vector<16xi32>
        %add3A_496 = arith.addi %broadcast_in_dim3A_466, %add3A_495 : vector<16xi32>
        %add3A_497 = arith.addi %mul3A_493, %add3A_496 : vector<16xi32>
        %gather3A_498 = tpu.vector_load_idx %arg9[%add3A_497] : memref<16640xf32, #tpu.memory_space<vmem>>[vector<16xi32>], vector<16xf32>,
        %mul3A_499 = arith.constant 65 : i32
        %mul3A_500 = vector.broadcast %mul3A_499 : i32 to vector<16xi32>
        %mul3A_501 = arith.muli %add3A_21, %mul3A_500 : vector<16xi32>
        %add3A_502 = arith.constant 0 : i32
        %add3A_503 = vector.broadcast %add3A_502 : i32 to vector<16xi32>
        %add3A_504 = arith.addi %broadcast_in_dim3A_466, %add3A_503 : vector<16xi32>
        %add3A_505 = arith.addi %mul3A_501, %add3A_504 : vector<16xi32>
        %gather3A_506 = tpu.vector_load_idx %arg9[%add3A_505] : memref<16640xf32, #tpu.memory_space<vmem>>[vector<16xi32>], vector<16xf32>,
        %mul3A_507 = arith.constant 65 : i32
        %mul3A_508 = vector.broadcast %mul3A_507 : i32 to vector<16xi32>
        %mul3A_509 = arith.muli %add3A_25, %mul3A_508 : vector<16xi32>
        %add3A_510 = arith.constant 0 : i32
        %add3A_511 = vector.broadcast %add3A_510 : i32 to vector<16xi32>
        %add3A_512 = arith.addi %broadcast_in_dim3A_466, %add3A_511 : vector<16xi32>
        %add3A_513 = arith.addi %mul3A_509, %add3A_512 : vector<16xi32>
        %gather3A_514 = tpu.vector_load_idx %arg9[%add3A_513] : memref<16640xf32, #tpu.memory_space<vmem>>[vector<16xi32>], vector<16xf32>,
        %mul3A_515 = arith.constant 65 : i32
        %mul3A_516 = vector.broadcast %mul3A_515 : i32 to vector<16xi32>
        %mul3A_517 = arith.muli %add3A_29, %mul3A_516 : vector<16xi32>
        %add3A_518 = arith.constant 0 : i32
        %add3A_519 = vector.broadcast %add3A_518 : i32 to vector<16xi32>
        %add3A_520 = arith.addi %broadcast_in_dim3A_466, %add3A_519 : vector<16xi32>
        %add3A_521 = arith.addi %mul3A_517, %add3A_520 : vector<16xi32>
        %gather3A_522 = tpu.vector_load_idx %arg9[%add3A_521] : memref<16640xf32, #tpu.memory_space<vmem>>[vector<16xi32>], vector<16xf32>,
        %mul3A_523 = arith.constant 65 : i32
        %mul3A_524 = vector.broadcast %mul3A_523 : i32 to vector<16xi32>
        %mul3A_525 = arith.muli %add3A_33, %mul3A_524 : vector<16xi32>
        %add3A_526 = arith.constant 0 : i32
        %add3A_527 = vector.broadcast %add3A_526 : i32 to vector<16xi32>
        %add3A_528 = arith.addi %broadcast_in_dim3A_466, %add3A_527 : vector<16xi32>
        %add3A_529 = arith.addi %mul3A_525, %add3A_528 : vector<16xi32>
        %gather3A_530 = tpu.vector_load_idx %arg9[%add3A_529] : memref<16640xf32, #tpu.memory_space<vmem>>[vector<16xi32>], vector<16xf32>,
        %add3A_531 = arith.constant 0 : i32
        %add3A_532 = arith.addi %add3A_531, %add3A_246 : i32
        %swap3A_533 = arith.index_cast %add3A_532 : i32 to index
        %swap3A_534 = arith.constant 256 : index
        %swap3A_535 = tpu.vector_load %arg11[%swap3A_533, %swap3A_534] {strides = array<i32>} : memref<16x1024xf32, #tpu.memory_space<vmem>>, vector<16xf32>,
        tpu.vector_store %arg11[%swap3A_533, %swap3A_534], %gather3A_474 {strides = array<i32>} : memref<16x1024xf32, #tpu.memory_space<vmem>>, vector<16xf32>,
        %add3A_536 = arith.constant 0 : i32
        %add3A_537 = arith.addi %add3A_536, %add3A_246 : i32
        %swap3A_538 = arith.index_cast %add3A_537 : i32 to index
        %swap3A_539 = arith.constant 272 : index
        %swap3A_540 = tpu.vector_load %arg11[%swap3A_538, %swap3A_539] {strides = array<i32>} : memref<16x1024xf32, #tpu.memory_space<vmem>>, vector<16xf32>,
        tpu.vector_store %arg11[%swap3A_538, %swap3A_539], %gather3A_482 {strides = array<i32>} : memref<16x1024xf32, #tpu.memory_space<vmem>>, vector<16xf32>,
        %add3A_541 = arith.constant 0 : i32
        %add3A_542 = arith.addi %add3A_541, %add3A_246 : i32
        %swap3A_543 = arith.index_cast %add3A_542 : i32 to index
        %swap3A_544 = arith.constant 288 : index
        %swap3A_545 = tpu.vector_load %arg11[%swap3A_543, %swap3A_544] {strides = array<i32>} : memref<16x1024xf32, #tpu.memory_space<vmem>>, vector<16xf32>,
        tpu.vector_store %arg11[%swap3A_543, %swap3A_544], %gather3A_490 {strides = array<i32>} : memref<16x1024xf32, #tpu.memory_space<vmem>>, vector<16xf32>,
        %add3A_546 = arith.constant 0 : i32
        %add3A_547 = arith.addi %add3A_546, %add3A_246 : i32
        %swap3A_548 = arith.index_cast %add3A_547 : i32 to index
        %swap3A_549 = arith.constant 304 : index
        %swap3A_550 = tpu.vector_load %arg11[%swap3A_548, %swap3A_549] {strides = array<i32>} : memref<16x1024xf32, #tpu.memory_space<vmem>>, vector<16xf32>,
        tpu.vector_store %arg11[%swap3A_548, %swap3A_549], %gather3A_498 {strides = array<i32>} : memref<16x1024xf32, #tpu.memory_space<vmem>>, vector<16xf32>,
        %add3A_551 = arith.constant 0 : i32
        %add3A_552 = arith.addi %add3A_551, %add3A_246 : i32
        %swap3A_553 = arith.index_cast %add3A_552 : i32 to index
        %swap3A_554 = arith.constant 320 : index
        %swap3A_555 = tpu.vector_load %arg11[%swap3A_553, %swap3A_554] {strides = array<i32>} : memref<16x1024xf32, #tpu.memory_space<vmem>>, vector<16xf32>,
        tpu.vector_store %arg11[%swap3A_553, %swap3A_554], %gather3A_506 {strides = array<i32>} : memref<16x1024xf32, #tpu.memory_space<vmem>>, vector<16xf32>,
        %add3A_556 = arith.constant 0 : i32
        %add3A_557 = arith.addi %add3A_556, %add3A_246 : i32
        %swap3A_558 = arith.index_cast %add3A_557 : i32 to index
        %swap3A_559 = arith.constant 336 : index
        %swap3A_560 = tpu.vector_load %arg11[%swap3A_558, %swap3A_559] {strides = array<i32>} : memref<16x1024xf32, #tpu.memory_space<vmem>>, vector<16xf32>,
        tpu.vector_store %arg11[%swap3A_558, %swap3A_559], %gather3A_514 {strides = array<i32>} : memref<16x1024xf32, #tpu.memory_space<vmem>>, vector<16xf32>,
        %add3A_561 = arith.constant 0 : i32
        %add3A_562 = arith.addi %add3A_561, %add3A_246 : i32
        %swap3A_563 = arith.index_cast %add3A_562 : i32 to index
        %swap3A_564 = arith.constant 352 : index
        %swap3A_565 = tpu.vector_load %arg11[%swap3A_563, %swap3A_564] {strides = array<i32>} : memref<16x1024xf32, #tpu.memory_space<vmem>>, vector<16xf32>,
        tpu.vector_store %arg11[%swap3A_563, %swap3A_564], %gather3A_522 {strides = array<i32>} : memref<16x1024xf32, #tpu.memory_space<vmem>>, vector<16xf32>,
        %add3A_566 = arith.constant 0 : i32
        %add3A_567 = arith.addi %add3A_566, %add3A_246 : i32
        %swap3A_568 = arith.index_cast %add3A_567 : i32 to index
        %swap3A_569 = arith.constant 368 : index
        %swap3A_570 = tpu.vector_load %arg11[%swap3A_568, %swap3A_569] {strides = array<i32>} : memref<16x1024xf32, #tpu.memory_space<vmem>>, vector<16xf32>,
        tpu.vector_store %arg11[%swap3A_568, %swap3A_569], %gather3A_530 {strides = array<i32>} : memref<16x1024xf32, #tpu.memory_space<vmem>>, vector<16xf32>,
        %mul3A_571 = arith.constant 8 : i32
        %mul3A_572 = arith.muli %add3A_246, %mul3A_571 : i32
        %add3A_573 = arith.constant 3 : i32
        %add3A_574 = arith.addi %mul3A_572, %add3A_573 : i32
        %broadcast_in_dim3A_575 = vector.broadcast %add3A_574 : i32 to vector<16xi32>
        %mul3A_576 = arith.constant 65 : i32
        %mul3A_577 = vector.broadcast %mul3A_576 : i32 to vector<16xi32>
        %mul3A_578 = arith.muli %add3A_5, %mul3A_577 : vector<16xi32>
        %add3A_579 = arith.constant 0 : i32
        %add3A_580 = vector.broadcast %add3A_579 : i32 to vector<16xi32>
        %add3A_581 = arith.addi %broadcast_in_dim3A_575, %add3A_580 : vector<16xi32>
        %add3A_582 = arith.addi %mul3A_578, %add3A_581 : vector<16xi32>
        %gather3A_583 = tpu.vector_load_idx %arg9[%add3A_582] : memref<16640xf32, #tpu.memory_space<vmem>>[vector<16xi32>], vector<16xf32>,
        %mul3A_584 = arith.constant 65 : i32
        %mul3A_585 = vector.broadcast %mul3A_584 : i32 to vector<16xi32>
        %mul3A_586 = arith.muli %add3A_9, %mul3A_585 : vector<16xi32>
        %add3A_587 = arith.constant 0 : i32
        %add3A_588 = vector.broadcast %add3A_587 : i32 to vector<16xi32>
        %add3A_589 = arith.addi %broadcast_in_dim3A_575, %add3A_588 : vector<16xi32>
        %add3A_590 = arith.addi %mul3A_586, %add3A_589 : vector<16xi32>
        %gather3A_591 = tpu.vector_load_idx %arg9[%add3A_590] : memref<16640xf32, #tpu.memory_space<vmem>>[vector<16xi32>], vector<16xf32>,
        %mul3A_592 = arith.constant 65 : i32
        %mul3A_593 = vector.broadcast %mul3A_592 : i32 to vector<16xi32>
        %mul3A_594 = arith.muli %add3A_13, %mul3A_593 : vector<16xi32>
        %add3A_595 = arith.constant 0 : i32
        %add3A_596 = vector.broadcast %add3A_595 : i32 to vector<16xi32>
        %add3A_597 = arith.addi %broadcast_in_dim3A_575, %add3A_596 : vector<16xi32>
        %add3A_598 = arith.addi %mul3A_594, %add3A_597 : vector<16xi32>
        %gather3A_599 = tpu.vector_load_idx %arg9[%add3A_598] : memref<16640xf32, #tpu.memory_space<vmem>>[vector<16xi32>], vector<16xf32>,
        %mul3A_600 = arith.constant 65 : i32
        %mul3A_601 = vector.broadcast %mul3A_600 : i32 to vector<16xi32>
        %mul3A_602 = arith.muli %add3A_17, %mul3A_601 : vector<16xi32>
        %add3A_603 = arith.constant 0 : i32
        %add3A_604 = vector.broadcast %add3A_603 : i32 to vector<16xi32>
        %add3A_605 = arith.addi %broadcast_in_dim3A_575, %add3A_604 : vector<16xi32>
        %add3A_606 = arith.addi %mul3A_602, %add3A_605 : vector<16xi32>
        %gather3A_607 = tpu.vector_load_idx %arg9[%add3A_606] : memref<16640xf32, #tpu.memory_space<vmem>>[vector<16xi32>], vector<16xf32>,
        %mul3A_608 = arith.constant 65 : i32
        %mul3A_609 = vector.broadcast %mul3A_608 : i32 to vector<16xi32>
        %mul3A_610 = arith.muli %add3A_21, %mul3A_609 : vector<16xi32>
        %add3A_611 = arith.constant 0 : i32
        %add3A_612 = vector.broadcast %add3A_611 : i32 to vector<16xi32>
        %add3A_613 = arith.addi %broadcast_in_dim3A_575, %add3A_612 : vector<16xi32>
        %add3A_614 = arith.addi %mul3A_610, %add3A_613 : vector<16xi32>
        %gather3A_615 = tpu.vector_load_idx %arg9[%add3A_614] : memref<16640xf32, #tpu.memory_space<vmem>>[vector<16xi32>], vector<16xf32>,
        %mul3A_616 = arith.constant 65 : i32
        %mul3A_617 = vector.broadcast %mul3A_616 : i32 to vector<16xi32>
        %mul3A_618 = arith.muli %add3A_25, %mul3A_617 : vector<16xi32>
        %add3A_619 = arith.constant 0 : i32
        %add3A_620 = vector.broadcast %add3A_619 : i32 to vector<16xi32>
        %add3A_621 = arith.addi %broadcast_in_dim3A_575, %add3A_620 : vector<16xi32>
        %add3A_622 = arith.addi %mul3A_618, %add3A_621 : vector<16xi32>
        %gather3A_623 = tpu.vector_load_idx %arg9[%add3A_622] : memref<16640xf32, #tpu.memory_space<vmem>>[vector<16xi32>], vector<16xf32>,
        %mul3A_624 = arith.constant 65 : i32
        %mul3A_625 = vector.broadcast %mul3A_624 : i32 to vector<16xi32>
        %mul3A_626 = arith.muli %add3A_29, %mul3A_625 : vector<16xi32>
        %add3A_627 = arith.constant 0 : i32
        %add3A_628 = vector.broadcast %add3A_627 : i32 to vector<16xi32>
        %add3A_629 = arith.addi %broadcast_in_dim3A_575, %add3A_628 : vector<16xi32>
        %add3A_630 = arith.addi %mul3A_626, %add3A_629 : vector<16xi32>
        %gather3A_631 = tpu.vector_load_idx %arg9[%add3A_630] : memref<16640xf32, #tpu.memory_space<vmem>>[vector<16xi32>], vector<16xf32>,
        %mul3A_632 = arith.constant 65 : i32
        %mul3A_633 = vector.broadcast %mul3A_632 : i32 to vector<16xi32>
        %mul3A_634 = arith.muli %add3A_33, %mul3A_633 : vector<16xi32>
        %add3A_635 = arith.constant 0 : i32
        %add3A_636 = vector.broadcast %add3A_635 : i32 to vector<16xi32>
        %add3A_637 = arith.addi %broadcast_in_dim3A_575, %add3A_636 : vector<16xi32>
        %add3A_638 = arith.addi %mul3A_634, %add3A_637 : vector<16xi32>
        %gather3A_639 = tpu.vector_load_idx %arg9[%add3A_638] : memref<16640xf32, #tpu.memory_space<vmem>>[vector<16xi32>], vector<16xf32>,
        %add3A_640 = arith.constant 0 : i32
        %add3A_641 = arith.addi %add3A_640, %add3A_246 : i32
        %swap3A_642 = arith.index_cast %add3A_641 : i32 to index
        %swap3A_643 = arith.constant 384 : index
        %swap3A_644 = tpu.vector_load %arg11[%swap3A_642, %swap3A_643] {strides = array<i32>} : memref<16x1024xf32, #tpu.memory_space<vmem>>, vector<16xf32>,
        tpu.vector_store %arg11[%swap3A_642, %swap3A_643], %gather3A_583 {strides = array<i32>} : memref<16x1024xf32, #tpu.memory_space<vmem>>, vector<16xf32>,
        %add3A_645 = arith.constant 0 : i32
        %add3A_646 = arith.addi %add3A_645, %add3A_246 : i32
        %swap3A_647 = arith.index_cast %add3A_646 : i32 to index
        %swap3A_648 = arith.constant 400 : index
        %swap3A_649 = tpu.vector_load %arg11[%swap3A_647, %swap3A_648] {strides = array<i32>} : memref<16x1024xf32, #tpu.memory_space<vmem>>, vector<16xf32>,
        tpu.vector_store %arg11[%swap3A_647, %swap3A_648], %gather3A_591 {strides = array<i32>} : memref<16x1024xf32, #tpu.memory_space<vmem>>, vector<16xf32>,
        %add3A_650 = arith.constant 0 : i32
        %add3A_651 = arith.addi %add3A_650, %add3A_246 : i32
        %swap3A_652 = arith.index_cast %add3A_651 : i32 to index
        %swap3A_653 = arith.constant 416 : index
        %swap3A_654 = tpu.vector_load %arg11[%swap3A_652, %swap3A_653] {strides = array<i32>} : memref<16x1024xf32, #tpu.memory_space<vmem>>, vector<16xf32>,
        tpu.vector_store %arg11[%swap3A_652, %swap3A_653], %gather3A_599 {strides = array<i32>} : memref<16x1024xf32, #tpu.memory_space<vmem>>, vector<16xf32>,
        %add3A_655 = arith.constant 0 : i32
        %add3A_656 = arith.addi %add3A_655, %add3A_246 : i32
        %swap3A_657 = arith.index_cast %add3A_656 : i32 to index
        %swap3A_658 = arith.constant 432 : index
        %swap3A_659 = tpu.vector_load %arg11[%swap3A_657, %swap3A_658] {strides = array<i32>} : memref<16x1024xf32, #tpu.memory_space<vmem>>, vector<16xf32>,
        tpu.vector_store %arg11[%swap3A_657, %swap3A_658], %gather3A_607 {strides = array<i32>} : memref<16x1024xf32, #tpu.memory_space<vmem>>, vector<16xf32>,
        %add3A_660 = arith.constant 0 : i32
        %add3A_661 = arith.addi %add3A_660, %add3A_246 : i32
        %swap3A_662 = arith.index_cast %add3A_661 : i32 to index
        %swap3A_663 = arith.constant 448 : index
        %swap3A_664 = tpu.vector_load %arg11[%swap3A_662, %swap3A_663] {strides = array<i32>} : memref<16x1024xf32, #tpu.memory_space<vmem>>, vector<16xf32>,
        tpu.vector_store %arg11[%swap3A_662, %swap3A_663], %gather3A_615 {strides = array<i32>} : memref<16x1024xf32, #tpu.memory_space<vmem>>, vector<16xf32>,
        %add3A_665 = arith.constant 0 : i32
        %add3A_666 = arith.addi %add3A_665, %add3A_246 : i32
        %swap3A_667 = arith.index_cast %add3A_666 : i32 to index
        %swap3A_668 = arith.constant 464 : index
        %swap3A_669 = tpu.vector_load %arg11[%swap3A_667, %swap3A_668] {strides = array<i32>} : memref<16x1024xf32, #tpu.memory_space<vmem>>, vector<16xf32>,
        tpu.vector_store %arg11[%swap3A_667, %swap3A_668], %gather3A_623 {strides = array<i32>} : memref<16x1024xf32, #tpu.memory_space<vmem>>, vector<16xf32>,
        %add3A_670 = arith.constant 0 : i32
        %add3A_671 = arith.addi %add3A_670, %add3A_246 : i32
        %swap3A_672 = arith.index_cast %add3A_671 : i32 to index
        %swap3A_673 = arith.constant 480 : index
        %swap3A_674 = tpu.vector_load %arg11[%swap3A_672, %swap3A_673] {strides = array<i32>} : memref<16x1024xf32, #tpu.memory_space<vmem>>, vector<16xf32>,
        tpu.vector_store %arg11[%swap3A_672, %swap3A_673], %gather3A_631 {strides = array<i32>} : memref<16x1024xf32, #tpu.memory_space<vmem>>, vector<16xf32>,
        %add3A_675 = arith.constant 0 : i32
        %add3A_676 = arith.addi %add3A_675, %add3A_246 : i32
        %swap3A_677 = arith.index_cast %add3A_676 : i32 to index
        %swap3A_678 = arith.constant 496 : index
        %swap3A_679 = tpu.vector_load %arg11[%swap3A_677, %swap3A_678] {strides = array<i32>} : memref<16x1024xf32, #tpu.memory_space<vmem>>, vector<16xf32>,
        tpu.vector_store %arg11[%swap3A_677, %swap3A_678], %gather3A_639 {strides = array<i32>} : memref<16x1024xf32, #tpu.memory_space<vmem>>, vector<16xf32>,
        %mul3A_680 = arith.constant 8 : i32
        %mul3A_681 = arith.muli %add3A_246, %mul3A_680 : i32
        %add3A_682 = arith.constant 4 : i32
        %add3A_683 = arith.addi %mul3A_681, %add3A_682 : i32
        %broadcast_in_dim3A_684 = vector.broadcast %add3A_683 : i32 to vector<16xi32>
        %mul3A_685 = arith.constant 65 : i32
        %mul3A_686 = vector.broadcast %mul3A_685 : i32 to vector<16xi32>
        %mul3A_687 = arith.muli %add3A_5, %mul3A_686 : vector<16xi32>
        %add3A_688 = arith.constant 0 : i32
        %add3A_689 = vector.broadcast %add3A_688 : i32 to vector<16xi32>
        %add3A_690 = arith.addi %broadcast_in_dim3A_684, %add3A_689 : vector<16xi32>
        %add3A_691 = arith.addi %mul3A_687, %add3A_690 : vector<16xi32>
        %gather3A_692 = tpu.vector_load_idx %arg9[%add3A_691] : memref<16640xf32, #tpu.memory_space<vmem>>[vector<16xi32>], vector<16xf32>,
        %mul3A_693 = arith.constant 65 : i32
        %mul3A_694 = vector.broadcast %mul3A_693 : i32 to vector<16xi32>
        %mul3A_695 = arith.muli %add3A_9, %mul3A_694 : vector<16xi32>
        %add3A_696 = arith.constant 0 : i32
        %add3A_697 = vector.broadcast %add3A_696 : i32 to vector<16xi32>
        %add3A_698 = arith.addi %broadcast_in_dim3A_684, %add3A_697 : vector<16xi32>
        %add3A_699 = arith.addi %mul3A_695, %add3A_698 : vector<16xi32>
        %gather3A_700 = tpu.vector_load_idx %arg9[%add3A_699] : memref<16640xf32, #tpu.memory_space<vmem>>[vector<16xi32>], vector<16xf32>,
        %mul3A_701 = arith.constant 65 : i32
        %mul3A_702 = vector.broadcast %mul3A_701 : i32 to vector<16xi32>
        %mul3A_703 = arith.muli %add3A_13, %mul3A_702 : vector<16xi32>
        %add3A_704 = arith.constant 0 : i32
        %add3A_705 = vector.broadcast %add3A_704 : i32 to vector<16xi32>
        %add3A_706 = arith.addi %broadcast_in_dim3A_684, %add3A_705 : vector<16xi32>
        %add3A_707 = arith.addi %mul3A_703, %add3A_706 : vector<16xi32>
        %gather3A_708 = tpu.vector_load_idx %arg9[%add3A_707] : memref<16640xf32, #tpu.memory_space<vmem>>[vector<16xi32>], vector<16xf32>,
        %mul3A_709 = arith.constant 65 : i32
        %mul3A_710 = vector.broadcast %mul3A_709 : i32 to vector<16xi32>
        %mul3A_711 = arith.muli %add3A_17, %mul3A_710 : vector<16xi32>
        %add3A_712 = arith.constant 0 : i32
        %add3A_713 = vector.broadcast %add3A_712 : i32 to vector<16xi32>
        %add3A_714 = arith.addi %broadcast_in_dim3A_684, %add3A_713 : vector<16xi32>
        %add3A_715 = arith.addi %mul3A_711, %add3A_714 : vector<16xi32>
        %gather3A_716 = tpu.vector_load_idx %arg9[%add3A_715] : memref<16640xf32, #tpu.memory_space<vmem>>[vector<16xi32>], vector<16xf32>,
        %mul3A_717 = arith.constant 65 : i32
        %mul3A_718 = vector.broadcast %mul3A_717 : i32 to vector<16xi32>
        %mul3A_719 = arith.muli %add3A_21, %mul3A_718 : vector<16xi32>
        %add3A_720 = arith.constant 0 : i32
        %add3A_721 = vector.broadcast %add3A_720 : i32 to vector<16xi32>
        %add3A_722 = arith.addi %broadcast_in_dim3A_684, %add3A_721 : vector<16xi32>
        %add3A_723 = arith.addi %mul3A_719, %add3A_722 : vector<16xi32>
        %gather3A_724 = tpu.vector_load_idx %arg9[%add3A_723] : memref<16640xf32, #tpu.memory_space<vmem>>[vector<16xi32>], vector<16xf32>,
        %mul3A_725 = arith.constant 65 : i32
        %mul3A_726 = vector.broadcast %mul3A_725 : i32 to vector<16xi32>
        %mul3A_727 = arith.muli %add3A_25, %mul3A_726 : vector<16xi32>
        %add3A_728 = arith.constant 0 : i32
        %add3A_729 = vector.broadcast %add3A_728 : i32 to vector<16xi32>
        %add3A_730 = arith.addi %broadcast_in_dim3A_684, %add3A_729 : vector<16xi32>
        %add3A_731 = arith.addi %mul3A_727, %add3A_730 : vector<16xi32>
        %gather3A_732 = tpu.vector_load_idx %arg9[%add3A_731] : memref<16640xf32, #tpu.memory_space<vmem>>[vector<16xi32>], vector<16xf32>,
        %mul3A_733 = arith.constant 65 : i32
        %mul3A_734 = vector.broadcast %mul3A_733 : i32 to vector<16xi32>
        %mul3A_735 = arith.muli %add3A_29, %mul3A_734 : vector<16xi32>
        %add3A_736 = arith.constant 0 : i32
        %add3A_737 = vector.broadcast %add3A_736 : i32 to vector<16xi32>
        %add3A_738 = arith.addi %broadcast_in_dim3A_684, %add3A_737 : vector<16xi32>
        %add3A_739 = arith.addi %mul3A_735, %add3A_738 : vector<16xi32>
        %gather3A_740 = tpu.vector_load_idx %arg9[%add3A_739] : memref<16640xf32, #tpu.memory_space<vmem>>[vector<16xi32>], vector<16xf32>,
        %mul3A_741 = arith.constant 65 : i32
        %mul3A_742 = vector.broadcast %mul3A_741 : i32 to vector<16xi32>
        %mul3A_743 = arith.muli %add3A_33, %mul3A_742 : vector<16xi32>
        %add3A_744 = arith.constant 0 : i32
        %add3A_745 = vector.broadcast %add3A_744 : i32 to vector<16xi32>
        %add3A_746 = arith.addi %broadcast_in_dim3A_684, %add3A_745 : vector<16xi32>
        %add3A_747 = arith.addi %mul3A_743, %add3A_746 : vector<16xi32>
        %gather3A_748 = tpu.vector_load_idx %arg9[%add3A_747] : memref<16640xf32, #tpu.memory_space<vmem>>[vector<16xi32>], vector<16xf32>,
        %add3A_749 = arith.constant 0 : i32
        %add3A_750 = arith.addi %add3A_749, %add3A_246 : i32
        %swap3A_751 = arith.index_cast %add3A_750 : i32 to index
        %swap3A_752 = arith.constant 512 : index
        %swap3A_753 = tpu.vector_load %arg11[%swap3A_751, %swap3A_752] {strides = array<i32>} : memref<16x1024xf32, #tpu.memory_space<vmem>>, vector<16xf32>,
        tpu.vector_store %arg11[%swap3A_751, %swap3A_752], %gather3A_692 {strides = array<i32>} : memref<16x1024xf32, #tpu.memory_space<vmem>>, vector<16xf32>,
        %add3A_754 = arith.constant 0 : i32
        %add3A_755 = arith.addi %add3A_754, %add3A_246 : i32
        %swap3A_756 = arith.index_cast %add3A_755 : i32 to index
        %swap3A_757 = arith.constant 528 : index
        %swap3A_758 = tpu.vector_load %arg11[%swap3A_756, %swap3A_757] {strides = array<i32>} : memref<16x1024xf32, #tpu.memory_space<vmem>>, vector<16xf32>,
        tpu.vector_store %arg11[%swap3A_756, %swap3A_757], %gather3A_700 {strides = array<i32>} : memref<16x1024xf32, #tpu.memory_space<vmem>>, vector<16xf32>,
        %add3A_759 = arith.constant 0 : i32
        %add3A_760 = arith.addi %add3A_759, %add3A_246 : i32
        %swap3A_761 = arith.index_cast %add3A_760 : i32 to index
        %swap3A_762 = arith.constant 544 : index
        %swap3A_763 = tpu.vector_load %arg11[%swap3A_761, %swap3A_762] {strides = array<i32>} : memref<16x1024xf32, #tpu.memory_space<vmem>>, vector<16xf32>,
        tpu.vector_store %arg11[%swap3A_761, %swap3A_762], %gather3A_708 {strides = array<i32>} : memref<16x1024xf32, #tpu.memory_space<vmem>>, vector<16xf32>,
        %add3A_764 = arith.constant 0 : i32
        %add3A_765 = arith.addi %add3A_764, %add3A_246 : i32
        %swap3A_766 = arith.index_cast %add3A_765 : i32 to index
        %swap3A_767 = arith.constant 560 : index
        %swap3A_768 = tpu.vector_load %arg11[%swap3A_766, %swap3A_767] {strides = array<i32>} : memref<16x1024xf32, #tpu.memory_space<vmem>>, vector<16xf32>,
        tpu.vector_store %arg11[%swap3A_766, %swap3A_767], %gather3A_716 {strides = array<i32>} : memref<16x1024xf32, #tpu.memory_space<vmem>>, vector<16xf32>,
        %add3A_769 = arith.constant 0 : i32
        %add3A_770 = arith.addi %add3A_769, %add3A_246 : i32
        %swap3A_771 = arith.index_cast %add3A_770 : i32 to index
        %swap3A_772 = arith.constant 576 : index
        %swap3A_773 = tpu.vector_load %arg11[%swap3A_771, %swap3A_772] {strides = array<i32>} : memref<16x1024xf32, #tpu.memory_space<vmem>>, vector<16xf32>,
        tpu.vector_store %arg11[%swap3A_771, %swap3A_772], %gather3A_724 {strides = array<i32>} : memref<16x1024xf32, #tpu.memory_space<vmem>>, vector<16xf32>,
        %add3A_774 = arith.constant 0 : i32
        %add3A_775 = arith.addi %add3A_774, %add3A_246 : i32
        %swap3A_776 = arith.index_cast %add3A_775 : i32 to index
        %swap3A_777 = arith.constant 592 : index
        %swap3A_778 = tpu.vector_load %arg11[%swap3A_776, %swap3A_777] {strides = array<i32>} : memref<16x1024xf32, #tpu.memory_space<vmem>>, vector<16xf32>,
        tpu.vector_store %arg11[%swap3A_776, %swap3A_777], %gather3A_732 {strides = array<i32>} : memref<16x1024xf32, #tpu.memory_space<vmem>>, vector<16xf32>,
        %add3A_779 = arith.constant 0 : i32
        %add3A_780 = arith.addi %add3A_779, %add3A_246 : i32
        %swap3A_781 = arith.index_cast %add3A_780 : i32 to index
        %swap3A_782 = arith.constant 608 : index
        %swap3A_783 = tpu.vector_load %arg11[%swap3A_781, %swap3A_782] {strides = array<i32>} : memref<16x1024xf32, #tpu.memory_space<vmem>>, vector<16xf32>,
        tpu.vector_store %arg11[%swap3A_781, %swap3A_782], %gather3A_740 {strides = array<i32>} : memref<16x1024xf32, #tpu.memory_space<vmem>>, vector<16xf32>,
        %add3A_784 = arith.constant 0 : i32
        %add3A_785 = arith.addi %add3A_784, %add3A_246 : i32
        %swap3A_786 = arith.index_cast %add3A_785 : i32 to index
        %swap3A_787 = arith.constant 624 : index
        %swap3A_788 = tpu.vector_load %arg11[%swap3A_786, %swap3A_787] {strides = array<i32>} : memref<16x1024xf32, #tpu.memory_space<vmem>>, vector<16xf32>,
        tpu.vector_store %arg11[%swap3A_786, %swap3A_787], %gather3A_748 {strides = array<i32>} : memref<16x1024xf32, #tpu.memory_space<vmem>>, vector<16xf32>,
        %mul3A_789 = arith.constant 8 : i32
        %mul3A_790 = arith.muli %add3A_246, %mul3A_789 : i32
        %add3A_791 = arith.constant 5 : i32
        %add3A_792 = arith.addi %mul3A_790, %add3A_791 : i32
        %broadcast_in_dim3A_793 = vector.broadcast %add3A_792 : i32 to vector<16xi32>
        %mul3A_794 = arith.constant 65 : i32
        %mul3A_795 = vector.broadcast %mul3A_794 : i32 to vector<16xi32>
        %mul3A_796 = arith.muli %add3A_5, %mul3A_795 : vector<16xi32>
        %add3A_797 = arith.constant 0 : i32
        %add3A_798 = vector.broadcast %add3A_797 : i32 to vector<16xi32>
        %add3A_799 = arith.addi %broadcast_in_dim3A_793, %add3A_798 : vector<16xi32>
        %add3A_800 = arith.addi %mul3A_796, %add3A_799 : vector<16xi32>
        %gather3A_801 = tpu.vector_load_idx %arg9[%add3A_800] : memref<16640xf32, #tpu.memory_space<vmem>>[vector<16xi32>], vector<16xf32>,
        %mul3A_802 = arith.constant 65 : i32
        %mul3A_803 = vector.broadcast %mul3A_802 : i32 to vector<16xi32>
        %mul3A_804 = arith.muli %add3A_9, %mul3A_803 : vector<16xi32>
        %add3A_805 = arith.constant 0 : i32
        %add3A_806 = vector.broadcast %add3A_805 : i32 to vector<16xi32>
        %add3A_807 = arith.addi %broadcast_in_dim3A_793, %add3A_806 : vector<16xi32>
        %add3A_808 = arith.addi %mul3A_804, %add3A_807 : vector<16xi32>
        %gather3A_809 = tpu.vector_load_idx %arg9[%add3A_808] : memref<16640xf32, #tpu.memory_space<vmem>>[vector<16xi32>], vector<16xf32>,
        %mul3A_810 = arith.constant 65 : i32
        %mul3A_811 = vector.broadcast %mul3A_810 : i32 to vector<16xi32>
        %mul3A_812 = arith.muli %add3A_13, %mul3A_811 : vector<16xi32>
        %add3A_813 = arith.constant 0 : i32
        %add3A_814 = vector.broadcast %add3A_813 : i32 to vector<16xi32>
        %add3A_815 = arith.addi %broadcast_in_dim3A_793, %add3A_814 : vector<16xi32>
        %add3A_816 = arith.addi %mul3A_812, %add3A_815 : vector<16xi32>
        %gather3A_817 = tpu.vector_load_idx %arg9[%add3A_816] : memref<16640xf32, #tpu.memory_space<vmem>>[vector<16xi32>], vector<16xf32>,
        %mul3A_818 = arith.constant 65 : i32
        %mul3A_819 = vector.broadcast %mul3A_818 : i32 to vector<16xi32>
        %mul3A_820 = arith.muli %add3A_17, %mul3A_819 : vector<16xi32>
        %add3A_821 = arith.constant 0 : i32
        %add3A_822 = vector.broadcast %add3A_821 : i32 to vector<16xi32>
        %add3A_823 = arith.addi %broadcast_in_dim3A_793, %add3A_822 : vector<16xi32>
        %add3A_824 = arith.addi %mul3A_820, %add3A_823 : vector<16xi32>
        %gather3A_825 = tpu.vector_load_idx %arg9[%add3A_824] : memref<16640xf32, #tpu.memory_space<vmem>>[vector<16xi32>], vector<16xf32>,
        %mul3A_826 = arith.constant 65 : i32
        %mul3A_827 = vector.broadcast %mul3A_826 : i32 to vector<16xi32>
        %mul3A_828 = arith.muli %add3A_21, %mul3A_827 : vector<16xi32>
        %add3A_829 = arith.constant 0 : i32
        %add3A_830 = vector.broadcast %add3A_829 : i32 to vector<16xi32>
        %add3A_831 = arith.addi %broadcast_in_dim3A_793, %add3A_830 : vector<16xi32>
        %add3A_832 = arith.addi %mul3A_828, %add3A_831 : vector<16xi32>
        %gather3A_833 = tpu.vector_load_idx %arg9[%add3A_832] : memref<16640xf32, #tpu.memory_space<vmem>>[vector<16xi32>], vector<16xf32>,
        %mul3A_834 = arith.constant 65 : i32
        %mul3A_835 = vector.broadcast %mul3A_834 : i32 to vector<16xi32>
        %mul3A_836 = arith.muli %add3A_25, %mul3A_835 : vector<16xi32>
        %add3A_837 = arith.constant 0 : i32
        %add3A_838 = vector.broadcast %add3A_837 : i32 to vector<16xi32>
        %add3A_839 = arith.addi %broadcast_in_dim3A_793, %add3A_838 : vector<16xi32>
        %add3A_840 = arith.addi %mul3A_836, %add3A_839 : vector<16xi32>
        %gather3A_841 = tpu.vector_load_idx %arg9[%add3A_840] : memref<16640xf32, #tpu.memory_space<vmem>>[vector<16xi32>], vector<16xf32>,
        %mul3A_842 = arith.constant 65 : i32
        %mul3A_843 = vector.broadcast %mul3A_842 : i32 to vector<16xi32>
        %mul3A_844 = arith.muli %add3A_29, %mul3A_843 : vector<16xi32>
        %add3A_845 = arith.constant 0 : i32
        %add3A_846 = vector.broadcast %add3A_845 : i32 to vector<16xi32>
        %add3A_847 = arith.addi %broadcast_in_dim3A_793, %add3A_846 : vector<16xi32>
        %add3A_848 = arith.addi %mul3A_844, %add3A_847 : vector<16xi32>
        %gather3A_849 = tpu.vector_load_idx %arg9[%add3A_848] : memref<16640xf32, #tpu.memory_space<vmem>>[vector<16xi32>], vector<16xf32>,
        %mul3A_850 = arith.constant 65 : i32
        %mul3A_851 = vector.broadcast %mul3A_850 : i32 to vector<16xi32>
        %mul3A_852 = arith.muli %add3A_33, %mul3A_851 : vector<16xi32>
        %add3A_853 = arith.constant 0 : i32
        %add3A_854 = vector.broadcast %add3A_853 : i32 to vector<16xi32>
        %add3A_855 = arith.addi %broadcast_in_dim3A_793, %add3A_854 : vector<16xi32>
        %add3A_856 = arith.addi %mul3A_852, %add3A_855 : vector<16xi32>
        %gather3A_857 = tpu.vector_load_idx %arg9[%add3A_856] : memref<16640xf32, #tpu.memory_space<vmem>>[vector<16xi32>], vector<16xf32>,
        %add3A_858 = arith.constant 0 : i32
        %add3A_859 = arith.addi %add3A_858, %add3A_246 : i32
        %swap3A_860 = arith.index_cast %add3A_859 : i32 to index
        %swap3A_861 = arith.constant 640 : index
        %swap3A_862 = tpu.vector_load %arg11[%swap3A_860, %swap3A_861] {strides = array<i32>} : memref<16x1024xf32, #tpu.memory_space<vmem>>, vector<16xf32>,
        tpu.vector_store %arg11[%swap3A_860, %swap3A_861], %gather3A_801 {strides = array<i32>} : memref<16x1024xf32, #tpu.memory_space<vmem>>, vector<16xf32>,
        %add3A_863 = arith.constant 0 : i32
        %add3A_864 = arith.addi %add3A_863, %add3A_246 : i32
        %swap3A_865 = arith.index_cast %add3A_864 : i32 to index
        %swap3A_866 = arith.constant 656 : index
        %swap3A_867 = tpu.vector_load %arg11[%swap3A_865, %swap3A_866] {strides = array<i32>} : memref<16x1024xf32, #tpu.memory_space<vmem>>, vector<16xf32>,
        tpu.vector_store %arg11[%swap3A_865, %swap3A_866], %gather3A_809 {strides = array<i32>} : memref<16x1024xf32, #tpu.memory_space<vmem>>, vector<16xf32>,
        %add3A_868 = arith.constant 0 : i32
        %add3A_869 = arith.addi %add3A_868, %add3A_246 : i32
        %swap3A_870 = arith.index_cast %add3A_869 : i32 to index
        %swap3A_871 = arith.constant 672 : index
        %swap3A_872 = tpu.vector_load %arg11[%swap3A_870, %swap3A_871] {strides = array<i32>} : memref<16x1024xf32, #tpu.memory_space<vmem>>, vector<16xf32>,
        tpu.vector_store %arg11[%swap3A_870, %swap3A_871], %gather3A_817 {strides = array<i32>} : memref<16x1024xf32, #tpu.memory_space<vmem>>, vector<16xf32>,
        %add3A_873 = arith.constant 0 : i32
        %add3A_874 = arith.addi %add3A_873, %add3A_246 : i32
        %swap3A_875 = arith.index_cast %add3A_874 : i32 to index
        %swap3A_876 = arith.constant 688 : index
        %swap3A_877 = tpu.vector_load %arg11[%swap3A_875, %swap3A_876] {strides = array<i32>} : memref<16x1024xf32, #tpu.memory_space<vmem>>, vector<16xf32>,
        tpu.vector_store %arg11[%swap3A_875, %swap3A_876], %gather3A_825 {strides = array<i32>} : memref<16x1024xf32, #tpu.memory_space<vmem>>, vector<16xf32>,
        %add3A_878 = arith.constant 0 : i32
        %add3A_879 = arith.addi %add3A_878, %add3A_246 : i32
        %swap3A_880 = arith.index_cast %add3A_879 : i32 to index
        %swap3A_881 = arith.constant 704 : index
        %swap3A_882 = tpu.vector_load %arg11[%swap3A_880, %swap3A_881] {strides = array<i32>} : memref<16x1024xf32, #tpu.memory_space<vmem>>, vector<16xf32>,
        tpu.vector_store %arg11[%swap3A_880, %swap3A_881], %gather3A_833 {strides = array<i32>} : memref<16x1024xf32, #tpu.memory_space<vmem>>, vector<16xf32>,
        %add3A_883 = arith.constant 0 : i32
        %add3A_884 = arith.addi %add3A_883, %add3A_246 : i32
        %swap3A_885 = arith.index_cast %add3A_884 : i32 to index
        %swap3A_886 = arith.constant 720 : index
        %swap3A_887 = tpu.vector_load %arg11[%swap3A_885, %swap3A_886] {strides = array<i32>} : memref<16x1024xf32, #tpu.memory_space<vmem>>, vector<16xf32>,
        tpu.vector_store %arg11[%swap3A_885, %swap3A_886], %gather3A_841 {strides = array<i32>} : memref<16x1024xf32, #tpu.memory_space<vmem>>, vector<16xf32>,
        %add3A_888 = arith.constant 0 : i32
        %add3A_889 = arith.addi %add3A_888, %add3A_246 : i32
        %swap3A_890 = arith.index_cast %add3A_889 : i32 to index
        %swap3A_891 = arith.constant 736 : index
        %swap3A_892 = tpu.vector_load %arg11[%swap3A_890, %swap3A_891] {strides = array<i32>} : memref<16x1024xf32, #tpu.memory_space<vmem>>, vector<16xf32>,
        tpu.vector_store %arg11[%swap3A_890, %swap3A_891], %gather3A_849 {strides = array<i32>} : memref<16x1024xf32, #tpu.memory_space<vmem>>, vector<16xf32>,
        %add3A_893 = arith.constant 0 : i32
        %add3A_894 = arith.addi %add3A_893, %add3A_246 : i32
        %swap3A_895 = arith.index_cast %add3A_894 : i32 to index
        %swap3A_896 = arith.constant 752 : index
        %swap3A_897 = tpu.vector_load %arg11[%swap3A_895, %swap3A_896] {strides = array<i32>} : memref<16x1024xf32, #tpu.memory_space<vmem>>, vector<16xf32>,
        tpu.vector_store %arg11[%swap3A_895, %swap3A_896], %gather3A_857 {strides = array<i32>} : memref<16x1024xf32, #tpu.memory_space<vmem>>, vector<16xf32>,
        %mul3A_898 = arith.constant 8 : i32
        %mul3A_899 = arith.muli %add3A_246, %mul3A_898 : i32
        %add3A_900 = arith.constant 6 : i32
        %add3A_901 = arith.addi %mul3A_899, %add3A_900 : i32
        %broadcast_in_dim3A_902 = vector.broadcast %add3A_901 : i32 to vector<16xi32>
        %mul3A_903 = arith.constant 65 : i32
        %mul3A_904 = vector.broadcast %mul3A_903 : i32 to vector<16xi32>
        %mul3A_905 = arith.muli %add3A_5, %mul3A_904 : vector<16xi32>
        %add3A_906 = arith.constant 0 : i32
        %add3A_907 = vector.broadcast %add3A_906 : i32 to vector<16xi32>
        %add3A_908 = arith.addi %broadcast_in_dim3A_902, %add3A_907 : vector<16xi32>
        %add3A_909 = arith.addi %mul3A_905, %add3A_908 : vector<16xi32>
        %gather3A_910 = tpu.vector_load_idx %arg9[%add3A_909] : memref<16640xf32, #tpu.memory_space<vmem>>[vector<16xi32>], vector<16xf32>,
        %mul3A_911 = arith.constant 65 : i32
        %mul3A_912 = vector.broadcast %mul3A_911 : i32 to vector<16xi32>
        %mul3A_913 = arith.muli %add3A_9, %mul3A_912 : vector<16xi32>
        %add3A_914 = arith.constant 0 : i32
        %add3A_915 = vector.broadcast %add3A_914 : i32 to vector<16xi32>
        %add3A_916 = arith.addi %broadcast_in_dim3A_902, %add3A_915 : vector<16xi32>
        %add3A_917 = arith.addi %mul3A_913, %add3A_916 : vector<16xi32>
        %gather3A_918 = tpu.vector_load_idx %arg9[%add3A_917] : memref<16640xf32, #tpu.memory_space<vmem>>[vector<16xi32>], vector<16xf32>,
        %mul3A_919 = arith.constant 65 : i32
        %mul3A_920 = vector.broadcast %mul3A_919 : i32 to vector<16xi32>
        %mul3A_921 = arith.muli %add3A_13, %mul3A_920 : vector<16xi32>
        %add3A_922 = arith.constant 0 : i32
        %add3A_923 = vector.broadcast %add3A_922 : i32 to vector<16xi32>
        %add3A_924 = arith.addi %broadcast_in_dim3A_902, %add3A_923 : vector<16xi32>
        %add3A_925 = arith.addi %mul3A_921, %add3A_924 : vector<16xi32>
        %gather3A_926 = tpu.vector_load_idx %arg9[%add3A_925] : memref<16640xf32, #tpu.memory_space<vmem>>[vector<16xi32>], vector<16xf32>,
        %mul3A_927 = arith.constant 65 : i32
        %mul3A_928 = vector.broadcast %mul3A_927 : i32 to vector<16xi32>
        %mul3A_929 = arith.muli %add3A_17, %mul3A_928 : vector<16xi32>
        %add3A_930 = arith.constant 0 : i32
        %add3A_931 = vector.broadcast %add3A_930 : i32 to vector<16xi32>
        %add3A_932 = arith.addi %broadcast_in_dim3A_902, %add3A_931 : vector<16xi32>
        %add3A_933 = arith.addi %mul3A_929, %add3A_932 : vector<16xi32>
        %gather3A_934 = tpu.vector_load_idx %arg9[%add3A_933] : memref<16640xf32, #tpu.memory_space<vmem>>[vector<16xi32>], vector<16xf32>,
        %mul3A_935 = arith.constant 65 : i32
        %mul3A_936 = vector.broadcast %mul3A_935 : i32 to vector<16xi32>
        %mul3A_937 = arith.muli %add3A_21, %mul3A_936 : vector<16xi32>
        %add3A_938 = arith.constant 0 : i32
        %add3A_939 = vector.broadcast %add3A_938 : i32 to vector<16xi32>
        %add3A_940 = arith.addi %broadcast_in_dim3A_902, %add3A_939 : vector<16xi32>
        %add3A_941 = arith.addi %mul3A_937, %add3A_940 : vector<16xi32>
        %gather3A_942 = tpu.vector_load_idx %arg9[%add3A_941] : memref<16640xf32, #tpu.memory_space<vmem>>[vector<16xi32>], vector<16xf32>,
        %mul3A_943 = arith.constant 65 : i32
        %mul3A_944 = vector.broadcast %mul3A_943 : i32 to vector<16xi32>
        %mul3A_945 = arith.muli %add3A_25, %mul3A_944 : vector<16xi32>
        %add3A_946 = arith.constant 0 : i32
        %add3A_947 = vector.broadcast %add3A_946 : i32 to vector<16xi32>
        %add3A_948 = arith.addi %broadcast_in_dim3A_902, %add3A_947 : vector<16xi32>
        %add3A_949 = arith.addi %mul3A_945, %add3A_948 : vector<16xi32>
        %gather3A_950 = tpu.vector_load_idx %arg9[%add3A_949] : memref<16640xf32, #tpu.memory_space<vmem>>[vector<16xi32>], vector<16xf32>,
        %mul3A_951 = arith.constant 65 : i32
        %mul3A_952 = vector.broadcast %mul3A_951 : i32 to vector<16xi32>
        %mul3A_953 = arith.muli %add3A_29, %mul3A_952 : vector<16xi32>
        %add3A_954 = arith.constant 0 : i32
        %add3A_955 = vector.broadcast %add3A_954 : i32 to vector<16xi32>
        %add3A_956 = arith.addi %broadcast_in_dim3A_902, %add3A_955 : vector<16xi32>
        %add3A_957 = arith.addi %mul3A_953, %add3A_956 : vector<16xi32>
        %gather3A_958 = tpu.vector_load_idx %arg9[%add3A_957] : memref<16640xf32, #tpu.memory_space<vmem>>[vector<16xi32>], vector<16xf32>,
        %mul3A_959 = arith.constant 65 : i32
        %mul3A_960 = vector.broadcast %mul3A_959 : i32 to vector<16xi32>
        %mul3A_961 = arith.muli %add3A_33, %mul3A_960 : vector<16xi32>
        %add3A_962 = arith.constant 0 : i32
        %add3A_963 = vector.broadcast %add3A_962 : i32 to vector<16xi32>
        %add3A_964 = arith.addi %broadcast_in_dim3A_902, %add3A_963 : vector<16xi32>
        %add3A_965 = arith.addi %mul3A_961, %add3A_964 : vector<16xi32>
        %gather3A_966 = tpu.vector_load_idx %arg9[%add3A_965] : memref<16640xf32, #tpu.memory_space<vmem>>[vector<16xi32>], vector<16xf32>,
        %add3A_967 = arith.constant 0 : i32
        %add3A_968 = arith.addi %add3A_967, %add3A_246 : i32
        %swap3A_969 = arith.index_cast %add3A_968 : i32 to index
        %swap3A_970 = arith.constant 768 : index
        %swap3A_971 = tpu.vector_load %arg11[%swap3A_969, %swap3A_970] {strides = array<i32>} : memref<16x1024xf32, #tpu.memory_space<vmem>>, vector<16xf32>,
        tpu.vector_store %arg11[%swap3A_969, %swap3A_970], %gather3A_910 {strides = array<i32>} : memref<16x1024xf32, #tpu.memory_space<vmem>>, vector<16xf32>,
        %add3A_972 = arith.constant 0 : i32
        %add3A_973 = arith.addi %add3A_972, %add3A_246 : i32
        %swap3A_974 = arith.index_cast %add3A_973 : i32 to index
        %swap3A_975 = arith.constant 784 : index
        %swap3A_976 = tpu.vector_load %arg11[%swap3A_974, %swap3A_975] {strides = array<i32>} : memref<16x1024xf32, #tpu.memory_space<vmem>>, vector<16xf32>,
        tpu.vector_store %arg11[%swap3A_974, %swap3A_975], %gather3A_918 {strides = array<i32>} : memref<16x1024xf32, #tpu.memory_space<vmem>>, vector<16xf32>,
        %add3A_977 = arith.constant 0 : i32
        %add3A_978 = arith.addi %add3A_977, %add3A_246 : i32
        %swap3A_979 = arith.index_cast %add3A_978 : i32 to index
        %swap3A_980 = arith.constant 800 : index
        %swap3A_981 = tpu.vector_load %arg11[%swap3A_979, %swap3A_980] {strides = array<i32>} : memref<16x1024xf32, #tpu.memory_space<vmem>>, vector<16xf32>,
        tpu.vector_store %arg11[%swap3A_979, %swap3A_980], %gather3A_926 {strides = array<i32>} : memref<16x1024xf32, #tpu.memory_space<vmem>>, vector<16xf32>,
        %add3A_982 = arith.constant 0 : i32
        %add3A_983 = arith.addi %add3A_982, %add3A_246 : i32
        %swap3A_984 = arith.index_cast %add3A_983 : i32 to index
        %swap3A_985 = arith.constant 816 : index
        %swap3A_986 = tpu.vector_load %arg11[%swap3A_984, %swap3A_985] {strides = array<i32>} : memref<16x1024xf32, #tpu.memory_space<vmem>>, vector<16xf32>,
        tpu.vector_store %arg11[%swap3A_984, %swap3A_985], %gather3A_934 {strides = array<i32>} : memref<16x1024xf32, #tpu.memory_space<vmem>>, vector<16xf32>,
        %add3A_987 = arith.constant 0 : i32
        %add3A_988 = arith.addi %add3A_987, %add3A_246 : i32
        %swap3A_989 = arith.index_cast %add3A_988 : i32 to index
        %swap3A_990 = arith.constant 832 : index
        %swap3A_991 = tpu.vector_load %arg11[%swap3A_989, %swap3A_990] {strides = array<i32>} : memref<16x1024xf32, #tpu.memory_space<vmem>>, vector<16xf32>,
        tpu.vector_store %arg11[%swap3A_989, %swap3A_990], %gather3A_942 {strides = array<i32>} : memref<16x1024xf32, #tpu.memory_space<vmem>>, vector<16xf32>,
        %add3A_992 = arith.constant 0 : i32
        %add3A_993 = arith.addi %add3A_992, %add3A_246 : i32
        %swap3A_994 = arith.index_cast %add3A_993 : i32 to index
        %swap3A_995 = arith.constant 848 : index
        %swap3A_996 = tpu.vector_load %arg11[%swap3A_994, %swap3A_995] {strides = array<i32>} : memref<16x1024xf32, #tpu.memory_space<vmem>>, vector<16xf32>,
        tpu.vector_store %arg11[%swap3A_994, %swap3A_995], %gather3A_950 {strides = array<i32>} : memref<16x1024xf32, #tpu.memory_space<vmem>>, vector<16xf32>,
        %add3A_997 = arith.constant 0 : i32
        %add3A_998 = arith.addi %add3A_997, %add3A_246 : i32
        %swap3A_999 = arith.index_cast %add3A_998 : i32 to index
        %swap3A_1000 = arith.constant 864 : index
        %swap3A_1001 = tpu.vector_load %arg11[%swap3A_999, %swap3A_1000] {strides = array<i32>} : memref<16x1024xf32, #tpu.memory_space<vmem>>, vector<16xf32>,
        tpu.vector_store %arg11[%swap3A_999, %swap3A_1000], %gather3A_958 {strides = array<i32>} : memref<16x1024xf32, #tpu.memory_space<vmem>>, vector<16xf32>,
        %add3A_1002 = arith.constant 0 : i32
        %add3A_1003 = arith.addi %add3A_1002, %add3A_246 : i32
        %swap3A_1004 = arith.index_cast %add3A_1003 : i32 to index
        %swap3A_1005 = arith.constant 880 : index
        %swap3A_1006 = tpu.vector_load %arg11[%swap3A_1004, %swap3A_1005] {strides = array<i32>} : memref<16x1024xf32, #tpu.memory_space<vmem>>, vector<16xf32>,
        tpu.vector_store %arg11[%swap3A_1004, %swap3A_1005], %gather3A_966 {strides = array<i32>} : memref<16x1024xf32, #tpu.memory_space<vmem>>, vector<16xf32>,
        %mul3A_1007 = arith.constant 8 : i32
        %mul3A_1008 = arith.muli %add3A_246, %mul3A_1007 : i32
        %add3A_1009 = arith.constant 7 : i32
        %add3A_1010 = arith.addi %mul3A_1008, %add3A_1009 : i32
        %broadcast_in_dim3A_1011 = vector.broadcast %add3A_1010 : i32 to vector<16xi32>
        %mul3A_1012 = arith.constant 65 : i32
        %mul3A_1013 = vector.broadcast %mul3A_1012 : i32 to vector<16xi32>
        %mul3A_1014 = arith.muli %add3A_5, %mul3A_1013 : vector<16xi32>
        %add3A_1015 = arith.constant 0 : i32
        %add3A_1016 = vector.broadcast %add3A_1015 : i32 to vector<16xi32>
        %add3A_1017 = arith.addi %broadcast_in_dim3A_1011, %add3A_1016 : vector<16xi32>
        %add3A_1018 = arith.addi %mul3A_1014, %add3A_1017 : vector<16xi32>
        %gather3A_1019 = tpu.vector_load_idx %arg9[%add3A_1018] : memref<16640xf32, #tpu.memory_space<vmem>>[vector<16xi32>], vector<16xf32>,
        %mul3A_1020 = arith.constant 65 : i32
        %mul3A_1021 = vector.broadcast %mul3A_1020 : i32 to vector<16xi32>
        %mul3A_1022 = arith.muli %add3A_9, %mul3A_1021 : vector<16xi32>
        %add3A_1023 = arith.constant 0 : i32
        %add3A_1024 = vector.broadcast %add3A_1023 : i32 to vector<16xi32>
        %add3A_1025 = arith.addi %broadcast_in_dim3A_1011, %add3A_1024 : vector<16xi32>
        %add3A_1026 = arith.addi %mul3A_1022, %add3A_1025 : vector<16xi32>
        %gather3A_1027 = tpu.vector_load_idx %arg9[%add3A_1026] : memref<16640xf32, #tpu.memory_space<vmem>>[vector<16xi32>], vector<16xf32>,
        %mul3A_1028 = arith.constant 65 : i32
        %mul3A_1029 = vector.broadcast %mul3A_1028 : i32 to vector<16xi32>
        %mul3A_1030 = arith.muli %add3A_13, %mul3A_1029 : vector<16xi32>
        %add3A_1031 = arith.constant 0 : i32
        %add3A_1032 = vector.broadcast %add3A_1031 : i32 to vector<16xi32>
        %add3A_1033 = arith.addi %broadcast_in_dim3A_1011, %add3A_1032 : vector<16xi32>
        %add3A_1034 = arith.addi %mul3A_1030, %add3A_1033 : vector<16xi32>
        %gather3A_1035 = tpu.vector_load_idx %arg9[%add3A_1034] : memref<16640xf32, #tpu.memory_space<vmem>>[vector<16xi32>], vector<16xf32>,
        %mul3A_1036 = arith.constant 65 : i32
        %mul3A_1037 = vector.broadcast %mul3A_1036 : i32 to vector<16xi32>
        %mul3A_1038 = arith.muli %add3A_17, %mul3A_1037 : vector<16xi32>
        %add3A_1039 = arith.constant 0 : i32
        %add3A_1040 = vector.broadcast %add3A_1039 : i32 to vector<16xi32>
        %add3A_1041 = arith.addi %broadcast_in_dim3A_1011, %add3A_1040 : vector<16xi32>
        %add3A_1042 = arith.addi %mul3A_1038, %add3A_1041 : vector<16xi32>
        %gather3A_1043 = tpu.vector_load_idx %arg9[%add3A_1042] : memref<16640xf32, #tpu.memory_space<vmem>>[vector<16xi32>], vector<16xf32>,
        %mul3A_1044 = arith.constant 65 : i32
        %mul3A_1045 = vector.broadcast %mul3A_1044 : i32 to vector<16xi32>
        %mul3A_1046 = arith.muli %add3A_21, %mul3A_1045 : vector<16xi32>
        %add3A_1047 = arith.constant 0 : i32
        %add3A_1048 = vector.broadcast %add3A_1047 : i32 to vector<16xi32>
        %add3A_1049 = arith.addi %broadcast_in_dim3A_1011, %add3A_1048 : vector<16xi32>
        %add3A_1050 = arith.addi %mul3A_1046, %add3A_1049 : vector<16xi32>
        %gather3A_1051 = tpu.vector_load_idx %arg9[%add3A_1050] : memref<16640xf32, #tpu.memory_space<vmem>>[vector<16xi32>], vector<16xf32>,
        %mul3A_1052 = arith.constant 65 : i32
        %mul3A_1053 = vector.broadcast %mul3A_1052 : i32 to vector<16xi32>
        %mul3A_1054 = arith.muli %add3A_25, %mul3A_1053 : vector<16xi32>
        %add3A_1055 = arith.constant 0 : i32
        %add3A_1056 = vector.broadcast %add3A_1055 : i32 to vector<16xi32>
        %add3A_1057 = arith.addi %broadcast_in_dim3A_1011, %add3A_1056 : vector<16xi32>
        %add3A_1058 = arith.addi %mul3A_1054, %add3A_1057 : vector<16xi32>
        %gather3A_1059 = tpu.vector_load_idx %arg9[%add3A_1058] : memref<16640xf32, #tpu.memory_space<vmem>>[vector<16xi32>], vector<16xf32>,
        %mul3A_1060 = arith.constant 65 : i32
        %mul3A_1061 = vector.broadcast %mul3A_1060 : i32 to vector<16xi32>
        %mul3A_1062 = arith.muli %add3A_29, %mul3A_1061 : vector<16xi32>
        %add3A_1063 = arith.constant 0 : i32
        %add3A_1064 = vector.broadcast %add3A_1063 : i32 to vector<16xi32>
        %add3A_1065 = arith.addi %broadcast_in_dim3A_1011, %add3A_1064 : vector<16xi32>
        %add3A_1066 = arith.addi %mul3A_1062, %add3A_1065 : vector<16xi32>
        %gather3A_1067 = tpu.vector_load_idx %arg9[%add3A_1066] : memref<16640xf32, #tpu.memory_space<vmem>>[vector<16xi32>], vector<16xf32>,
        %mul3A_1068 = arith.constant 65 : i32
        %mul3A_1069 = vector.broadcast %mul3A_1068 : i32 to vector<16xi32>
        %mul3A_1070 = arith.muli %add3A_33, %mul3A_1069 : vector<16xi32>
        %add3A_1071 = arith.constant 0 : i32
        %add3A_1072 = vector.broadcast %add3A_1071 : i32 to vector<16xi32>
        %add3A_1073 = arith.addi %broadcast_in_dim3A_1011, %add3A_1072 : vector<16xi32>
        %add3A_1074 = arith.addi %mul3A_1070, %add3A_1073 : vector<16xi32>
        %gather3A_1075 = tpu.vector_load_idx %arg9[%add3A_1074] : memref<16640xf32, #tpu.memory_space<vmem>>[vector<16xi32>], vector<16xf32>,
        %add3A_1076 = arith.constant 0 : i32
        %add3A_1077 = arith.addi %add3A_1076, %add3A_246 : i32
        %swap3A_1078 = arith.index_cast %add3A_1077 : i32 to index
        %swap3A_1079 = arith.constant 896 : index
        %swap3A_1080 = tpu.vector_load %arg11[%swap3A_1078, %swap3A_1079] {strides = array<i32>} : memref<16x1024xf32, #tpu.memory_space<vmem>>, vector<16xf32>,
        tpu.vector_store %arg11[%swap3A_1078, %swap3A_1079], %gather3A_1019 {strides = array<i32>} : memref<16x1024xf32, #tpu.memory_space<vmem>>, vector<16xf32>,
        %add3A_1081 = arith.constant 0 : i32
        %add3A_1082 = arith.addi %add3A_1081, %add3A_246 : i32
        %swap3A_1083 = arith.index_cast %add3A_1082 : i32 to index
        %swap3A_1084 = arith.constant 912 : index
        %swap3A_1085 = tpu.vector_load %arg11[%swap3A_1083, %swap3A_1084] {strides = array<i32>} : memref<16x1024xf32, #tpu.memory_space<vmem>>, vector<16xf32>,
        tpu.vector_store %arg11[%swap3A_1083, %swap3A_1084], %gather3A_1027 {strides = array<i32>} : memref<16x1024xf32, #tpu.memory_space<vmem>>, vector<16xf32>,
        %add3A_1086 = arith.constant 0 : i32
        %add3A_1087 = arith.addi %add3A_1086, %add3A_246 : i32
        %swap3A_1088 = arith.index_cast %add3A_1087 : i32 to index
        %swap3A_1089 = arith.constant 928 : index
        %swap3A_1090 = tpu.vector_load %arg11[%swap3A_1088, %swap3A_1089] {strides = array<i32>} : memref<16x1024xf32, #tpu.memory_space<vmem>>, vector<16xf32>,
        tpu.vector_store %arg11[%swap3A_1088, %swap3A_1089], %gather3A_1035 {strides = array<i32>} : memref<16x1024xf32, #tpu.memory_space<vmem>>, vector<16xf32>,
        %add3A_1091 = arith.constant 0 : i32
        %add3A_1092 = arith.addi %add3A_1091, %add3A_246 : i32
        %swap3A_1093 = arith.index_cast %add3A_1092 : i32 to index
        %swap3A_1094 = arith.constant 944 : index
        %swap3A_1095 = tpu.vector_load %arg11[%swap3A_1093, %swap3A_1094] {strides = array<i32>} : memref<16x1024xf32, #tpu.memory_space<vmem>>, vector<16xf32>,
        tpu.vector_store %arg11[%swap3A_1093, %swap3A_1094], %gather3A_1043 {strides = array<i32>} : memref<16x1024xf32, #tpu.memory_space<vmem>>, vector<16xf32>,
        %add3A_1096 = arith.constant 0 : i32
        %add3A_1097 = arith.addi %add3A_1096, %add3A_246 : i32
        %swap3A_1098 = arith.index_cast %add3A_1097 : i32 to index
        %swap3A_1099 = arith.constant 960 : index
        %swap3A_1100 = tpu.vector_load %arg11[%swap3A_1098, %swap3A_1099] {strides = array<i32>} : memref<16x1024xf32, #tpu.memory_space<vmem>>, vector<16xf32>,
        tpu.vector_store %arg11[%swap3A_1098, %swap3A_1099], %gather3A_1051 {strides = array<i32>} : memref<16x1024xf32, #tpu.memory_space<vmem>>, vector<16xf32>,
        %add3A_1101 = arith.constant 0 : i32
        %add3A_1102 = arith.addi %add3A_1101, %add3A_246 : i32
        %swap3A_1103 = arith.index_cast %add3A_1102 : i32 to index
        %swap3A_1104 = arith.constant 976 : index
        %swap3A_1105 = tpu.vector_load %arg11[%swap3A_1103, %swap3A_1104] {strides = array<i32>} : memref<16x1024xf32, #tpu.memory_space<vmem>>, vector<16xf32>,
        tpu.vector_store %arg11[%swap3A_1103, %swap3A_1104], %gather3A_1059 {strides = array<i32>} : memref<16x1024xf32, #tpu.memory_space<vmem>>, vector<16xf32>,
        %add3A_1106 = arith.constant 0 : i32
        %add3A_1107 = arith.addi %add3A_1106, %add3A_246 : i32
        %swap3A_1108 = arith.index_cast %add3A_1107 : i32 to index
        %swap3A_1109 = arith.constant 992 : index
        %swap3A_1110 = tpu.vector_load %arg11[%swap3A_1108, %swap3A_1109] {strides = array<i32>} : memref<16x1024xf32, #tpu.memory_space<vmem>>, vector<16xf32>,
        tpu.vector_store %arg11[%swap3A_1108, %swap3A_1109], %gather3A_1067 {strides = array<i32>} : memref<16x1024xf32, #tpu.memory_space<vmem>>, vector<16xf32>,
        %add3A_1111 = arith.constant 0 : i32
        %add3A_1112 = arith.addi %add3A_1111, %add3A_246 : i32
        %swap3A_1113 = arith.index_cast %add3A_1112 : i32 to index
        %swap3A_1114 = arith.constant 1008 : index
        %swap3A_1115 = tpu.vector_load %arg11[%swap3A_1113, %swap3A_1114] {strides = array<i32>} : memref<16x1024xf32, #tpu.memory_space<vmem>>, vector<16xf32>,
        tpu.vector_store %arg11[%swap3A_1113, %swap3A_1114], %gather3A_1075 {strides = array<i32>} : memref<16x1024xf32, #tpu.memory_space<vmem>>, vector<16xf32>,
        %mul3A_1116 = arith.constant 8 : i32
        %mul3A_1117 = arith.muli %add3A_246, %mul3A_1116 : i32
        %add3A_1118 = arith.constant 0 : i32
        %add3A_1119 = arith.addi %mul3A_1117, %add3A_1118 : i32
        %broadcast_in_dim3A_1120 = vector.broadcast %add3A_1119 : i32 to vector<16xi32>
        %mul3A_1121 = arith.constant 65 : i32
        %mul3A_1122 = vector.broadcast %mul3A_1121 : i32 to vector<16xi32>
        %mul3A_1123 = arith.muli %add3A_5, %mul3A_1122 : vector<16xi32>
        %add3A_1124 = arith.constant 8320 : i32
        %add3A_1125 = vector.broadcast %add3A_1124 : i32 to vector<16xi32>
        %add3A_1126 = arith.addi %broadcast_in_dim3A_1120, %add3A_1125 : vector<16xi32>
        %add3A_1127 = arith.addi %mul3A_1123, %add3A_1126 : vector<16xi32>
        %gather3A_1128 = tpu.vector_load_idx %arg9[%add3A_1127] : memref<16640xf32, #tpu.memory_space<vmem>>[vector<16xi32>], vector<16xf32>,
        %mul3A_1129 = arith.constant 65 : i32
        %mul3A_1130 = vector.broadcast %mul3A_1129 : i32 to vector<16xi32>
        %mul3A_1131 = arith.muli %add3A_9, %mul3A_1130 : vector<16xi32>
        %add3A_1132 = arith.constant 8320 : i32
        %add3A_1133 = vector.broadcast %add3A_1132 : i32 to vector<16xi32>
        %add3A_1134 = arith.addi %broadcast_in_dim3A_1120, %add3A_1133 : vector<16xi32>
        %add3A_1135 = arith.addi %mul3A_1131, %add3A_1134 : vector<16xi32>
        %gather3A_1136 = tpu.vector_load_idx %arg9[%add3A_1135] : memref<16640xf32, #tpu.memory_space<vmem>>[vector<16xi32>], vector<16xf32>,
        %mul3A_1137 = arith.constant 65 : i32
        %mul3A_1138 = vector.broadcast %mul3A_1137 : i32 to vector<16xi32>
        %mul3A_1139 = arith.muli %add3A_13, %mul3A_1138 : vector<16xi32>
        %add3A_1140 = arith.constant 8320 : i32
        %add3A_1141 = vector.broadcast %add3A_1140 : i32 to vector<16xi32>
        %add3A_1142 = arith.addi %broadcast_in_dim3A_1120, %add3A_1141 : vector<16xi32>
        %add3A_1143 = arith.addi %mul3A_1139, %add3A_1142 : vector<16xi32>
        %gather3A_1144 = tpu.vector_load_idx %arg9[%add3A_1143] : memref<16640xf32, #tpu.memory_space<vmem>>[vector<16xi32>], vector<16xf32>,
        %mul3A_1145 = arith.constant 65 : i32
        %mul3A_1146 = vector.broadcast %mul3A_1145 : i32 to vector<16xi32>
        %mul3A_1147 = arith.muli %add3A_17, %mul3A_1146 : vector<16xi32>
        %add3A_1148 = arith.constant 8320 : i32
        %add3A_1149 = vector.broadcast %add3A_1148 : i32 to vector<16xi32>
        %add3A_1150 = arith.addi %broadcast_in_dim3A_1120, %add3A_1149 : vector<16xi32>
        %add3A_1151 = arith.addi %mul3A_1147, %add3A_1150 : vector<16xi32>
        %gather3A_1152 = tpu.vector_load_idx %arg9[%add3A_1151] : memref<16640xf32, #tpu.memory_space<vmem>>[vector<16xi32>], vector<16xf32>,
        %mul3A_1153 = arith.constant 65 : i32
        %mul3A_1154 = vector.broadcast %mul3A_1153 : i32 to vector<16xi32>
        %mul3A_1155 = arith.muli %add3A_21, %mul3A_1154 : vector<16xi32>
        %add3A_1156 = arith.constant 8320 : i32
        %add3A_1157 = vector.broadcast %add3A_1156 : i32 to vector<16xi32>
        %add3A_1158 = arith.addi %broadcast_in_dim3A_1120, %add3A_1157 : vector<16xi32>
        %add3A_1159 = arith.addi %mul3A_1155, %add3A_1158 : vector<16xi32>
        %gather3A_1160 = tpu.vector_load_idx %arg9[%add3A_1159] : memref<16640xf32, #tpu.memory_space<vmem>>[vector<16xi32>], vector<16xf32>,
        %mul3A_1161 = arith.constant 65 : i32
        %mul3A_1162 = vector.broadcast %mul3A_1161 : i32 to vector<16xi32>
        %mul3A_1163 = arith.muli %add3A_25, %mul3A_1162 : vector<16xi32>
        %add3A_1164 = arith.constant 8320 : i32
        %add3A_1165 = vector.broadcast %add3A_1164 : i32 to vector<16xi32>
        %add3A_1166 = arith.addi %broadcast_in_dim3A_1120, %add3A_1165 : vector<16xi32>
        %add3A_1167 = arith.addi %mul3A_1163, %add3A_1166 : vector<16xi32>
        %gather3A_1168 = tpu.vector_load_idx %arg9[%add3A_1167] : memref<16640xf32, #tpu.memory_space<vmem>>[vector<16xi32>], vector<16xf32>,
        %mul3A_1169 = arith.constant 65 : i32
        %mul3A_1170 = vector.broadcast %mul3A_1169 : i32 to vector<16xi32>
        %mul3A_1171 = arith.muli %add3A_29, %mul3A_1170 : vector<16xi32>
        %add3A_1172 = arith.constant 8320 : i32
        %add3A_1173 = vector.broadcast %add3A_1172 : i32 to vector<16xi32>
        %add3A_1174 = arith.addi %broadcast_in_dim3A_1120, %add3A_1173 : vector<16xi32>
        %add3A_1175 = arith.addi %mul3A_1171, %add3A_1174 : vector<16xi32>
        %gather3A_1176 = tpu.vector_load_idx %arg9[%add3A_1175] : memref<16640xf32, #tpu.memory_space<vmem>>[vector<16xi32>], vector<16xf32>,
        %mul3A_1177 = arith.constant 65 : i32
        %mul3A_1178 = vector.broadcast %mul3A_1177 : i32 to vector<16xi32>
        %mul3A_1179 = arith.muli %add3A_33, %mul3A_1178 : vector<16xi32>
        %add3A_1180 = arith.constant 8320 : i32
        %add3A_1181 = vector.broadcast %add3A_1180 : i32 to vector<16xi32>
        %add3A_1182 = arith.addi %broadcast_in_dim3A_1120, %add3A_1181 : vector<16xi32>
        %add3A_1183 = arith.addi %mul3A_1179, %add3A_1182 : vector<16xi32>
        %gather3A_1184 = tpu.vector_load_idx %arg9[%add3A_1183] : memref<16640xf32, #tpu.memory_space<vmem>>[vector<16xi32>], vector<16xf32>,
        %add3A_1185 = arith.constant 8 : i32
        %add3A_1186 = arith.addi %add3A_1185, %add3A_246 : i32
        %swap3A_1187 = arith.index_cast %add3A_1186 : i32 to index
        %swap3A_1188 = arith.constant 0 : index
        %swap3A_1189 = tpu.vector_load %arg11[%swap3A_1187, %swap3A_1188] {strides = array<i32>} : memref<16x1024xf32, #tpu.memory_space<vmem>>, vector<16xf32>,
        tpu.vector_store %arg11[%swap3A_1187, %swap3A_1188], %gather3A_1128 {strides = array<i32>} : memref<16x1024xf32, #tpu.memory_space<vmem>>, vector<16xf32>,
        %add3A_1190 = arith.constant 8 : i32
        %add3A_1191 = arith.addi %add3A_1190, %add3A_246 : i32
        %swap3A_1192 = arith.index_cast %add3A_1191 : i32 to index
        %swap3A_1193 = arith.constant 16 : index
        %swap3A_1194 = tpu.vector_load %arg11[%swap3A_1192, %swap3A_1193] {strides = array<i32>} : memref<16x1024xf32, #tpu.memory_space<vmem>>, vector<16xf32>,
        tpu.vector_store %arg11[%swap3A_1192, %swap3A_1193], %gather3A_1136 {strides = array<i32>} : memref<16x1024xf32, #tpu.memory_space<vmem>>, vector<16xf32>,
        %add3A_1195 = arith.constant 8 : i32
        %add3A_1196 = arith.addi %add3A_1195, %add3A_246 : i32
        %swap3A_1197 = arith.index_cast %add3A_1196 : i32 to index
        %swap3A_1198 = arith.constant 32 : index
        %swap3A_1199 = tpu.vector_load %arg11[%swap3A_1197, %swap3A_1198] {strides = array<i32>} : memref<16x1024xf32, #tpu.memory_space<vmem>>, vector<16xf32>,
        tpu.vector_store %arg11[%swap3A_1197, %swap3A_1198], %gather3A_1144 {strides = array<i32>} : memref<16x1024xf32, #tpu.memory_space<vmem>>, vector<16xf32>,
        %add3A_1200 = arith.constant 8 : i32
        %add3A_1201 = arith.addi %add3A_1200, %add3A_246 : i32
        %swap3A_1202 = arith.index_cast %add3A_1201 : i32 to index
        %swap3A_1203 = arith.constant 48 : index
        %swap3A_1204 = tpu.vector_load %arg11[%swap3A_1202, %swap3A_1203] {strides = array<i32>} : memref<16x1024xf32, #tpu.memory_space<vmem>>, vector<16xf32>,
        tpu.vector_store %arg11[%swap3A_1202, %swap3A_1203], %gather3A_1152 {strides = array<i32>} : memref<16x1024xf32, #tpu.memory_space<vmem>>, vector<16xf32>,
        %add3A_1205 = arith.constant 8 : i32
        %add3A_1206 = arith.addi %add3A_1205, %add3A_246 : i32
        %swap3A_1207 = arith.index_cast %add3A_1206 : i32 to index
        %swap3A_1208 = arith.constant 64 : index
        %swap3A_1209 = tpu.vector_load %arg11[%swap3A_1207, %swap3A_1208] {strides = array<i32>} : memref<16x1024xf32, #tpu.memory_space<vmem>>, vector<16xf32>,
        tpu.vector_store %arg11[%swap3A_1207, %swap3A_1208], %gather3A_1160 {strides = array<i32>} : memref<16x1024xf32, #tpu.memory_space<vmem>>, vector<16xf32>,
        %add3A_1210 = arith.constant 8 : i32
        %add3A_1211 = arith.addi %add3A_1210, %add3A_246 : i32
        %swap3A_1212 = arith.index_cast %add3A_1211 : i32 to index
        %swap3A_1213 = arith.constant 80 : index
        %swap3A_1214 = tpu.vector_load %arg11[%swap3A_1212, %swap3A_1213] {strides = array<i32>} : memref<16x1024xf32, #tpu.memory_space<vmem>>, vector<16xf32>,
        tpu.vector_store %arg11[%swap3A_1212, %swap3A_1213], %gather3A_1168 {strides = array<i32>} : memref<16x1024xf32, #tpu.memory_space<vmem>>, vector<16xf32>,
        %add3A_1215 = arith.constant 8 : i32
        %add3A_1216 = arith.addi %add3A_1215, %add3A_246 : i32
        %swap3A_1217 = arith.index_cast %add3A_1216 : i32 to index
        %swap3A_1218 = arith.constant 96 : index
        %swap3A_1219 = tpu.vector_load %arg11[%swap3A_1217, %swap3A_1218] {strides = array<i32>} : memref<16x1024xf32, #tpu.memory_space<vmem>>, vector<16xf32>,
        tpu.vector_store %arg11[%swap3A_1217, %swap3A_1218], %gather3A_1176 {strides = array<i32>} : memref<16x1024xf32, #tpu.memory_space<vmem>>, vector<16xf32>,
        %add3A_1220 = arith.constant 8 : i32
        %add3A_1221 = arith.addi %add3A_1220, %add3A_246 : i32
        %swap3A_1222 = arith.index_cast %add3A_1221 : i32 to index
        %swap3A_1223 = arith.constant 112 : index
        %swap3A_1224 = tpu.vector_load %arg11[%swap3A_1222, %swap3A_1223] {strides = array<i32>} : memref<16x1024xf32, #tpu.memory_space<vmem>>, vector<16xf32>,
        tpu.vector_store %arg11[%swap3A_1222, %swap3A_1223], %gather3A_1184 {strides = array<i32>} : memref<16x1024xf32, #tpu.memory_space<vmem>>, vector<16xf32>,
        %mul3A_1225 = arith.constant 8 : i32
        %mul3A_1226 = arith.muli %add3A_246, %mul3A_1225 : i32
        %add3A_1227 = arith.constant 1 : i32
        %add3A_1228 = arith.addi %mul3A_1226, %add3A_1227 : i32
        %broadcast_in_dim3A_1229 = vector.broadcast %add3A_1228 : i32 to vector<16xi32>
        %mul3A_1230 = arith.constant 65 : i32
        %mul3A_1231 = vector.broadcast %mul3A_1230 : i32 to vector<16xi32>
        %mul3A_1232 = arith.muli %add3A_5, %mul3A_1231 : vector<16xi32>
        %add3A_1233 = arith.constant 8320 : i32
        %add3A_1234 = vector.broadcast %add3A_1233 : i32 to vector<16xi32>
        %add3A_1235 = arith.addi %broadcast_in_dim3A_1229, %add3A_1234 : vector<16xi32>
        %add3A_1236 = arith.addi %mul3A_1232, %add3A_1235 : vector<16xi32>
        %gather3A_1237 = tpu.vector_load_idx %arg9[%add3A_1236] : memref<16640xf32, #tpu.memory_space<vmem>>[vector<16xi32>], vector<16xf32>,
        %mul3A_1238 = arith.constant 65 : i32
        %mul3A_1239 = vector.broadcast %mul3A_1238 : i32 to vector<16xi32>
        %mul3A_1240 = arith.muli %add3A_9, %mul3A_1239 : vector<16xi32>
        %add3A_1241 = arith.constant 8320 : i32
        %add3A_1242 = vector.broadcast %add3A_1241 : i32 to vector<16xi32>
        %add3A_1243 = arith.addi %broadcast_in_dim3A_1229, %add3A_1242 : vector<16xi32>
        %add3A_1244 = arith.addi %mul3A_1240, %add3A_1243 : vector<16xi32>
        %gather3A_1245 = tpu.vector_load_idx %arg9[%add3A_1244] : memref<16640xf32, #tpu.memory_space<vmem>>[vector<16xi32>], vector<16xf32>,
        %mul3A_1246 = arith.constant 65 : i32
        %mul3A_1247 = vector.broadcast %mul3A_1246 : i32 to vector<16xi32>
        %mul3A_1248 = arith.muli %add3A_13, %mul3A_1247 : vector<16xi32>
        %add3A_1249 = arith.constant 8320 : i32
        %add3A_1250 = vector.broadcast %add3A_1249 : i32 to vector<16xi32>
        %add3A_1251 = arith.addi %broadcast_in_dim3A_1229, %add3A_1250 : vector<16xi32>
        %add3A_1252 = arith.addi %mul3A_1248, %add3A_1251 : vector<16xi32>
        %gather3A_1253 = tpu.vector_load_idx %arg9[%add3A_1252] : memref<16640xf32, #tpu.memory_space<vmem>>[vector<16xi32>], vector<16xf32>,
        %mul3A_1254 = arith.constant 65 : i32
        %mul3A_1255 = vector.broadcast %mul3A_1254 : i32 to vector<16xi32>
        %mul3A_1256 = arith.muli %add3A_17, %mul3A_1255 : vector<16xi32>
        %add3A_1257 = arith.constant 8320 : i32
        %add3A_1258 = vector.broadcast %add3A_1257 : i32 to vector<16xi32>
        %add3A_1259 = arith.addi %broadcast_in_dim3A_1229, %add3A_1258 : vector<16xi32>
        %add3A_1260 = arith.addi %mul3A_1256, %add3A_1259 : vector<16xi32>
        %gather3A_1261 = tpu.vector_load_idx %arg9[%add3A_1260] : memref<16640xf32, #tpu.memory_space<vmem>>[vector<16xi32>], vector<16xf32>,
        %mul3A_1262 = arith.constant 65 : i32
        %mul3A_1263 = vector.broadcast %mul3A_1262 : i32 to vector<16xi32>
        %mul3A_1264 = arith.muli %add3A_21, %mul3A_1263 : vector<16xi32>
        %add3A_1265 = arith.constant 8320 : i32
        %add3A_1266 = vector.broadcast %add3A_1265 : i32 to vector<16xi32>
        %add3A_1267 = arith.addi %broadcast_in_dim3A_1229, %add3A_1266 : vector<16xi32>
        %add3A_1268 = arith.addi %mul3A_1264, %add3A_1267 : vector<16xi32>
        %gather3A_1269 = tpu.vector_load_idx %arg9[%add3A_1268] : memref<16640xf32, #tpu.memory_space<vmem>>[vector<16xi32>], vector<16xf32>,
        %mul3A_1270 = arith.constant 65 : i32
        %mul3A_1271 = vector.broadcast %mul3A_1270 : i32 to vector<16xi32>
        %mul3A_1272 = arith.muli %add3A_25, %mul3A_1271 : vector<16xi32>
        %add3A_1273 = arith.constant 8320 : i32
        %add3A_1274 = vector.broadcast %add3A_1273 : i32 to vector<16xi32>
        %add3A_1275 = arith.addi %broadcast_in_dim3A_1229, %add3A_1274 : vector<16xi32>
        %add3A_1276 = arith.addi %mul3A_1272, %add3A_1275 : vector<16xi32>
        %gather3A_1277 = tpu.vector_load_idx %arg9[%add3A_1276] : memref<16640xf32, #tpu.memory_space<vmem>>[vector<16xi32>], vector<16xf32>,
        %mul3A_1278 = arith.constant 65 : i32
        %mul3A_1279 = vector.broadcast %mul3A_1278 : i32 to vector<16xi32>
        %mul3A_1280 = arith.muli %add3A_29, %mul3A_1279 : vector<16xi32>
        %add3A_1281 = arith.constant 8320 : i32
        %add3A_1282 = vector.broadcast %add3A_1281 : i32 to vector<16xi32>
        %add3A_1283 = arith.addi %broadcast_in_dim3A_1229, %add3A_1282 : vector<16xi32>
        %add3A_1284 = arith.addi %mul3A_1280, %add3A_1283 : vector<16xi32>
        %gather3A_1285 = tpu.vector_load_idx %arg9[%add3A_1284] : memref<16640xf32, #tpu.memory_space<vmem>>[vector<16xi32>], vector<16xf32>,
        %mul3A_1286 = arith.constant 65 : i32
        %mul3A_1287 = vector.broadcast %mul3A_1286 : i32 to vector<16xi32>
        %mul3A_1288 = arith.muli %add3A_33, %mul3A_1287 : vector<16xi32>
        %add3A_1289 = arith.constant 8320 : i32
        %add3A_1290 = vector.broadcast %add3A_1289 : i32 to vector<16xi32>
        %add3A_1291 = arith.addi %broadcast_in_dim3A_1229, %add3A_1290 : vector<16xi32>
        %add3A_1292 = arith.addi %mul3A_1288, %add3A_1291 : vector<16xi32>
        %gather3A_1293 = tpu.vector_load_idx %arg9[%add3A_1292] : memref<16640xf32, #tpu.memory_space<vmem>>[vector<16xi32>], vector<16xf32>,
        %add3A_1294 = arith.constant 8 : i32
        %add3A_1295 = arith.addi %add3A_1294, %add3A_246 : i32
        %swap3A_1296 = arith.index_cast %add3A_1295 : i32 to index
        %swap3A_1297 = arith.constant 128 : index
        %swap3A_1298 = tpu.vector_load %arg11[%swap3A_1296, %swap3A_1297] {strides = array<i32>} : memref<16x1024xf32, #tpu.memory_space<vmem>>, vector<16xf32>,
        tpu.vector_store %arg11[%swap3A_1296, %swap3A_1297], %gather3A_1237 {strides = array<i32>} : memref<16x1024xf32, #tpu.memory_space<vmem>>, vector<16xf32>,
        %add3A_1299 = arith.constant 8 : i32
        %add3A_1300 = arith.addi %add3A_1299, %add3A_246 : i32
        %swap3A_1301 = arith.index_cast %add3A_1300 : i32 to index
        %swap3A_1302 = arith.constant 144 : index
        %swap3A_1303 = tpu.vector_load %arg11[%swap3A_1301, %swap3A_1302] {strides = array<i32>} : memref<16x1024xf32, #tpu.memory_space<vmem>>, vector<16xf32>,
        tpu.vector_store %arg11[%swap3A_1301, %swap3A_1302], %gather3A_1245 {strides = array<i32>} : memref<16x1024xf32, #tpu.memory_space<vmem>>, vector<16xf32>,
        %add3A_1304 = arith.constant 8 : i32
        %add3A_1305 = arith.addi %add3A_1304, %add3A_246 : i32
        %swap3A_1306 = arith.index_cast %add3A_1305 : i32 to index
        %swap3A_1307 = arith.constant 160 : index
        %swap3A_1308 = tpu.vector_load %arg11[%swap3A_1306, %swap3A_1307] {strides = array<i32>} : memref<16x1024xf32, #tpu.memory_space<vmem>>, vector<16xf32>,
        tpu.vector_store %arg11[%swap3A_1306, %swap3A_1307], %gather3A_1253 {strides = array<i32>} : memref<16x1024xf32, #tpu.memory_space<vmem>>, vector<16xf32>,
        %add3A_1309 = arith.constant 8 : i32
        %add3A_1310 = arith.addi %add3A_1309, %add3A_246 : i32
        %swap3A_1311 = arith.index_cast %add3A_1310 : i32 to index
        %swap3A_1312 = arith.constant 176 : index
        %swap3A_1313 = tpu.vector_load %arg11[%swap3A_1311, %swap3A_1312] {strides = array<i32>} : memref<16x1024xf32, #tpu.memory_space<vmem>>, vector<16xf32>,
        tpu.vector_store %arg11[%swap3A_1311, %swap3A_1312], %gather3A_1261 {strides = array<i32>} : memref<16x1024xf32, #tpu.memory_space<vmem>>, vector<16xf32>,
        %add3A_1314 = arith.constant 8 : i32
        %add3A_1315 = arith.addi %add3A_1314, %add3A_246 : i32
        %swap3A_1316 = arith.index_cast %add3A_1315 : i32 to index
        %swap3A_1317 = arith.constant 192 : index
        %swap3A_1318 = tpu.vector_load %arg11[%swap3A_1316, %swap3A_1317] {strides = array<i32>} : memref<16x1024xf32, #tpu.memory_space<vmem>>, vector<16xf32>,
        tpu.vector_store %arg11[%swap3A_1316, %swap3A_1317], %gather3A_1269 {strides = array<i32>} : memref<16x1024xf32, #tpu.memory_space<vmem>>, vector<16xf32>,
        %add3A_1319 = arith.constant 8 : i32
        %add3A_1320 = arith.addi %add3A_1319, %add3A_246 : i32
        %swap3A_1321 = arith.index_cast %add3A_1320 : i32 to index
        %swap3A_1322 = arith.constant 208 : index
        %swap3A_1323 = tpu.vector_load %arg11[%swap3A_1321, %swap3A_1322] {strides = array<i32>} : memref<16x1024xf32, #tpu.memory_space<vmem>>, vector<16xf32>,
        tpu.vector_store %arg11[%swap3A_1321, %swap3A_1322], %gather3A_1277 {strides = array<i32>} : memref<16x1024xf32, #tpu.memory_space<vmem>>, vector<16xf32>,
        %add3A_1324 = arith.constant 8 : i32
        %add3A_1325 = arith.addi %add3A_1324, %add3A_246 : i32
        %swap3A_1326 = arith.index_cast %add3A_1325 : i32 to index
        %swap3A_1327 = arith.constant 224 : index
        %swap3A_1328 = tpu.vector_load %arg11[%swap3A_1326, %swap3A_1327] {strides = array<i32>} : memref<16x1024xf32, #tpu.memory_space<vmem>>, vector<16xf32>,
        tpu.vector_store %arg11[%swap3A_1326, %swap3A_1327], %gather3A_1285 {strides = array<i32>} : memref<16x1024xf32, #tpu.memory_space<vmem>>, vector<16xf32>,
        %add3A_1329 = arith.constant 8 : i32
        %add3A_1330 = arith.addi %add3A_1329, %add3A_246 : i32
        %swap3A_1331 = arith.index_cast %add3A_1330 : i32 to index
        %swap3A_1332 = arith.constant 240 : index
        %swap3A_1333 = tpu.vector_load %arg11[%swap3A_1331, %swap3A_1332] {strides = array<i32>} : memref<16x1024xf32, #tpu.memory_space<vmem>>, vector<16xf32>,
        tpu.vector_store %arg11[%swap3A_1331, %swap3A_1332], %gather3A_1293 {strides = array<i32>} : memref<16x1024xf32, #tpu.memory_space<vmem>>, vector<16xf32>,
        %mul3A_1334 = arith.constant 8 : i32
        %mul3A_1335 = arith.muli %add3A_246, %mul3A_1334 : i32
        %add3A_1336 = arith.constant 2 : i32
        %add3A_1337 = arith.addi %mul3A_1335, %add3A_1336 : i32
        %broadcast_in_dim3A_1338 = vector.broadcast %add3A_1337 : i32 to vector<16xi32>
        %mul3A_1339 = arith.constant 65 : i32
        %mul3A_1340 = vector.broadcast %mul3A_1339 : i32 to vector<16xi32>
        %mul3A_1341 = arith.muli %add3A_5, %mul3A_1340 : vector<16xi32>
        %add3A_1342 = arith.constant 8320 : i32
        %add3A_1343 = vector.broadcast %add3A_1342 : i32 to vector<16xi32>
        %add3A_1344 = arith.addi %broadcast_in_dim3A_1338, %add3A_1343 : vector<16xi32>
        %add3A_1345 = arith.addi %mul3A_1341, %add3A_1344 : vector<16xi32>
        %gather3A_1346 = tpu.vector_load_idx %arg9[%add3A_1345] : memref<16640xf32, #tpu.memory_space<vmem>>[vector<16xi32>], vector<16xf32>,
        %mul3A_1347 = arith.constant 65 : i32
        %mul3A_1348 = vector.broadcast %mul3A_1347 : i32 to vector<16xi32>
        %mul3A_1349 = arith.muli %add3A_9, %mul3A_1348 : vector<16xi32>
        %add3A_1350 = arith.constant 8320 : i32
        %add3A_1351 = vector.broadcast %add3A_1350 : i32 to vector<16xi32>
        %add3A_1352 = arith.addi %broadcast_in_dim3A_1338, %add3A_1351 : vector<16xi32>
        %add3A_1353 = arith.addi %mul3A_1349, %add3A_1352 : vector<16xi32>
        %gather3A_1354 = tpu.vector_load_idx %arg9[%add3A_1353] : memref<16640xf32, #tpu.memory_space<vmem>>[vector<16xi32>], vector<16xf32>,
        %mul3A_1355 = arith.constant 65 : i32
        %mul3A_1356 = vector.broadcast %mul3A_1355 : i32 to vector<16xi32>
        %mul3A_1357 = arith.muli %add3A_13, %mul3A_1356 : vector<16xi32>
        %add3A_1358 = arith.constant 8320 : i32
        %add3A_1359 = vector.broadcast %add3A_1358 : i32 to vector<16xi32>
        %add3A_1360 = arith.addi %broadcast_in_dim3A_1338, %add3A_1359 : vector<16xi32>
        %add3A_1361 = arith.addi %mul3A_1357, %add3A_1360 : vector<16xi32>
        %gather3A_1362 = tpu.vector_load_idx %arg9[%add3A_1361] : memref<16640xf32, #tpu.memory_space<vmem>>[vector<16xi32>], vector<16xf32>,
        %mul3A_1363 = arith.constant 65 : i32
        %mul3A_1364 = vector.broadcast %mul3A_1363 : i32 to vector<16xi32>
        %mul3A_1365 = arith.muli %add3A_17, %mul3A_1364 : vector<16xi32>
        %add3A_1366 = arith.constant 8320 : i32
        %add3A_1367 = vector.broadcast %add3A_1366 : i32 to vector<16xi32>
        %add3A_1368 = arith.addi %broadcast_in_dim3A_1338, %add3A_1367 : vector<16xi32>
        %add3A_1369 = arith.addi %mul3A_1365, %add3A_1368 : vector<16xi32>
        %gather3A_1370 = tpu.vector_load_idx %arg9[%add3A_1369] : memref<16640xf32, #tpu.memory_space<vmem>>[vector<16xi32>], vector<16xf32>,
        %mul3A_1371 = arith.constant 65 : i32
        %mul3A_1372 = vector.broadcast %mul3A_1371 : i32 to vector<16xi32>
        %mul3A_1373 = arith.muli %add3A_21, %mul3A_1372 : vector<16xi32>
        %add3A_1374 = arith.constant 8320 : i32
        %add3A_1375 = vector.broadcast %add3A_1374 : i32 to vector<16xi32>
        %add3A_1376 = arith.addi %broadcast_in_dim3A_1338, %add3A_1375 : vector<16xi32>
        %add3A_1377 = arith.addi %mul3A_1373, %add3A_1376 : vector<16xi32>
        %gather3A_1378 = tpu.vector_load_idx %arg9[%add3A_1377] : memref<16640xf32, #tpu.memory_space<vmem>>[vector<16xi32>], vector<16xf32>,
        %mul3A_1379 = arith.constant 65 : i32
        %mul3A_1380 = vector.broadcast %mul3A_1379 : i32 to vector<16xi32>
        %mul3A_1381 = arith.muli %add3A_25, %mul3A_1380 : vector<16xi32>
        %add3A_1382 = arith.constant 8320 : i32
        %add3A_1383 = vector.broadcast %add3A_1382 : i32 to vector<16xi32>
        %add3A_1384 = arith.addi %broadcast_in_dim3A_1338, %add3A_1383 : vector<16xi32>
        %add3A_1385 = arith.addi %mul3A_1381, %add3A_1384 : vector<16xi32>
        %gather3A_1386 = tpu.vector_load_idx %arg9[%add3A_1385] : memref<16640xf32, #tpu.memory_space<vmem>>[vector<16xi32>], vector<16xf32>,
        %mul3A_1387 = arith.constant 65 : i32
        %mul3A_1388 = vector.broadcast %mul3A_1387 : i32 to vector<16xi32>
        %mul3A_1389 = arith.muli %add3A_29, %mul3A_1388 : vector<16xi32>
        %add3A_1390 = arith.constant 8320 : i32
        %add3A_1391 = vector.broadcast %add3A_1390 : i32 to vector<16xi32>
        %add3A_1392 = arith.addi %broadcast_in_dim3A_1338, %add3A_1391 : vector<16xi32>
        %add3A_1393 = arith.addi %mul3A_1389, %add3A_1392 : vector<16xi32>
        %gather3A_1394 = tpu.vector_load_idx %arg9[%add3A_1393] : memref<16640xf32, #tpu.memory_space<vmem>>[vector<16xi32>], vector<16xf32>,
        %mul3A_1395 = arith.constant 65 : i32
        %mul3A_1396 = vector.broadcast %mul3A_1395 : i32 to vector<16xi32>
        %mul3A_1397 = arith.muli %add3A_33, %mul3A_1396 : vector<16xi32>
        %add3A_1398 = arith.constant 8320 : i32
        %add3A_1399 = vector.broadcast %add3A_1398 : i32 to vector<16xi32>
        %add3A_1400 = arith.addi %broadcast_in_dim3A_1338, %add3A_1399 : vector<16xi32>
        %add3A_1401 = arith.addi %mul3A_1397, %add3A_1400 : vector<16xi32>
        %gather3A_1402 = tpu.vector_load_idx %arg9[%add3A_1401] : memref<16640xf32, #tpu.memory_space<vmem>>[vector<16xi32>], vector<16xf32>,
        %add3A_1403 = arith.constant 8 : i32
        %add3A_1404 = arith.addi %add3A_1403, %add3A_246 : i32
        %swap3A_1405 = arith.index_cast %add3A_1404 : i32 to index
        %swap3A_1406 = arith.constant 256 : index
        %swap3A_1407 = tpu.vector_load %arg11[%swap3A_1405, %swap3A_1406] {strides = array<i32>} : memref<16x1024xf32, #tpu.memory_space<vmem>>, vector<16xf32>,
        tpu.vector_store %arg11[%swap3A_1405, %swap3A_1406], %gather3A_1346 {strides = array<i32>} : memref<16x1024xf32, #tpu.memory_space<vmem>>, vector<16xf32>,
        %add3A_1408 = arith.constant 8 : i32
        %add3A_1409 = arith.addi %add3A_1408, %add3A_246 : i32
        %swap3A_1410 = arith.index_cast %add3A_1409 : i32 to index
        %swap3A_1411 = arith.constant 272 : index
        %swap3A_1412 = tpu.vector_load %arg11[%swap3A_1410, %swap3A_1411] {strides = array<i32>} : memref<16x1024xf32, #tpu.memory_space<vmem>>, vector<16xf32>,
        tpu.vector_store %arg11[%swap3A_1410, %swap3A_1411], %gather3A_1354 {strides = array<i32>} : memref<16x1024xf32, #tpu.memory_space<vmem>>, vector<16xf32>,
        %add3A_1413 = arith.constant 8 : i32
        %add3A_1414 = arith.addi %add3A_1413, %add3A_246 : i32
        %swap3A_1415 = arith.index_cast %add3A_1414 : i32 to index
        %swap3A_1416 = arith.constant 288 : index
        %swap3A_1417 = tpu.vector_load %arg11[%swap3A_1415, %swap3A_1416] {strides = array<i32>} : memref<16x1024xf32, #tpu.memory_space<vmem>>, vector<16xf32>,
        tpu.vector_store %arg11[%swap3A_1415, %swap3A_1416], %gather3A_1362 {strides = array<i32>} : memref<16x1024xf32, #tpu.memory_space<vmem>>, vector<16xf32>,
        %add3A_1418 = arith.constant 8 : i32
        %add3A_1419 = arith.addi %add3A_1418, %add3A_246 : i32
        %swap3A_1420 = arith.index_cast %add3A_1419 : i32 to index
        %swap3A_1421 = arith.constant 304 : index
        %swap3A_1422 = tpu.vector_load %arg11[%swap3A_1420, %swap3A_1421] {strides = array<i32>} : memref<16x1024xf32, #tpu.memory_space<vmem>>, vector<16xf32>,
        tpu.vector_store %arg11[%swap3A_1420, %swap3A_1421], %gather3A_1370 {strides = array<i32>} : memref<16x1024xf32, #tpu.memory_space<vmem>>, vector<16xf32>,
        %add3A_1423 = arith.constant 8 : i32
        %add3A_1424 = arith.addi %add3A_1423, %add3A_246 : i32
        %swap3A_1425 = arith.index_cast %add3A_1424 : i32 to index
        %swap3A_1426 = arith.constant 320 : index
        %swap3A_1427 = tpu.vector_load %arg11[%swap3A_1425, %swap3A_1426] {strides = array<i32>} : memref<16x1024xf32, #tpu.memory_space<vmem>>, vector<16xf32>,
        tpu.vector_store %arg11[%swap3A_1425, %swap3A_1426], %gather3A_1378 {strides = array<i32>} : memref<16x1024xf32, #tpu.memory_space<vmem>>, vector<16xf32>,
        %add3A_1428 = arith.constant 8 : i32
        %add3A_1429 = arith.addi %add3A_1428, %add3A_246 : i32
        %swap3A_1430 = arith.index_cast %add3A_1429 : i32 to index
        %swap3A_1431 = arith.constant 336 : index
        %swap3A_1432 = tpu.vector_load %arg11[%swap3A_1430, %swap3A_1431] {strides = array<i32>} : memref<16x1024xf32, #tpu.memory_space<vmem>>, vector<16xf32>,
        tpu.vector_store %arg11[%swap3A_1430, %swap3A_1431], %gather3A_1386 {strides = array<i32>} : memref<16x1024xf32, #tpu.memory_space<vmem>>, vector<16xf32>,
        %add3A_1433 = arith.constant 8 : i32
        %add3A_1434 = arith.addi %add3A_1433, %add3A_246 : i32
        %swap3A_1435 = arith.index_cast %add3A_1434 : i32 to index
        %swap3A_1436 = arith.constant 352 : index
        %swap3A_1437 = tpu.vector_load %arg11[%swap3A_1435, %swap3A_1436] {strides = array<i32>} : memref<16x1024xf32, #tpu.memory_space<vmem>>, vector<16xf32>,
        tpu.vector_store %arg11[%swap3A_1435, %swap3A_1436], %gather3A_1394 {strides = array<i32>} : memref<16x1024xf32, #tpu.memory_space<vmem>>, vector<16xf32>,
        %add3A_1438 = arith.constant 8 : i32
        %add3A_1439 = arith.addi %add3A_1438, %add3A_246 : i32
        %swap3A_1440 = arith.index_cast %add3A_1439 : i32 to index
        %swap3A_1441 = arith.constant 368 : index
        %swap3A_1442 = tpu.vector_load %arg11[%swap3A_1440, %swap3A_1441] {strides = array<i32>} : memref<16x1024xf32, #tpu.memory_space<vmem>>, vector<16xf32>,
        tpu.vector_store %arg11[%swap3A_1440, %swap3A_1441], %gather3A_1402 {strides = array<i32>} : memref<16x1024xf32, #tpu.memory_space<vmem>>, vector<16xf32>,
        %mul3A_1443 = arith.constant 8 : i32
        %mul3A_1444 = arith.muli %add3A_246, %mul3A_1443 : i32
        %add3A_1445 = arith.constant 3 : i32
        %add3A_1446 = arith.addi %mul3A_1444, %add3A_1445 : i32
        %broadcast_in_dim3A_1447 = vector.broadcast %add3A_1446 : i32 to vector<16xi32>
        %mul3A_1448 = arith.constant 65 : i32
        %mul3A_1449 = vector.broadcast %mul3A_1448 : i32 to vector<16xi32>
        %mul3A_1450 = arith.muli %add3A_5, %mul3A_1449 : vector<16xi32>
        %add3A_1451 = arith.constant 8320 : i32
        %add3A_1452 = vector.broadcast %add3A_1451 : i32 to vector<16xi32>
        %add3A_1453 = arith.addi %broadcast_in_dim3A_1447, %add3A_1452 : vector<16xi32>
        %add3A_1454 = arith.addi %mul3A_1450, %add3A_1453 : vector<16xi32>
        %gather3A_1455 = tpu.vector_load_idx %arg9[%add3A_1454] : memref<16640xf32, #tpu.memory_space<vmem>>[vector<16xi32>], vector<16xf32>,
        %mul3A_1456 = arith.constant 65 : i32
        %mul3A_1457 = vector.broadcast %mul3A_1456 : i32 to vector<16xi32>
        %mul3A_1458 = arith.muli %add3A_9, %mul3A_1457 : vector<16xi32>
        %add3A_1459 = arith.constant 8320 : i32
        %add3A_1460 = vector.broadcast %add3A_1459 : i32 to vector<16xi32>
        %add3A_1461 = arith.addi %broadcast_in_dim3A_1447, %add3A_1460 : vector<16xi32>
        %add3A_1462 = arith.addi %mul3A_1458, %add3A_1461 : vector<16xi32>
        %gather3A_1463 = tpu.vector_load_idx %arg9[%add3A_1462] : memref<16640xf32, #tpu.memory_space<vmem>>[vector<16xi32>], vector<16xf32>,
        %mul3A_1464 = arith.constant 65 : i32
        %mul3A_1465 = vector.broadcast %mul3A_1464 : i32 to vector<16xi32>
        %mul3A_1466 = arith.muli %add3A_13, %mul3A_1465 : vector<16xi32>
        %add3A_1467 = arith.constant 8320 : i32
        %add3A_1468 = vector.broadcast %add3A_1467 : i32 to vector<16xi32>
        %add3A_1469 = arith.addi %broadcast_in_dim3A_1447, %add3A_1468 : vector<16xi32>
        %add3A_1470 = arith.addi %mul3A_1466, %add3A_1469 : vector<16xi32>
        %gather3A_1471 = tpu.vector_load_idx %arg9[%add3A_1470] : memref<16640xf32, #tpu.memory_space<vmem>>[vector<16xi32>], vector<16xf32>,
        %mul3A_1472 = arith.constant 65 : i32
        %mul3A_1473 = vector.broadcast %mul3A_1472 : i32 to vector<16xi32>
        %mul3A_1474 = arith.muli %add3A_17, %mul3A_1473 : vector<16xi32>
        %add3A_1475 = arith.constant 8320 : i32
        %add3A_1476 = vector.broadcast %add3A_1475 : i32 to vector<16xi32>
        %add3A_1477 = arith.addi %broadcast_in_dim3A_1447, %add3A_1476 : vector<16xi32>
        %add3A_1478 = arith.addi %mul3A_1474, %add3A_1477 : vector<16xi32>
        %gather3A_1479 = tpu.vector_load_idx %arg9[%add3A_1478] : memref<16640xf32, #tpu.memory_space<vmem>>[vector<16xi32>], vector<16xf32>,
        %mul3A_1480 = arith.constant 65 : i32
        %mul3A_1481 = vector.broadcast %mul3A_1480 : i32 to vector<16xi32>
        %mul3A_1482 = arith.muli %add3A_21, %mul3A_1481 : vector<16xi32>
        %add3A_1483 = arith.constant 8320 : i32
        %add3A_1484 = vector.broadcast %add3A_1483 : i32 to vector<16xi32>
        %add3A_1485 = arith.addi %broadcast_in_dim3A_1447, %add3A_1484 : vector<16xi32>
        %add3A_1486 = arith.addi %mul3A_1482, %add3A_1485 : vector<16xi32>
        %gather3A_1487 = tpu.vector_load_idx %arg9[%add3A_1486] : memref<16640xf32, #tpu.memory_space<vmem>>[vector<16xi32>], vector<16xf32>,
        %mul3A_1488 = arith.constant 65 : i32
        %mul3A_1489 = vector.broadcast %mul3A_1488 : i32 to vector<16xi32>
        %mul3A_1490 = arith.muli %add3A_25, %mul3A_1489 : vector<16xi32>
        %add3A_1491 = arith.constant 8320 : i32
        %add3A_1492 = vector.broadcast %add3A_1491 : i32 to vector<16xi32>
        %add3A_1493 = arith.addi %broadcast_in_dim3A_1447, %add3A_1492 : vector<16xi32>
        %add3A_1494 = arith.addi %mul3A_1490, %add3A_1493 : vector<16xi32>
        %gather3A_1495 = tpu.vector_load_idx %arg9[%add3A_1494] : memref<16640xf32, #tpu.memory_space<vmem>>[vector<16xi32>], vector<16xf32>,
        %mul3A_1496 = arith.constant 65 : i32
        %mul3A_1497 = vector.broadcast %mul3A_1496 : i32 to vector<16xi32>
        %mul3A_1498 = arith.muli %add3A_29, %mul3A_1497 : vector<16xi32>
        %add3A_1499 = arith.constant 8320 : i32
        %add3A_1500 = vector.broadcast %add3A_1499 : i32 to vector<16xi32>
        %add3A_1501 = arith.addi %broadcast_in_dim3A_1447, %add3A_1500 : vector<16xi32>
        %add3A_1502 = arith.addi %mul3A_1498, %add3A_1501 : vector<16xi32>
        %gather3A_1503 = tpu.vector_load_idx %arg9[%add3A_1502] : memref<16640xf32, #tpu.memory_space<vmem>>[vector<16xi32>], vector<16xf32>,
        %mul3A_1504 = arith.constant 65 : i32
        %mul3A_1505 = vector.broadcast %mul3A_1504 : i32 to vector<16xi32>
        %mul3A_1506 = arith.muli %add3A_33, %mul3A_1505 : vector<16xi32>
        %add3A_1507 = arith.constant 8320 : i32
        %add3A_1508 = vector.broadcast %add3A_1507 : i32 to vector<16xi32>
        %add3A_1509 = arith.addi %broadcast_in_dim3A_1447, %add3A_1508 : vector<16xi32>
        %add3A_1510 = arith.addi %mul3A_1506, %add3A_1509 : vector<16xi32>
        %gather3A_1511 = tpu.vector_load_idx %arg9[%add3A_1510] : memref<16640xf32, #tpu.memory_space<vmem>>[vector<16xi32>], vector<16xf32>,
        %add3A_1512 = arith.constant 8 : i32
        %add3A_1513 = arith.addi %add3A_1512, %add3A_246 : i32
        %swap3A_1514 = arith.index_cast %add3A_1513 : i32 to index
        %swap3A_1515 = arith.constant 384 : index
        %swap3A_1516 = tpu.vector_load %arg11[%swap3A_1514, %swap3A_1515] {strides = array<i32>} : memref<16x1024xf32, #tpu.memory_space<vmem>>, vector<16xf32>,
        tpu.vector_store %arg11[%swap3A_1514, %swap3A_1515], %gather3A_1455 {strides = array<i32>} : memref<16x1024xf32, #tpu.memory_space<vmem>>, vector<16xf32>,
        %add3A_1517 = arith.constant 8 : i32
        %add3A_1518 = arith.addi %add3A_1517, %add3A_246 : i32
        %swap3A_1519 = arith.index_cast %add3A_1518 : i32 to index
        %swap3A_1520 = arith.constant 400 : index
        %swap3A_1521 = tpu.vector_load %arg11[%swap3A_1519, %swap3A_1520] {strides = array<i32>} : memref<16x1024xf32, #tpu.memory_space<vmem>>, vector<16xf32>,
        tpu.vector_store %arg11[%swap3A_1519, %swap3A_1520], %gather3A_1463 {strides = array<i32>} : memref<16x1024xf32, #tpu.memory_space<vmem>>, vector<16xf32>,
        %add3A_1522 = arith.constant 8 : i32
        %add3A_1523 = arith.addi %add3A_1522, %add3A_246 : i32
        %swap3A_1524 = arith.index_cast %add3A_1523 : i32 to index
        %swap3A_1525 = arith.constant 416 : index
        %swap3A_1526 = tpu.vector_load %arg11[%swap3A_1524, %swap3A_1525] {strides = array<i32>} : memref<16x1024xf32, #tpu.memory_space<vmem>>, vector<16xf32>,
        tpu.vector_store %arg11[%swap3A_1524, %swap3A_1525], %gather3A_1471 {strides = array<i32>} : memref<16x1024xf32, #tpu.memory_space<vmem>>, vector<16xf32>,
        %add3A_1527 = arith.constant 8 : i32
        %add3A_1528 = arith.addi %add3A_1527, %add3A_246 : i32
        %swap3A_1529 = arith.index_cast %add3A_1528 : i32 to index
        %swap3A_1530 = arith.constant 432 : index
        %swap3A_1531 = tpu.vector_load %arg11[%swap3A_1529, %swap3A_1530] {strides = array<i32>} : memref<16x1024xf32, #tpu.memory_space<vmem>>, vector<16xf32>,
        tpu.vector_store %arg11[%swap3A_1529, %swap3A_1530], %gather3A_1479 {strides = array<i32>} : memref<16x1024xf32, #tpu.memory_space<vmem>>, vector<16xf32>,
        %add3A_1532 = arith.constant 8 : i32
        %add3A_1533 = arith.addi %add3A_1532, %add3A_246 : i32
        %swap3A_1534 = arith.index_cast %add3A_1533 : i32 to index
        %swap3A_1535 = arith.constant 448 : index
        %swap3A_1536 = tpu.vector_load %arg11[%swap3A_1534, %swap3A_1535] {strides = array<i32>} : memref<16x1024xf32, #tpu.memory_space<vmem>>, vector<16xf32>,
        tpu.vector_store %arg11[%swap3A_1534, %swap3A_1535], %gather3A_1487 {strides = array<i32>} : memref<16x1024xf32, #tpu.memory_space<vmem>>, vector<16xf32>,
        %add3A_1537 = arith.constant 8 : i32
        %add3A_1538 = arith.addi %add3A_1537, %add3A_246 : i32
        %swap3A_1539 = arith.index_cast %add3A_1538 : i32 to index
        %swap3A_1540 = arith.constant 464 : index
        %swap3A_1541 = tpu.vector_load %arg11[%swap3A_1539, %swap3A_1540] {strides = array<i32>} : memref<16x1024xf32, #tpu.memory_space<vmem>>, vector<16xf32>,
        tpu.vector_store %arg11[%swap3A_1539, %swap3A_1540], %gather3A_1495 {strides = array<i32>} : memref<16x1024xf32, #tpu.memory_space<vmem>>, vector<16xf32>,
        %add3A_1542 = arith.constant 8 : i32
        %add3A_1543 = arith.addi %add3A_1542, %add3A_246 : i32
        %swap3A_1544 = arith.index_cast %add3A_1543 : i32 to index
        %swap3A_1545 = arith.constant 480 : index
        %swap3A_1546 = tpu.vector_load %arg11[%swap3A_1544, %swap3A_1545] {strides = array<i32>} : memref<16x1024xf32, #tpu.memory_space<vmem>>, vector<16xf32>,
        tpu.vector_store %arg11[%swap3A_1544, %swap3A_1545], %gather3A_1503 {strides = array<i32>} : memref<16x1024xf32, #tpu.memory_space<vmem>>, vector<16xf32>,
        %add3A_1547 = arith.constant 8 : i32
        %add3A_1548 = arith.addi %add3A_1547, %add3A_246 : i32
        %swap3A_1549 = arith.index_cast %add3A_1548 : i32 to index
        %swap3A_1550 = arith.constant 496 : index
        %swap3A_1551 = tpu.vector_load %arg11[%swap3A_1549, %swap3A_1550] {strides = array<i32>} : memref<16x1024xf32, #tpu.memory_space<vmem>>, vector<16xf32>,
        tpu.vector_store %arg11[%swap3A_1549, %swap3A_1550], %gather3A_1511 {strides = array<i32>} : memref<16x1024xf32, #tpu.memory_space<vmem>>, vector<16xf32>,
        %mul3A_1552 = arith.constant 8 : i32
        %mul3A_1553 = arith.muli %add3A_246, %mul3A_1552 : i32
        %add3A_1554 = arith.constant 4 : i32
        %add3A_1555 = arith.addi %mul3A_1553, %add3A_1554 : i32
        %broadcast_in_dim3A_1556 = vector.broadcast %add3A_1555 : i32 to vector<16xi32>
        %mul3A_1557 = arith.constant 65 : i32
        %mul3A_1558 = vector.broadcast %mul3A_1557 : i32 to vector<16xi32>
        %mul3A_1559 = arith.muli %add3A_5, %mul3A_1558 : vector<16xi32>
        %add3A_1560 = arith.constant 8320 : i32
        %add3A_1561 = vector.broadcast %add3A_1560 : i32 to vector<16xi32>
        %add3A_1562 = arith.addi %broadcast_in_dim3A_1556, %add3A_1561 : vector<16xi32>
        %add3A_1563 = arith.addi %mul3A_1559, %add3A_1562 : vector<16xi32>
        %gather3A_1564 = tpu.vector_load_idx %arg9[%add3A_1563] : memref<16640xf32, #tpu.memory_space<vmem>>[vector<16xi32>], vector<16xf32>,
        %mul3A_1565 = arith.constant 65 : i32
        %mul3A_1566 = vector.broadcast %mul3A_1565 : i32 to vector<16xi32>
        %mul3A_1567 = arith.muli %add3A_9, %mul3A_1566 : vector<16xi32>
        %add3A_1568 = arith.constant 8320 : i32
        %add3A_1569 = vector.broadcast %add3A_1568 : i32 to vector<16xi32>
        %add3A_1570 = arith.addi %broadcast_in_dim3A_1556, %add3A_1569 : vector<16xi32>
        %add3A_1571 = arith.addi %mul3A_1567, %add3A_1570 : vector<16xi32>
        %gather3A_1572 = tpu.vector_load_idx %arg9[%add3A_1571] : memref<16640xf32, #tpu.memory_space<vmem>>[vector<16xi32>], vector<16xf32>,
        %mul3A_1573 = arith.constant 65 : i32
        %mul3A_1574 = vector.broadcast %mul3A_1573 : i32 to vector<16xi32>
        %mul3A_1575 = arith.muli %add3A_13, %mul3A_1574 : vector<16xi32>
        %add3A_1576 = arith.constant 8320 : i32
        %add3A_1577 = vector.broadcast %add3A_1576 : i32 to vector<16xi32>
        %add3A_1578 = arith.addi %broadcast_in_dim3A_1556, %add3A_1577 : vector<16xi32>
        %add3A_1579 = arith.addi %mul3A_1575, %add3A_1578 : vector<16xi32>
        %gather3A_1580 = tpu.vector_load_idx %arg9[%add3A_1579] : memref<16640xf32, #tpu.memory_space<vmem>>[vector<16xi32>], vector<16xf32>,
        %mul3A_1581 = arith.constant 65 : i32
        %mul3A_1582 = vector.broadcast %mul3A_1581 : i32 to vector<16xi32>
        %mul3A_1583 = arith.muli %add3A_17, %mul3A_1582 : vector<16xi32>
        %add3A_1584 = arith.constant 8320 : i32
        %add3A_1585 = vector.broadcast %add3A_1584 : i32 to vector<16xi32>
        %add3A_1586 = arith.addi %broadcast_in_dim3A_1556, %add3A_1585 : vector<16xi32>
        %add3A_1587 = arith.addi %mul3A_1583, %add3A_1586 : vector<16xi32>
        %gather3A_1588 = tpu.vector_load_idx %arg9[%add3A_1587] : memref<16640xf32, #tpu.memory_space<vmem>>[vector<16xi32>], vector<16xf32>,
        %mul3A_1589 = arith.constant 65 : i32
        %mul3A_1590 = vector.broadcast %mul3A_1589 : i32 to vector<16xi32>
        %mul3A_1591 = arith.muli %add3A_21, %mul3A_1590 : vector<16xi32>
        %add3A_1592 = arith.constant 8320 : i32
        %add3A_1593 = vector.broadcast %add3A_1592 : i32 to vector<16xi32>
        %add3A_1594 = arith.addi %broadcast_in_dim3A_1556, %add3A_1593 : vector<16xi32>
        %add3A_1595 = arith.addi %mul3A_1591, %add3A_1594 : vector<16xi32>
        %gather3A_1596 = tpu.vector_load_idx %arg9[%add3A_1595] : memref<16640xf32, #tpu.memory_space<vmem>>[vector<16xi32>], vector<16xf32>,
        %mul3A_1597 = arith.constant 65 : i32
        %mul3A_1598 = vector.broadcast %mul3A_1597 : i32 to vector<16xi32>
        %mul3A_1599 = arith.muli %add3A_25, %mul3A_1598 : vector<16xi32>
        %add3A_1600 = arith.constant 8320 : i32
        %add3A_1601 = vector.broadcast %add3A_1600 : i32 to vector<16xi32>
        %add3A_1602 = arith.addi %broadcast_in_dim3A_1556, %add3A_1601 : vector<16xi32>
        %add3A_1603 = arith.addi %mul3A_1599, %add3A_1602 : vector<16xi32>
        %gather3A_1604 = tpu.vector_load_idx %arg9[%add3A_1603] : memref<16640xf32, #tpu.memory_space<vmem>>[vector<16xi32>], vector<16xf32>,
        %mul3A_1605 = arith.constant 65 : i32
        %mul3A_1606 = vector.broadcast %mul3A_1605 : i32 to vector<16xi32>
        %mul3A_1607 = arith.muli %add3A_29, %mul3A_1606 : vector<16xi32>
        %add3A_1608 = arith.constant 8320 : i32
        %add3A_1609 = vector.broadcast %add3A_1608 : i32 to vector<16xi32>
        %add3A_1610 = arith.addi %broadcast_in_dim3A_1556, %add3A_1609 : vector<16xi32>
        %add3A_1611 = arith.addi %mul3A_1607, %add3A_1610 : vector<16xi32>
        %gather3A_1612 = tpu.vector_load_idx %arg9[%add3A_1611] : memref<16640xf32, #tpu.memory_space<vmem>>[vector<16xi32>], vector<16xf32>,
        %mul3A_1613 = arith.constant 65 : i32
        %mul3A_1614 = vector.broadcast %mul3A_1613 : i32 to vector<16xi32>
        %mul3A_1615 = arith.muli %add3A_33, %mul3A_1614 : vector<16xi32>
        %add3A_1616 = arith.constant 8320 : i32
        %add3A_1617 = vector.broadcast %add3A_1616 : i32 to vector<16xi32>
        %add3A_1618 = arith.addi %broadcast_in_dim3A_1556, %add3A_1617 : vector<16xi32>
        %add3A_1619 = arith.addi %mul3A_1615, %add3A_1618 : vector<16xi32>
        %gather3A_1620 = tpu.vector_load_idx %arg9[%add3A_1619] : memref<16640xf32, #tpu.memory_space<vmem>>[vector<16xi32>], vector<16xf32>,
        %add3A_1621 = arith.constant 8 : i32
        %add3A_1622 = arith.addi %add3A_1621, %add3A_246 : i32
        %swap3A_1623 = arith.index_cast %add3A_1622 : i32 to index
        %swap3A_1624 = arith.constant 512 : index
        %swap3A_1625 = tpu.vector_load %arg11[%swap3A_1623, %swap3A_1624] {strides = array<i32>} : memref<16x1024xf32, #tpu.memory_space<vmem>>, vector<16xf32>,
        tpu.vector_store %arg11[%swap3A_1623, %swap3A_1624], %gather3A_1564 {strides = array<i32>} : memref<16x1024xf32, #tpu.memory_space<vmem>>, vector<16xf32>,
        %add3A_1626 = arith.constant 8 : i32
        %add3A_1627 = arith.addi %add3A_1626, %add3A_246 : i32
        %swap3A_1628 = arith.index_cast %add3A_1627 : i32 to index
        %swap3A_1629 = arith.constant 528 : index
        %swap3A_1630 = tpu.vector_load %arg11[%swap3A_1628, %swap3A_1629] {strides = array<i32>} : memref<16x1024xf32, #tpu.memory_space<vmem>>, vector<16xf32>,
        tpu.vector_store %arg11[%swap3A_1628, %swap3A_1629], %gather3A_1572 {strides = array<i32>} : memref<16x1024xf32, #tpu.memory_space<vmem>>, vector<16xf32>,
        %add3A_1631 = arith.constant 8 : i32
        %add3A_1632 = arith.addi %add3A_1631, %add3A_246 : i32
        %swap3A_1633 = arith.index_cast %add3A_1632 : i32 to index
        %swap3A_1634 = arith.constant 544 : index
        %swap3A_1635 = tpu.vector_load %arg11[%swap3A_1633, %swap3A_1634] {strides = array<i32>} : memref<16x1024xf32, #tpu.memory_space<vmem>>, vector<16xf32>,
        tpu.vector_store %arg11[%swap3A_1633, %swap3A_1634], %gather3A_1580 {strides = array<i32>} : memref<16x1024xf32, #tpu.memory_space<vmem>>, vector<16xf32>,
        %add3A_1636 = arith.constant 8 : i32
        %add3A_1637 = arith.addi %add3A_1636, %add3A_246 : i32
        %swap3A_1638 = arith.index_cast %add3A_1637 : i32 to index
        %swap3A_1639 = arith.constant 560 : index
        %swap3A_1640 = tpu.vector_load %arg11[%swap3A_1638, %swap3A_1639] {strides = array<i32>} : memref<16x1024xf32, #tpu.memory_space<vmem>>, vector<16xf32>,
        tpu.vector_store %arg11[%swap3A_1638, %swap3A_1639], %gather3A_1588 {strides = array<i32>} : memref<16x1024xf32, #tpu.memory_space<vmem>>, vector<16xf32>,
        %add3A_1641 = arith.constant 8 : i32
        %add3A_1642 = arith.addi %add3A_1641, %add3A_246 : i32
        %swap3A_1643 = arith.index_cast %add3A_1642 : i32 to index
        %swap3A_1644 = arith.constant 576 : index
        %swap3A_1645 = tpu.vector_load %arg11[%swap3A_1643, %swap3A_1644] {strides = array<i32>} : memref<16x1024xf32, #tpu.memory_space<vmem>>, vector<16xf32>,
        tpu.vector_store %arg11[%swap3A_1643, %swap3A_1644], %gather3A_1596 {strides = array<i32>} : memref<16x1024xf32, #tpu.memory_space<vmem>>, vector<16xf32>,
        %add3A_1646 = arith.constant 8 : i32
        %add3A_1647 = arith.addi %add3A_1646, %add3A_246 : i32
        %swap3A_1648 = arith.index_cast %add3A_1647 : i32 to index
        %swap3A_1649 = arith.constant 592 : index
        %swap3A_1650 = tpu.vector_load %arg11[%swap3A_1648, %swap3A_1649] {strides = array<i32>} : memref<16x1024xf32, #tpu.memory_space<vmem>>, vector<16xf32>,
        tpu.vector_store %arg11[%swap3A_1648, %swap3A_1649], %gather3A_1604 {strides = array<i32>} : memref<16x1024xf32, #tpu.memory_space<vmem>>, vector<16xf32>,
        %add3A_1651 = arith.constant 8 : i32
        %add3A_1652 = arith.addi %add3A_1651, %add3A_246 : i32
        %swap3A_1653 = arith.index_cast %add3A_1652 : i32 to index
        %swap3A_1654 = arith.constant 608 : index
        %swap3A_1655 = tpu.vector_load %arg11[%swap3A_1653, %swap3A_1654] {strides = array<i32>} : memref<16x1024xf32, #tpu.memory_space<vmem>>, vector<16xf32>,
        tpu.vector_store %arg11[%swap3A_1653, %swap3A_1654], %gather3A_1612 {strides = array<i32>} : memref<16x1024xf32, #tpu.memory_space<vmem>>, vector<16xf32>,
        %add3A_1656 = arith.constant 8 : i32
        %add3A_1657 = arith.addi %add3A_1656, %add3A_246 : i32
        %swap3A_1658 = arith.index_cast %add3A_1657 : i32 to index
        %swap3A_1659 = arith.constant 624 : index
        %swap3A_1660 = tpu.vector_load %arg11[%swap3A_1658, %swap3A_1659] {strides = array<i32>} : memref<16x1024xf32, #tpu.memory_space<vmem>>, vector<16xf32>,
        tpu.vector_store %arg11[%swap3A_1658, %swap3A_1659], %gather3A_1620 {strides = array<i32>} : memref<16x1024xf32, #tpu.memory_space<vmem>>, vector<16xf32>,
        %mul3A_1661 = arith.constant 8 : i32
        %mul3A_1662 = arith.muli %add3A_246, %mul3A_1661 : i32
        %add3A_1663 = arith.constant 5 : i32
        %add3A_1664 = arith.addi %mul3A_1662, %add3A_1663 : i32
        %broadcast_in_dim3A_1665 = vector.broadcast %add3A_1664 : i32 to vector<16xi32>
        %mul3A_1666 = arith.constant 65 : i32
        %mul3A_1667 = vector.broadcast %mul3A_1666 : i32 to vector<16xi32>
        %mul3A_1668 = arith.muli %add3A_5, %mul3A_1667 : vector<16xi32>
        %add3A_1669 = arith.constant 8320 : i32
        %add3A_1670 = vector.broadcast %add3A_1669 : i32 to vector<16xi32>
        %add3A_1671 = arith.addi %broadcast_in_dim3A_1665, %add3A_1670 : vector<16xi32>
        %add3A_1672 = arith.addi %mul3A_1668, %add3A_1671 : vector<16xi32>
        %gather3A_1673 = tpu.vector_load_idx %arg9[%add3A_1672] : memref<16640xf32, #tpu.memory_space<vmem>>[vector<16xi32>], vector<16xf32>,
        %mul3A_1674 = arith.constant 65 : i32
        %mul3A_1675 = vector.broadcast %mul3A_1674 : i32 to vector<16xi32>
        %mul3A_1676 = arith.muli %add3A_9, %mul3A_1675 : vector<16xi32>
        %add3A_1677 = arith.constant 8320 : i32
        %add3A_1678 = vector.broadcast %add3A_1677 : i32 to vector<16xi32>
        %add3A_1679 = arith.addi %broadcast_in_dim3A_1665, %add3A_1678 : vector<16xi32>
        %add3A_1680 = arith.addi %mul3A_1676, %add3A_1679 : vector<16xi32>
        %gather3A_1681 = tpu.vector_load_idx %arg9[%add3A_1680] : memref<16640xf32, #tpu.memory_space<vmem>>[vector<16xi32>], vector<16xf32>,
        %mul3A_1682 = arith.constant 65 : i32
        %mul3A_1683 = vector.broadcast %mul3A_1682 : i32 to vector<16xi32>
        %mul3A_1684 = arith.muli %add3A_13, %mul3A_1683 : vector<16xi32>
        %add3A_1685 = arith.constant 8320 : i32
        %add3A_1686 = vector.broadcast %add3A_1685 : i32 to vector<16xi32>
        %add3A_1687 = arith.addi %broadcast_in_dim3A_1665, %add3A_1686 : vector<16xi32>
        %add3A_1688 = arith.addi %mul3A_1684, %add3A_1687 : vector<16xi32>
        %gather3A_1689 = tpu.vector_load_idx %arg9[%add3A_1688] : memref<16640xf32, #tpu.memory_space<vmem>>[vector<16xi32>], vector<16xf32>,
        %mul3A_1690 = arith.constant 65 : i32
        %mul3A_1691 = vector.broadcast %mul3A_1690 : i32 to vector<16xi32>
        %mul3A_1692 = arith.muli %add3A_17, %mul3A_1691 : vector<16xi32>
        %add3A_1693 = arith.constant 8320 : i32
        %add3A_1694 = vector.broadcast %add3A_1693 : i32 to vector<16xi32>
        %add3A_1695 = arith.addi %broadcast_in_dim3A_1665, %add3A_1694 : vector<16xi32>
        %add3A_1696 = arith.addi %mul3A_1692, %add3A_1695 : vector<16xi32>
        %gather3A_1697 = tpu.vector_load_idx %arg9[%add3A_1696] : memref<16640xf32, #tpu.memory_space<vmem>>[vector<16xi32>], vector<16xf32>,
        %mul3A_1698 = arith.constant 65 : i32
        %mul3A_1699 = vector.broadcast %mul3A_1698 : i32 to vector<16xi32>
        %mul3A_1700 = arith.muli %add3A_21, %mul3A_1699 : vector<16xi32>
        %add3A_1701 = arith.constant 8320 : i32
        %add3A_1702 = vector.broadcast %add3A_1701 : i32 to vector<16xi32>
        %add3A_1703 = arith.addi %broadcast_in_dim3A_1665, %add3A_1702 : vector<16xi32>
        %add3A_1704 = arith.addi %mul3A_1700, %add3A_1703 : vector<16xi32>
        %gather3A_1705 = tpu.vector_load_idx %arg9[%add3A_1704] : memref<16640xf32, #tpu.memory_space<vmem>>[vector<16xi32>], vector<16xf32>,
        %mul3A_1706 = arith.constant 65 : i32
        %mul3A_1707 = vector.broadcast %mul3A_1706 : i32 to vector<16xi32>
        %mul3A_1708 = arith.muli %add3A_25, %mul3A_1707 : vector<16xi32>
        %add3A_1709 = arith.constant 8320 : i32
        %add3A_1710 = vector.broadcast %add3A_1709 : i32 to vector<16xi32>
        %add3A_1711 = arith.addi %broadcast_in_dim3A_1665, %add3A_1710 : vector<16xi32>
        %add3A_1712 = arith.addi %mul3A_1708, %add3A_1711 : vector<16xi32>
        %gather3A_1713 = tpu.vector_load_idx %arg9[%add3A_1712] : memref<16640xf32, #tpu.memory_space<vmem>>[vector<16xi32>], vector<16xf32>,
        %mul3A_1714 = arith.constant 65 : i32
        %mul3A_1715 = vector.broadcast %mul3A_1714 : i32 to vector<16xi32>
        %mul3A_1716 = arith.muli %add3A_29, %mul3A_1715 : vector<16xi32>
        %add3A_1717 = arith.constant 8320 : i32
        %add3A_1718 = vector.broadcast %add3A_1717 : i32 to vector<16xi32>
        %add3A_1719 = arith.addi %broadcast_in_dim3A_1665, %add3A_1718 : vector<16xi32>
        %add3A_1720 = arith.addi %mul3A_1716, %add3A_1719 : vector<16xi32>
        %gather3A_1721 = tpu.vector_load_idx %arg9[%add3A_1720] : memref<16640xf32, #tpu.memory_space<vmem>>[vector<16xi32>], vector<16xf32>,
        %mul3A_1722 = arith.constant 65 : i32
        %mul3A_1723 = vector.broadcast %mul3A_1722 : i32 to vector<16xi32>
        %mul3A_1724 = arith.muli %add3A_33, %mul3A_1723 : vector<16xi32>
        %add3A_1725 = arith.constant 8320 : i32
        %add3A_1726 = vector.broadcast %add3A_1725 : i32 to vector<16xi32>
        %add3A_1727 = arith.addi %broadcast_in_dim3A_1665, %add3A_1726 : vector<16xi32>
        %add3A_1728 = arith.addi %mul3A_1724, %add3A_1727 : vector<16xi32>
        %gather3A_1729 = tpu.vector_load_idx %arg9[%add3A_1728] : memref<16640xf32, #tpu.memory_space<vmem>>[vector<16xi32>], vector<16xf32>,
        %add3A_1730 = arith.constant 8 : i32
        %add3A_1731 = arith.addi %add3A_1730, %add3A_246 : i32
        %swap3A_1732 = arith.index_cast %add3A_1731 : i32 to index
        %swap3A_1733 = arith.constant 640 : index
        %swap3A_1734 = tpu.vector_load %arg11[%swap3A_1732, %swap3A_1733] {strides = array<i32>} : memref<16x1024xf32, #tpu.memory_space<vmem>>, vector<16xf32>,
        tpu.vector_store %arg11[%swap3A_1732, %swap3A_1733], %gather3A_1673 {strides = array<i32>} : memref<16x1024xf32, #tpu.memory_space<vmem>>, vector<16xf32>,
        %add3A_1735 = arith.constant 8 : i32
        %add3A_1736 = arith.addi %add3A_1735, %add3A_246 : i32
        %swap3A_1737 = arith.index_cast %add3A_1736 : i32 to index
        %swap3A_1738 = arith.constant 656 : index
        %swap3A_1739 = tpu.vector_load %arg11[%swap3A_1737, %swap3A_1738] {strides = array<i32>} : memref<16x1024xf32, #tpu.memory_space<vmem>>, vector<16xf32>,
        tpu.vector_store %arg11[%swap3A_1737, %swap3A_1738], %gather3A_1681 {strides = array<i32>} : memref<16x1024xf32, #tpu.memory_space<vmem>>, vector<16xf32>,
        %add3A_1740 = arith.constant 8 : i32
        %add3A_1741 = arith.addi %add3A_1740, %add3A_246 : i32
        %swap3A_1742 = arith.index_cast %add3A_1741 : i32 to index
        %swap3A_1743 = arith.constant 672 : index
        %swap3A_1744 = tpu.vector_load %arg11[%swap3A_1742, %swap3A_1743] {strides = array<i32>} : memref<16x1024xf32, #tpu.memory_space<vmem>>, vector<16xf32>,
        tpu.vector_store %arg11[%swap3A_1742, %swap3A_1743], %gather3A_1689 {strides = array<i32>} : memref<16x1024xf32, #tpu.memory_space<vmem>>, vector<16xf32>,
        %add3A_1745 = arith.constant 8 : i32
        %add3A_1746 = arith.addi %add3A_1745, %add3A_246 : i32
        %swap3A_1747 = arith.index_cast %add3A_1746 : i32 to index
        %swap3A_1748 = arith.constant 688 : index
        %swap3A_1749 = tpu.vector_load %arg11[%swap3A_1747, %swap3A_1748] {strides = array<i32>} : memref<16x1024xf32, #tpu.memory_space<vmem>>, vector<16xf32>,
        tpu.vector_store %arg11[%swap3A_1747, %swap3A_1748], %gather3A_1697 {strides = array<i32>} : memref<16x1024xf32, #tpu.memory_space<vmem>>, vector<16xf32>,
        %add3A_1750 = arith.constant 8 : i32
        %add3A_1751 = arith.addi %add3A_1750, %add3A_246 : i32
        %swap3A_1752 = arith.index_cast %add3A_1751 : i32 to index
        %swap3A_1753 = arith.constant 704 : index
        %swap3A_1754 = tpu.vector_load %arg11[%swap3A_1752, %swap3A_1753] {strides = array<i32>} : memref<16x1024xf32, #tpu.memory_space<vmem>>, vector<16xf32>,
        tpu.vector_store %arg11[%swap3A_1752, %swap3A_1753], %gather3A_1705 {strides = array<i32>} : memref<16x1024xf32, #tpu.memory_space<vmem>>, vector<16xf32>,
        %add3A_1755 = arith.constant 8 : i32
        %add3A_1756 = arith.addi %add3A_1755, %add3A_246 : i32
        %swap3A_1757 = arith.index_cast %add3A_1756 : i32 to index
        %swap3A_1758 = arith.constant 720 : index
        %swap3A_1759 = tpu.vector_load %arg11[%swap3A_1757, %swap3A_1758] {strides = array<i32>} : memref<16x1024xf32, #tpu.memory_space<vmem>>, vector<16xf32>,
        tpu.vector_store %arg11[%swap3A_1757, %swap3A_1758], %gather3A_1713 {strides = array<i32>} : memref<16x1024xf32, #tpu.memory_space<vmem>>, vector<16xf32>,
        %add3A_1760 = arith.constant 8 : i32
        %add3A_1761 = arith.addi %add3A_1760, %add3A_246 : i32
        %swap3A_1762 = arith.index_cast %add3A_1761 : i32 to index
        %swap3A_1763 = arith.constant 736 : index
        %swap3A_1764 = tpu.vector_load %arg11[%swap3A_1762, %swap3A_1763] {strides = array<i32>} : memref<16x1024xf32, #tpu.memory_space<vmem>>, vector<16xf32>,
        tpu.vector_store %arg11[%swap3A_1762, %swap3A_1763], %gather3A_1721 {strides = array<i32>} : memref<16x1024xf32, #tpu.memory_space<vmem>>, vector<16xf32>,
        %add3A_1765 = arith.constant 8 : i32
        %add3A_1766 = arith.addi %add3A_1765, %add3A_246 : i32
        %swap3A_1767 = arith.index_cast %add3A_1766 : i32 to index
        %swap3A_1768 = arith.constant 752 : index
        %swap3A_1769 = tpu.vector_load %arg11[%swap3A_1767, %swap3A_1768] {strides = array<i32>} : memref<16x1024xf32, #tpu.memory_space<vmem>>, vector<16xf32>,
        tpu.vector_store %arg11[%swap3A_1767, %swap3A_1768], %gather3A_1729 {strides = array<i32>} : memref<16x1024xf32, #tpu.memory_space<vmem>>, vector<16xf32>,
        %mul3A_1770 = arith.constant 8 : i32
        %mul3A_1771 = arith.muli %add3A_246, %mul3A_1770 : i32
        %add3A_1772 = arith.constant 6 : i32
        %add3A_1773 = arith.addi %mul3A_1771, %add3A_1772 : i32
        %broadcast_in_dim3A_1774 = vector.broadcast %add3A_1773 : i32 to vector<16xi32>
        %mul3A_1775 = arith.constant 65 : i32
        %mul3A_1776 = vector.broadcast %mul3A_1775 : i32 to vector<16xi32>
        %mul3A_1777 = arith.muli %add3A_5, %mul3A_1776 : vector<16xi32>
        %add3A_1778 = arith.constant 8320 : i32
        %add3A_1779 = vector.broadcast %add3A_1778 : i32 to vector<16xi32>
        %add3A_1780 = arith.addi %broadcast_in_dim3A_1774, %add3A_1779 : vector<16xi32>
        %add3A_1781 = arith.addi %mul3A_1777, %add3A_1780 : vector<16xi32>
        %gather3A_1782 = tpu.vector_load_idx %arg9[%add3A_1781] : memref<16640xf32, #tpu.memory_space<vmem>>[vector<16xi32>], vector<16xf32>,
        %mul3A_1783 = arith.constant 65 : i32
        %mul3A_1784 = vector.broadcast %mul3A_1783 : i32 to vector<16xi32>
        %mul3A_1785 = arith.muli %add3A_9, %mul3A_1784 : vector<16xi32>
        %add3A_1786 = arith.constant 8320 : i32
        %add3A_1787 = vector.broadcast %add3A_1786 : i32 to vector<16xi32>
        %add3A_1788 = arith.addi %broadcast_in_dim3A_1774, %add3A_1787 : vector<16xi32>
        %add3A_1789 = arith.addi %mul3A_1785, %add3A_1788 : vector<16xi32>
        %gather3A_1790 = tpu.vector_load_idx %arg9[%add3A_1789] : memref<16640xf32, #tpu.memory_space<vmem>>[vector<16xi32>], vector<16xf32>,
        %mul3A_1791 = arith.constant 65 : i32
        %mul3A_1792 = vector.broadcast %mul3A_1791 : i32 to vector<16xi32>
        %mul3A_1793 = arith.muli %add3A_13, %mul3A_1792 : vector<16xi32>
        %add3A_1794 = arith.constant 8320 : i32
        %add3A_1795 = vector.broadcast %add3A_1794 : i32 to vector<16xi32>
        %add3A_1796 = arith.addi %broadcast_in_dim3A_1774, %add3A_1795 : vector<16xi32>
        %add3A_1797 = arith.addi %mul3A_1793, %add3A_1796 : vector<16xi32>
        %gather3A_1798 = tpu.vector_load_idx %arg9[%add3A_1797] : memref<16640xf32, #tpu.memory_space<vmem>>[vector<16xi32>], vector<16xf32>,
        %mul3A_1799 = arith.constant 65 : i32
        %mul3A_1800 = vector.broadcast %mul3A_1799 : i32 to vector<16xi32>
        %mul3A_1801 = arith.muli %add3A_17, %mul3A_1800 : vector<16xi32>
        %add3A_1802 = arith.constant 8320 : i32
        %add3A_1803 = vector.broadcast %add3A_1802 : i32 to vector<16xi32>
        %add3A_1804 = arith.addi %broadcast_in_dim3A_1774, %add3A_1803 : vector<16xi32>
        %add3A_1805 = arith.addi %mul3A_1801, %add3A_1804 : vector<16xi32>
        %gather3A_1806 = tpu.vector_load_idx %arg9[%add3A_1805] : memref<16640xf32, #tpu.memory_space<vmem>>[vector<16xi32>], vector<16xf32>,
        %mul3A_1807 = arith.constant 65 : i32
        %mul3A_1808 = vector.broadcast %mul3A_1807 : i32 to vector<16xi32>
        %mul3A_1809 = arith.muli %add3A_21, %mul3A_1808 : vector<16xi32>
        %add3A_1810 = arith.constant 8320 : i32
        %add3A_1811 = vector.broadcast %add3A_1810 : i32 to vector<16xi32>
        %add3A_1812 = arith.addi %broadcast_in_dim3A_1774, %add3A_1811 : vector<16xi32>
        %add3A_1813 = arith.addi %mul3A_1809, %add3A_1812 : vector<16xi32>
        %gather3A_1814 = tpu.vector_load_idx %arg9[%add3A_1813] : memref<16640xf32, #tpu.memory_space<vmem>>[vector<16xi32>], vector<16xf32>,
        %mul3A_1815 = arith.constant 65 : i32
        %mul3A_1816 = vector.broadcast %mul3A_1815 : i32 to vector<16xi32>
        %mul3A_1817 = arith.muli %add3A_25, %mul3A_1816 : vector<16xi32>
        %add3A_1818 = arith.constant 8320 : i32
        %add3A_1819 = vector.broadcast %add3A_1818 : i32 to vector<16xi32>
        %add3A_1820 = arith.addi %broadcast_in_dim3A_1774, %add3A_1819 : vector<16xi32>
        %add3A_1821 = arith.addi %mul3A_1817, %add3A_1820 : vector<16xi32>
        %gather3A_1822 = tpu.vector_load_idx %arg9[%add3A_1821] : memref<16640xf32, #tpu.memory_space<vmem>>[vector<16xi32>], vector<16xf32>,
        %mul3A_1823 = arith.constant 65 : i32
        %mul3A_1824 = vector.broadcast %mul3A_1823 : i32 to vector<16xi32>
        %mul3A_1825 = arith.muli %add3A_29, %mul3A_1824 : vector<16xi32>
        %add3A_1826 = arith.constant 8320 : i32
        %add3A_1827 = vector.broadcast %add3A_1826 : i32 to vector<16xi32>
        %add3A_1828 = arith.addi %broadcast_in_dim3A_1774, %add3A_1827 : vector<16xi32>
        %add3A_1829 = arith.addi %mul3A_1825, %add3A_1828 : vector<16xi32>
        %gather3A_1830 = tpu.vector_load_idx %arg9[%add3A_1829] : memref<16640xf32, #tpu.memory_space<vmem>>[vector<16xi32>], vector<16xf32>,
        %mul3A_1831 = arith.constant 65 : i32
        %mul3A_1832 = vector.broadcast %mul3A_1831 : i32 to vector<16xi32>
        %mul3A_1833 = arith.muli %add3A_33, %mul3A_1832 : vector<16xi32>
        %add3A_1834 = arith.constant 8320 : i32
        %add3A_1835 = vector.broadcast %add3A_1834 : i32 to vector<16xi32>
        %add3A_1836 = arith.addi %broadcast_in_dim3A_1774, %add3A_1835 : vector<16xi32>
        %add3A_1837 = arith.addi %mul3A_1833, %add3A_1836 : vector<16xi32>
        %gather3A_1838 = tpu.vector_load_idx %arg9[%add3A_1837] : memref<16640xf32, #tpu.memory_space<vmem>>[vector<16xi32>], vector<16xf32>,
        %add3A_1839 = arith.constant 8 : i32
        %add3A_1840 = arith.addi %add3A_1839, %add3A_246 : i32
        %swap3A_1841 = arith.index_cast %add3A_1840 : i32 to index
        %swap3A_1842 = arith.constant 768 : index
        %swap3A_1843 = tpu.vector_load %arg11[%swap3A_1841, %swap3A_1842] {strides = array<i32>} : memref<16x1024xf32, #tpu.memory_space<vmem>>, vector<16xf32>,
        tpu.vector_store %arg11[%swap3A_1841, %swap3A_1842], %gather3A_1782 {strides = array<i32>} : memref<16x1024xf32, #tpu.memory_space<vmem>>, vector<16xf32>,
        %add3A_1844 = arith.constant 8 : i32
        %add3A_1845 = arith.addi %add3A_1844, %add3A_246 : i32
        %swap3A_1846 = arith.index_cast %add3A_1845 : i32 to index
        %swap3A_1847 = arith.constant 784 : index
        %swap3A_1848 = tpu.vector_load %arg11[%swap3A_1846, %swap3A_1847] {strides = array<i32>} : memref<16x1024xf32, #tpu.memory_space<vmem>>, vector<16xf32>,
        tpu.vector_store %arg11[%swap3A_1846, %swap3A_1847], %gather3A_1790 {strides = array<i32>} : memref<16x1024xf32, #tpu.memory_space<vmem>>, vector<16xf32>,
        %add3A_1849 = arith.constant 8 : i32
        %add3A_1850 = arith.addi %add3A_1849, %add3A_246 : i32
        %swap3A_1851 = arith.index_cast %add3A_1850 : i32 to index
        %swap3A_1852 = arith.constant 800 : index
        %swap3A_1853 = tpu.vector_load %arg11[%swap3A_1851, %swap3A_1852] {strides = array<i32>} : memref<16x1024xf32, #tpu.memory_space<vmem>>, vector<16xf32>,
        tpu.vector_store %arg11[%swap3A_1851, %swap3A_1852], %gather3A_1798 {strides = array<i32>} : memref<16x1024xf32, #tpu.memory_space<vmem>>, vector<16xf32>,
        %add3A_1854 = arith.constant 8 : i32
        %add3A_1855 = arith.addi %add3A_1854, %add3A_246 : i32
        %swap3A_1856 = arith.index_cast %add3A_1855 : i32 to index
        %swap3A_1857 = arith.constant 816 : index
        %swap3A_1858 = tpu.vector_load %arg11[%swap3A_1856, %swap3A_1857] {strides = array<i32>} : memref<16x1024xf32, #tpu.memory_space<vmem>>, vector<16xf32>,
        tpu.vector_store %arg11[%swap3A_1856, %swap3A_1857], %gather3A_1806 {strides = array<i32>} : memref<16x1024xf32, #tpu.memory_space<vmem>>, vector<16xf32>,
        %add3A_1859 = arith.constant 8 : i32
        %add3A_1860 = arith.addi %add3A_1859, %add3A_246 : i32
        %swap3A_1861 = arith.index_cast %add3A_1860 : i32 to index
        %swap3A_1862 = arith.constant 832 : index
        %swap3A_1863 = tpu.vector_load %arg11[%swap3A_1861, %swap3A_1862] {strides = array<i32>} : memref<16x1024xf32, #tpu.memory_space<vmem>>, vector<16xf32>,
        tpu.vector_store %arg11[%swap3A_1861, %swap3A_1862], %gather3A_1814 {strides = array<i32>} : memref<16x1024xf32, #tpu.memory_space<vmem>>, vector<16xf32>,
        %add3A_1864 = arith.constant 8 : i32
        %add3A_1865 = arith.addi %add3A_1864, %add3A_246 : i32
        %swap3A_1866 = arith.index_cast %add3A_1865 : i32 to index
        %swap3A_1867 = arith.constant 848 : index
        %swap3A_1868 = tpu.vector_load %arg11[%swap3A_1866, %swap3A_1867] {strides = array<i32>} : memref<16x1024xf32, #tpu.memory_space<vmem>>, vector<16xf32>,
        tpu.vector_store %arg11[%swap3A_1866, %swap3A_1867], %gather3A_1822 {strides = array<i32>} : memref<16x1024xf32, #tpu.memory_space<vmem>>, vector<16xf32>,
        %add3A_1869 = arith.constant 8 : i32
        %add3A_1870 = arith.addi %add3A_1869, %add3A_246 : i32
        %swap3A_1871 = arith.index_cast %add3A_1870 : i32 to index
        %swap3A_1872 = arith.constant 864 : index
        %swap3A_1873 = tpu.vector_load %arg11[%swap3A_1871, %swap3A_1872] {strides = array<i32>} : memref<16x1024xf32, #tpu.memory_space<vmem>>, vector<16xf32>,
        tpu.vector_store %arg11[%swap3A_1871, %swap3A_1872], %gather3A_1830 {strides = array<i32>} : memref<16x1024xf32, #tpu.memory_space<vmem>>, vector<16xf32>,
        %add3A_1874 = arith.constant 8 : i32
        %add3A_1875 = arith.addi %add3A_1874, %add3A_246 : i32
        %swap3A_1876 = arith.index_cast %add3A_1875 : i32 to index
        %swap3A_1877 = arith.constant 880 : index
        %swap3A_1878 = tpu.vector_load %arg11[%swap3A_1876, %swap3A_1877] {strides = array<i32>} : memref<16x1024xf32, #tpu.memory_space<vmem>>, vector<16xf32>,
        tpu.vector_store %arg11[%swap3A_1876, %swap3A_1877], %gather3A_1838 {strides = array<i32>} : memref<16x1024xf32, #tpu.memory_space<vmem>>, vector<16xf32>,
        %mul3A_1879 = arith.constant 8 : i32
        %mul3A_1880 = arith.muli %add3A_246, %mul3A_1879 : i32
        %add3A_1881 = arith.constant 7 : i32
        %add3A_1882 = arith.addi %mul3A_1880, %add3A_1881 : i32
        %broadcast_in_dim3A_1883 = vector.broadcast %add3A_1882 : i32 to vector<16xi32>
        %mul3A_1884 = arith.constant 65 : i32
        %mul3A_1885 = vector.broadcast %mul3A_1884 : i32 to vector<16xi32>
        %mul3A_1886 = arith.muli %add3A_5, %mul3A_1885 : vector<16xi32>
        %add3A_1887 = arith.constant 8320 : i32
        %add3A_1888 = vector.broadcast %add3A_1887 : i32 to vector<16xi32>
        %add3A_1889 = arith.addi %broadcast_in_dim3A_1883, %add3A_1888 : vector<16xi32>
        %add3A_1890 = arith.addi %mul3A_1886, %add3A_1889 : vector<16xi32>
        %gather3A_1891 = tpu.vector_load_idx %arg9[%add3A_1890] : memref<16640xf32, #tpu.memory_space<vmem>>[vector<16xi32>], vector<16xf32>,
        %mul3A_1892 = arith.constant 65 : i32
        %mul3A_1893 = vector.broadcast %mul3A_1892 : i32 to vector<16xi32>
        %mul3A_1894 = arith.muli %add3A_9, %mul3A_1893 : vector<16xi32>
        %add3A_1895 = arith.constant 8320 : i32
        %add3A_1896 = vector.broadcast %add3A_1895 : i32 to vector<16xi32>
        %add3A_1897 = arith.addi %broadcast_in_dim3A_1883, %add3A_1896 : vector<16xi32>
        %add3A_1898 = arith.addi %mul3A_1894, %add3A_1897 : vector<16xi32>
        %gather3A_1899 = tpu.vector_load_idx %arg9[%add3A_1898] : memref<16640xf32, #tpu.memory_space<vmem>>[vector<16xi32>], vector<16xf32>,
        %mul3A_1900 = arith.constant 65 : i32
        %mul3A_1901 = vector.broadcast %mul3A_1900 : i32 to vector<16xi32>
        %mul3A_1902 = arith.muli %add3A_13, %mul3A_1901 : vector<16xi32>
        %add3A_1903 = arith.constant 8320 : i32
        %add3A_1904 = vector.broadcast %add3A_1903 : i32 to vector<16xi32>
        %add3A_1905 = arith.addi %broadcast_in_dim3A_1883, %add3A_1904 : vector<16xi32>
        %add3A_1906 = arith.addi %mul3A_1902, %add3A_1905 : vector<16xi32>
        %gather3A_1907 = tpu.vector_load_idx %arg9[%add3A_1906] : memref<16640xf32, #tpu.memory_space<vmem>>[vector<16xi32>], vector<16xf32>,
        %mul3A_1908 = arith.constant 65 : i32
        %mul3A_1909 = vector.broadcast %mul3A_1908 : i32 to vector<16xi32>
        %mul3A_1910 = arith.muli %add3A_17, %mul3A_1909 : vector<16xi32>
        %add3A_1911 = arith.constant 8320 : i32
        %add3A_1912 = vector.broadcast %add3A_1911 : i32 to vector<16xi32>
        %add3A_1913 = arith.addi %broadcast_in_dim3A_1883, %add3A_1912 : vector<16xi32>
        %add3A_1914 = arith.addi %mul3A_1910, %add3A_1913 : vector<16xi32>
        %gather3A_1915 = tpu.vector_load_idx %arg9[%add3A_1914] : memref<16640xf32, #tpu.memory_space<vmem>>[vector<16xi32>], vector<16xf32>,
        %mul3A_1916 = arith.constant 65 : i32
        %mul3A_1917 = vector.broadcast %mul3A_1916 : i32 to vector<16xi32>
        %mul3A_1918 = arith.muli %add3A_21, %mul3A_1917 : vector<16xi32>
        %add3A_1919 = arith.constant 8320 : i32
        %add3A_1920 = vector.broadcast %add3A_1919 : i32 to vector<16xi32>
        %add3A_1921 = arith.addi %broadcast_in_dim3A_1883, %add3A_1920 : vector<16xi32>
        %add3A_1922 = arith.addi %mul3A_1918, %add3A_1921 : vector<16xi32>
        %gather3A_1923 = tpu.vector_load_idx %arg9[%add3A_1922] : memref<16640xf32, #tpu.memory_space<vmem>>[vector<16xi32>], vector<16xf32>,
        %mul3A_1924 = arith.constant 65 : i32
        %mul3A_1925 = vector.broadcast %mul3A_1924 : i32 to vector<16xi32>
        %mul3A_1926 = arith.muli %add3A_25, %mul3A_1925 : vector<16xi32>
        %add3A_1927 = arith.constant 8320 : i32
        %add3A_1928 = vector.broadcast %add3A_1927 : i32 to vector<16xi32>
        %add3A_1929 = arith.addi %broadcast_in_dim3A_1883, %add3A_1928 : vector<16xi32>
        %add3A_1930 = arith.addi %mul3A_1926, %add3A_1929 : vector<16xi32>
        %gather3A_1931 = tpu.vector_load_idx %arg9[%add3A_1930] : memref<16640xf32, #tpu.memory_space<vmem>>[vector<16xi32>], vector<16xf32>,
        %mul3A_1932 = arith.constant 65 : i32
        %mul3A_1933 = vector.broadcast %mul3A_1932 : i32 to vector<16xi32>
        %mul3A_1934 = arith.muli %add3A_29, %mul3A_1933 : vector<16xi32>
        %add3A_1935 = arith.constant 8320 : i32
        %add3A_1936 = vector.broadcast %add3A_1935 : i32 to vector<16xi32>
        %add3A_1937 = arith.addi %broadcast_in_dim3A_1883, %add3A_1936 : vector<16xi32>
        %add3A_1938 = arith.addi %mul3A_1934, %add3A_1937 : vector<16xi32>
        %gather3A_1939 = tpu.vector_load_idx %arg9[%add3A_1938] : memref<16640xf32, #tpu.memory_space<vmem>>[vector<16xi32>], vector<16xf32>,
        %mul3A_1940 = arith.constant 65 : i32
        %mul3A_1941 = vector.broadcast %mul3A_1940 : i32 to vector<16xi32>
        %mul3A_1942 = arith.muli %add3A_33, %mul3A_1941 : vector<16xi32>
        %add3A_1943 = arith.constant 8320 : i32
        %add3A_1944 = vector.broadcast %add3A_1943 : i32 to vector<16xi32>
        %add3A_1945 = arith.addi %broadcast_in_dim3A_1883, %add3A_1944 : vector<16xi32>
        %add3A_1946 = arith.addi %mul3A_1942, %add3A_1945 : vector<16xi32>
        %gather3A_1947 = tpu.vector_load_idx %arg9[%add3A_1946] : memref<16640xf32, #tpu.memory_space<vmem>>[vector<16xi32>], vector<16xf32>,
        %add3A_1948 = arith.constant 8 : i32
        %add3A_1949 = arith.addi %add3A_1948, %add3A_246 : i32
        %swap3A_1950 = arith.index_cast %add3A_1949 : i32 to index
        %swap3A_1951 = arith.constant 896 : index
        %swap3A_1952 = tpu.vector_load %arg11[%swap3A_1950, %swap3A_1951] {strides = array<i32>} : memref<16x1024xf32, #tpu.memory_space<vmem>>, vector<16xf32>,
        tpu.vector_store %arg11[%swap3A_1950, %swap3A_1951], %gather3A_1891 {strides = array<i32>} : memref<16x1024xf32, #tpu.memory_space<vmem>>, vector<16xf32>,
        %add3A_1953 = arith.constant 8 : i32
        %add3A_1954 = arith.addi %add3A_1953, %add3A_246 : i32
        %swap3A_1955 = arith.index_cast %add3A_1954 : i32 to index
        %swap3A_1956 = arith.constant 912 : index
        %swap3A_1957 = tpu.vector_load %arg11[%swap3A_1955, %swap3A_1956] {strides = array<i32>} : memref<16x1024xf32, #tpu.memory_space<vmem>>, vector<16xf32>,
        tpu.vector_store %arg11[%swap3A_1955, %swap3A_1956], %gather3A_1899 {strides = array<i32>} : memref<16x1024xf32, #tpu.memory_space<vmem>>, vector<16xf32>,
        %add3A_1958 = arith.constant 8 : i32
        %add3A_1959 = arith.addi %add3A_1958, %add3A_246 : i32
        %swap3A_1960 = arith.index_cast %add3A_1959 : i32 to index
        %swap3A_1961 = arith.constant 928 : index
        %swap3A_1962 = tpu.vector_load %arg11[%swap3A_1960, %swap3A_1961] {strides = array<i32>} : memref<16x1024xf32, #tpu.memory_space<vmem>>, vector<16xf32>,
        tpu.vector_store %arg11[%swap3A_1960, %swap3A_1961], %gather3A_1907 {strides = array<i32>} : memref<16x1024xf32, #tpu.memory_space<vmem>>, vector<16xf32>,
        %add3A_1963 = arith.constant 8 : i32
        %add3A_1964 = arith.addi %add3A_1963, %add3A_246 : i32
        %swap3A_1965 = arith.index_cast %add3A_1964 : i32 to index
        %swap3A_1966 = arith.constant 944 : index
        %swap3A_1967 = tpu.vector_load %arg11[%swap3A_1965, %swap3A_1966] {strides = array<i32>} : memref<16x1024xf32, #tpu.memory_space<vmem>>, vector<16xf32>,
        tpu.vector_store %arg11[%swap3A_1965, %swap3A_1966], %gather3A_1915 {strides = array<i32>} : memref<16x1024xf32, #tpu.memory_space<vmem>>, vector<16xf32>,
        %add3A_1968 = arith.constant 8 : i32
        %add3A_1969 = arith.addi %add3A_1968, %add3A_246 : i32
        %swap3A_1970 = arith.index_cast %add3A_1969 : i32 to index
        %swap3A_1971 = arith.constant 960 : index
        %swap3A_1972 = tpu.vector_load %arg11[%swap3A_1970, %swap3A_1971] {strides = array<i32>} : memref<16x1024xf32, #tpu.memory_space<vmem>>, vector<16xf32>,
        tpu.vector_store %arg11[%swap3A_1970, %swap3A_1971], %gather3A_1923 {strides = array<i32>} : memref<16x1024xf32, #tpu.memory_space<vmem>>, vector<16xf32>,
        %add3A_1973 = arith.constant 8 : i32
        %add3A_1974 = arith.addi %add3A_1973, %add3A_246 : i32
        %swap3A_1975 = arith.index_cast %add3A_1974 : i32 to index
        %swap3A_1976 = arith.constant 976 : index
        %swap3A_1977 = tpu.vector_load %arg11[%swap3A_1975, %swap3A_1976] {strides = array<i32>} : memref<16x1024xf32, #tpu.memory_space<vmem>>, vector<16xf32>,
        tpu.vector_store %arg11[%swap3A_1975, %swap3A_1976], %gather3A_1931 {strides = array<i32>} : memref<16x1024xf32, #tpu.memory_space<vmem>>, vector<16xf32>,
        %add3A_1978 = arith.constant 8 : i32
        %add3A_1979 = arith.addi %add3A_1978, %add3A_246 : i32
        %swap3A_1980 = arith.index_cast %add3A_1979 : i32 to index
        %swap3A_1981 = arith.constant 992 : index
        %swap3A_1982 = tpu.vector_load %arg11[%swap3A_1980, %swap3A_1981] {strides = array<i32>} : memref<16x1024xf32, #tpu.memory_space<vmem>>, vector<16xf32>,
        tpu.vector_store %arg11[%swap3A_1980, %swap3A_1981], %gather3A_1939 {strides = array<i32>} : memref<16x1024xf32, #tpu.memory_space<vmem>>, vector<16xf32>,
        %add3A_1983 = arith.constant 8 : i32
        %add3A_1984 = arith.addi %add3A_1983, %add3A_246 : i32
        %swap3A_1985 = arith.index_cast %add3A_1984 : i32 to index
        %swap3A_1986 = arith.constant 1008 : index
        %swap3A_1987 = tpu.vector_load %arg11[%swap3A_1985, %swap3A_1986] {strides = array<i32>} : memref<16x1024xf32, #tpu.memory_space<vmem>>, vector<16xf32>,
        tpu.vector_store %arg11[%swap3A_1985, %swap3A_1986], %gather3A_1947 {strides = array<i32>} : memref<16x1024xf32, #tpu.memory_space<vmem>>, vector<16xf32>,
      }
      %scan3A_229 = arith.constant 8 : i32
      %dma_start3A_230 = arith.constant 0 : i32
      %dma_start3A_231 = arith.constant 0 : i32
      %dma_start3A_232 = tpu.memref_slice %arg5[%add3A_153, %dma_start3A_230, %add3A, %dma_start3A_231] : memref<100x16x32x1024xf32, #tpu.memory_space<hbm>> -> memref<1x16x1x1024xf32, #tpu.memory_space<hbm>>
      %dma_start3A_233 = tpu.memref_squeeze %dma_start3A_232 : memref<1x16x1x1024xf32, #tpu.memory_space<hbm>> -> memref<16x1024xf32, #tpu.memory_space<hbm>>
      %dma_start3A_234 = arith.constant 0 : i32
      %dma_start3A_235 = arith.constant 0 : i32
      %dma_start3A_236 = tpu.memref_slice %arg5[%add3A_153, %dma_start3A_234, %add3A, %dma_start3A_235] : memref<100x16x32x1024xf32, #tpu.memory_space<hbm>> -> memref<1x16x1x1024xf32, #tpu.memory_space<hbm>>
      %dma_start3A_237 = tpu.memref_squeeze %dma_start3A_236 : memref<1x16x1x1024xf32, #tpu.memory_space<hbm>> -> memref<16x1024xf32, #tpu.memory_space<hbm>>
      tpu.enqueue_dma source(%arg11 : memref<16x1024xf32, #tpu.memory_space<vmem>>) target(%dma_start3A_237 : memref<16x1024xf32, #tpu.memory_space<hbm>>) target_semaphore(%arg16 : memref<!tpu.dma_semaphore, #tpu.memory_space<semaphore_mem>>)
      %dma_wait3A_238 = tpu.memref_slice %arg6[%mul3A_178] : memref<25600xi32, #tpu.memory_space<vmem>> -> memref<256xi32, #tpu.memory_space<vmem>>
      %dma_wait3A_239 = arith.constant 0 : i32
      %dma_wait3A_240 = arith.constant 0 : i32
      %dma_wait3A_241 = tpu.memref_slice %arg2[%dma_wait3A_239, %dma_wait3A_240] : memref<1000000x64xf32, #tpu.memory_space<hbm>> -> memref<1000000x64xf32, #tpu.memory_space<hbm>>
      tpu.wait_indirect_dma semaphore(%arg13 : memref<!tpu.dma_semaphore, #tpu.memory_space<semaphore_mem>>) src(%dma_wait3A_241 : memref<1000000x64xf32, #tpu.memory_space<hbm>>) dst(%arg7 : memref<256x64xf32, #tpu.memory_space<vmem>>)
    }
    %scan3A_45 = arith.constant 50 : i32
    %dma_wait3A_46 = arith.constant 0 : i32
    %dma_wait3A_47 = arith.constant 0 : i32
    %dma_wait3A_48 = arith.constant 0 : i32
    %dma_wait3A_49 = tpu.memref_slice %arg5[%dma_wait3A_46, %dma_wait3A_47, %add3A, %dma_wait3A_48] : memref<100x16x32x1024xf32, #tpu.memory_space<hbm>> -> memref<1x16x1x1024xf32, #tpu.memory_space<hbm>>
    %dma_wait3A_50 = tpu.memref_squeeze %dma_wait3A_49 : memref<1x16x1x1024xf32, #tpu.memory_space<hbm>> -> memref<16x1024xf32, #tpu.memory_space<hbm>>
    %dma_wait3A_51 = arith.constant 0 : i32
    %dma_wait3A_52 = arith.constant 0 : i32
    %dma_wait3A_53 = tpu.memref_slice %arg5[%dma_wait3A_46, %dma_wait3A_51, %add3A, %dma_wait3A_52] : memref<100x16x32x1024xf32, #tpu.memory_space<hbm>> -> memref<1x16x1x1024xf32, #tpu.memory_space<hbm>>
    %dma_wait3A_54 = tpu.memref_squeeze %dma_wait3A_53 : memref<1x16x1x1024xf32, #tpu.memory_space<hbm>> -> memref<16x1024xf32, #tpu.memory_space<hbm>>
    tpu.wait_dma2 semaphore(%arg15 : memref<!tpu.dma_semaphore, #tpu.memory_space<semaphore_mem>>) src(%arg10 : memref<16x1024xf32, #tpu.memory_space<vmem>>) dst(%dma_wait3A_54 : memref<16x1024xf32, #tpu.memory_space<hbm>>)
    %dma_wait3A_55 = arith.constant 0 : i32
    %dma_wait3A_56 = arith.constant 0 : i32
    %dma_wait3A_57 = arith.constant 0 : i32
    %dma_wait3A_58 = tpu.memref_slice %arg5[%dma_wait3A_55, %dma_wait3A_56, %add3A, %dma_wait3A_57] : memref<100x16x32x1024xf32, #tpu.memory_space<hbm>> -> memref<1x16x1x1024xf32, #tpu.memory_space<hbm>>
    %dma_wait3A_59 = tpu.memref_squeeze %dma_wait3A_58 : memref<1x16x1x1024xf32, #tpu.memory_space<hbm>> -> memref<16x1024xf32, #tpu.memory_space<hbm>>
    %dma_wait3A_60 = arith.constant 0 : i32
    %dma_wait3A_61 = arith.constant 0 : i32
    %dma_wait3A_62 = tpu.memref_slice %arg5[%dma_wait3A_55, %dma_wait3A_60, %add3A, %dma_wait3A_61] : memref<100x16x32x1024xf32, #tpu.memory_space<hbm>> -> memref<1x16x1x1024xf32, #tpu.memory_space<hbm>>
    %dma_wait3A_63 = tpu.memref_squeeze %dma_wait3A_62 : memref<1x16x1x1024xf32, #tpu.memory_space<hbm>> -> memref<16x1024xf32, #tpu.memory_space<hbm>>
    tpu.wait_dma2 semaphore(%arg16 : memref<!tpu.dma_semaphore, #tpu.memory_space<semaphore_mem>>) src(%arg11 : memref<16x1024xf32, #tpu.memory_space<vmem>>) dst(%dma_wait3A_63 : memref<16x1024xf32, #tpu.memory_space<hbm>>)
    return
  }
}

</mosaic_0001>

<sc_bundles>
// kernel: kernel.3.cloned.1.call-start
scs
__scs_entry_jumppad:
0x0: {  	(pc) =	sbr.rel $0x88, $3  }
0x1: {  	(tag) =	ssettag $0x0;
	lr =	simm.s32 $0x1  }
0x2: {  	[smem:$0x3F9E] =	sst lr;
	_ =	strace $0xD0000000  }
0x3: {  	_ = 	snop  }
0x4: {  	_ = 	snop  }
0x5: {  	_ = 	snop  }
0x6: {  	_ = 	snop  }
0x7: {  	_ = 	snop  }
__scs_overlays_trampoline_lowered:
0x8: {  	[smem:$0x3FAD] =	sst s0  }
0x9: {  	[smem:$0x3FAE] =	sst s1  }
0xa: {  	[smem:$0x3FAF] =	sst s2  }
0xb: {  	[smem:$0x3FB0] =	sst s3  }
0xc: {  	[smem:$0x3FB1] =	sst s4  }
0xd: {  	[smem:$0x3FB2] =	sst s5  }
0xe: {  	[smem:$0x3FB3] =	sst s6  }
0xf: {  	[smem:$0x3FB4] =	sst s7  }
0x10: {  	[smem:$0x3FB5] =	sst s8  }
0x11: {  	[smem:$0x3FB6] =	sst s9;
	s0 =	simm.s32 @!p0 $0x0  }
0x12: {  	s1 =	sld [smem:$0x3F9C];
	s0 =	simm.s32 @p0 $0x1  }
0x13: {  	[smem:$0x3FB7] =	sst s0;
	s0 =	simm.s32 @!p1 $0x0  }
0x14: {  	s2 =	sld [smem:$0x3F9B];
	s0 =	simm.s32 @p1 $0x1  }
0x15: {  	[smem:$0x3FB8] =	sst s0;
	s0 =	simm.s32 @!p2 $0x0  }
0x16: {  	s3 =	sld [smem:$0x3FDB];
	s0 =	simm.s32 @p2 $0x1  }
0x17: {  	s4 =	simm.s32 $0x1BF5;
	[smem:$0x3FBA] =	sst s0  }
0x18: {  	s0 =	sld [smem:$0x3F9D];
	_ =	swait.ge [sflag:s4], $0x0  }
0x19: {  	s7 =	sld [smem:$0x3F9E]  }
0x1a: {  	s8 =	sadd.s32 $0xFFFFE003, lr  }
0x1b: {  	s9 =	sadd.s32 $0xFFFFFEF7, lr;
	s5 =	simm.s32 $0xFFFFFFFF;
	p2 =	slt.u32 s8, $0xFFFFF086  }
0x1c: {  	p1 =	slt.u32 s9, $0xF7A;
	s5 =	simm.s32 @!p2 $0x0  }
0x1d: {  	s5 =	simm.s32 @p1 $0x1;
	p0 =	seq.s32 s7, s2  }
0x1e: {  	s7 =	smul.u32 @!p0 $0xF7A, s2;
	p2 =	seq.s32 @!p0 s5, $0x0  }
0x1f: {  	s9 =	smul.u32 $0xF7A, s1;
	s8 =	simm.s32 @!p0 $0x1BF5;
	p2 =	por !p2, p0  }
0x20: {  	[sflag:s8] =	ssyncset.s32 @!p0 $0xFFFFF086;
	s6 =	sadd.s32 @!p0 s3, s7;
	s7 =	simm.s32 @!p0 $0x108  }
0x21: {  	s3 =	sadd.s32 s3, s9;
	s6 =	sadd.s32 @!p0 $0x88, s6;
	s7 =	simm.s32 @p2 $0x1082  }
0x22: {  	[simem:s7], [sflag:s8] =	dma.local @!p0 [hbm:s6], $0xF7A  }
0x23: {  	s9 =	sor.u32 $0xD0000000, s2;
	s6 =	simm.s32 $0x108;
	_ =	swait.ge @!p0 [sflag:s8], $0x0  }
0x24: {  	s3 =	sadd.s32 $0x88, s3;
	s6 =	simm.s32 @!p1 $0x1082;
	[sflag:s4] =	ssyncset.s32 $0xFFFFF086  }
0x25: {  	[simem:s6], [sflag:s4] =	dma.local [hbm:s3], $0xF7A  }
0x26: {  	[smem:$0x3F9E] =	sst s1;
	(tag) =	ssettag s2;
	_ =	strace s9  }
0x27: {  	s1 =	sld [smem:$0x3FAE]  }
0x28: {  	s2 =	sld [smem:$0x3FAF]  }
0x29: {  	s4 =	sld [smem:$0x3FB1]  }
0x2a: {  	p0 =	seq.s32 s5, $0x0;
	s5 =	sld [smem:$0x3FB2]  }
0x2b: {  	s6 =	sld [smem:$0x3FB3]  }
0x2c: {  	s7 =	sld [smem:$0x3FB4]  }
0x2d: {  	s3 =	simm.s32 $0x108;
	s8 =	sld [smem:$0x3FB5]  }
0x2e: {  	s3 =	simm.s32 @!p0 $0x1082;
	s9 =	sld [smem:$0x3FB6]  }
0x2f: {  	lr =	sadd.s32 s0, s3;
	s0 =	sld [smem:$0x3FAD]  }
0x30: {  	s3 =	sld [smem:$0x3FB0]  }
0x31: {  	[smem:$0x3FB9] =	sst s10  }
0x32: {  	s10 =	sld [smem:$0x3FB7];
	_ =	sdelay $0x3  }
0x33: {  	p0 =	seq.s32 s10, $0x1;
	s10 =	sld [smem:$0x3FB9];
	_ =	sdelay $0x3  }
0x34: {  	[smem:$0x3FB9] =	sst s10  }
0x35: {  	s10 =	sld [smem:$0x3FB8];
	_ =	sdelay $0x3  }
0x36: {  	p1 =	seq.s32 s10, $0x1;
	s10 =	sld [smem:$0x3FB9];
	_ =	sdelay $0x3  }
0x37: {  	[smem:$0x3FB9] =	sst s10  }
0x38: {  	s10 =	sld [smem:$0x3FBA]  }
0x39: {  	_ = 	snop;
	(pc) =	sbr.ind lr, $3  }
0x3a: {  	_ = 	snop  }
0x3b: {  	_ = 	snop  }
0x3c: {  	p2 =	seq.s32 s10, $0x1;
	s10 =	sld [smem:$0x3FB9]  }
0x3d: {  	_ =	shalt  }
0x3e: {  	_ =	shalt  }
0x3f: {  	_ =	shalt  }
0x40: {  	_ =	shalt  }
0x41: {  	_ =	shalt  }
0x42: {  	_ =	shalt  }
0x43: {  	_ =	shalt  }
0x44: {  	_ =	shalt  }
0x45: {  	_ =	shalt  }
0x46: {  	_ =	shalt  }
0x47: {  	_ =	shalt  }
0x48: {  	_ =	shalt  }
0x49: {  	_ =	shalt  }
0x4a: {  	_ =	shalt  }
0x4b: {  	_ =	shalt  }
0x4c: {  	_ =	shalt  }
0x4d: {  	_ =	shalt  }
0x4e: {  	_ =	shalt  }
0x4f: {  	_ =	shalt  }
0x50: {  	_ =	shalt  }
0x51: {  	_ =	shalt  }
0x52: {  	_ =	shalt  }
0x53: {  	_ =	shalt  }
0x54: {  	_ =	shalt  }
0x55: {  	_ =	shalt  }
0x56: {  	_ =	shalt  }
0x57: {  	_ =	shalt  }
0x58: {  	_ =	shalt  }
0x59: {  	_ =	shalt  }
0x5a: {  	_ =	shalt  }
0x5b: {  	_ =	shalt  }
0x5c: {  	_ =	shalt  }
0x5d: {  	_ =	shalt  }
0x5e: {  	_ =	shalt  }
0x5f: {  	_ =	shalt  }
0x60: {  	_ =	shalt  }
0x61: {  	_ =	shalt  }
0x62: {  	_ =	shalt  }
0x63: {  	_ =	shalt  }
0x64: {  	_ =	shalt  }
0x65: {  	_ =	shalt  }
0x66: {  	_ =	shalt  }
0x67: {  	_ =	shalt  }
0x68: {  	_ =	shalt  }
0x69: {  	_ =	shalt  }
0x6a: {  	_ =	shalt  }
0x6b: {  	_ =	shalt  }
0x6c: {  	_ =	shalt  }
0x6d: {  	_ =	shalt  }
0x6e: {  	_ =	shalt  }
0x6f: {  	_ =	shalt  }
0x70: {  	_ =	shalt  }
0x71: {  	_ =	shalt  }
0x72: {  	_ =	shalt  }
0x73: {  	_ =	shalt  }
0x74: {  	_ =	shalt  }
0x75: {  	_ =	shalt  }
0x76: {  	_ =	shalt  }
0x77: {  	_ =	shalt  }
0x78: {  	_ =	shalt  }
0x79: {  	_ =	shalt  }
0x7a: {  	_ =	shalt  }
0x7b: {  	_ =	shalt  }
0x7c: {  	_ =	shalt  }
0x7d: {  	_ =	shalt  }
0x7e: {  	_ =	shalt  }
0x7f: {  	_ =	shalt  }
0x80: {  	_ =	shalt  }
0x81: {  	_ =	shalt  }
0x82: {  	_ =	shalt  }
0x83: {  	_ =	shalt  }
0x84: {  	_ =	shalt  }
0x85: {  	_ =	shalt  }
0x86: {  	_ =	shalt  }
0x87: {  	_ =	shalt  }
.Lfunc_end0:
.L_simem_size_0:
called_computation_lowered:
.L_overlay_start_0:
0x88: {  	s2 =	sld [smem:$0x3FD9]  }
0x89: {  	s3 =	sld [smem:$0x3FFE];
	_ =	sdelay $0x1  }
0x8a: {  	s1 =	srdreg.scid  }
0x8b: {  	s0 =	sand.u32 $0x1, s1  }
0x8c: {  	s17 =	sshll.u32 s0, $0xA;
	s2 =	sadd.s32 s3, s2  }
0x8d: {  	s2 =	sadd.s32 s2, s17  }
0x8e: {  	[smem:$0x3FC5] =	sst s2  }
0x8f: {  	_ = 	snop  }
0x90: {  	s2 =	sld [smem:$0x3FD0];
	(tm) =	ssettm $0x1  }
0x91: {  	s18 =	sld [smem:$0x3FFB];
	_ =	sdelay $0x3  }
0x92: {  	_ =	strace s18  }
0x93: {  	s3 =	sld [smem:$0x3FFC];
	_ =	sdelay $0x3  }
0x94: {  	_ =	strace s3  }
0x95: {  	s3 =	sld [smem:$0x3FFD];
	_ =	sdelay $0x3  }
0x96: {  	_ =	strace s3  }
0x97: {  	_ =	strace $0x8FFFFFFF  }
0x98: {  	s19 =	sld [smem:$0x3FDB];
	_ =	sdelay $0x1  }
0x99: {  	s4 =	simm.s32 $_scs_section_size  }
0x9a: {  	s5 =	simm.s32 $_size__tile_overlayer_lowered;
	s6 =	simm.s32 $_tile_overlayer_lowered  }
0x9b: {  	s22 =	simm.s32 $0x1BFF;
	s21 =	sshll.u32 s6, $0x1;
	s3 =	sadd.s32 s4, s19  }
0x9c: {  	s7 =	simm.s32 $0x0;
	s20 =	sshll.u32 s5, $0x1;
	s5 =	sadd.s32 s21, s3  }
0x9d: {  	[timem:s7], [sflag:s22] =	dma.local [hbm:s5], s20  }
0x9e: {  	_ =	swait.ge [sflag:s22], s20  }
0x9f: {  	s4 =	ssub.s32 $0x0, s20;
	[sflag:s22] =	ssyncset.done $0x0  }
0xa0: {  	[sflag:s22] =	ssyncadd.s32 s4;
	_ =	sdelay $0x1  }
0xa1: {  	s23 =	simm.s32 $0x1B8B  }
0xa2: {  	_ =	swait.ge [sflag:s23], $0x1  }
0xa3: {  	[sflag:s23] =	ssyncset.done $0x0  }
0xa4: {  	s25 =	simm.s32 $0x1B8E;
	s24 =	sld [smem:$0x3FFE];
	[sflag:s23] =	ssyncadd.s32 $0xFFFFFFFF  }
0xa5: {  	s26 =	simm.s32 $execute0_lowered;
	[smem:$0x3FD2] =	sst s25  }
0xa6: {  	s5 =	sshll.u32 s26, $0x1;
	_ =	strace $0x80000046;
	[dreg:$0x1] =	wrdreg $0xFFFFFFFF  }
0xa7: {  	s28 =	simm.s32 $_size_execute0_lowered;
	s3 =	sadd.s32 s3, s5;
	[dreg:$0x0] =	wrdreg $0x0  }
0xa8: {  	s5 =	sshll.u32 s28, $0x1;
	[dreg:$0x2] =	wrdreg s3  }
0xa9: {  	[dreg:$0x3] =	wrdreg s5  }
0xaa: {  	[dreg:$0x4] =	wrdreg $0xC0  }
0xab: {  	_ =	task [dreg:s7], $0x5FFFF  }
0xac: {  	[dreg:$0x1] =	wrdreg $0xFFFFFFFF  }
0xad: {  	[dreg:$0x0] =	wrdreg $0x60  }
0xae: {  	[dreg:$0x2] =	wrdreg s24  }
0xaf: {  	[dreg:$0x3] =	wrdreg s2  }
0xb0: {  	[dreg:$0x4] =	wrdreg $0x9  }
0xb1: {  	_ =	task.clear_ibuf [dreg:s7], $0x5FFFF;
	_ =	strace $0x90000046  }
0xb2: {  	s29 =	simm.s32 $0x9;
	_ =	strace $0x80000048  }
0xb3: {  	_ =	swait.ge [sflag:s29], $0x1  }
0xb4: {  	[sflag:s29] =	ssyncadd.s32 $0xFFFFFFFF  }
0xb5: {  	_ =	strace $0x90000048  }
0xb6: {  	_ =	sfence  }
0xb7: {  	s30 =	sld [smem:$0x0];
	_ =	sdelay $0x2  }
0xb8: {  	s31 =	sshll.u32 s1, $0xD;
	s1 =	sshrl.u32 s1, $0x2  }
0xb9: {  	s3 =	sand.u32 $0x4000, s31;
	s1 =	sadd.s32 s1, s30  }
0xba: {  	s0 =	sor.u32 s3, s0;
	s1 =	sshll.u32 s1, $0x11  }
0xbb: {  	s0 =	sor.u32 s1, s0  }
0xbc: {  	s0 =	sadd.s32 $0x8F2B, s0  }
0xbd: {  	[sflag:s0] =	ssyncadd.remote.s32 $0x1  }
0xbe: {  	_ =	sfence.sel $0xFFFF  }
0xbf: {  	[dreg:$0x0] =	wrdreg $0xFFFFFFFF;
	(pc) =	sbr.abs _section_cstart, $3  }
0xc0: {  	[dreg:$0x1] =	wrdreg $0xFFFFFFFF  }
0xc1: {  	_ =	task.clear_ibuf [dreg:s7], $0x2FFFF;
	_ =	strace $0x9FFFFFFF  }
0xc2: {  	(tm) =	ssettm $0x7FFFFFFF  }
0xc3: {  	_ =	shalt  }
tec
execute0_lowered:
.L_overlay_start_1:
0x0: {  	(tag) =	ssettag $0x1  }
0x1: {  	s0 =	rddreg [dreg:$0x0]  }
0x2: {  	s1 =	srdreg.scid;
	s3 =	stileid.u32  }
0x3: {  	s2 =	rddreg [dreg:$0x1];
	s10 =	simm.s32 $0x5;
	s11 =	simm.s32 $0x100  }
0x4: {  	s12 =	simm.s32 $0x6400;
	s13 =	simm.s32 $0x1;
	s14 =	simm.s32 $0xA400  }
0x5: {  	s15 =	simm.s32 $0xE400;
	s16 =	simm.s32 $0x400;
	s17 =	simm.s32 $0x8000  }
0x6: {  	v1 =	vlaneseq.u32;
	s18 =	simm.s32 $0x12500;
	s19 =	simm.s32 $0x2;
	s20 =	simm.s32 $0x16500  }
0x7: {  	s1 =	sand.u32 $0x1, s1;
	s4 =	sshll.u32 s3, $0x1;
	s3 =	simm.s32 $0x0;
	v0 =	vmul.u32 $0x41, v1  }
0x8: {  	s21 =	simm.s32 $0x3;
	v1 =	vand.u32 $0x7, v1;
	s5 =	sor.u32 s1, s4;
	[smem:$0x7FF] =	sst s3  }
0x9: {  	s22 =	simm.s32 $0x4;
	s4 =	sadd.s32 $0xF42C00, s0;
	s6 =	smul.u32 $0xC80, s5;
	v2 =	vadd.s32 $0x410, v0;
	v3 =	vadd.s32 $0x820, v0;
	v4 =	vadd.s32 $0xC30, v0  }
0xa: {  	s23 =	simm.s32 $0x0;
	s1 =	ssub.s32 $0x2, s1;
	_ =	strace $0x80000047;
	v5 =	vadd.s32 $0x1040, v0;
	v6 =	vadd.s32 $0x1450, v0;
	v7 =	vadd.s32 $0x1860, v0  }
0xb: {  	s7 =	sshrl.u32 s1, $0x1;
	v8 =	vadd.s32 $0x1C70, v0;
	v9 =	vadd.s32 $0x2080, v0;
	v10 =	vadd.s32 $0x2490, v0;
	s6 =	sadd.s32 s6, s0;
	s0 =	sadd.s32 $0x19800, s0  }
0xc: {  	v11 =	vadd.s32 $0x28A0, v0;
	v12 =	vadd.s32 $0x2CB0, v0;
	v13 =	vadd.s32 $0x30C0, v0;
	s30 =	ssub.s32 s1, s7;
	[dreg:$0x3] =	wrdreg s0;
	s31 =	sadd.s32 $0x800, s6  }
0xd: {  	v14 =	vadd.s32 $0x34D0, v0;
	v15 =	vadd.s32 $0x38E0, v0;
	v16 =	vadd.s32 $0x3CF0, v0;
	s7 =	sshll.u32 s5, $0xA;
	s8 =	smax.u32 s30, $0x1;
	[dreg:$0x4] =	wrdreg s31  }
.LBB2_1:
0xe: {  	s0 =	rddreg [dreg:$0x3];
	s1 =	simm.s32 $0x1A500  }
0xf: {  	[tilespmem:s1], [sflag:$0x5] =	stream.linear.gather [hbm4b:s0+s3], $0x3200, $0x38;
	[tilespmem:$0x1D700] =	vst v63  }
0x10: {  	_ =	swait.ge [sflag:s10], $0x3200  }
0x11: {  	[sflag:s10] =	ssyncset.done $0x0  }
0x12: {  	s31 =	rddreg [dreg:$0x4];
	[sflag:s10] =	ssyncadd.s32 $0xFFFFCE00  }
0x13: {  	[tilespmem:s3], [sflag:$0x5] =	stream.linear.gather [hbm4b:s31+s3], $0x6400, $0x38;
	[tilespmem:$0x1D700] =	vst v63  }
0x14: {  	_ =	swait.ge [sflag:s10], $0x6400  }
0x15: {  	[sflag:s10] =	ssyncset.done $0x0  }
0x16: {  	[sflag:s10] =	ssyncadd.s32 $0xFFFF9C00  }
0x17: {  	[tilespmem:s12], [sflag:$0x1] =	stream.indirect.gather [hbm4b:s4+s11], $0x40, s3, s11, $0xb8;
	[tilespmem:$0x1D700] =	vst v63  }
0x18: {  	_ =	swait.ge [sflag:s13], $0x4000  }
0x19: {  	[sflag:s13] =	ssyncset.done $0x0  }
0x1a: {  	s24 =	simm.s32 $0x0;
	[sflag:s13] =	ssyncadd.s32 $0xFFFFC000  }
.LBB2_2:
0x1b: {  	p0 =	seq.s32 s24, $0x0  }
0x1c: {  	s26 =	sshll.u32 s24, $0x1;
	s0 =	simm.s32 @!p0 $0x3  }
0x1d: {  	s25 =	sor.u32 $0x1, s26;
	_ =	swait.ge @!p0 [sflag:s0], $0x4000  }
0x1e: {  	s31 =	sshll.u32 s24, $0x8;
	s1 =	sshll.u32 s25, $0x8;
	[sflag:s0] =	ssyncset.done @!p0 $0x0  }
0x1f: {  	s28 =	sand.u32 $0x3FFFFF00, s31;
	s9 =	sand.u32 $0x3FFFFF00, s1;
	[sflag:s0] =	ssyncadd.s32 @!p0 $0xFFFFC000  }
0x20: {  	[tilespmem:s14], [sflag:$0x2] =	stream.indirect.gather [hbm4b:s4+s11], $0x40, s9, s11, $0xb8;
	[tilespmem:$0x1D700] =	vst v63  }
0x21: {  	v18 =	vld [tilespmem:s28+$0x1A500]  }
0x22: {  	v17 =	vld [tilespmem:s28+$0x1A510]  }
0x23: {  	v19 =	vld [tilespmem:s28+$0x1A520]  }
0x24: {  	s29 =	simm.s32 $0x6500;
	v20 =	vld [tilespmem:s28+$0x1A530]  }
0x25: {  	v21 =	vld [tilespmem:s29+$0xFFFFFF30]  }
0x26: {  	v22 =	vld [tilespmem:s29+$0xFFFFFF20]  }
0x27: {  	v23 =	vld [tilespmem:s29+$0xFFFFFF00]  }
0x28: {  	v24 =	vld [tilespmem:s29+$0xFFFFFF10];
	_ =	sdelay $0x1  }
0x29: {  	v21 =	vadd.f32 v21, v20  }
0x2a: {  	s30 =	simm.s32 $0x1F7;
	v22 =	vadd.f32 v22, v19  }
0x2b: {  	v23 =	vadd.f32 v23, v18;
	[tilespmem:s30+$0xE239] =	vst v21  }
0x2c: {  	v21 =	vadd.f32 v24, v17;
	[tilespmem:s30+$0xE229] =	vst v22  }
0x2d: {  	[tilespmem:s30+$0xE209] =	vst v23  }
0x2e: {  	[tilespmem:s30+$0xE219] =	vst v21  }
0x2f: {  	v21 =	vld [tilespmem:s29+$0xFFFFFF70]  }
0x30: {  	v22 =	vld [tilespmem:s29+$0xFFFFFF50]  }
0x31: {  	v23 =	vld [tilespmem:s29+$0xFFFFFF40]  }
0x32: {  	v59 =	vld [tilespmem:s29+$0xFFFFFF60];
	_ =	sdelay $0x1  }
0x33: {  	v21 =	vadd.f32 v21, v20  }
0x34: {  	v22 =	vadd.f32 v22, v17  }
0x35: {  	v23 =	vadd.f32 v23, v18;
	[tilespmem:s30+$0xE27A] =	vst v21  }
0x36: {  	v21 =	vadd.f32 v59, v19;
	[tilespmem:s30+$0xE25A] =	vst v22  }
0x37: {  	[tilespmem:s30+$0xE24A] =	vst v23  }
0x38: {  	[tilespmem:s30+$0xE26A] =	vst v21  }
0x39: {  	v21 =	vld [tilespmem:s29+$0xFFFFFF80]  }
0x3a: {  	v22 =	vld [tilespmem:s29+$0xFFFFFF90]  }
0x3b: {  	v23 =	vld [tilespmem:s29+$0xFFFFFFA0]  }
0x3c: {  	v60 =	vld [tilespmem:s29+$0xFFFFFFB0];
	_ =	sdelay $0x1  }
0x3d: {  	v21 =	vadd.f32 v21, v18  }
0x3e: {  	v22 =	vadd.f32 v22, v17  }
0x3f: {  	v23 =	vadd.f32 v23, v19;
	[tilespmem:s30+$0xE28B] =	vst v21  }
0x40: {  	v21 =	vadd.f32 v60, v20;
	[tilespmem:s30+$0xE29B] =	vst v22  }
0x41: {  	[tilespmem:s30+$0xE2AB] =	vst v23  }
0x42: {  	[tilespmem:s30+$0xE2BB] =	vst v21  }
0x43: {  	v21 =	vld [tilespmem:s29+$0xFFFFFFE0]  }
0x44: {  	v22 =	vld [tilespmem:s29+$0xFFFFFFD0]  }
0x45: {  	v23 =	vld [tilespmem:s29+$0xFFFFFFC0]  }
0x46: {  	v61 =	vld [tilespmem:s29+$0xFFFFFFF0];
	_ =	sdelay $0x1  }
0x47: {  	v21 =	vadd.f32 v21, v19  }
0x48: {  	v22 =	vadd.f32 v22, v17  }
0x49: {  	v23 =	vadd.f32 v23, v18;
	[tilespmem:s30+$0xE2EC] =	vst v21  }
0x4a: {  	v21 =	vadd.f32 v61, v20;
	[tilespmem:s30+$0xE2DC] =	vst v22  }
0x4b: {  	[tilespmem:s30+$0xE2CC] =	vst v23  }
0x4c: {  	[tilespmem:s30+$0xE2FC] =	vst v21  }
0x4d: {  	v21 =	vld [tilespmem:s29+$0x0]  }
0x4e: {  	v22 =	vld [tilespmem:s29+$0x10]  }
0x4f: {  	v23 =	vld [tilespmem:s29+$0x20]  }
0x50: {  	v62 =	vld [tilespmem:s29+$0x30];
	_ =	sdelay $0x1  }
0x51: {  	v21 =	vadd.f32 v21, v18  }
0x52: {  	v22 =	vadd.f32 v22, v17  }
0x53: {  	v23 =	vadd.f32 v23, v19;
	[tilespmem:s30+$0xE30D] =	vst v21  }
0x54: {  	v21 =	vadd.f32 v62, v20;
	[tilespmem:s30+$0xE31D] =	vst v22  }
0x55: {  	[tilespmem:s30+$0xE32D] =	vst v23  }
0x56: {  	[tilespmem:s30+$0xE33D] =	vst v21  }
0x57: {  	v21 =	vld [tilespmem:s29+$0x60]  }
0x58: {  	v22 =	vld [tilespmem:s29+$0x70]  }
0x59: {  	v23 =	vld [tilespmem:s29+$0x40]  }
0x5a: {  	v63 =	vld [tilespmem:s29+$0x50];
	_ =	sdelay $0x1  }
0x5b: {  	v21 =	vadd.f32 v21, v19  }
0x5c: {  	v22 =	vadd.f32 v22, v20  }
0x5d: {  	v23 =	vadd.f32 v23, v18;
	[tilespmem:s30+$0xE36E] =	vst v21  }
0x5e: {  	v21 =	vadd.f32 v63, v17;
	[tilespmem:s30+$0xE37E] =	vst v22  }
0x5f: {  	[tilespmem:s30+$0xE34E] =	vst v23  }
0x60: {  	s1 =	simm.s32 $0x6500;
	s0 =	simm.s32 $0xFFC;
	[tilespmem:s30+$0xE35E] =	vst v21  }
.LBB2_3:
0x61: {  	p1 =	sne.s32 s0, $0x81BC  }
0x62: {  	v21 =	vld [tilespmem:s29+$0xB0];
	s1 =	sadd.s32 $0x200, s1;
	s5 =	smov.u32 s0;
	s0 =	sadd.s32 $0x820, s0  }
0x63: {  	v22 =	vld [tilespmem:s29+$0xA0]  }
0x64: {  	v23 =	vld [tilespmem:s29+$0x90]  }
0x65: {  	v24 =	vld [tilespmem:s29+$0x80];
	_ =	sdelay $0x1  }
0x66: {  	v21 =	vadd.f32 v21, v20  }
0x67: {  	v22 =	vadd.f32 v22, v19  }
0x68: {  	v23 =	vadd.f32 v23, v17;
	[tilespmem:s30+$0xE3BF] =	vst v21  }
0x69: {  	v21 =	vadd.f32 v24, v18;
	[tilespmem:s30+$0xE3AF] =	vst v22  }
0x6a: {  	[tilespmem:s30+$0xE39F] =	vst v23  }
0x6b: {  	[tilespmem:s30+$0xE38F] =	vst v21  }
0x6c: {  	v21 =	vld [tilespmem:s29+$0xF0]  }
0x6d: {  	v22 =	vld [tilespmem:s29+$0xC0]  }
0x6e: {  	v23 =	vld [tilespmem:s29+$0xE0]  }
0x6f: {  	v24 =	vld [tilespmem:s29+$0xD0];
	s29 =	smov.u32 s1;
	_ =	sdelay $0x1  }
0x70: {  	v21 =	vadd.f32 v21, v20  }
0x71: {  	v22 =	vadd.f32 v22, v18  }
0x72: {  	v23 =	vadd.f32 v23, v19;
	[tilespmem:s30+$0xE400] =	vst v21  }
0x73: {  	v21 =	vadd.f32 v24, v17;
	[tilespmem:s30+$0xE3D0] =	vst v22  }
0x74: {  	[tilespmem:s30+$0xE3F0] =	vst v23  }
0x75: {  	[tilespmem:s30+$0xE3E0] =	vst v21  }
0x76: {  	v21 =	vld [tilespmem:s1+$0xFFFFFF30]  }
0x77: {  	v22 =	vld [tilespmem:s1+$0xFFFFFF20]  }
0x78: {  	v23 =	vld [tilespmem:s1+$0xFFFFFF00]  }
0x79: {  	v24 =	vld [tilespmem:s1+$0xFFFFFF10];
	_ =	sdelay $0x1  }
0x7a: {  	v21 =	vadd.f32 v21, v20  }
0x7b: {  	s30 =	sshra.s32 s5, $0x2;
	v22 =	vadd.f32 v22, v19  }
0x7c: {  	v23 =	vadd.f32 v23, v18;
	[tilespmem:s30+$0xE239] =	vst v21  }
0x7d: {  	v21 =	vadd.f32 v24, v17;
	[tilespmem:s30+$0xE229] =	vst v22  }
0x7e: {  	[tilespmem:s30+$0xE209] =	vst v23  }
0x7f: {  	[tilespmem:s30+$0xE219] =	vst v21  }
0x80: {  	v21 =	vld [tilespmem:s1+$0xFFFFFF70]  }
0x81: {  	v22 =	vld [tilespmem:s1+$0xFFFFFF50]  }
0x82: {  	v23 =	vld [tilespmem:s1+$0xFFFFFF40]  }
0x83: {  	v24 =	vld [tilespmem:s1+$0xFFFFFF60];
	_ =	sdelay $0x1  }
0x84: {  	v21 =	vadd.f32 v21, v20  }
0x85: {  	v22 =	vadd.f32 v22, v17  }
0x86: {  	v23 =	vadd.f32 v23, v18;
	[tilespmem:s30+$0xE27A] =	vst v21  }
0x87: {  	v21 =	vadd.f32 v24, v19;
	[tilespmem:s30+$0xE25A] =	vst v22  }
0x88: {  	[tilespmem:s30+$0xE24A] =	vst v23  }
0x89: {  	[tilespmem:s30+$0xE26A] =	vst v21  }
0x8a: {  	v21 =	vld [tilespmem:s1+$0xFFFFFF80]  }
0x8b: {  	v22 =	vld [tilespmem:s1+$0xFFFFFF90]  }
0x8c: {  	v23 =	vld [tilespmem:s1+$0xFFFFFFA0]  }
0x8d: {  	v24 =	vld [tilespmem:s1+$0xFFFFFFB0];
	_ =	sdelay $0x1  }
0x8e: {  	v21 =	vadd.f32 v21, v18  }
0x8f: {  	v22 =	vadd.f32 v22, v17  }
0x90: {  	v23 =	vadd.f32 v23, v19;
	[tilespmem:s30+$0xE28B] =	vst v21  }
0x91: {  	v21 =	vadd.f32 v24, v20;
	[tilespmem:s30+$0xE29B] =	vst v22  }
0x92: {  	[tilespmem:s30+$0xE2AB] =	vst v23  }
0x93: {  	[tilespmem:s30+$0xE2BB] =	vst v21  }
0x94: {  	v21 =	vld [tilespmem:s1+$0xFFFFFFE0]  }
0x95: {  	v22 =	vld [tilespmem:s1+$0xFFFFFFD0]  }
0x96: {  	v23 =	vld [tilespmem:s1+$0xFFFFFFC0]  }
0x97: {  	v24 =	vld [tilespmem:s1+$0xFFFFFFF0];
	_ =	sdelay $0x1  }
0x98: {  	v21 =	vadd.f32 v21, v19  }
0x99: {  	v22 =	vadd.f32 v22, v17  }
0x9a: {  	v23 =	vadd.f32 v23, v18;
	[tilespmem:s30+$0xE2EC] =	vst v21  }
0x9b: {  	v21 =	vadd.f32 v24, v20;
	[tilespmem:s30+$0xE2DC] =	vst v22  }
0x9c: {  	[tilespmem:s30+$0xE2CC] =	vst v23  }
0x9d: {  	[tilespmem:s30+$0xE2FC] =	vst v21  }
0x9e: {  	v21 =	vld [tilespmem:s1+$0x0]  }
0x9f: {  	v22 =	vld [tilespmem:s1+$0x10]  }
0xa0: {  	v23 =	vld [tilespmem:s1+$0x20]  }
0xa1: {  	v24 =	vld [tilespmem:s1+$0x30];
	_ =	sdelay $0x1  }
0xa2: {  	v21 =	vadd.f32 v21, v18  }
0xa3: {  	v22 =	vadd.f32 v22, v17  }
0xa4: {  	v23 =	vadd.f32 v23, v19;
	[tilespmem:s30+$0xE30D] =	vst v21  }
0xa5: {  	v21 =	vadd.f32 v24, v20;
	[tilespmem:s30+$0xE31D] =	vst v22  }
0xa6: {  	[tilespmem:s30+$0xE32D] =	vst v23  }
0xa7: {  	[tilespmem:s30+$0xE33D] =	vst v21  }
0xa8: {  	v21 =	vld [tilespmem:s1+$0x60]  }
0xa9: {  	v22 =	vld [tilespmem:s1+$0x70]  }
0xaa: {  	v23 =	vld [tilespmem:s1+$0x40]  }
0xab: {  	v24 =	vld [tilespmem:s1+$0x50];
	_ =	sdelay $0x1  }
0xac: {  	v21 =	vadd.f32 v21, v19  }
.Ltmp0:
0xad: {  	v22 =	vadd.f32 v22, v20;
	(pc) =	sbr.rel @p1 .LBB2_3-.Ltmp0, $4  }
0xae: {  	v23 =	vadd.f32 v23, v18;
	[tilespmem:s30+$0xE36E] =	vst v21  }
0xaf: {  	v21 =	vadd.f32 v24, v17;
	[tilespmem:s30+$0xE37E] =	vst v22  }
0xb0: {  	[tilespmem:s30+$0xE34E] =	vst v23  }
0xb1: {  	[tilespmem:s30+$0xE35E] =	vst v21  }
0xb2: {  	v21 =	vld [tilespmem:s29+$0xB0]  }
0xb3: {  	v22 =	vld [tilespmem:s29+$0xA0]  }
0xb4: {  	v23 =	vld [tilespmem:s29+$0x90]  }
0xb5: {  	v24 =	vld [tilespmem:s29+$0x80];
	_ =	sdelay $0x1  }
0xb6: {  	v21 =	vadd.f32 v21, v20  }
0xb7: {  	v22 =	vadd.f32 v22, v19  }
0xb8: {  	v23 =	vadd.f32 v23, v17;
	[tilespmem:s30+$0xE3BF] =	vst v21  }
0xb9: {  	v21 =	vadd.f32 v24, v18;
	[tilespmem:s30+$0xE3AF] =	vst v22  }
0xba: {  	[tilespmem:s30+$0xE39F] =	vst v23  }
0xbb: {  	[tilespmem:s30+$0xE38F] =	vst v21  }
0xbc: {  	v21 =	vld [tilespmem:s29+$0xF0]  }
0xbd: {  	v22 =	vld [tilespmem:s29+$0xC0]  }
0xbe: {  	v23 =	vld [tilespmem:s29+$0xE0]  }
0xbf: {  	v63 =	vld [tilespmem:s29+$0xD0];
	_ =	sdelay $0x1  }
0xc0: {  	v20 =	vadd.f32 v21, v20  }
0xc1: {  	v18 =	vadd.f32 v22, v18  }
0xc2: {  	v19 =	vadd.f32 v23, v19;
	[tilespmem:s30+$0xE400] =	vst v20  }
0xc3: {  	v17 =	vadd.f32 v63, v17;
	[tilespmem:s30+$0xE3D0] =	vst v18  }
0xc4: {  	[tilespmem:s30+$0xE3F0] =	vst v19  }
0xc5: {  	[tilespmem:s30+$0xE3E0] =	vst v17  }
0xc6: {  	v17 =	vld [tilespmem:s28+$0x1A540]  }
0xc7: {  	v18 =	vld [tilespmem:s28+$0x1A550]  }
0xc8: {  	v19 =	vld [tilespmem:s28+$0x1A560]  }
0xc9: {  	s0 =	simm.s32 $0x0;
	s1 =	simm.s32 $0x10677;
	v20 =	vld [tilespmem:s28+$0x1A570]  }
.LBB2_5:
0xca: {  	s5 =	sshra.s32 s0, $0x2  }
0xcb: {  	v21 =	vld [tilespmem:s5+$0x8400]  }
0xcc: {  	v22 =	vld [tilespmem:s5+$0x8410]  }
0xcd: {  	v23 =	vld [tilespmem:s5+$0x8420]  }
0xce: {  	v24 =	vld [tilespmem:s5+$0x8430];
	_ =	sdelay $0x1  }
0xcf: {  	v21 =	vadd.f32 v21, v17  }
0xd0: {  	v22 =	vadd.f32 v22, v18  }
0xd1: {  	v23 =	vadd.f32 v23, v19;
	[tilespmem:s1+$0xFFFFFE09] =	vst v21  }
0xd2: {  	v21 =	vadd.f32 v24, v20;
	[tilespmem:s1+$0xFFFFFE19] =	vst v22  }
0xd3: {  	[tilespmem:s1+$0xFFFFFE29] =	vst v23  }
0xd4: {  	[tilespmem:s1+$0xFFFFFE39] =	vst v21  }
0xd5: {  	v21 =	vld [tilespmem:s5+$0x8440]  }
0xd6: {  	v22 =	vld [tilespmem:s5+$0x8450]  }
0xd7: {  	v23 =	vld [tilespmem:s5+$0x8460]  }
0xd8: {  	v57 =	vld [tilespmem:s5+$0x8470];
	_ =	sdelay $0x1  }
0xd9: {  	v21 =	vadd.f32 v21, v17  }
0xda: {  	v22 =	vadd.f32 v22, v18  }
0xdb: {  	v23 =	vadd.f32 v23, v19;
	[tilespmem:s1+$0xFFFFFE4A] =	vst v21  }
0xdc: {  	v21 =	vadd.f32 v57, v20;
	[tilespmem:s1+$0xFFFFFE5A] =	vst v22  }
0xdd: {  	[tilespmem:s1+$0xFFFFFE6A] =	vst v23  }
0xde: {  	[tilespmem:s1+$0xFFFFFE7A] =	vst v21  }
0xdf: {  	v21 =	vld [tilespmem:s5+$0x8480]  }
0xe0: {  	v22 =	vld [tilespmem:s5+$0x8490]  }
0xe1: {  	v23 =	vld [tilespmem:s5+$0x84A0]  }
0xe2: {  	v58 =	vld [tilespmem:s5+$0x84B0];
	_ =	sdelay $0x1  }
0xe3: {  	v21 =	vadd.f32 v21, v17  }
0xe4: {  	v22 =	vadd.f32 v22, v18  }
0xe5: {  	v23 =	vadd.f32 v23, v19;
	[tilespmem:s1+$0xFFFFFE8B] =	vst v21  }
0xe6: {  	v21 =	vadd.f32 v58, v20;
	[tilespmem:s1+$0xFFFFFE9B] =	vst v22  }
0xe7: {  	[tilespmem:s1+$0xFFFFFEAB] =	vst v23  }
0xe8: {  	[tilespmem:s1+$0xFFFFFEBB] =	vst v21  }
0xe9: {  	v21 =	vld [tilespmem:s5+$0x84C0]  }
0xea: {  	v22 =	vld [tilespmem:s5+$0x84D0]  }
0xeb: {  	v23 =	vld [tilespmem:s5+$0x84E0]  }
0xec: {  	v59 =	vld [tilespmem:s5+$0x84F0];
	_ =	sdelay $0x1  }
0xed: {  	v21 =	vadd.f32 v21, v17  }
0xee: {  	v22 =	vadd.f32 v22, v18  }
0xef: {  	v23 =	vadd.f32 v23, v19;
	[tilespmem:s1+$0xFFFFFECC] =	vst v21  }
0xf0: {  	v21 =	vadd.f32 v59, v20;
	[tilespmem:s1+$0xFFFFFEDC] =	vst v22  }
0xf1: {  	[tilespmem:s1+$0xFFFFFEEC] =	vst v23  }
0xf2: {  	[tilespmem:s1+$0xFFFFFEFC] =	vst v21  }
0xf3: {  	v21 =	vld [tilespmem:s5+$0x8500]  }
0xf4: {  	v22 =	vld [tilespmem:s5+$0x8510]  }
0xf5: {  	v23 =	vld [tilespmem:s5+$0x8520]  }
0xf6: {  	v60 =	vld [tilespmem:s5+$0x8530];
	_ =	sdelay $0x1  }
0xf7: {  	v21 =	vadd.f32 v21, v17  }
0xf8: {  	v22 =	vadd.f32 v22, v18  }
0xf9: {  	v23 =	vadd.f32 v23, v19;
	[tilespmem:s1+$0xFFFFFF0D] =	vst v21  }
0xfa: {  	v21 =	vadd.f32 v60, v20;
	[tilespmem:s1+$0xFFFFFF1D] =	vst v22  }
0xfb: {  	[tilespmem:s1+$0xFFFFFF2D] =	vst v23  }
0xfc: {  	[tilespmem:s1+$0xFFFFFF3D] =	vst v21  }
0xfd: {  	v21 =	vld [tilespmem:s5+$0x8540]  }
0xfe: {  	v22 =	vld [tilespmem:s5+$0x8550]  }
0xff: {  	v23 =	vld [tilespmem:s5+$0x8560]  }
0x100: {  	v61 =	vld [tilespmem:s5+$0x8570];
	_ =	sdelay $0x1  }
0x101: {  	v21 =	vadd.f32 v21, v17  }
0x102: {  	v22 =	vadd.f32 v22, v18  }
0x103: {  	v23 =	vadd.f32 v23, v19;
	[tilespmem:s1+$0xFFFFFF4E] =	vst v21  }
0x104: {  	v21 =	vadd.f32 v61, v20;
	[tilespmem:s1+$0xFFFFFF5E] =	vst v22  }
0x105: {  	[tilespmem:s1+$0xFFFFFF6E] =	vst v23  }
0x106: {  	[tilespmem:s1+$0xFFFFFF7E] =	vst v21  }
0x107: {  	v21 =	vld [tilespmem:s5+$0x8580]  }
0x108: {  	v22 =	vld [tilespmem:s5+$0x8590]  }
0x109: {  	v23 =	vld [tilespmem:s5+$0x85A0]  }
0x10a: {  	v62 =	vld [tilespmem:s5+$0x85B0];
	_ =	sdelay $0x1  }
0x10b: {  	v21 =	vadd.f32 v21, v17  }
0x10c: {  	v22 =	vadd.f32 v22, v18  }
0x10d: {  	v23 =	vadd.f32 v23, v19;
	[tilespmem:s1+$0xFFFFFF8F] =	vst v21  }
0x10e: {  	v21 =	vadd.f32 v62, v20;
	[tilespmem:s1+$0xFFFFFF9F] =	vst v22  }
0x10f: {  	[tilespmem:s1+$0xFFFFFFAF] =	vst v23  }
0x110: {  	[tilespmem:s1+$0xFFFFFFBF] =	vst v21  }
0x111: {  	v21 =	vld [tilespmem:s5+$0x85C0]  }
0x112: {  	v22 =	vld [tilespmem:s5+$0x85D0]  }
0x113: {  	v23 =	vld [tilespmem:s5+$0x85E0]  }
0x114: {  	v63 =	vld [tilespmem:s5+$0x85F0];
	_ =	sdelay $0x1  }
0x115: {  	p1 =	sne.s32 s0, $0x7800;
	v21 =	vadd.f32 v21, v17  }
.Ltmp1:
0x116: {  	v22 =	vadd.f32 v22, v18;
	(pc) =	sbr.rel @p1 .LBB2_5-.Ltmp1, $4  }
0x117: {  	v23 =	vadd.f32 v23, v19;
	[tilespmem:s1+$0xFFFFFFD0] =	vst v21  }
0x118: {  	v21 =	vadd.f32 v63, v20;
	[tilespmem:s1+$0xFFFFFFE0] =	vst v22  }
0x119: {  	[tilespmem:s1+$0xFFFFFFF0] =	vst v23  }
0x11a: {  	s0 =	sadd.s32 $0x800, s0;
	[tilespmem:s1+$0x0] =	vst v21;
	s1 =	sadd.s32 $0x208, s1  }
0x11b: {  	s28 =	simm.s32 $0x7;
	s29 =	simm.s32 $0x14500  }
.LBB2_7:
0x11c: {  	s30 =	sadd.s32 $0xFFFFFFF9, s28  }
0x11d: {  	v17 =	vadd.s32 s30, v0  }
0x11e: {  	v18 =	vadd.s32 s30, v2;
	v17 =	vand.u32 $0x7F8, v17  }
0x11f: {  	v19 =	vadd.s32 s30, v3;
	v18 =	vand.u32 $0xFF8, v18;
	v17 =	vor.u32 v1, v17  }
0x120: {  	v20 =	vadd.s32 s30, v4;
	v19 =	vand.u32 $0xFF8, v19;
	v18 =	vor.u32 v1, v18  }
0x121: {  	v21 =	vadd.s32 s30, v5;
	v20 =	vand.u32 $0x1FF8, v20;
	v19 =	vor.u32 v1, v19  }
0x122: {  	v22 =	vadd.s32 s30, v6;
	v21 =	vand.u32 $0x1FF8, v21;
	v20 =	vor.u32 v1, v20  }
0x123: {  	v23 =	vadd.s32 s30, v7;
	v22 =	vand.u32 $0x3FF8, v22;
	v21 =	vor.u32 v1, v21  }
0x124: {  	v24 =	vadd.s32 s30, v8;
	v23 =	vand.u32 $0x3FF8, v23;
	v22 =	vor.u32 v1, v22;
	v17 =	vld.idx.msk [tilespmem:v17+s15+$0x0], $0xffff  }
0x125: {  	v24 =	vand.u32 $0x7FF8, v24;
	v23 =	vor.u32 v1, v23;
	v18 =	vld.idx.msk [tilespmem:v18+s15+$0x0], $0xffff  }
0x126: {  	v24 =	vor.u32 v1, v24;
	v19 =	vld.idx.msk [tilespmem:v19+s15+$0x0], $0xffff  }
0x127: {  	v20 =	vld.idx.msk [tilespmem:v20+s15+$0x0], $0xffff  }
0x128: {  	v21 =	vld.idx.msk [tilespmem:v21+s15+$0x0], $0xffff  }
0x129: {  	v22 =	vld.idx.msk [tilespmem:v22+s15+$0x0], $0xffff  }
0x12a: {  	v23 =	vld.idx.msk [tilespmem:v23+s15+$0x0], $0xffff  }
0x12b: {  	v24 =	vld.idx.msk [tilespmem:v24+s15+$0x0], $0xffff;
	[tilespmem:s29+$0xFFFFE000] =	vst v17  }
0x12c: {  	[tilespmem:s29+$0xFFFFE010] =	vst v18  }
0x12d: {  	s31 =	sadd.s32 $0xFFFFFFFA, s28;
	[tilespmem:s29+$0xFFFFE020] =	vst v19  }
0x12e: {  	v28 =	vadd.s32 s31, v4;
	[tilespmem:s29+$0xFFFFE030] =	vst v20  }
0x12f: {  	v29 =	vadd.s32 s31, v5;
	[tilespmem:s29+$0xFFFFE040] =	vst v21  }
0x130: {  	v30 =	vadd.s32 s31, v6;
	[tilespmem:s29+$0xFFFFE050] =	vst v22  }
0x131: {  	v31 =	vadd.s32 s31, v7;
	[tilespmem:s29+$0xFFFFE060] =	vst v23  }
0x132: {  	v32 =	vadd.s32 s31, v8;
	[tilespmem:s29+$0xFFFFE070] =	vst v24  }
0x133: {  	v17 =	vadd.s32 s31, v0;
	v20 =	vld.idx.msk [tilespmem:v28+s15+$0x0], $0xffff  }
0x134: {  	v18 =	vadd.s32 s31, v2;
	v21 =	vld.idx.msk [tilespmem:v29+s15+$0x0], $0xffff  }
0x135: {  	v19 =	vadd.s32 s31, v3;
	v22 =	vld.idx.msk [tilespmem:v30+s15+$0x0], $0xffff  }
0x136: {  	v23 =	vld.idx.msk [tilespmem:v31+s15+$0x0], $0xffff  }
0x137: {  	v24 =	vld.idx.msk [tilespmem:v32+s15+$0x0], $0xffff  }
0x138: {  	v17 =	vld.idx.msk [tilespmem:v17+s15+$0x0], $0xffff  }
0x139: {  	v18 =	vld.idx.msk [tilespmem:v18+s15+$0x0], $0xffff  }
0x13a: {  	v19 =	vld.idx.msk [tilespmem:v19+s15+$0x0], $0xffff;
	[tilespmem:s29+$0xFFFFE0B0] =	vst v20  }
0x13b: {  	[tilespmem:s29+$0xFFFFE0C0] =	vst v21  }
0x13c: {  	s1 =	sadd.s32 $0xFFFFFFFB, s28;
	[tilespmem:s29+$0xFFFFE0D0] =	vst v22  }
0x13d: {  	v33 =	vadd.s32 s1, v4;
	[tilespmem:s29+$0xFFFFE0E0] =	vst v23  }
0x13e: {  	v34 =	vadd.s32 s1, v5;
	[tilespmem:s29+$0xFFFFE0F0] =	vst v24  }
0x13f: {  	v35 =	vadd.s32 s1, v6;
	[tilespmem:s29+$0xFFFFE080] =	vst v17  }
0x140: {  	v36 =	vadd.s32 s1, v7;
	[tilespmem:s29+$0xFFFFE090] =	vst v18  }
0x141: {  	v37 =	vadd.s32 s1, v8;
	[tilespmem:s29+$0xFFFFE0A0] =	vst v19  }
0x142: {  	v17 =	vadd.s32 s1, v0;
	v20 =	vld.idx.msk [tilespmem:v33+s15+$0x0], $0xffff  }
0x143: {  	v18 =	vadd.s32 s1, v2;
	v21 =	vld.idx.msk [tilespmem:v34+s15+$0x0], $0xffff  }
0x144: {  	v19 =	vadd.s32 s1, v3;
	v22 =	vld.idx.msk [tilespmem:v35+s15+$0x0], $0xffff  }
0x145: {  	v23 =	vld.idx.msk [tilespmem:v36+s15+$0x0], $0xffff  }
0x146: {  	v24 =	vld.idx.msk [tilespmem:v37+s15+$0x0], $0xffff  }
0x147: {  	v17 =	vld.idx.msk [tilespmem:v17+s15+$0x0], $0xffff  }
0x148: {  	v18 =	vld.idx.msk [tilespmem:v18+s15+$0x0], $0xffff  }
0x149: {  	v19 =	vld.idx.msk [tilespmem:v19+s15+$0x0], $0xffff;
	[tilespmem:s29+$0xFFFFE130] =	vst v20  }
0x14a: {  	[tilespmem:s29+$0xFFFFE140] =	vst v21  }
0x14b: {  	s0 =	sadd.s32 $0xFFFFFFFC, s28;
	[tilespmem:s29+$0xFFFFE150] =	vst v22  }
0x14c: {  	v38 =	vadd.s32 s0, v4;
	[tilespmem:s29+$0xFFFFE160] =	vst v23  }
0x14d: {  	v39 =	vadd.s32 s0, v5;
	[tilespmem:s29+$0xFFFFE170] =	vst v24  }
0x14e: {  	v40 =	vadd.s32 s0, v6;
	[tilespmem:s29+$0xFFFFE100] =	vst v17  }
0x14f: {  	v41 =	vadd.s32 s0, v7;
	[tilespmem:s29+$0xFFFFE110] =	vst v18  }
0x150: {  	v42 =	vadd.s32 s0, v8;
	[tilespmem:s29+$0xFFFFE120] =	vst v19  }
0x151: {  	v17 =	vadd.s32 s0, v0;
	v20 =	vld.idx.msk [tilespmem:v38+s15+$0x0], $0xffff  }
0x152: {  	v18 =	vadd.s32 s0, v2;
	v21 =	vld.idx.msk [tilespmem:v39+s15+$0x0], $0xffff  }
0x153: {  	v19 =	vadd.s32 s0, v3;
	v22 =	vld.idx.msk [tilespmem:v40+s15+$0x0], $0xffff  }
0x154: {  	v23 =	vld.idx.msk [tilespmem:v41+s15+$0x0], $0xffff  }
0x155: {  	v24 =	vld.idx.msk [tilespmem:v42+s15+$0x0], $0xffff  }
0x156: {  	v17 =	vld.idx.msk [tilespmem:v17+s15+$0x0], $0xffff  }
0x157: {  	v18 =	vld.idx.msk [tilespmem:v18+s15+$0x0], $0xffff  }
0x158: {  	v19 =	vld.idx.msk [tilespmem:v19+s15+$0x0], $0xffff;
	[tilespmem:s29+$0xFFFFE1B0] =	vst v20  }
0x159: {  	[tilespmem:s29+$0xFFFFE1C0] =	vst v21  }
0x15a: {  	s9 =	sadd.s32 $0xFFFFFFFD, s28;
	[tilespmem:s29+$0xFFFFE1D0] =	vst v22  }
0x15b: {  	v43 =	vadd.s32 s9, v4;
	[tilespmem:s29+$0xFFFFE1E0] =	vst v23  }
0x15c: {  	v44 =	vadd.s32 s9, v5;
	[tilespmem:s29+$0xFFFFE1F0] =	vst v24  }
0x15d: {  	v45 =	vadd.s32 s9, v6;
	[tilespmem:s29+$0xFFFFE180] =	vst v17  }
0x15e: {  	v46 =	vadd.s32 s9, v7;
	[tilespmem:s29+$0xFFFFE190] =	vst v18  }
0x15f: {  	v47 =	vadd.s32 s9, v8;
	[tilespmem:s29+$0xFFFFE1A0] =	vst v19  }
0x160: {  	v17 =	vadd.s32 s9, v0;
	v20 =	vld.idx.msk [tilespmem:v43+s15+$0x0], $0xffff  }
0x161: {  	v18 =	vadd.s32 s9, v2;
	v21 =	vld.idx.msk [tilespmem:v44+s15+$0x0], $0xffff  }
0x162: {  	v19 =	vadd.s32 s9, v3;
	v22 =	vld.idx.msk [tilespmem:v45+s15+$0x0], $0xffff  }
0x163: {  	v23 =	vld.idx.msk [tilespmem:v46+s15+$0x0], $0xffff  }
0x164: {  	v24 =	vld.idx.msk [tilespmem:v47+s15+$0x0], $0xffff  }
0x165: {  	v17 =	vld.idx.msk [tilespmem:v17+s15+$0x0], $0xffff  }
0x166: {  	v18 =	vld.idx.msk [tilespmem:v18+s15+$0x0], $0xffff  }
0x167: {  	v19 =	vld.idx.msk [tilespmem:v19+s15+$0x0], $0xffff;
	[tilespmem:s29+$0xFFFFE230] =	vst v20  }
0x168: {  	[tilespmem:s29+$0xFFFFE240] =	vst v21  }
0x169: {  	s5 =	sadd.s32 $0xFFFFFFFE, s28;
	[tilespmem:s29+$0xFFFFE250] =	vst v22  }
0x16a: {  	v48 =	vadd.s32 s5, v4;
	[tilespmem:s29+$0xFFFFE260] =	vst v23  }
0x16b: {  	v49 =	vadd.s32 s5, v5;
	[tilespmem:s29+$0xFFFFE270] =	vst v24  }
0x16c: {  	v50 =	vadd.s32 s5, v6;
	[tilespmem:s29+$0xFFFFE200] =	vst v17  }
0x16d: {  	v51 =	vadd.s32 s5, v7;
	[tilespmem:s29+$0xFFFFE210] =	vst v18  }
0x16e: {  	v52 =	vadd.s32 s5, v8;
	[tilespmem:s29+$0xFFFFE220] =	vst v19  }
0x16f: {  	v17 =	vadd.s32 s5, v0;
	v20 =	vld.idx.msk [tilespmem:v48+s15+$0x0], $0xffff  }
0x170: {  	v18 =	vadd.s32 s5, v2;
	v21 =	vld.idx.msk [tilespmem:v49+s15+$0x0], $0xffff  }
0x171: {  	v19 =	vadd.s32 s5, v3;
	v22 =	vld.idx.msk [tilespmem:v50+s15+$0x0], $0xffff  }
0x172: {  	v23 =	vld.idx.msk [tilespmem:v51+s15+$0x0], $0xffff  }
0x173: {  	v24 =	vld.idx.msk [tilespmem:v52+s15+$0x0], $0xffff  }
0x174: {  	v17 =	vld.idx.msk [tilespmem:v17+s15+$0x0], $0xffff  }
0x175: {  	v18 =	vld.idx.msk [tilespmem:v18+s15+$0x0], $0xffff  }
0x176: {  	v19 =	vld.idx.msk [tilespmem:v19+s15+$0x0], $0xffff;
	[tilespmem:s29+$0xFFFFE2B0] =	vst v20  }
0x177: {  	[tilespmem:s29+$0xFFFFE2C0] =	vst v21  }
0x178: {  	s6 =	sadd.s32 $0xFFFFFFFF, s28;
	[tilespmem:s29+$0xFFFFE2D0] =	vst v22  }
0x179: {  	v53 =	vadd.s32 s6, v4;
	[tilespmem:s29+$0xFFFFE2E0] =	vst v23  }
0x17a: {  	v54 =	vadd.s32 s6, v5;
	[tilespmem:s29+$0xFFFFE2F0] =	vst v24  }
0x17b: {  	v55 =	vadd.s32 s6, v6;
	[tilespmem:s29+$0xFFFFE280] =	vst v17  }
0x17c: {  	v56 =	vadd.s32 s6, v7;
	[tilespmem:s29+$0xFFFFE290] =	vst v18  }
0x17d: {  	v57 =	vadd.s32 s6, v8;
	[tilespmem:s29+$0xFFFFE2A0] =	vst v19  }
0x17e: {  	v17 =	vadd.s32 s6, v0;
	v20 =	vld.idx.msk [tilespmem:v53+s15+$0x0], $0xffff  }
0x17f: {  	v18 =	vadd.s32 s6, v2;
	v21 =	vld.idx.msk [tilespmem:v54+s15+$0x0], $0xffff  }
0x180: {  	v19 =	vadd.s32 s6, v3;
	v22 =	vld.idx.msk [tilespmem:v55+s15+$0x0], $0xffff  }
0x181: {  	v23 =	vld.idx.msk [tilespmem:v56+s15+$0x0], $0xffff  }
0x182: {  	v24 =	vld.idx.msk [tilespmem:v57+s15+$0x0], $0xffff  }
0x183: {  	v17 =	vld.idx.msk [tilespmem:v17+s15+$0x0], $0xffff  }
0x184: {  	v18 =	vld.idx.msk [tilespmem:v18+s15+$0x0], $0xffff  }
0x185: {  	v19 =	vld.idx.msk [tilespmem:v19+s15+$0x0], $0xffff;
	[tilespmem:s29+$0xFFFFE330] =	vst v20  }
0x186: {  	[tilespmem:s29+$0xFFFFE340] =	vst v21  }
0x187: {  	[tilespmem:s29+$0xFFFFE350] =	vst v22  }
0x188: {  	v58 =	vadd.s32 s28, v4;
	[tilespmem:s29+$0xFFFFE360] =	vst v23  }
0x189: {  	v59 =	vadd.s32 s28, v5;
	[tilespmem:s29+$0xFFFFE370] =	vst v24  }
0x18a: {  	v60 =	vadd.s32 s28, v6;
	[tilespmem:s29+$0xFFFFE300] =	vst v17  }
0x18b: {  	v61 =	vadd.s32 s28, v7;
	[tilespmem:s29+$0xFFFFE310] =	vst v18  }
0x18c: {  	v62 =	vadd.s32 s28, v8;
	[tilespmem:s29+$0xFFFFE320] =	vst v19  }
0x18d: {  	v17 =	vadd.s32 s28, v0;
	v20 =	vld.idx.msk [tilespmem:v58+s15+$0x0], $0xffff  }
0x18e: {  	v18 =	vadd.s32 s28, v2;
	v21 =	vld.idx.msk [tilespmem:v59+s15+$0x0], $0xffff  }
0x18f: {  	v19 =	vadd.s32 s28, v3;
	v22 =	vld.idx.msk [tilespmem:v60+s15+$0x0], $0xffff  }
0x190: {  	v23 =	vld.idx.msk [tilespmem:v61+s15+$0x0], $0xffff  }
0x191: {  	v24 =	vld.idx.msk [tilespmem:v62+s15+$0x0], $0xffff  }
0x192: {  	v17 =	vld.idx.msk [tilespmem:v17+s15+$0x0], $0xffff  }
0x193: {  	v18 =	vld.idx.msk [tilespmem:v18+s15+$0x0], $0xffff  }
0x194: {  	v19 =	vld.idx.msk [tilespmem:v19+s15+$0x0], $0xffff;
	[tilespmem:s29+$0xFFFFE3B0] =	vst v20  }
0x195: {  	v63 =	vadd.s32 s30, v12;
	[tilespmem:s29+$0xFFFFE3C0] =	vst v21  }
0x196: {  	v25 =	vadd.s32 s30, v13;
	[tilespmem:s29+$0xFFFFE3D0] =	vst v22;
	v20 =	vand.u32 $0x7FF8, v63  }
0x197: {  	v26 =	vadd.s32 s30, v14;
	[tilespmem:s29+$0xFFFFE3E0] =	vst v23;
	v21 =	vand.u32 $0x3FF8, v25;
	v20 =	vor.u32 v1, v20  }
0x198: {  	v27 =	vadd.s32 s30, v15;
	[tilespmem:s29+$0xFFFFE3F0] =	vst v24;
	v22 =	vand.u32 $0x7FF8, v26;
	v21 =	vor.u32 v1, v21  }
0x199: {  	v28 =	vadd.s32 s30, v16;
	v23 =	vand.u32 $0x7FF8, v27;
	v22 =	vor.u32 v1, v22;
	[tilespmem:s29+$0xFFFFE380] =	vst v17  }
0x19a: {  	v24 =	vand.u32 $0xFFF8, v28;
	v23 =	vor.u32 v1, v23;
	[tilespmem:s29+$0xFFFFE390] =	vst v18;
	v17 =	vadd.s32 s30, v9  }
0x19b: {  	v24 =	vor.u32 v1, v24;
	[tilespmem:s29+$0xFFFFE3A0] =	vst v19;
	v18 =	vadd.s32 s30, v10;
	v17 =	vand.u32 $0x2FF8, v17  }
0x19c: {  	v19 =	vadd.s32 s30, v11;
	v18 =	vand.u32 $0x3FF8, v18;
	v17 =	vor.u32 v1, v17;
	v20 =	vld.idx.msk [tilespmem:v20+s15+$0x0], $0xffff  }
0x19d: {  	v19 =	vand.u32 $0x3FF8, v19;
	v18 =	vor.u32 v1, v18;
	v21 =	vld.idx.msk [tilespmem:v21+s15+$0x0], $0xffff  }
0x19e: {  	v19 =	vor.u32 v1, v19;
	v22 =	vld.idx.msk [tilespmem:v22+s15+$0x0], $0xffff  }
0x19f: {  	v23 =	vld.idx.msk [tilespmem:v23+s15+$0x0], $0xffff  }
0x1a0: {  	v24 =	vld.idx.msk [tilespmem:v24+s15+$0x0], $0xffff  }
0x1a1: {  	v17 =	vld.idx.msk [tilespmem:v17+s15+$0x0], $0xffff  }
0x1a2: {  	v18 =	vld.idx.msk [tilespmem:v18+s15+$0x0], $0xffff  }
0x1a3: {  	v19 =	vld.idx.msk [tilespmem:v19+s15+$0x0], $0xffff;
	[tilespmem:s29+$0x30] =	vst v20  }
0x1a4: {  	[tilespmem:s29+$0x40] =	vst v21  }
0x1a5: {  	[tilespmem:s29+$0x50] =	vst v22  }
0x1a6: {  	v29 =	vadd.s32 s31, v12;
	[tilespmem:s29+$0x60] =	vst v23  }
0x1a7: {  	v30 =	vadd.s32 s31, v13;
	[tilespmem:s29+$0x70] =	vst v24  }
0x1a8: {  	v31 =	vadd.s32 s31, v14;
	[tilespmem:s29+$0x0] =	vst v17  }
0x1a9: {  	v32 =	vadd.s32 s31, v15;
	[tilespmem:s29+$0x10] =	vst v18  }
0x1aa: {  	v33 =	vadd.s32 s31, v16;
	[tilespmem:s29+$0x20] =	vst v19  }
0x1ab: {  	v17 =	vadd.s32 s31, v9;
	v20 =	vld.idx.msk [tilespmem:v29+s15+$0x0], $0xffff  }
0x1ac: {  	v18 =	vadd.s32 s31, v10;
	v21 =	vld.idx.msk [tilespmem:v30+s15+$0x0], $0xffff  }
0x1ad: {  	v19 =	vadd.s32 s31, v11;
	v22 =	vld.idx.msk [tilespmem:v31+s15+$0x0], $0xffff  }
0x1ae: {  	v23 =	vld.idx.msk [tilespmem:v32+s15+$0x0], $0xffff  }
0x1af: {  	v24 =	vld.idx.msk [tilespmem:v33+s15+$0x0], $0xffff  }
0x1b0: {  	v17 =	vld.idx.msk [tilespmem:v17+s15+$0x0], $0xffff  }
0x1b1: {  	v18 =	vld.idx.msk [tilespmem:v18+s15+$0x0], $0xffff  }
0x1b2: {  	v19 =	vld.idx.msk [tilespmem:v19+s15+$0x0], $0xffff;
	[tilespmem:s29+$0xB0] =	vst v20  }
0x1b3: {  	[tilespmem:s29+$0xC0] =	vst v21  }
0x1b4: {  	[tilespmem:s29+$0xD0] =	vst v22  }
0x1b5: {  	v34 =	vadd.s32 s1, v12;
	[tilespmem:s29+$0xE0] =	vst v23  }
0x1b6: {  	v35 =	vadd.s32 s1, v13;
	[tilespmem:s29+$0xF0] =	vst v24  }
0x1b7: {  	v36 =	vadd.s32 s1, v14;
	[tilespmem:s29+$0x80] =	vst v17  }
0x1b8: {  	v37 =	vadd.s32 s1, v15;
	[tilespmem:s29+$0x90] =	vst v18  }
0x1b9: {  	v38 =	vadd.s32 s1, v16;
	[tilespmem:s29+$0xA0] =	vst v19  }
0x1ba: {  	v17 =	vadd.s32 s1, v9;
	v20 =	vld.idx.msk [tilespmem:v34+s15+$0x0], $0xffff  }
0x1bb: {  	v18 =	vadd.s32 s1, v10;
	v21 =	vld.idx.msk [tilespmem:v35+s15+$0x0], $0xffff  }
0x1bc: {  	v19 =	vadd.s32 s1, v11;
	v22 =	vld.idx.msk [tilespmem:v36+s15+$0x0], $0xffff  }
0x1bd: {  	v23 =	vld.idx.msk [tilespmem:v37+s15+$0x0], $0xffff  }
0x1be: {  	v24 =	vld.idx.msk [tilespmem:v38+s15+$0x0], $0xffff  }
0x1bf: {  	v17 =	vld.idx.msk [tilespmem:v17+s15+$0x0], $0xffff  }
0x1c0: {  	v18 =	vld.idx.msk [tilespmem:v18+s15+$0x0], $0xffff  }
0x1c1: {  	v19 =	vld.idx.msk [tilespmem:v19+s15+$0x0], $0xffff;
	[tilespmem:s29+$0x130] =	vst v20  }
0x1c2: {  	[tilespmem:s29+$0x140] =	vst v21  }
0x1c3: {  	[tilespmem:s29+$0x150] =	vst v22  }
0x1c4: {  	v39 =	vadd.s32 s0, v12;
	[tilespmem:s29+$0x160] =	vst v23  }
0x1c5: {  	v40 =	vadd.s32 s0, v13;
	[tilespmem:s29+$0x170] =	vst v24  }
0x1c6: {  	v41 =	vadd.s32 s0, v14;
	[tilespmem:s29+$0x100] =	vst v17  }
0x1c7: {  	v42 =	vadd.s32 s0, v15;
	[tilespmem:s29+$0x110] =	vst v18  }
0x1c8: {  	v43 =	vadd.s32 s0, v16;
	[tilespmem:s29+$0x120] =	vst v19  }
0x1c9: {  	v17 =	vadd.s32 s0, v9;
	v20 =	vld.idx.msk [tilespmem:v39+s15+$0x0], $0xffff  }
0x1ca: {  	v18 =	vadd.s32 s0, v10;
	v21 =	vld.idx.msk [tilespmem:v40+s15+$0x0], $0xffff  }
0x1cb: {  	v19 =	vadd.s32 s0, v11;
	v22 =	vld.idx.msk [tilespmem:v41+s15+$0x0], $0xffff  }
0x1cc: {  	v23 =	vld.idx.msk [tilespmem:v42+s15+$0x0], $0xffff  }
0x1cd: {  	v24 =	vld.idx.msk [tilespmem:v43+s15+$0x0], $0xffff  }
0x1ce: {  	v17 =	vld.idx.msk [tilespmem:v17+s15+$0x0], $0xffff  }
0x1cf: {  	v18 =	vld.idx.msk [tilespmem:v18+s15+$0x0], $0xffff  }
0x1d0: {  	v19 =	vld.idx.msk [tilespmem:v19+s15+$0x0], $0xffff;
	[tilespmem:s29+$0x1B0] =	vst v20  }
0x1d1: {  	[tilespmem:s29+$0x1C0] =	vst v21  }
0x1d2: {  	[tilespmem:s29+$0x1D0] =	vst v22  }
0x1d3: {  	v44 =	vadd.s32 s9, v12;
	[tilespmem:s29+$0x1E0] =	vst v23  }
0x1d4: {  	v45 =	vadd.s32 s9, v13;
	[tilespmem:s29+$0x1F0] =	vst v24  }
0x1d5: {  	v46 =	vadd.s32 s9, v14;
	[tilespmem:s29+$0x180] =	vst v17  }
0x1d6: {  	v47 =	vadd.s32 s9, v15;
	[tilespmem:s29+$0x190] =	vst v18  }
0x1d7: {  	v48 =	vadd.s32 s9, v16;
	[tilespmem:s29+$0x1A0] =	vst v19  }
0x1d8: {  	v17 =	vadd.s32 s9, v9;
	v20 =	vld.idx.msk [tilespmem:v44+s15+$0x0], $0xffff  }
0x1d9: {  	v18 =	vadd.s32 s9, v10;
	v21 =	vld.idx.msk [tilespmem:v45+s15+$0x0], $0xffff  }
0x1da: {  	v19 =	vadd.s32 s9, v11;
	v22 =	vld.idx.msk [tilespmem:v46+s15+$0x0], $0xffff  }
0x1db: {  	v23 =	vld.idx.msk [tilespmem:v47+s15+$0x0], $0xffff  }
0x1dc: {  	v24 =	vld.idx.msk [tilespmem:v48+s15+$0x0], $0xffff  }
0x1dd: {  	v17 =	vld.idx.msk [tilespmem:v17+s15+$0x0], $0xffff  }
0x1de: {  	v18 =	vld.idx.msk [tilespmem:v18+s15+$0x0], $0xffff  }
0x1df: {  	v19 =	vld.idx.msk [tilespmem:v19+s15+$0x0], $0xffff;
	[tilespmem:s29+$0x230] =	vst v20  }
0x1e0: {  	[tilespmem:s29+$0x240] =	vst v21  }
0x1e1: {  	[tilespmem:s29+$0x250] =	vst v22  }
0x1e2: {  	v49 =	vadd.s32 s5, v12;
	[tilespmem:s29+$0x260] =	vst v23  }
0x1e3: {  	v50 =	vadd.s32 s5, v13;
	[tilespmem:s29+$0x270] =	vst v24  }
0x1e4: {  	v51 =	vadd.s32 s5, v14;
	[tilespmem:s29+$0x200] =	vst v17  }
0x1e5: {  	v52 =	vadd.s32 s5, v15;
	[tilespmem:s29+$0x210] =	vst v18  }
0x1e6: {  	v53 =	vadd.s32 s5, v16;
	[tilespmem:s29+$0x220] =	vst v19  }
0x1e7: {  	v17 =	vadd.s32 s5, v9;
	v20 =	vld.idx.msk [tilespmem:v49+s15+$0x0], $0xffff  }
0x1e8: {  	v18 =	vadd.s32 s5, v10;
	v21 =	vld.idx.msk [tilespmem:v50+s15+$0x0], $0xffff  }
0x1e9: {  	v19 =	vadd.s32 s5, v11;
	v22 =	vld.idx.msk [tilespmem:v51+s15+$0x0], $0xffff  }
0x1ea: {  	v23 =	vld.idx.msk [tilespmem:v52+s15+$0x0], $0xffff  }
0x1eb: {  	v24 =	vld.idx.msk [tilespmem:v53+s15+$0x0], $0xffff  }
0x1ec: {  	v17 =	vld.idx.msk [tilespmem:v17+s15+$0x0], $0xffff  }
0x1ed: {  	v18 =	vld.idx.msk [tilespmem:v18+s15+$0x0], $0xffff  }
0x1ee: {  	v19 =	vld.idx.msk [tilespmem:v19+s15+$0x0], $0xffff;
	[tilespmem:s29+$0x2B0] =	vst v20  }
0x1ef: {  	[tilespmem:s29+$0x2C0] =	vst v21  }
0x1f0: {  	[tilespmem:s29+$0x2D0] =	vst v22  }
0x1f1: {  	v54 =	vadd.s32 s6, v12;
	[tilespmem:s29+$0x2E0] =	vst v23  }
0x1f2: {  	v55 =	vadd.s32 s6, v13;
	[tilespmem:s29+$0x2F0] =	vst v24  }
0x1f3: {  	v56 =	vadd.s32 s6, v14;
	[tilespmem:s29+$0x280] =	vst v17  }
0x1f4: {  	v57 =	vadd.s32 s6, v15;
	[tilespmem:s29+$0x290] =	vst v18  }
0x1f5: {  	v58 =	vadd.s32 s6, v16;
	[tilespmem:s29+$0x2A0] =	vst v19  }
0x1f6: {  	v17 =	vadd.s32 s6, v9;
	v20 =	vld.idx.msk [tilespmem:v54+s15+$0x0], $0xffff  }
0x1f7: {  	v18 =	vadd.s32 s6, v10;
	v21 =	vld.idx.msk [tilespmem:v55+s15+$0x0], $0xffff  }
0x1f8: {  	v19 =	vadd.s32 s6, v11;
	v22 =	vld.idx.msk [tilespmem:v56+s15+$0x0], $0xffff  }
0x1f9: {  	v23 =	vld.idx.msk [tilespmem:v57+s15+$0x0], $0xffff  }
0x1fa: {  	v24 =	vld.idx.msk [tilespmem:v58+s15+$0x0], $0xffff  }
0x1fb: {  	v17 =	vld.idx.msk [tilespmem:v17+s15+$0x0], $0xffff  }
0x1fc: {  	v18 =	vld.idx.msk [tilespmem:v18+s15+$0x0], $0xffff  }
0x1fd: {  	v19 =	vld.idx.msk [tilespmem:v19+s15+$0x0], $0xffff;
	[tilespmem:s29+$0x330] =	vst v20  }
0x1fe: {  	[tilespmem:s29+$0x340] =	vst v21  }
0x1ff: {  	[tilespmem:s29+$0x350] =	vst v22  }
0x200: {  	v59 =	vadd.s32 s28, v12;
	[tilespmem:s29+$0x360] =	vst v23  }
0x201: {  	v60 =	vadd.s32 s28, v13;
	[tilespmem:s29+$0x370] =	vst v24  }
0x202: {  	v61 =	vadd.s32 s28, v14;
	[tilespmem:s29+$0x300] =	vst v17  }
0x203: {  	v62 =	vadd.s32 s28, v15;
	[tilespmem:s29+$0x310] =	vst v18  }
0x204: {  	v63 =	vadd.s32 s28, v16;
	[tilespmem:s29+$0x320] =	vst v19  }
0x205: {  	v17 =	vadd.s32 s28, v9;
	v20 =	vld.idx.msk [tilespmem:v59+s15+$0x0], $0xffff  }
0x206: {  	v18 =	vadd.s32 s28, v10;
	v21 =	vld.idx.msk [tilespmem:v60+s15+$0x0], $0xffff  }
0x207: {  	v19 =	vadd.s32 s28, v11;
	v22 =	vld.idx.msk [tilespmem:v61+s15+$0x0], $0xffff  }
0x208: {  	v23 =	vld.idx.msk [tilespmem:v62+s15+$0x0], $0xffff  }
0x209: {  	v24 =	vld.idx.msk [tilespmem:v63+s15+$0x0], $0xffff  }
0x20a: {  	v17 =	vld.idx.msk [tilespmem:v17+s15+$0x0], $0xffff  }
0x20b: {  	v18 =	vld.idx.msk [tilespmem:v18+s15+$0x0], $0xffff  }
0x20c: {  	v19 =	vld.idx.msk [tilespmem:v19+s15+$0x0], $0xffff;
	[tilespmem:s29+$0x3B0] =	vst v20  }
0x20d: {  	[tilespmem:s29+$0x3C0] =	vst v21  }
0x20e: {  	p1 =	sne.s32 s28, $0x3F;
	[tilespmem:s29+$0x3D0] =	vst v22  }
.Ltmp2:
0x20f: {  	[tilespmem:s29+$0x3E0] =	vst v23;
	(pc) =	sbr.rel @p1 .LBB2_7-.Ltmp2, $4  }
0x210: {  	[tilespmem:s29+$0x3F0] =	vst v24  }
0x211: {  	[tilespmem:s29+$0x380] =	vst v17  }
0x212: {  	[tilespmem:s29+$0x390] =	vst v18  }
0x213: {  	s28 =	sadd.s32 $0x8, s28;
	[tilespmem:s29+$0x3A0] =	vst v19;
	s29 =	sadd.s32 $0x400, s29  }
0x214: {  	s0 =	sshll.u32 s24, $0x14  }
0x215: {  	s0 =	sor.u32 s7, s0  }
0x216: {  	s0 =	sshrl.u32 s0, $0x3  }
0x217: {  	s0 =	sadd.s32 s2, s0  }
0x218: {  	[hbm4b:s0+s16] =	stream.strided.scatter [tilespmem:s18], [sflag:$0x3], $0x4000, s17, s16, $0x38;
	[tilespmem:$0x1D700] =	vst v63  }
0x219: {  	_ =	swait.ge [sflag:s19], $0x4000  }
0x21a: {  	[sflag:s19] =	ssyncset.done $0x0  }
0x21b: {  	s1 =	sadd.s32 $0x2, s26;
	s0 =	simm.s32 @!p0 $0x4;
	[sflag:s19] =	ssyncadd.s32 $0xFFFFC000  }
0x21c: {  	p1 =	seq.s32 s1, $0x64;
	s1 =	sshll.u32 s1, $0xA;
	_ =	swait.ge @!p0 [sflag:s0], $0x4000  }
0x21d: {  	s31 =	sshll.u32 s25, $0x7;
	s1 =	simm.s32 @p1 $0x0;
	[sflag:s0] =	ssyncset.done @!p0 $0x0  }
0x21e: {  	s26 =	sand.u32 $0x3FFFFF80, s31;
	s30 =	sshrl.u32 s1, $0x2;
	[sflag:s0] =	ssyncadd.s32 @!p0 $0xFFFFC000  }
0x21f: {  	[tilespmem:s12], [sflag:$0x1] =	stream.indirect.gather [hbm4b:s4+s11], $0x40, s30, s11, $0xb8;
	[tilespmem:$0x1D700] =	vst v63  }
0x220: {  	v18 =	vld [tilespmem:s26+$0x1A500]  }
0x221: {  	v17 =	vld [tilespmem:s26+$0x1A510]  }
0x222: {  	v19 =	vld [tilespmem:s26+$0x1A520]  }
0x223: {  	s28 =	simm.s32 $0xA500;
	v20 =	vld [tilespmem:s26+$0x1A530]  }
0x224: {  	v21 =	vld [tilespmem:s28+$0xFFFFFF30]  }
0x225: {  	v22 =	vld [tilespmem:s28+$0xFFFFFF20]  }
0x226: {  	v23 =	vld [tilespmem:s28+$0xFFFFFF00]  }
0x227: {  	v24 =	vld [tilespmem:s28+$0xFFFFFF10];
	_ =	sdelay $0x1  }
0x228: {  	v21 =	vadd.f32 v21, v20  }
0x229: {  	s29 =	simm.s32 $0x1F7;
	v22 =	vadd.f32 v22, v19  }
0x22a: {  	v23 =	vadd.f32 v23, v18;
	[tilespmem:s29+$0xE239] =	vst v21  }
0x22b: {  	v21 =	vadd.f32 v24, v17;
	[tilespmem:s29+$0xE229] =	vst v22  }
0x22c: {  	[tilespmem:s29+$0xE209] =	vst v23  }
0x22d: {  	[tilespmem:s29+$0xE219] =	vst v21  }
0x22e: {  	v21 =	vld [tilespmem:s28+$0xFFFFFF70]  }
0x22f: {  	v22 =	vld [tilespmem:s28+$0xFFFFFF50]  }
0x230: {  	v23 =	vld [tilespmem:s28+$0xFFFFFF40]  }
0x231: {  	v59 =	vld [tilespmem:s28+$0xFFFFFF60];
	_ =	sdelay $0x1  }
0x232: {  	v21 =	vadd.f32 v21, v20  }
0x233: {  	v22 =	vadd.f32 v22, v17  }
0x234: {  	v23 =	vadd.f32 v23, v18;
	[tilespmem:s29+$0xE27A] =	vst v21  }
0x235: {  	v21 =	vadd.f32 v59, v19;
	[tilespmem:s29+$0xE25A] =	vst v22  }
0x236: {  	[tilespmem:s29+$0xE24A] =	vst v23  }
0x237: {  	[tilespmem:s29+$0xE26A] =	vst v21  }
0x238: {  	v21 =	vld [tilespmem:s28+$0xFFFFFF80]  }
0x239: {  	v22 =	vld [tilespmem:s28+$0xFFFFFF90]  }
0x23a: {  	v23 =	vld [tilespmem:s28+$0xFFFFFFA0]  }
0x23b: {  	v60 =	vld [tilespmem:s28+$0xFFFFFFB0];
	_ =	sdelay $0x1  }
0x23c: {  	v21 =	vadd.f32 v21, v18  }
0x23d: {  	v22 =	vadd.f32 v22, v17  }
0x23e: {  	v23 =	vadd.f32 v23, v19;
	[tilespmem:s29+$0xE28B] =	vst v21  }
0x23f: {  	v21 =	vadd.f32 v60, v20;
	[tilespmem:s29+$0xE29B] =	vst v22  }
0x240: {  	[tilespmem:s29+$0xE2AB] =	vst v23  }
0x241: {  	[tilespmem:s29+$0xE2BB] =	vst v21  }
0x242: {  	v21 =	vld [tilespmem:s28+$0xFFFFFFE0]  }
0x243: {  	v22 =	vld [tilespmem:s28+$0xFFFFFFD0]  }
0x244: {  	v23 =	vld [tilespmem:s28+$0xFFFFFFC0]  }
0x245: {  	v61 =	vld [tilespmem:s28+$0xFFFFFFF0];
	_ =	sdelay $0x1  }
0x246: {  	v21 =	vadd.f32 v21, v19  }
0x247: {  	v22 =	vadd.f32 v22, v17  }
0x248: {  	v23 =	vadd.f32 v23, v18;
	[tilespmem:s29+$0xE2EC] =	vst v21  }
0x249: {  	v21 =	vadd.f32 v61, v20;
	[tilespmem:s29+$0xE2DC] =	vst v22  }
0x24a: {  	[tilespmem:s29+$0xE2CC] =	vst v23  }
0x24b: {  	[tilespmem:s29+$0xE2FC] =	vst v21  }
0x24c: {  	v21 =	vld [tilespmem:s28+$0x0]  }
0x24d: {  	v22 =	vld [tilespmem:s28+$0x10]  }
0x24e: {  	v23 =	vld [tilespmem:s28+$0x20]  }
0x24f: {  	v62 =	vld [tilespmem:s28+$0x30];
	_ =	sdelay $0x1  }
0x250: {  	v21 =	vadd.f32 v21, v18  }
0x251: {  	v22 =	vadd.f32 v22, v17  }
0x252: {  	v23 =	vadd.f32 v23, v19;
	[tilespmem:s29+$0xE30D] =	vst v21  }
0x253: {  	v21 =	vadd.f32 v62, v20;
	[tilespmem:s29+$0xE31D] =	vst v22  }
0x254: {  	[tilespmem:s29+$0xE32D] =	vst v23  }
0x255: {  	[tilespmem:s29+$0xE33D] =	vst v21  }
0x256: {  	v21 =	vld [tilespmem:s28+$0x60]  }
0x257: {  	v22 =	vld [tilespmem:s28+$0x70]  }
0x258: {  	v23 =	vld [tilespmem:s28+$0x40]  }
0x259: {  	v63 =	vld [tilespmem:s28+$0x50];
	_ =	sdelay $0x1  }
0x25a: {  	v21 =	vadd.f32 v21, v19  }
0x25b: {  	v22 =	vadd.f32 v22, v20  }
0x25c: {  	v23 =	vadd.f32 v23, v18;
	[tilespmem:s29+$0xE36E] =	vst v21  }
0x25d: {  	v21 =	vadd.f32 v63, v17;
	[tilespmem:s29+$0xE37E] =	vst v22  }
0x25e: {  	[tilespmem:s29+$0xE34E] =	vst v23  }
0x25f: {  	s1 =	simm.s32 $0xA500;
	s0 =	simm.s32 $0xFFC;
	[tilespmem:s29+$0xE35E] =	vst v21  }
.LBB2_9:
0x260: {  	p0 =	sne.s32 s0, $0x81BC  }
0x261: {  	v21 =	vld [tilespmem:s28+$0xB0];
	s1 =	sadd.s32 $0x200, s1;
	s5 =	smov.u32 s0;
	s0 =	sadd.s32 $0x820, s0  }
0x262: {  	v22 =	vld [tilespmem:s28+$0xA0]  }
0x263: {  	v23 =	vld [tilespmem:s28+$0x90]  }
0x264: {  	v24 =	vld [tilespmem:s28+$0x80];
	_ =	sdelay $0x1  }
0x265: {  	v21 =	vadd.f32 v21, v20  }
0x266: {  	v22 =	vadd.f32 v22, v19  }
0x267: {  	v23 =	vadd.f32 v23, v17;
	[tilespmem:s29+$0xE3BF] =	vst v21  }
0x268: {  	v21 =	vadd.f32 v24, v18;
	[tilespmem:s29+$0xE3AF] =	vst v22  }
0x269: {  	[tilespmem:s29+$0xE39F] =	vst v23  }
0x26a: {  	[tilespmem:s29+$0xE38F] =	vst v21  }
0x26b: {  	v21 =	vld [tilespmem:s28+$0xF0]  }
0x26c: {  	v22 =	vld [tilespmem:s28+$0xC0]  }
0x26d: {  	v23 =	vld [tilespmem:s28+$0xE0]  }
0x26e: {  	v24 =	vld [tilespmem:s28+$0xD0];
	s28 =	smov.u32 s1;
	_ =	sdelay $0x1  }
0x26f: {  	v21 =	vadd.f32 v21, v20  }
0x270: {  	v22 =	vadd.f32 v22, v18  }
0x271: {  	v23 =	vadd.f32 v23, v19;
	[tilespmem:s29+$0xE400] =	vst v21  }
0x272: {  	v21 =	vadd.f32 v24, v17;
	[tilespmem:s29+$0xE3D0] =	vst v22  }
0x273: {  	[tilespmem:s29+$0xE3F0] =	vst v23  }
0x274: {  	[tilespmem:s29+$0xE3E0] =	vst v21  }
0x275: {  	v21 =	vld [tilespmem:s1+$0xFFFFFF30]  }
0x276: {  	v22 =	vld [tilespmem:s1+$0xFFFFFF20]  }
0x277: {  	v23 =	vld [tilespmem:s1+$0xFFFFFF00]  }
0x278: {  	v24 =	vld [tilespmem:s1+$0xFFFFFF10];
	_ =	sdelay $0x1  }
0x279: {  	v21 =	vadd.f32 v21, v20  }
0x27a: {  	s29 =	sshra.s32 s5, $0x2;
	v22 =	vadd.f32 v22, v19  }
0x27b: {  	v23 =	vadd.f32 v23, v18;
	[tilespmem:s29+$0xE239] =	vst v21  }
0x27c: {  	v21 =	vadd.f32 v24, v17;
	[tilespmem:s29+$0xE229] =	vst v22  }
0x27d: {  	[tilespmem:s29+$0xE209] =	vst v23  }
0x27e: {  	[tilespmem:s29+$0xE219] =	vst v21  }
0x27f: {  	v21 =	vld [tilespmem:s1+$0xFFFFFF70]  }
0x280: {  	v22 =	vld [tilespmem:s1+$0xFFFFFF50]  }
0x281: {  	v23 =	vld [tilespmem:s1+$0xFFFFFF40]  }
0x282: {  	v24 =	vld [tilespmem:s1+$0xFFFFFF60];
	_ =	sdelay $0x1  }
0x283: {  	v21 =	vadd.f32 v21, v20  }
0x284: {  	v22 =	vadd.f32 v22, v17  }
0x285: {  	v23 =	vadd.f32 v23, v18;
	[tilespmem:s29+$0xE27A] =	vst v21  }
0x286: {  	v21 =	vadd.f32 v24, v19;
	[tilespmem:s29+$0xE25A] =	vst v22  }
0x287: {  	[tilespmem:s29+$0xE24A] =	vst v23  }
0x288: {  	[tilespmem:s29+$0xE26A] =	vst v21  }
0x289: {  	v21 =	vld [tilespmem:s1+$0xFFFFFF80]  }
0x28a: {  	v22 =	vld [tilespmem:s1+$0xFFFFFF90]  }
0x28b: {  	v23 =	vld [tilespmem:s1+$0xFFFFFFA0]  }
0x28c: {  	v24 =	vld [tilespmem:s1+$0xFFFFFFB0];
	_ =	sdelay $0x1  }
0x28d: {  	v21 =	vadd.f32 v21, v18  }
0x28e: {  	v22 =	vadd.f32 v22, v17  }
0x28f: {  	v23 =	vadd.f32 v23, v19;
	[tilespmem:s29+$0xE28B] =	vst v21  }
0x290: {  	v21 =	vadd.f32 v24, v20;
	[tilespmem:s29+$0xE29B] =	vst v22  }
0x291: {  	[tilespmem:s29+$0xE2AB] =	vst v23  }
0x292: {  	[tilespmem:s29+$0xE2BB] =	vst v21  }
0x293: {  	v21 =	vld [tilespmem:s1+$0xFFFFFFE0]  }
0x294: {  	v22 =	vld [tilespmem:s1+$0xFFFFFFD0]  }
0x295: {  	v23 =	vld [tilespmem:s1+$0xFFFFFFC0]  }
0x296: {  	v24 =	vld [tilespmem:s1+$0xFFFFFFF0];
	_ =	sdelay $0x1  }
0x297: {  	v21 =	vadd.f32 v21, v19  }
0x298: {  	v22 =	vadd.f32 v22, v17  }
0x299: {  	v23 =	vadd.f32 v23, v18;
	[tilespmem:s29+$0xE2EC] =	vst v21  }
0x29a: {  	v21 =	vadd.f32 v24, v20;
	[tilespmem:s29+$0xE2DC] =	vst v22  }
0x29b: {  	[tilespmem:s29+$0xE2CC] =	vst v23  }
0x29c: {  	[tilespmem:s29+$0xE2FC] =	vst v21  }
0x29d: {  	v21 =	vld [tilespmem:s1+$0x0]  }
0x29e: {  	v22 =	vld [tilespmem:s1+$0x10]  }
0x29f: {  	v23 =	vld [tilespmem:s1+$0x20]  }
0x2a0: {  	v24 =	vld [tilespmem:s1+$0x30];
	_ =	sdelay $0x1  }
0x2a1: {  	v21 =	vadd.f32 v21, v18  }
0x2a2: {  	v22 =	vadd.f32 v22, v17  }
0x2a3: {  	v23 =	vadd.f32 v23, v19;
	[tilespmem:s29+$0xE30D] =	vst v21  }
0x2a4: {  	v21 =	vadd.f32 v24, v20;
	[tilespmem:s29+$0xE31D] =	vst v22  }
0x2a5: {  	[tilespmem:s29+$0xE32D] =	vst v23  }
0x2a6: {  	[tilespmem:s29+$0xE33D] =	vst v21  }
0x2a7: {  	v21 =	vld [tilespmem:s1+$0x60]  }
0x2a8: {  	v22 =	vld [tilespmem:s1+$0x70]  }
0x2a9: {  	v23 =	vld [tilespmem:s1+$0x40]  }
0x2aa: {  	v24 =	vld [tilespmem:s1+$0x50];
	_ =	sdelay $0x1  }
0x2ab: {  	v21 =	vadd.f32 v21, v19  }
.Ltmp3:
0x2ac: {  	v22 =	vadd.f32 v22, v20;
	(pc) =	sbr.rel @p0 .LBB2_9-.Ltmp3, $4  }
0x2ad: {  	v23 =	vadd.f32 v23, v18;
	[tilespmem:s29+$0xE36E] =	vst v21  }
0x2ae: {  	v21 =	vadd.f32 v24, v17;
	[tilespmem:s29+$0xE37E] =	vst v22  }
0x2af: {  	[tilespmem:s29+$0xE34E] =	vst v23  }
0x2b0: {  	[tilespmem:s29+$0xE35E] =	vst v21  }
0x2b1: {  	v21 =	vld [tilespmem:s28+$0xB0]  }
0x2b2: {  	v22 =	vld [tilespmem:s28+$0xA0]  }
0x2b3: {  	v23 =	vld [tilespmem:s28+$0x90]  }
0x2b4: {  	v24 =	vld [tilespmem:s28+$0x80];
	_ =	sdelay $0x1  }
0x2b5: {  	v21 =	vadd.f32 v21, v20  }
0x2b6: {  	v22 =	vadd.f32 v22, v19  }
0x2b7: {  	v23 =	vadd.f32 v23, v17;
	[tilespmem:s29+$0xE3BF] =	vst v21  }
0x2b8: {  	v21 =	vadd.f32 v24, v18;
	[tilespmem:s29+$0xE3AF] =	vst v22  }
0x2b9: {  	[tilespmem:s29+$0xE39F] =	vst v23  }
0x2ba: {  	[tilespmem:s29+$0xE38F] =	vst v21  }
0x2bb: {  	v21 =	vld [tilespmem:s28+$0xF0]  }
0x2bc: {  	v22 =	vld [tilespmem:s28+$0xC0]  }
0x2bd: {  	v23 =	vld [tilespmem:s28+$0xE0]  }
0x2be: {  	v63 =	vld [tilespmem:s28+$0xD0];
	_ =	sdelay $0x1  }
0x2bf: {  	v20 =	vadd.f32 v21, v20  }
0x2c0: {  	v18 =	vadd.f32 v22, v18  }
0x2c1: {  	v19 =	vadd.f32 v23, v19;
	[tilespmem:s29+$0xE400] =	vst v20  }
0x2c2: {  	v17 =	vadd.f32 v63, v17;
	[tilespmem:s29+$0xE3D0] =	vst v18  }
0x2c3: {  	[tilespmem:s29+$0xE3F0] =	vst v19  }
0x2c4: {  	[tilespmem:s29+$0xE3E0] =	vst v17  }
0x2c5: {  	v17 =	vld [tilespmem:s26+$0x1A540]  }
0x2c6: {  	v18 =	vld [tilespmem:s26+$0x1A550]  }
0x2c7: {  	v19 =	vld [tilespmem:s26+$0x1A560]  }
0x2c8: {  	s0 =	simm.s32 $0x0;
	s1 =	simm.s32 $0x10677;
	v20 =	vld [tilespmem:s26+$0x1A570]  }
.LBB2_11:
0x2c9: {  	s5 =	sshra.s32 s0, $0x2  }
0x2ca: {  	v21 =	vld [tilespmem:s5+$0xC400]  }
0x2cb: {  	v22 =	vld [tilespmem:s5+$0xC410]  }
0x2cc: {  	v23 =	vld [tilespmem:s5+$0xC420]  }
0x2cd: {  	v24 =	vld [tilespmem:s5+$0xC430];
	_ =	sdelay $0x1  }
0x2ce: {  	v21 =	vadd.f32 v21, v17  }
0x2cf: {  	v22 =	vadd.f32 v22, v18  }
0x2d0: {  	v23 =	vadd.f32 v23, v19;
	[tilespmem:s1+$0xFFFFFE09] =	vst v21  }
0x2d1: {  	v21 =	vadd.f32 v24, v20;
	[tilespmem:s1+$0xFFFFFE19] =	vst v22  }
0x2d2: {  	[tilespmem:s1+$0xFFFFFE29] =	vst v23  }
0x2d3: {  	[tilespmem:s1+$0xFFFFFE39] =	vst v21  }
0x2d4: {  	v21 =	vld [tilespmem:s5+$0xC440]  }
0x2d5: {  	v22 =	vld [tilespmem:s5+$0xC450]  }
0x2d6: {  	v23 =	vld [tilespmem:s5+$0xC460]  }
0x2d7: {  	v57 =	vld [tilespmem:s5+$0xC470];
	_ =	sdelay $0x1  }
0x2d8: {  	v21 =	vadd.f32 v21, v17  }
0x2d9: {  	v22 =	vadd.f32 v22, v18  }
0x2da: {  	v23 =	vadd.f32 v23, v19;
	[tilespmem:s1+$0xFFFFFE4A] =	vst v21  }
0x2db: {  	v21 =	vadd.f32 v57, v20;
	[tilespmem:s1+$0xFFFFFE5A] =	vst v22  }
0x2dc: {  	[tilespmem:s1+$0xFFFFFE6A] =	vst v23  }
0x2dd: {  	[tilespmem:s1+$0xFFFFFE7A] =	vst v21  }
0x2de: {  	v21 =	vld [tilespmem:s5+$0xC480]  }
0x2df: {  	v22 =	vld [tilespmem:s5+$0xC490]  }
0x2e0: {  	v23 =	vld [tilespmem:s5+$0xC4A0]  }
0x2e1: {  	v58 =	vld [tilespmem:s5+$0xC4B0];
	_ =	sdelay $0x1  }
0x2e2: {  	v21 =	vadd.f32 v21, v17  }
0x2e3: {  	v22 =	vadd.f32 v22, v18  }
0x2e4: {  	v23 =	vadd.f32 v23, v19;
	[tilespmem:s1+$0xFFFFFE8B] =	vst v21  }
0x2e5: {  	v21 =	vadd.f32 v58, v20;
	[tilespmem:s1+$0xFFFFFE9B] =	vst v22  }
0x2e6: {  	[tilespmem:s1+$0xFFFFFEAB] =	vst v23  }
0x2e7: {  	[tilespmem:s1+$0xFFFFFEBB] =	vst v21  }
0x2e8: {  	v21 =	vld [tilespmem:s5+$0xC4C0]  }
0x2e9: {  	v22 =	vld [tilespmem:s5+$0xC4D0]  }
0x2ea: {  	v23 =	vld [tilespmem:s5+$0xC4E0]  }
0x2eb: {  	v59 =	vld [tilespmem:s5+$0xC4F0];
	_ =	sdelay $0x1  }
0x2ec: {  	v21 =	vadd.f32 v21, v17  }
0x2ed: {  	v22 =	vadd.f32 v22, v18  }
0x2ee: {  	v23 =	vadd.f32 v23, v19;
	[tilespmem:s1+$0xFFFFFECC] =	vst v21  }
0x2ef: {  	v21 =	vadd.f32 v59, v20;
	[tilespmem:s1+$0xFFFFFEDC] =	vst v22  }
0x2f0: {  	[tilespmem:s1+$0xFFFFFEEC] =	vst v23  }
0x2f1: {  	[tilespmem:s1+$0xFFFFFEFC] =	vst v21  }
0x2f2: {  	v21 =	vld [tilespmem:s5+$0xC500]  }
0x2f3: {  	v22 =	vld [tilespmem:s5+$0xC510]  }
0x2f4: {  	v23 =	vld [tilespmem:s5+$0xC520]  }
0x2f5: {  	v60 =	vld [tilespmem:s5+$0xC530];
	_ =	sdelay $0x1  }
0x2f6: {  	v21 =	vadd.f32 v21, v17  }
0x2f7: {  	v22 =	vadd.f32 v22, v18  }
0x2f8: {  	v23 =	vadd.f32 v23, v19;
	[tilespmem:s1+$0xFFFFFF0D] =	vst v21  }
0x2f9: {  	v21 =	vadd.f32 v60, v20;
	[tilespmem:s1+$0xFFFFFF1D] =	vst v22  }
0x2fa: {  	[tilespmem:s1+$0xFFFFFF2D] =	vst v23  }
0x2fb: {  	[tilespmem:s1+$0xFFFFFF3D] =	vst v21  }
0x2fc: {  	v21 =	vld [tilespmem:s5+$0xC540]  }
0x2fd: {  	v22 =	vld [tilespmem:s5+$0xC550]  }
0x2fe: {  	v23 =	vld [tilespmem:s5+$0xC560]  }
0x2ff: {  	v61 =	vld [tilespmem:s5+$0xC570];
	_ =	sdelay $0x1  }
0x300: {  	v21 =	vadd.f32 v21, v17  }
0x301: {  	v22 =	vadd.f32 v22, v18  }
0x302: {  	v23 =	vadd.f32 v23, v19;
	[tilespmem:s1+$0xFFFFFF4E] =	vst v21  }
0x303: {  	v21 =	vadd.f32 v61, v20;
	[tilespmem:s1+$0xFFFFFF5E] =	vst v22  }
0x304: {  	[tilespmem:s1+$0xFFFFFF6E] =	vst v23  }
0x305: {  	[tilespmem:s1+$0xFFFFFF7E] =	vst v21  }
0x306: {  	v21 =	vld [tilespmem:s5+$0xC580]  }
0x307: {  	v22 =	vld [tilespmem:s5+$0xC590]  }
0x308: {  	v23 =	vld [tilespmem:s5+$0xC5A0]  }
0x309: {  	v62 =	vld [tilespmem:s5+$0xC5B0];
	_ =	sdelay $0x1  }
0x30a: {  	v21 =	vadd.f32 v21, v17  }
0x30b: {  	v22 =	vadd.f32 v22, v18  }
0x30c: {  	v23 =	vadd.f32 v23, v19;
	[tilespmem:s1+$0xFFFFFF8F] =	vst v21  }
0x30d: {  	v21 =	vadd.f32 v62, v20;
	[tilespmem:s1+$0xFFFFFF9F] =	vst v22  }
0x30e: {  	[tilespmem:s1+$0xFFFFFFAF] =	vst v23  }
0x30f: {  	[tilespmem:s1+$0xFFFFFFBF] =	vst v21  }
0x310: {  	v21 =	vld [tilespmem:s5+$0xC5C0]  }
0x311: {  	v22 =	vld [tilespmem:s5+$0xC5D0]  }
0x312: {  	v23 =	vld [tilespmem:s5+$0xC5E0]  }
0x313: {  	v63 =	vld [tilespmem:s5+$0xC5F0];
	_ =	sdelay $0x1  }
0x314: {  	p0 =	sne.s32 s0, $0x7800;
	v21 =	vadd.f32 v21, v17  }
.Ltmp4:
0x315: {  	v22 =	vadd.f32 v22, v18;
	(pc) =	sbr.rel @p0 .LBB2_11-.Ltmp4, $4  }
0x316: {  	v23 =	vadd.f32 v23, v19;
	[tilespmem:s1+$0xFFFFFFD0] =	vst v21  }
0x317: {  	v21 =	vadd.f32 v63, v20;
	[tilespmem:s1+$0xFFFFFFE0] =	vst v22  }
0x318: {  	[tilespmem:s1+$0xFFFFFFF0] =	vst v23  }
0x319: {  	s0 =	sadd.s32 $0x800, s0;
	[tilespmem:s1+$0x0] =	vst v21;
	s1 =	sadd.s32 $0x208, s1  }
0x31a: {  	s26 =	simm.s32 $0x7;
	s28 =	simm.s32 $0x18500  }
.LBB2_13:
0x31b: {  	s29 =	sadd.s32 $0xFFFFFFF9, s26  }
0x31c: {  	v17 =	vadd.s32 s29, v0  }
0x31d: {  	v18 =	vadd.s32 s29, v2;
	v17 =	vand.u32 $0x7F8, v17  }
0x31e: {  	v19 =	vadd.s32 s29, v3;
	v18 =	vand.u32 $0xFF8, v18;
	v17 =	vor.u32 v1, v17  }
0x31f: {  	v20 =	vadd.s32 s29, v4;
	v19 =	vand.u32 $0xFF8, v19;
	v18 =	vor.u32 v1, v18  }
0x320: {  	v21 =	vadd.s32 s29, v5;
	v20 =	vand.u32 $0x1FF8, v20;
	v19 =	vor.u32 v1, v19  }
0x321: {  	v22 =	vadd.s32 s29, v6;
	v21 =	vand.u32 $0x1FF8, v21;
	v20 =	vor.u32 v1, v20  }
0x322: {  	v23 =	vadd.s32 s29, v7;
	v22 =	vand.u32 $0x3FF8, v22;
	v21 =	vor.u32 v1, v21  }
0x323: {  	v24 =	vadd.s32 s29, v8;
	v23 =	vand.u32 $0x3FF8, v23;
	v22 =	vor.u32 v1, v22;
	v17 =	vld.idx.msk [tilespmem:v17+s15+$0x0], $0xffff  }
0x324: {  	v24 =	vand.u32 $0x7FF8, v24;
	v23 =	vor.u32 v1, v23;
	v18 =	vld.idx.msk [tilespmem:v18+s15+$0x0], $0xffff  }
0x325: {  	v24 =	vor.u32 v1, v24;
	v19 =	vld.idx.msk [tilespmem:v19+s15+$0x0], $0xffff  }
0x326: {  	v20 =	vld.idx.msk [tilespmem:v20+s15+$0x0], $0xffff  }
0x327: {  	v21 =	vld.idx.msk [tilespmem:v21+s15+$0x0], $0xffff  }
0x328: {  	v22 =	vld.idx.msk [tilespmem:v22+s15+$0x0], $0xffff  }
0x329: {  	v23 =	vld.idx.msk [tilespmem:v23+s15+$0x0], $0xffff  }
0x32a: {  	v24 =	vld.idx.msk [tilespmem:v24+s15+$0x0], $0xffff;
	[tilespmem:s28+$0xFFFFE000] =	vst v17  }
0x32b: {  	[tilespmem:s28+$0xFFFFE010] =	vst v18  }
0x32c: {  	s30 =	sadd.s32 $0xFFFFFFFA, s26;
	[tilespmem:s28+$0xFFFFE020] =	vst v19  }
0x32d: {  	v28 =	vadd.s32 s30, v4;
	[tilespmem:s28+$0xFFFFE030] =	vst v20  }
0x32e: {  	v29 =	vadd.s32 s30, v5;
	[tilespmem:s28+$0xFFFFE040] =	vst v21  }
0x32f: {  	v30 =	vadd.s32 s30, v6;
	[tilespmem:s28+$0xFFFFE050] =	vst v22  }
0x330: {  	v31 =	vadd.s32 s30, v7;
	[tilespmem:s28+$0xFFFFE060] =	vst v23  }
0x331: {  	v32 =	vadd.s32 s30, v8;
	[tilespmem:s28+$0xFFFFE070] =	vst v24  }
0x332: {  	v17 =	vadd.s32 s30, v0;
	v20 =	vld.idx.msk [tilespmem:v28+s15+$0x0], $0xffff  }
0x333: {  	v18 =	vadd.s32 s30, v2;
	v21 =	vld.idx.msk [tilespmem:v29+s15+$0x0], $0xffff  }
0x334: {  	v19 =	vadd.s32 s30, v3;
	v22 =	vld.idx.msk [tilespmem:v30+s15+$0x0], $0xffff  }
0x335: {  	v23 =	vld.idx.msk [tilespmem:v31+s15+$0x0], $0xffff  }
0x336: {  	v24 =	vld.idx.msk [tilespmem:v32+s15+$0x0], $0xffff  }
0x337: {  	v17 =	vld.idx.msk [tilespmem:v17+s15+$0x0], $0xffff  }
0x338: {  	v18 =	vld.idx.msk [tilespmem:v18+s15+$0x0], $0xffff  }
0x339: {  	v19 =	vld.idx.msk [tilespmem:v19+s15+$0x0], $0xffff;
	[tilespmem:s28+$0xFFFFE0B0] =	vst v20  }
0x33a: {  	[tilespmem:s28+$0xFFFFE0C0] =	vst v21  }
0x33b: {  	s1 =	sadd.s32 $0xFFFFFFFB, s26;
	[tilespmem:s28+$0xFFFFE0D0] =	vst v22  }
0x33c: {  	v33 =	vadd.s32 s1, v4;
	[tilespmem:s28+$0xFFFFE0E0] =	vst v23  }
0x33d: {  	v34 =	vadd.s32 s1, v5;
	[tilespmem:s28+$0xFFFFE0F0] =	vst v24  }
0x33e: {  	v35 =	vadd.s32 s1, v6;
	[tilespmem:s28+$0xFFFFE080] =	vst v17  }
0x33f: {  	v36 =	vadd.s32 s1, v7;
	[tilespmem:s28+$0xFFFFE090] =	vst v18  }
0x340: {  	v37 =	vadd.s32 s1, v8;
	[tilespmem:s28+$0xFFFFE0A0] =	vst v19  }
0x341: {  	v17 =	vadd.s32 s1, v0;
	v20 =	vld.idx.msk [tilespmem:v33+s15+$0x0], $0xffff  }
0x342: {  	v18 =	vadd.s32 s1, v2;
	v21 =	vld.idx.msk [tilespmem:v34+s15+$0x0], $0xffff  }
0x343: {  	v19 =	vadd.s32 s1, v3;
	v22 =	vld.idx.msk [tilespmem:v35+s15+$0x0], $0xffff  }
0x344: {  	v23 =	vld.idx.msk [tilespmem:v36+s15+$0x0], $0xffff  }
0x345: {  	v24 =	vld.idx.msk [tilespmem:v37+s15+$0x0], $0xffff  }
0x346: {  	v17 =	vld.idx.msk [tilespmem:v17+s15+$0x0], $0xffff  }
0x347: {  	v18 =	vld.idx.msk [tilespmem:v18+s15+$0x0], $0xffff  }
0x348: {  	v19 =	vld.idx.msk [tilespmem:v19+s15+$0x0], $0xffff;
	[tilespmem:s28+$0xFFFFE130] =	vst v20  }
0x349: {  	[tilespmem:s28+$0xFFFFE140] =	vst v21  }
0x34a: {  	s0 =	sadd.s32 $0xFFFFFFFC, s26;
	[tilespmem:s28+$0xFFFFE150] =	vst v22  }
0x34b: {  	v38 =	vadd.s32 s0, v4;
	[tilespmem:s28+$0xFFFFE160] =	vst v23  }
0x34c: {  	v39 =	vadd.s32 s0, v5;
	[tilespmem:s28+$0xFFFFE170] =	vst v24  }
0x34d: {  	v40 =	vadd.s32 s0, v6;
	[tilespmem:s28+$0xFFFFE100] =	vst v17  }
0x34e: {  	v41 =	vadd.s32 s0, v7;
	[tilespmem:s28+$0xFFFFE110] =	vst v18  }
0x34f: {  	v42 =	vadd.s32 s0, v8;
	[tilespmem:s28+$0xFFFFE120] =	vst v19  }
0x350: {  	v17 =	vadd.s32 s0, v0;
	v20 =	vld.idx.msk [tilespmem:v38+s15+$0x0], $0xffff  }
0x351: {  	v18 =	vadd.s32 s0, v2;
	v21 =	vld.idx.msk [tilespmem:v39+s15+$0x0], $0xffff  }
0x352: {  	v19 =	vadd.s32 s0, v3;
	v22 =	vld.idx.msk [tilespmem:v40+s15+$0x0], $0xffff  }
0x353: {  	v23 =	vld.idx.msk [tilespmem:v41+s15+$0x0], $0xffff  }
0x354: {  	v24 =	vld.idx.msk [tilespmem:v42+s15+$0x0], $0xffff  }
0x355: {  	v17 =	vld.idx.msk [tilespmem:v17+s15+$0x0], $0xffff  }
0x356: {  	v18 =	vld.idx.msk [tilespmem:v18+s15+$0x0], $0xffff  }
0x357: {  	v19 =	vld.idx.msk [tilespmem:v19+s15+$0x0], $0xffff;
	[tilespmem:s28+$0xFFFFE1B0] =	vst v20  }
0x358: {  	[tilespmem:s28+$0xFFFFE1C0] =	vst v21  }
0x359: {  	s9 =	sadd.s32 $0xFFFFFFFD, s26;
	[tilespmem:s28+$0xFFFFE1D0] =	vst v22  }
0x35a: {  	v43 =	vadd.s32 s9, v4;
	[tilespmem:s28+$0xFFFFE1E0] =	vst v23  }
0x35b: {  	v44 =	vadd.s32 s9, v5;
	[tilespmem:s28+$0xFFFFE1F0] =	vst v24  }
0x35c: {  	v45 =	vadd.s32 s9, v6;
	[tilespmem:s28+$0xFFFFE180] =	vst v17  }
0x35d: {  	v46 =	vadd.s32 s9, v7;
	[tilespmem:s28+$0xFFFFE190] =	vst v18  }
0x35e: {  	v47 =	vadd.s32 s9, v8;
	[tilespmem:s28+$0xFFFFE1A0] =	vst v19  }
0x35f: {  	v17 =	vadd.s32 s9, v0;
	v20 =	vld.idx.msk [tilespmem:v43+s15+$0x0], $0xffff  }
0x360: {  	v18 =	vadd.s32 s9, v2;
	v21 =	vld.idx.msk [tilespmem:v44+s15+$0x0], $0xffff  }
0x361: {  	v19 =	vadd.s32 s9, v3;
	v22 =	vld.idx.msk [tilespmem:v45+s15+$0x0], $0xffff  }
0x362: {  	v23 =	vld.idx.msk [tilespmem:v46+s15+$0x0], $0xffff  }
0x363: {  	v24 =	vld.idx.msk [tilespmem:v47+s15+$0x0], $0xffff  }
0x364: {  	v17 =	vld.idx.msk [tilespmem:v17+s15+$0x0], $0xffff  }
0x365: {  	v18 =	vld.idx.msk [tilespmem:v18+s15+$0x0], $0xffff  }
0x366: {  	v19 =	vld.idx.msk [tilespmem:v19+s15+$0x0], $0xffff;
	[tilespmem:s28+$0xFFFFE230] =	vst v20  }
0x367: {  	[tilespmem:s28+$0xFFFFE240] =	vst v21  }
0x368: {  	s5 =	sadd.s32 $0xFFFFFFFE, s26;
	[tilespmem:s28+$0xFFFFE250] =	vst v22  }
0x369: {  	v48 =	vadd.s32 s5, v4;
	[tilespmem:s28+$0xFFFFE260] =	vst v23  }
0x36a: {  	v49 =	vadd.s32 s5, v5;
	[tilespmem:s28+$0xFFFFE270] =	vst v24  }
0x36b: {  	v50 =	vadd.s32 s5, v6;
	[tilespmem:s28+$0xFFFFE200] =	vst v17  }
0x36c: {  	v51 =	vadd.s32 s5, v7;
	[tilespmem:s28+$0xFFFFE210] =	vst v18  }
0x36d: {  	v52 =	vadd.s32 s5, v8;
	[tilespmem:s28+$0xFFFFE220] =	vst v19  }
0x36e: {  	v17 =	vadd.s32 s5, v0;
	v20 =	vld.idx.msk [tilespmem:v48+s15+$0x0], $0xffff  }
0x36f: {  	v18 =	vadd.s32 s5, v2;
	v21 =	vld.idx.msk [tilespmem:v49+s15+$0x0], $0xffff  }
0x370: {  	v19 =	vadd.s32 s5, v3;
	v22 =	vld.idx.msk [tilespmem:v50+s15+$0x0], $0xffff  }
0x371: {  	v23 =	vld.idx.msk [tilespmem:v51+s15+$0x0], $0xffff  }
0x372: {  	v24 =	vld.idx.msk [tilespmem:v52+s15+$0x0], $0xffff  }
0x373: {  	v17 =	vld.idx.msk [tilespmem:v17+s15+$0x0], $0xffff  }
0x374: {  	v18 =	vld.idx.msk [tilespmem:v18+s15+$0x0], $0xffff  }
0x375: {  	v19 =	vld.idx.msk [tilespmem:v19+s15+$0x0], $0xffff;
	[tilespmem:s28+$0xFFFFE2B0] =	vst v20  }
0x376: {  	[tilespmem:s28+$0xFFFFE2C0] =	vst v21  }
0x377: {  	s6 =	sadd.s32 $0xFFFFFFFF, s26;
	[tilespmem:s28+$0xFFFFE2D0] =	vst v22  }
0x378: {  	v53 =	vadd.s32 s6, v4;
	[tilespmem:s28+$0xFFFFE2E0] =	vst v23  }
0x379: {  	v54 =	vadd.s32 s6, v5;
	[tilespmem:s28+$0xFFFFE2F0] =	vst v24  }
0x37a: {  	v55 =	vadd.s32 s6, v6;
	[tilespmem:s28+$0xFFFFE280] =	vst v17  }
0x37b: {  	v56 =	vadd.s32 s6, v7;
	[tilespmem:s28+$0xFFFFE290] =	vst v18  }
0x37c: {  	v57 =	vadd.s32 s6, v8;
	[tilespmem:s28+$0xFFFFE2A0] =	vst v19  }
0x37d: {  	v17 =	vadd.s32 s6, v0;
	v20 =	vld.idx.msk [tilespmem:v53+s15+$0x0], $0xffff  }
0x37e: {  	v18 =	vadd.s32 s6, v2;
	v21 =	vld.idx.msk [tilespmem:v54+s15+$0x0], $0xffff  }
0x37f: {  	v19 =	vadd.s32 s6, v3;
	v22 =	vld.idx.msk [tilespmem:v55+s15+$0x0], $0xffff  }
0x380: {  	v23 =	vld.idx.msk [tilespmem:v56+s15+$0x0], $0xffff  }
0x381: {  	v24 =	vld.idx.msk [tilespmem:v57+s15+$0x0], $0xffff  }
0x382: {  	v17 =	vld.idx.msk [tilespmem:v17+s15+$0x0], $0xffff  }
0x383: {  	v18 =	vld.idx.msk [tilespmem:v18+s15+$0x0], $0xffff  }
0x384: {  	v19 =	vld.idx.msk [tilespmem:v19+s15+$0x0], $0xffff;
	[tilespmem:s28+$0xFFFFE330] =	vst v20  }
0x385: {  	[tilespmem:s28+$0xFFFFE340] =	vst v21  }
0x386: {  	[tilespmem:s28+$0xFFFFE350] =	vst v22  }
0x387: {  	v58 =	vadd.s32 s26, v4;
	[tilespmem:s28+$0xFFFFE360] =	vst v23  }
0x388: {  	v59 =	vadd.s32 s26, v5;
	[tilespmem:s28+$0xFFFFE370] =	vst v24  }
0x389: {  	v60 =	vadd.s32 s26, v6;
	[tilespmem:s28+$0xFFFFE300] =	vst v17  }
0x38a: {  	v61 =	vadd.s32 s26, v7;
	[tilespmem:s28+$0xFFFFE310] =	vst v18  }
0x38b: {  	v62 =	vadd.s32 s26, v8;
	[tilespmem:s28+$0xFFFFE320] =	vst v19  }
0x38c: {  	v17 =	vadd.s32 s26, v0;
	v20 =	vld.idx.msk [tilespmem:v58+s15+$0x0], $0xffff  }
0x38d: {  	v18 =	vadd.s32 s26, v2;
	v21 =	vld.idx.msk [tilespmem:v59+s15+$0x0], $0xffff  }
0x38e: {  	v19 =	vadd.s32 s26, v3;
	v22 =	vld.idx.msk [tilespmem:v60+s15+$0x0], $0xffff  }
0x38f: {  	v23 =	vld.idx.msk [tilespmem:v61+s15+$0x0], $0xffff  }
0x390: {  	v24 =	vld.idx.msk [tilespmem:v62+s15+$0x0], $0xffff  }
0x391: {  	v17 =	vld.idx.msk [tilespmem:v17+s15+$0x0], $0xffff  }
0x392: {  	v18 =	vld.idx.msk [tilespmem:v18+s15+$0x0], $0xffff  }
0x393: {  	v19 =	vld.idx.msk [tilespmem:v19+s15+$0x0], $0xffff;
	[tilespmem:s28+$0xFFFFE3B0] =	vst v20  }
0x394: {  	v63 =	vadd.s32 s29, v12;
	[tilespmem:s28+$0xFFFFE3C0] =	vst v21  }
0x395: {  	v25 =	vadd.s32 s29, v13;
	[tilespmem:s28+$0xFFFFE3D0] =	vst v22;
	v20 =	vand.u32 $0x7FF8, v63  }
0x396: {  	v26 =	vadd.s32 s29, v14;
	[tilespmem:s28+$0xFFFFE3E0] =	vst v23;
	v21 =	vand.u32 $0x3FF8, v25;
	v20 =	vor.u32 v1, v20  }
0x397: {  	v27 =	vadd.s32 s29, v15;
	[tilespmem:s28+$0xFFFFE3F0] =	vst v24;
	v22 =	vand.u32 $0x7FF8, v26;
	v21 =	vor.u32 v1, v21  }
0x398: {  	v28 =	vadd.s32 s29, v16;
	v23 =	vand.u32 $0x7FF8, v27;
	v22 =	vor.u32 v1, v22;
	[tilespmem:s28+$0xFFFFE380] =	vst v17  }
0x399: {  	v24 =	vand.u32 $0xFFF8, v28;
	v23 =	vor.u32 v1, v23;
	[tilespmem:s28+$0xFFFFE390] =	vst v18;
	v17 =	vadd.s32 s29, v9  }
0x39a: {  	v24 =	vor.u32 v1, v24;
	[tilespmem:s28+$0xFFFFE3A0] =	vst v19;
	v18 =	vadd.s32 s29, v10;
	v17 =	vand.u32 $0x2FF8, v17  }
0x39b: {  	v19 =	vadd.s32 s29, v11;
	v18 =	vand.u32 $0x3FF8, v18;
	v17 =	vor.u32 v1, v17;
	v20 =	vld.idx.msk [tilespmem:v20+s15+$0x0], $0xffff  }
0x39c: {  	v19 =	vand.u32 $0x3FF8, v19;
	v18 =	vor.u32 v1, v18;
	v21 =	vld.idx.msk [tilespmem:v21+s15+$0x0], $0xffff  }
0x39d: {  	v19 =	vor.u32 v1, v19;
	v22 =	vld.idx.msk [tilespmem:v22+s15+$0x0], $0xffff  }
0x39e: {  	v23 =	vld.idx.msk [tilespmem:v23+s15+$0x0], $0xffff  }
0x39f: {  	v24 =	vld.idx.msk [tilespmem:v24+s15+$0x0], $0xffff  }
0x3a0: {  	v17 =	vld.idx.msk [tilespmem:v17+s15+$0x0], $0xffff  }
0x3a1: {  	v18 =	vld.idx.msk [tilespmem:v18+s15+$0x0], $0xffff  }
0x3a2: {  	v19 =	vld.idx.msk [tilespmem:v19+s15+$0x0], $0xffff;
	[tilespmem:s28+$0x30] =	vst v20  }
0x3a3: {  	[tilespmem:s28+$0x40] =	vst v21  }
0x3a4: {  	[tilespmem:s28+$0x50] =	vst v22  }
0x3a5: {  	v29 =	vadd.s32 s30, v12;
	[tilespmem:s28+$0x60] =	vst v23  }
0x3a6: {  	v30 =	vadd.s32 s30, v13;
	[tilespmem:s28+$0x70] =	vst v24  }
0x3a7: {  	v31 =	vadd.s32 s30, v14;
	[tilespmem:s28+$0x0] =	vst v17  }
0x3a8: {  	v32 =	vadd.s32 s30, v15;
	[tilespmem:s28+$0x10] =	vst v18  }
0x3a9: {  	v33 =	vadd.s32 s30, v16;
	[tilespmem:s28+$0x20] =	vst v19  }
0x3aa: {  	v17 =	vadd.s32 s30, v9;
	v20 =	vld.idx.msk [tilespmem:v29+s15+$0x0], $0xffff  }
0x3ab: {  	v18 =	vadd.s32 s30, v10;
	v21 =	vld.idx.msk [tilespmem:v30+s15+$0x0], $0xffff  }
0x3ac: {  	v19 =	vadd.s32 s30, v11;
	v22 =	vld.idx.msk [tilespmem:v31+s15+$0x0], $0xffff  }
0x3ad: {  	v23 =	vld.idx.msk [tilespmem:v32+s15+$0x0], $0xffff  }
0x3ae: {  	v24 =	vld.idx.msk [tilespmem:v33+s15+$0x0], $0xffff  }
0x3af: {  	v17 =	vld.idx.msk [tilespmem:v17+s15+$0x0], $0xffff  }
0x3b0: {  	v18 =	vld.idx.msk [tilespmem:v18+s15+$0x0], $0xffff  }
0x3b1: {  	v19 =	vld.idx.msk [tilespmem:v19+s15+$0x0], $0xffff;
	[tilespmem:s28+$0xB0] =	vst v20  }
0x3b2: {  	[tilespmem:s28+$0xC0] =	vst v21  }
0x3b3: {  	[tilespmem:s28+$0xD0] =	vst v22  }
0x3b4: {  	v34 =	vadd.s32 s1, v12;
	[tilespmem:s28+$0xE0] =	vst v23  }
0x3b5: {  	v35 =	vadd.s32 s1, v13;
	[tilespmem:s28+$0xF0] =	vst v24  }
0x3b6: {  	v36 =	vadd.s32 s1, v14;
	[tilespmem:s28+$0x80] =	vst v17  }
0x3b7: {  	v37 =	vadd.s32 s1, v15;
	[tilespmem:s28+$0x90] =	vst v18  }
0x3b8: {  	v38 =	vadd.s32 s1, v16;
	[tilespmem:s28+$0xA0] =	vst v19  }
0x3b9: {  	v17 =	vadd.s32 s1, v9;
	v20 =	vld.idx.msk [tilespmem:v34+s15+$0x0], $0xffff  }
0x3ba: {  	v18 =	vadd.s32 s1, v10;
	v21 =	vld.idx.msk [tilespmem:v35+s15+$0x0], $0xffff  }
0x3bb: {  	v19 =	vadd.s32 s1, v11;
	v22 =	vld.idx.msk [tilespmem:v36+s15+$0x0], $0xffff  }
0x3bc: {  	v23 =	vld.idx.msk [tilespmem:v37+s15+$0x0], $0xffff  }
0x3bd: {  	v24 =	vld.idx.msk [tilespmem:v38+s15+$0x0], $0xffff  }
0x3be: {  	v17 =	vld.idx.msk [tilespmem:v17+s15+$0x0], $0xffff  }
0x3bf: {  	v18 =	vld.idx.msk [tilespmem:v18+s15+$0x0], $0xffff  }
0x3c0: {  	v19 =	vld.idx.msk [tilespmem:v19+s15+$0x0], $0xffff;
	[tilespmem:s28+$0x130] =	vst v20  }
0x3c1: {  	[tilespmem:s28+$0x140] =	vst v21  }
0x3c2: {  	[tilespmem:s28+$0x150] =	vst v22  }
0x3c3: {  	v39 =	vadd.s32 s0, v12;
	[tilespmem:s28+$0x160] =	vst v23  }
0x3c4: {  	v40 =	vadd.s32 s0, v13;
	[tilespmem:s28+$0x170] =	vst v24  }
0x3c5: {  	v41 =	vadd.s32 s0, v14;
	[tilespmem:s28+$0x100] =	vst v17  }
0x3c6: {  	v42 =	vadd.s32 s0, v15;
	[tilespmem:s28+$0x110] =	vst v18  }
0x3c7: {  	v43 =	vadd.s32 s0, v16;
	[tilespmem:s28+$0x120] =	vst v19  }
0x3c8: {  	v17 =	vadd.s32 s0, v9;
	v20 =	vld.idx.msk [tilespmem:v39+s15+$0x0], $0xffff  }
0x3c9: {  	v18 =	vadd.s32 s0, v10;
	v21 =	vld.idx.msk [tilespmem:v40+s15+$0x0], $0xffff  }
0x3ca: {  	v19 =	vadd.s32 s0, v11;
	v22 =	vld.idx.msk [tilespmem:v41+s15+$0x0], $0xffff  }
0x3cb: {  	v23 =	vld.idx.msk [tilespmem:v42+s15+$0x0], $0xffff  }
0x3cc: {  	v24 =	vld.idx.msk [tilespmem:v43+s15+$0x0], $0xffff  }
0x3cd: {  	v17 =	vld.idx.msk [tilespmem:v17+s15+$0x0], $0xffff  }
0x3ce: {  	v18 =	vld.idx.msk [tilespmem:v18+s15+$0x0], $0xffff  }
0x3cf: {  	v19 =	vld.idx.msk [tilespmem:v19+s15+$0x0], $0xffff;
	[tilespmem:s28+$0x1B0] =	vst v20  }
0x3d0: {  	[tilespmem:s28+$0x1C0] =	vst v21  }
0x3d1: {  	[tilespmem:s28+$0x1D0] =	vst v22  }
0x3d2: {  	v44 =	vadd.s32 s9, v12;
	[tilespmem:s28+$0x1E0] =	vst v23  }
0x3d3: {  	v45 =	vadd.s32 s9, v13;
	[tilespmem:s28+$0x1F0] =	vst v24  }
0x3d4: {  	v46 =	vadd.s32 s9, v14;
	[tilespmem:s28+$0x180] =	vst v17  }
0x3d5: {  	v47 =	vadd.s32 s9, v15;
	[tilespmem:s28+$0x190] =	vst v18  }
0x3d6: {  	v48 =	vadd.s32 s9, v16;
	[tilespmem:s28+$0x1A0] =	vst v19  }
0x3d7: {  	v17 =	vadd.s32 s9, v9;
	v20 =	vld.idx.msk [tilespmem:v44+s15+$0x0], $0xffff  }
0x3d8: {  	v18 =	vadd.s32 s9, v10;
	v21 =	vld.idx.msk [tilespmem:v45+s15+$0x0], $0xffff  }
0x3d9: {  	v19 =	vadd.s32 s9, v11;
	v22 =	vld.idx.msk [tilespmem:v46+s15+$0x0], $0xffff  }
0x3da: {  	v23 =	vld.idx.msk [tilespmem:v47+s15+$0x0], $0xffff  }
0x3db: {  	v24 =	vld.idx.msk [tilespmem:v48+s15+$0x0], $0xffff  }
0x3dc: {  	v17 =	vld.idx.msk [tilespmem:v17+s15+$0x0], $0xffff  }
0x3dd: {  	v18 =	vld.idx.msk [tilespmem:v18+s15+$0x0], $0xffff  }
0x3de: {  	v19 =	vld.idx.msk [tilespmem:v19+s15+$0x0], $0xffff;
	[tilespmem:s28+$0x230] =	vst v20  }
0x3df: {  	[tilespmem:s28+$0x240] =	vst v21  }
0x3e0: {  	[tilespmem:s28+$0x250] =	vst v22  }
0x3e1: {  	v49 =	vadd.s32 s5, v12;
	[tilespmem:s28+$0x260] =	vst v23  }
0x3e2: {  	v50 =	vadd.s32 s5, v13;
	[tilespmem:s28+$0x270] =	vst v24  }
0x3e3: {  	v51 =	vadd.s32 s5, v14;
	[tilespmem:s28+$0x200] =	vst v17  }
0x3e4: {  	v52 =	vadd.s32 s5, v15;
	[tilespmem:s28+$0x210] =	vst v18  }
0x3e5: {  	v53 =	vadd.s32 s5, v16;
	[tilespmem:s28+$0x220] =	vst v19  }
0x3e6: {  	v17 =	vadd.s32 s5, v9;
	v20 =	vld.idx.msk [tilespmem:v49+s15+$0x0], $0xffff  }
0x3e7: {  	v18 =	vadd.s32 s5, v10;
	v21 =	vld.idx.msk [tilespmem:v50+s15+$0x0], $0xffff  }
0x3e8: {  	v19 =	vadd.s32 s5, v11;
	v22 =	vld.idx.msk [tilespmem:v51+s15+$0x0], $0xffff  }
0x3e9: {  	v23 =	vld.idx.msk [tilespmem:v52+s15+$0x0], $0xffff  }
0x3ea: {  	v24 =	vld.idx.msk [tilespmem:v53+s15+$0x0], $0xffff  }
0x3eb: {  	v17 =	vld.idx.msk [tilespmem:v17+s15+$0x0], $0xffff  }
0x3ec: {  	v18 =	vld.idx.msk [tilespmem:v18+s15+$0x0], $0xffff  }
0x3ed: {  	v19 =	vld.idx.msk [tilespmem:v19+s15+$0x0], $0xffff;
	[tilespmem:s28+$0x2B0] =	vst v20  }
0x3ee: {  	[tilespmem:s28+$0x2C0] =	vst v21  }
0x3ef: {  	[tilespmem:s28+$0x2D0] =	vst v22  }
0x3f0: {  	v54 =	vadd.s32 s6, v12;
	[tilespmem:s28+$0x2E0] =	vst v23  }
0x3f1: {  	v55 =	vadd.s32 s6, v13;
	[tilespmem:s28+$0x2F0] =	vst v24  }
0x3f2: {  	v56 =	vadd.s32 s6, v14;
	[tilespmem:s28+$0x280] =	vst v17  }
0x3f3: {  	v57 =	vadd.s32 s6, v15;
	[tilespmem:s28+$0x290] =	vst v18  }
0x3f4: {  	v58 =	vadd.s32 s6, v16;
	[tilespmem:s28+$0x2A0] =	vst v19  }
0x3f5: {  	v17 =	vadd.s32 s6, v9;
	v20 =	vld.idx.msk [tilespmem:v54+s15+$0x0], $0xffff  }
0x3f6: {  	v18 =	vadd.s32 s6, v10;
	v21 =	vld.idx.msk [tilespmem:v55+s15+$0x0], $0xffff  }
0x3f7: {  	v19 =	vadd.s32 s6, v11;
	v22 =	vld.idx.msk [tilespmem:v56+s15+$0x0], $0xffff  }
0x3f8: {  	v23 =	vld.idx.msk [tilespmem:v57+s15+$0x0], $0xffff  }
0x3f9: {  	v24 =	vld.idx.msk [tilespmem:v58+s15+$0x0], $0xffff  }
0x3fa: {  	v17 =	vld.idx.msk [tilespmem:v17+s15+$0x0], $0xffff  }
0x3fb: {  	v18 =	vld.idx.msk [tilespmem:v18+s15+$0x0], $0xffff  }
0x3fc: {  	v19 =	vld.idx.msk [tilespmem:v19+s15+$0x0], $0xffff;
	[tilespmem:s28+$0x330] =	vst v20  }
0x3fd: {  	[tilespmem:s28+$0x340] =	vst v21  }
0x3fe: {  	[tilespmem:s28+$0x350] =	vst v22  }
0x3ff: {  	v59 =	vadd.s32 s26, v12;
	[tilespmem:s28+$0x360] =	vst v23  }
0x400: {  	v60 =	vadd.s32 s26, v13;
	[tilespmem:s28+$0x370] =	vst v24  }
0x401: {  	v61 =	vadd.s32 s26, v14;
	[tilespmem:s28+$0x300] =	vst v17  }
0x402: {  	v62 =	vadd.s32 s26, v15;
	[tilespmem:s28+$0x310] =	vst v18  }
0x403: {  	v63 =	vadd.s32 s26, v16;
	[tilespmem:s28+$0x320] =	vst v19  }
0x404: {  	v17 =	vadd.s32 s26, v9;
	v20 =	vld.idx.msk [tilespmem:v59+s15+$0x0], $0xffff  }
0x405: {  	v18 =	vadd.s32 s26, v10;
	v21 =	vld.idx.msk [tilespmem:v60+s15+$0x0], $0xffff  }
0x406: {  	v19 =	vadd.s32 s26, v11;
	v22 =	vld.idx.msk [tilespmem:v61+s15+$0x0], $0xffff  }
0x407: {  	v23 =	vld.idx.msk [tilespmem:v62+s15+$0x0], $0xffff  }
0x408: {  	v24 =	vld.idx.msk [tilespmem:v63+s15+$0x0], $0xffff  }
0x409: {  	v17 =	vld.idx.msk [tilespmem:v17+s15+$0x0], $0xffff  }
0x40a: {  	v18 =	vld.idx.msk [tilespmem:v18+s15+$0x0], $0xffff  }
0x40b: {  	v19 =	vld.idx.msk [tilespmem:v19+s15+$0x0], $0xffff;
	[tilespmem:s28+$0x3B0] =	vst v20  }
0x40c: {  	[tilespmem:s28+$0x3C0] =	vst v21  }
0x40d: {  	p0 =	sne.s32 s26, $0x3F;
	[tilespmem:s28+$0x3D0] =	vst v22  }
.Ltmp5:
0x40e: {  	[tilespmem:s28+$0x3E0] =	vst v23;
	(pc) =	sbr.rel @p0 .LBB2_13-.Ltmp5, $4  }
0x40f: {  	[tilespmem:s28+$0x3F0] =	vst v24  }
0x410: {  	[tilespmem:s28+$0x380] =	vst v17  }
0x411: {  	[tilespmem:s28+$0x390] =	vst v18  }
0x412: {  	s26 =	sadd.s32 $0x8, s26;
	[tilespmem:s28+$0x3A0] =	vst v19;
	s28 =	sadd.s32 $0x400, s28  }
0x413: {  	s0 =	sshll.u32 s25, $0x13  }
0x414: {  	s24 =	sadd.s32 $0x1, s24;
	s0 =	sor.u32 s7, s0  }
0x415: {  	p0 =	sne.s32 s24, $0x32;
	s0 =	sshrl.u32 s0, $0x3  }
.Ltmp6:
0x416: {  	s0 =	sadd.s32 s2, s0;
	(pc) =	sbr.rel @p0 .LBB2_2-.Ltmp6, $4  }
0x417: {  	[hbm4b:s0+s16] =	stream.strided.scatter [tilespmem:s20], [sflag:$0x4], $0x4000, s17, s16, $0x38;
	[tilespmem:$0x1D700] =	vst v63  }
0x418: {  	_ =	swait.ge [sflag:s13], $0x4000  }
0x419: {  	[sflag:s13] =	ssyncset.done $0x0  }
0x41a: {  	[sflag:s13] =	ssyncadd.s32 $0xFFFFC000  }
0x41b: {  	s23 =	sadd.s32 $0x1, s23  }
0x41c: {  	_ =	swait.ge [sflag:s21], $0x4000;
	p0 =	sne.s32 s23, s8  }
.Ltmp7:
0x41d: {  	[sflag:s21] =	ssyncset.done $0x0;
	(pc) =	sbr.rel @p0 .LBB2_1-.Ltmp7, $4  }
0x41e: {  	[sflag:s21] =	ssyncadd.s32 $0xFFFFC000  }
0x41f: {  	_ =	swait.ge [sflag:s22], $0x4000  }
0x420: {  	[sflag:s22] =	ssyncset.done $0x0  }
0x421: {  	[sflag:s22] =	ssyncadd.s32 $0xFFFFC000  }
0x422: {  	_ =	sfence.sel $0x180000  }
0x423: {  	[bflag:$0x0] =	sbarrier.arrive $0xFFFF  }
0x424: {  	_ =	strace $0x90000047  }
0x425: {  	s0 =	stileid.u32;
	[bflag:$0x2] =	sbarrier.arrive $0xFFFF  }
0x426: {  	p0 =	sne.s32 s0, $0x0;
	s0 =	rddreg [dreg:$0x2]  }
0x427: {  	s0 =	sadd.s32 @!p0 $0x100000, s0  }
0x428: {  	[sflag:s0] =	ssyncadd.tile.s32 @!p0 $0x1;
	_ =	shalt  }
.Lfunc_end2:
_tile_overlayer_lowered:
.L_overlay_start_2:
0x429: {  	(tag) =	ssettag $0x2  }
0x42a: {  	s0 =	rddreg [dreg:$0x0];
	s2 =	stileid.u32  }
0x42b: {  	s1 =	rddreg [dreg:$0x1];
	p0 =	sne.s32 s2, $0x0  }
0x42c: {  	s3 =	rddreg [dreg:$0x2];
	[bflag:$0x3] =	sbarrier.arrive $0xFFFF;
	s2 =	simm.s32 @!p0 $0x1C05  }
0x42d: {  	[timem:s3], [sflag:s2] =	dma.local @!p0 [hbm:s0], s1  }
0x42e: {  	s0 =	simm.s32 @!p0 $0x5  }
0x42f: {  	_ =	swait.ge @!p0 [sflag:s0], s1  }
0x430: {  	s1 =	ssub.s32 @!p0 $0x0, s1;
	[sflag:s0] =	ssyncset.done @!p0 $0x0  }
0x431: {  	[sflag:s0] =	ssyncadd.s32 @!p0 s1  }
0x432: {  	[bflag:$0x3] =	sbarrier.arrive $0xFFFF  }
0x433: {  	_ =	shalt  }

</sc_bundles>
